<compile_context>
chip_gen: v7x
topology: tpu7x:2x2x1
jax: 0.10.2.dev20260603
libtpu: 0.0.44.dev20260713+nightly
codegen_flags: <defaults>
</compile_context>

<pallas_src>
import functools

import jax
import jax.numpy as jnp
from jax import lax
from jax.experimental import pallas as pl
from jax.experimental.pallas import tpu as pltpu
from jax.experimental.pallas import tpu_sc as plsc

B, D, C = 16384, 128, 4
NC, NS, L = 2, 16, 16
NW = NC * NS
B_PER_W = B // NW
CHUNK = 128
N_CHUNKS = B_PER_W // CHUNK
VPR = D // L
NSLOT = 2

_mesh = plsc.VectorSubcoreMesh(core_axis_name="c", subcore_axis_name="s")


@functools.partial(
    pl.kernel,
    out_type=jax.ShapeDtypeStruct((B, D), jnp.float32),
    mesh=_mesh,
    scratch_types=[
        pltpu.VMEM((B_PER_W + L,), jnp.int32),
        pltpu.VMEM((C + 1, D), jnp.float32),
        pltpu.VMEM((NSLOT, CHUNK, D), jnp.float32),
        pltpu.SemaphoreType.DMA,
        pltpu.SemaphoreType.DMA,
    ],
)
def _sc_lookup(latent_hbm, ls_ext_hbm, ls_out,
               idx_all, ls_tab, ls_v, sem_out0, sem_out1):
    wid = lax.axis_index("s") * NC + lax.axis_index("c")
    base = wid * B_PER_W
    sem_out = (sem_out0, sem_out1)

    pltpu.sync_copy(latent_hbm.at[pl.ds(base, B_PER_W)],
                    idx_all.at[pl.ds(0, B_PER_W)])
    pltpu.sync_copy(ls_ext_hbm, ls_tab)

    def out_cp(s, ci):
        off = base + ci * CHUNK
        return pltpu.make_async_copy(ls_v.at[s], ls_out.at[pl.ds(off, CHUNK)],
                                     sem_out[s])

    def compute(s, ci):
        def row_body(r, _):
            v = idx_all[pl.ds(ci * CHUNK + r, L)][0]
            c = jnp.where(v < 0, C, jnp.minimum(jnp.maximum(v, 0), C - 1))
            for j in range(VPR):
                sl = pl.ds(j * L, L)
                ls_v[s, r, sl] = ls_tab[c, sl]
            return 0

        lax.fori_loop(0, CHUNK, row_body, 0, unroll=8)

    for ci in range(N_CHUNKS):
        s = ci % NSLOT
        if ci >= NSLOT:
            out_cp(s, ci - NSLOT).wait()
        compute(s, ci)
        out_cp(s, ci).start()
    for ci in (N_CHUNKS - 2, N_CHUNKS - 1):
        out_cp(ci % NSLOT, ci).wait()


BR = 2048


def _tc_sample(lat_ref, noise_ref, mu_ref, ls_ref, mu_out_ref, samp_ref):
    lat = lat_ref[...]
    c = jnp.where(lat < 0, C, jnp.clip(lat, 0, C - 1))
    ohT = jnp.concatenate(
        [(c == t).astype(jnp.float32) for t in range(C + 1)], axis=0
    )
    mu = lax.dot_general(ohT, mu_ref[...], (((0,), (0,)), ((), ())),
                         preferred_element_type=jnp.float32)
    sig = jnp.exp(lax.dot_general(ohT, ls_ref[...], (((0,), (0,)), ((), ())),
                                  preferred_element_type=jnp.float32))
    mu_out_ref[...] = mu
    samp_ref[...] = mu + noise_ref[...] * sig


_tc_call = pl.pallas_call(
    _tc_sample,
    grid=(B // BR,),
    in_specs=[
        pl.BlockSpec((1, BR), lambda i: (0, i)),
        pl.BlockSpec((BR, D), lambda i: (i, 0)),
        pl.BlockSpec((C + 1, D), lambda i: (0, 0)),
        pl.BlockSpec((C + 1, D), lambda i: (0, 0)),
    ],
    out_specs=[
        pl.BlockSpec((BR, D), lambda i: (i, 0)),
        pl.BlockSpec((BR, D), lambda i: (i, 0)),
    ],
    out_shape=[
        jax.ShapeDtypeStruct((B, D), jnp.float32),
        jax.ShapeDtypeStruct((B, D), jnp.float32),
    ],
)


def kernel(latent, noise, mu_table, log_sigma_table, online_mu,
           online_log_sigma):
    mu_ext = jnp.concatenate([mu_table, online_mu[None, :]], axis=0)
    ls_ext = jnp.concatenate([log_sigma_table, online_log_sigma[None, :]],
                             axis=0)
    latent = latent.astype(jnp.int32)
    ls = _sc_lookup(latent, ls_ext)
    mu, sample = _tc_call(latent[None, :], noise, mu_ext, ls_ext)
    return (mu, ls, sample)

# --- scband reference (transcript-rebuilt; emitter-appended) ---
"""Pipeline reference for scband-gaussian-latent-object-23605140258894 (READ-ONLY COPY).

The authoritative reference and input builder live on the scoring server;
editing this copy changes nothing except your own understanding.
"""

import jax, jax.numpy as jnp
import numpy as np

B, D, C = 16384, 128, 4

def setup_inputs(seed: int = 0) -> dict:
    key = jax.random.key(seed)
    k1, k2, k3, k4, k5, k6 = jax.random.split(key, 6)
    latent = jax.random.randint(k1, (B,), 0, C)
    noise = jax.random.normal(k2, (B, D), dtype=jnp.float32)
    # Learned parameters (module inits to zeros; use small random values so the
    # computation is numerically nontrivial while keeping the same math).
    mu_table = jax.random.normal(k3, (C, D), dtype=jnp.float32) * 0.1
    log_sigma_table = jax.random.normal(k4, (C, D), dtype=jnp.float32) * 0.1
    online_mu = jax.random.normal(k5, (D,), dtype=jnp.float32) * 0.1
    online_log_sigma = jax.random.normal(k6, (D,), dtype=jnp.float32) * 0.1
    return {
        'latent': latent,
        'noise': noise,
        'mu_table': mu_table,
        'log_sigma_table': log_sigma_table,
        'online_mu': online_mu,
        'online_log_sigma': online_log_sigma,
    }

def reference(latent, noise, mu_table, log_sigma_table, online_mu, online_log_sigma):
    # Per-element class dispatch: class -1 -> online params, class c in [0,3] -> row c.
    is_online = (latent < 0)[:, None]
    idx = jnp.clip(latent, 0, C - 1)
    mu = jnp.where(is_online, online_mu[None, :], jnp.take(mu_table, idx, axis=0))
    log_sigma = jnp.where(is_online, online_log_sigma[None, :], jnp.take(log_sigma_table, idx, axis=0))
    # reparameterized sample: mu + eps * exp(log_sigma)
    sample = mu + noise * jnp.exp(log_sigma)
    return (mu, log_sigma, sample)

if __name__ == "__main__":
    import jax
    _d = setup_inputs()
    print(jax.jit(kernel)(*tuple(_d.values())))

</pallas_src>

<mosaic_0001>
#map = affine_map<(d0, d1) -> (0)>
#map1 = affine_map<(d0, d1) -> (0, 0)>
module attributes {stable_mosaic.version = 14 : i64} {
  func.func @_sc_lookup(%arg0: i32, %arg1: i32, %arg2: memref<16384xi32, #tpu.memory_space<hbm>>, %arg3: memref<5x128xf32, #tpu.memory_space<hbm>>, %arg4: memref<16384x128xf32, #tpu.memory_space<hbm>>, %arg5: memref<528xi32, #tpu.memory_space<vmem>>, %arg6: memref<5x128xf32, #tpu.memory_space<vmem>>, %arg7: memref<2x128x128xf32, #tpu.memory_space<vmem>>, %arg8: memref<!tpu.dma_semaphore, #tpu.memory_space<semaphore_mem>>, %arg9: memref<!tpu.dma_semaphore, #tpu.memory_space<semaphore_mem>>) attributes {dimension_semantics = [#tpu.dimension_semantics<core_parallel>, #tpu.dimension_semantics<subcore_parallel>], iteration_bounds = array<i64: 2, 16>, scalar_prefetch = 0 : i64, scratch_operands = 5 : i64, tpu.core_type = #tpu.core_type<sc_vector_subcore>, window_params = [{transform_indices = #map}, {transform_indices = #map1}, {transform_indices = #map1}]} {
    %mul3A = arith.constant 2 : i32
    %mul3A_0 = arith.muli %arg1, %mul3A : i32
    %add3A = arith.addi %mul3A_0, %arg0 : i32
    %mul3A_1 = arith.constant 512 : i32
    %mul3A_2 = arith.muli %add3A, %mul3A_1 : i32
    "tpu.region"() ({
      %run_scoped3A = tpu.sem_alloc : memref<!tpu.dma_semaphore, #tpu.memory_space<semaphore_mem>>
      %dma_start3A_148 = arith.constant 0 : i32
      %dma_start3A_149 = tpu.memref_slice %arg5[%dma_start3A_148] : memref<528xi32, #tpu.memory_space<vmem>> -> memref<512xi32, #tpu.memory_space<vmem>>
      %dma_start3A_150 = tpu.memref_slice %arg2[%mul3A_2] : memref<16384xi32, #tpu.memory_space<hbm>> -> memref<512xi32, #tpu.memory_space<hbm>>
      %dma_start3A_151 = arith.constant 0 : i32
      %dma_start3A_152 = tpu.memref_slice %arg5[%dma_start3A_151] : memref<528xi32, #tpu.memory_space<vmem>> -> memref<512xi32, #tpu.memory_space<vmem>>
      %dma_start3A_153 = tpu.memref_slice %arg2[%mul3A_2] : memref<16384xi32, #tpu.memory_space<hbm>> -> memref<512xi32, #tpu.memory_space<hbm>>
      tpu.enqueue_dma source(%dma_start3A_153 : memref<512xi32, #tpu.memory_space<hbm>>) target(%dma_start3A_152 : memref<512xi32, #tpu.memory_space<vmem>>) target_semaphore(%run_scoped3A : memref<!tpu.dma_semaphore, #tpu.memory_space<semaphore_mem>>)
      %dma_wait3A_154 = arith.constant 0 : i32
      %dma_wait3A_155 = tpu.memref_slice %arg5[%dma_wait3A_154] : memref<528xi32, #tpu.memory_space<vmem>> -> memref<512xi32, #tpu.memory_space<vmem>>
      %dma_wait3A_156 = tpu.memref_slice %arg2[%mul3A_2] : memref<16384xi32, #tpu.memory_space<hbm>> -> memref<512xi32, #tpu.memory_space<hbm>>
      %dma_wait3A_157 = arith.constant 0 : i32
      %dma_wait3A_158 = tpu.memref_slice %arg5[%dma_wait3A_157] : memref<528xi32, #tpu.memory_space<vmem>> -> memref<512xi32, #tpu.memory_space<vmem>>
      %dma_wait3A_159 = tpu.memref_slice %arg2[%mul3A_2] : memref<16384xi32, #tpu.memory_space<hbm>> -> memref<512xi32, #tpu.memory_space<hbm>>
      tpu.wait_dma2 semaphore(%run_scoped3A : memref<!tpu.dma_semaphore, #tpu.memory_space<semaphore_mem>>) src(%dma_wait3A_159 : memref<512xi32, #tpu.memory_space<hbm>>) dst(%dma_wait3A_158 : memref<512xi32, #tpu.memory_space<vmem>>)
      tpu.yield
    }) : () -> ()
    "tpu.region"() ({
      %run_scoped3A = tpu.sem_alloc : memref<!tpu.dma_semaphore, #tpu.memory_space<semaphore_mem>>
      tpu.enqueue_dma source(%arg3 : memref<5x128xf32, #tpu.memory_space<hbm>>) target(%arg6 : memref<5x128xf32, #tpu.memory_space<vmem>>) target_semaphore(%run_scoped3A : memref<!tpu.dma_semaphore, #tpu.memory_space<semaphore_mem>>)
      tpu.wait_dma2 semaphore(%run_scoped3A : memref<!tpu.dma_semaphore, #tpu.memory_space<semaphore_mem>>) src(%arg3 : memref<5x128xf32, #tpu.memory_space<hbm>>) dst(%arg6 : memref<5x128xf32, #tpu.memory_space<vmem>>)
      tpu.yield
    }) : () -> ()
    %scan3A = arith.constant 0 : i32
    %scan3A_3 = arith.constant 0 : i32
    %scan3A_4 = arith.constant 128 : i32
    %scan3A_5 = arith.addi %scan3A_3, %scan3A_4 : i32
    %scan3A_6 = arith.constant 8 : i32
    %scan3A_7 = scf.for %scan3A_148 = %scan3A_3 to %scan3A_5 step %scan3A_6 iter_args(%scan3A_149 = %scan3A) -> (i32)  : i32 {
      %add3A_150 = arith.constant 0 : i32
      %add3A_151 = arith.addi %add3A_150, %scan3A_148 : i32
      %get3A = arith.index_cast %add3A_151 : i32 to index
      %get3A_152 = tpu.vector_load %arg5[%get3A] {strides = array<i32>} : memref<528xi32, #tpu.memory_space<vmem>>, vector<16xi32>,
      %get3A_153 = vector.shape_cast %get3A_152 : vector<16xi32> to vector<16xi32>
      %slice3A = vector.extract_strided_slice %get3A_153 {offsets = [0], sizes = [1], strides = [1]} : vector<16xi32> to vector<1xi32>
      %squeeze3A = vector.extract %slice3A[0] : i32 from vector<1xi32>
      %lt3A = arith.constant 0 : i32
      %lt3A_154 = arith.cmpi slt, %squeeze3A, %lt3A : i32
      %max3A = arith.constant 0 : i32
      %max3A_155 = arith.maxsi %squeeze3A, %max3A : i32
      %min3A = arith.constant 3 : i32
      %min3A_156 = arith.minsi %max3A_155, %min3A : i32
      %jit3A = arith.constant 4 : i32
      %select_n3A = arith.select %lt3A_154, %jit3A, %min3A_156 : i32
      %get3A_157 = arith.index_cast %select_n3A : i32 to index
      %get3A_158 = arith.constant 0 : index
      %get3A_159 = tpu.vector_load %arg6[%get3A_157, %get3A_158] {strides = array<i32>} : memref<5x128xf32, #tpu.memory_space<vmem>>, vector<1x16xf32>,
      %get3A_160 = vector.shape_cast %get3A_159 : vector<1x16xf32> to vector<16xf32>
      %swap3A = arith.constant 0 : i32
      %swap3A_161 = arith.index_cast %swap3A : i32 to index
      %swap3A_162 = arith.index_cast %scan3A_148 : i32 to index
      %swap3A_163 = arith.constant 0 : index
      %swap3A_164 = tpu.vector_load %arg7[%swap3A_161, %swap3A_162, %swap3A_163] {strides = array<i32>} : memref<2x128x128xf32, #tpu.memory_space<vmem>>, vector<1x1x16xf32>,
      %swap3A_165 = vector.shape_cast %swap3A_164 : vector<1x1x16xf32> to vector<16xf32>
      %swap3A_166 = vector.shape_cast %get3A_160 : vector<16xf32> to vector<1x1x16xf32>
      tpu.vector_store %arg7[%swap3A_161, %swap3A_162, %swap3A_163], %swap3A_166 {strides = array<i32>} : memref<2x128x128xf32, #tpu.memory_space<vmem>>, vector<1x1x16xf32>,
      %get3A_167 = arith.index_cast %select_n3A : i32 to index
      %get3A_168 = arith.constant 16 : index
      %get3A_169 = tpu.vector_load %arg6[%get3A_167, %get3A_168] {strides = array<i32>} : memref<5x128xf32, #tpu.memory_space<vmem>>, vector<1x16xf32>,
      %get3A_170 = vector.shape_cast %get3A_169 : vector<1x16xf32> to vector<16xf32>
      %swap3A_171 = arith.constant 0 : i32
      %swap3A_172 = arith.index_cast %swap3A_171 : i32 to index
      %swap3A_173 = arith.index_cast %scan3A_148 : i32 to index
      %swap3A_174 = arith.constant 16 : index
      %swap3A_175 = tpu.vector_load %arg7[%swap3A_172, %swap3A_173, %swap3A_174] {strides = array<i32>} : memref<2x128x128xf32, #tpu.memory_space<vmem>>, vector<1x1x16xf32>,
      %swap3A_176 = vector.shape_cast %swap3A_175 : vector<1x1x16xf32> to vector<16xf32>
      %swap3A_177 = vector.shape_cast %get3A_170 : vector<16xf32> to vector<1x1x16xf32>
      tpu.vector_store %arg7[%swap3A_172, %swap3A_173, %swap3A_174], %swap3A_177 {strides = array<i32>} : memref<2x128x128xf32, #tpu.memory_space<vmem>>, vector<1x1x16xf32>,
      %get3A_178 = arith.index_cast %select_n3A : i32 to index
      %get3A_179 = arith.constant 32 : index
      %get3A_180 = tpu.vector_load %arg6[%get3A_178, %get3A_179] {strides = array<i32>} : memref<5x128xf32, #tpu.memory_space<vmem>>, vector<1x16xf32>,
      %get3A_181 = vector.shape_cast %get3A_180 : vector<1x16xf32> to vector<16xf32>
      %swap3A_182 = arith.constant 0 : i32
      %swap3A_183 = arith.index_cast %swap3A_182 : i32 to index
      %swap3A_184 = arith.index_cast %scan3A_148 : i32 to index
      %swap3A_185 = arith.constant 32 : index
      %swap3A_186 = tpu.vector_load %arg7[%swap3A_183, %swap3A_184, %swap3A_185] {strides = array<i32>} : memref<2x128x128xf32, #tpu.memory_space<vmem>>, vector<1x1x16xf32>,
      %swap3A_187 = vector.shape_cast %swap3A_186 : vector<1x1x16xf32> to vector<16xf32>
      %swap3A_188 = vector.shape_cast %get3A_181 : vector<16xf32> to vector<1x1x16xf32>
      tpu.vector_store %arg7[%swap3A_183, %swap3A_184, %swap3A_185], %swap3A_188 {strides = array<i32>} : memref<2x128x128xf32, #tpu.memory_space<vmem>>, vector<1x1x16xf32>,
      %get3A_189 = arith.index_cast %select_n3A : i32 to index
      %get3A_190 = arith.constant 48 : index
      %get3A_191 = tpu.vector_load %arg6[%get3A_189, %get3A_190] {strides = array<i32>} : memref<5x128xf32, #tpu.memory_space<vmem>>, vector<1x16xf32>,
      %get3A_192 = vector.shape_cast %get3A_191 : vector<1x16xf32> to vector<16xf32>
      %swap3A_193 = arith.constant 0 : i32
      %swap3A_194 = arith.index_cast %swap3A_193 : i32 to index
      %swap3A_195 = arith.index_cast %scan3A_148 : i32 to index
      %swap3A_196 = arith.constant 48 : index
      %swap3A_197 = tpu.vector_load %arg7[%swap3A_194, %swap3A_195, %swap3A_196] {strides = array<i32>} : memref<2x128x128xf32, #tpu.memory_space<vmem>>, vector<1x1x16xf32>,
      %swap3A_198 = vector.shape_cast %swap3A_197 : vector<1x1x16xf32> to vector<16xf32>
      %swap3A_199 = vector.shape_cast %get3A_192 : vector<16xf32> to vector<1x1x16xf32>
      tpu.vector_store %arg7[%swap3A_194, %swap3A_195, %swap3A_196], %swap3A_199 {strides = array<i32>} : memref<2x128x128xf32, #tpu.memory_space<vmem>>, vector<1x1x16xf32>,
      %get3A_200 = arith.index_cast %select_n3A : i32 to index
      %get3A_201 = arith.constant 64 : index
      %get3A_202 = tpu.vector_load %arg6[%get3A_200, %get3A_201] {strides = array<i32>} : memref<5x128xf32, #tpu.memory_space<vmem>>, vector<1x16xf32>,
      %get3A_203 = vector.shape_cast %get3A_202 : vector<1x16xf32> to vector<16xf32>
      %swap3A_204 = arith.constant 0 : i32
      %swap3A_205 = arith.index_cast %swap3A_204 : i32 to index
      %swap3A_206 = arith.index_cast %scan3A_148 : i32 to index
      %swap3A_207 = arith.constant 64 : index
      %swap3A_208 = tpu.vector_load %arg7[%swap3A_205, %swap3A_206, %swap3A_207] {strides = array<i32>} : memref<2x128x128xf32, #tpu.memory_space<vmem>>, vector<1x1x16xf32>,
      %swap3A_209 = vector.shape_cast %swap3A_208 : vector<1x1x16xf32> to vector<16xf32>
      %swap3A_210 = vector.shape_cast %get3A_203 : vector<16xf32> to vector<1x1x16xf32>
      tpu.vector_store %arg7[%swap3A_205, %swap3A_206, %swap3A_207], %swap3A_210 {strides = array<i32>} : memref<2x128x128xf32, #tpu.memory_space<vmem>>, vector<1x1x16xf32>,
      %get3A_211 = arith.index_cast %select_n3A : i32 to index
      %get3A_212 = arith.constant 80 : index
      %get3A_213 = tpu.vector_load %arg6[%get3A_211, %get3A_212] {strides = array<i32>} : memref<5x128xf32, #tpu.memory_space<vmem>>, vector<1x16xf32>,
      %get3A_214 = vector.shape_cast %get3A_213 : vector<1x16xf32> to vector<16xf32>
      %swap3A_215 = arith.constant 0 : i32
      %swap3A_216 = arith.index_cast %swap3A_215 : i32 to index
      %swap3A_217 = arith.index_cast %scan3A_148 : i32 to index
      %swap3A_218 = arith.constant 80 : index
      %swap3A_219 = tpu.vector_load %arg7[%swap3A_216, %swap3A_217, %swap3A_218] {strides = array<i32>} : memref<2x128x128xf32, #tpu.memory_space<vmem>>, vector<1x1x16xf32>,
      %swap3A_220 = vector.shape_cast %swap3A_219 : vector<1x1x16xf32> to vector<16xf32>
      %swap3A_221 = vector.shape_cast %get3A_214 : vector<16xf32> to vector<1x1x16xf32>
      tpu.vector_store %arg7[%swap3A_216, %swap3A_217, %swap3A_218], %swap3A_221 {strides = array<i32>} : memref<2x128x128xf32, #tpu.memory_space<vmem>>, vector<1x1x16xf32>,
      %get3A_222 = arith.index_cast %select_n3A : i32 to index
      %get3A_223 = arith.constant 96 : index
      %get3A_224 = tpu.vector_load %arg6[%get3A_222, %get3A_223] {strides = array<i32>} : memref<5x128xf32, #tpu.memory_space<vmem>>, vector<1x16xf32>,
      %get3A_225 = vector.shape_cast %get3A_224 : vector<1x16xf32> to vector<16xf32>
      %swap3A_226 = arith.constant 0 : i32
      %swap3A_227 = arith.index_cast %swap3A_226 : i32 to index
      %swap3A_228 = arith.index_cast %scan3A_148 : i32 to index
      %swap3A_229 = arith.constant 96 : index
      %swap3A_230 = tpu.vector_load %arg7[%swap3A_227, %swap3A_228, %swap3A_229] {strides = array<i32>} : memref<2x128x128xf32, #tpu.memory_space<vmem>>, vector<1x1x16xf32>,
      %swap3A_231 = vector.shape_cast %swap3A_230 : vector<1x1x16xf32> to vector<16xf32>
      %swap3A_232 = vector.shape_cast %get3A_225 : vector<16xf32> to vector<1x1x16xf32>
      tpu.vector_store %arg7[%swap3A_227, %swap3A_228, %swap3A_229], %swap3A_232 {strides = array<i32>} : memref<2x128x128xf32, #tpu.memory_space<vmem>>, vector<1x1x16xf32>,
      %get3A_233 = arith.index_cast %select_n3A : i32 to index
      %get3A_234 = arith.constant 112 : index
      %get3A_235 = tpu.vector_load %arg6[%get3A_233, %get3A_234] {strides = array<i32>} : memref<5x128xf32, #tpu.memory_space<vmem>>, vector<1x16xf32>,
      %get3A_236 = vector.shape_cast %get3A_235 : vector<1x16xf32> to vector<16xf32>
      %swap3A_237 = arith.constant 0 : i32
      %swap3A_238 = arith.index_cast %swap3A_237 : i32 to index
      %swap3A_239 = arith.index_cast %scan3A_148 : i32 to index
      %swap3A_240 = arith.constant 112 : index
      %swap3A_241 = tpu.vector_load %arg7[%swap3A_238, %swap3A_239, %swap3A_240] {strides = array<i32>} : memref<2x128x128xf32, #tpu.memory_space<vmem>>, vector<1x1x16xf32>,
      %swap3A_242 = vector.shape_cast %swap3A_241 : vector<1x1x16xf32> to vector<16xf32>
      %swap3A_243 = vector.shape_cast %get3A_236 : vector<16xf32> to vector<1x1x16xf32>
      tpu.vector_store %arg7[%swap3A_238, %swap3A_239, %swap3A_240], %swap3A_243 {strides = array<i32>} : memref<2x128x128xf32, #tpu.memory_space<vmem>>, vector<1x1x16xf32>,
      %scan3A_244 = arith.constant 0 : i32
      %scan3A_245 = arith.constant 1 : i32
      %scan3A_246 = arith.addi %scan3A_148, %scan3A_245 : i32
      %add3A_247 = arith.constant 0 : i32
      %add3A_248 = arith.addi %add3A_247, %scan3A_246 : i32
      %get3A_249 = arith.index_cast %add3A_248 : i32 to index
      %get3A_250 = tpu.vector_load %arg5[%get3A_249] {strides = array<i32>} : memref<528xi32, #tpu.memory_space<vmem>>, vector<16xi32>,
      %get3A_251 = vector.shape_cast %get3A_250 : vector<16xi32> to vector<16xi32>
      %slice3A_252 = vector.extract_strided_slice %get3A_251 {offsets = [0], sizes = [1], strides = [1]} : vector<16xi32> to vector<1xi32>
      %squeeze3A_253 = vector.extract %slice3A_252[0] : i32 from vector<1xi32>
      %lt3A_254 = arith.constant 0 : i32
      %lt3A_255 = arith.cmpi slt, %squeeze3A_253, %lt3A_254 : i32
      %max3A_256 = arith.constant 0 : i32
      %max3A_257 = arith.maxsi %squeeze3A_253, %max3A_256 : i32
      %min3A_258 = arith.constant 3 : i32
      %min3A_259 = arith.minsi %max3A_257, %min3A_258 : i32
      %jit3A_260 = arith.constant 4 : i32
      %select_n3A_261 = arith.select %lt3A_255, %jit3A_260, %min3A_259 : i32
      %get3A_262 = arith.index_cast %select_n3A_261 : i32 to index
      %get3A_263 = arith.constant 0 : index
      %get3A_264 = tpu.vector_load %arg6[%get3A_262, %get3A_263] {strides = array<i32>} : memref<5x128xf32, #tpu.memory_space<vmem>>, vector<1x16xf32>,
      %get3A_265 = vector.shape_cast %get3A_264 : vector<1x16xf32> to vector<16xf32>
      %swap3A_266 = arith.constant 0 : i32
      %swap3A_267 = arith.index_cast %swap3A_266 : i32 to index
      %swap3A_268 = arith.index_cast %scan3A_246 : i32 to index
      %swap3A_269 = arith.constant 0 : index
      %swap3A_270 = tpu.vector_load %arg7[%swap3A_267, %swap3A_268, %swap3A_269] {strides = array<i32>} : memref<2x128x128xf32, #tpu.memory_space<vmem>>, vector<1x1x16xf32>,
      %swap3A_271 = vector.shape_cast %swap3A_270 : vector<1x1x16xf32> to vector<16xf32>
      %swap3A_272 = vector.shape_cast %get3A_265 : vector<16xf32> to vector<1x1x16xf32>
      tpu.vector_store %arg7[%swap3A_267, %swap3A_268, %swap3A_269], %swap3A_272 {strides = array<i32>} : memref<2x128x128xf32, #tpu.memory_space<vmem>>, vector<1x1x16xf32>,
      %get3A_273 = arith.index_cast %select_n3A_261 : i32 to index
      %get3A_274 = arith.constant 16 : index
      %get3A_275 = tpu.vector_load %arg6[%get3A_273, %get3A_274] {strides = array<i32>} : memref<5x128xf32, #tpu.memory_space<vmem>>, vector<1x16xf32>,
      %get3A_276 = vector.shape_cast %get3A_275 : vector<1x16xf32> to vector<16xf32>
      %swap3A_277 = arith.constant 0 : i32
      %swap3A_278 = arith.index_cast %swap3A_277 : i32 to index
      %swap3A_279 = arith.index_cast %scan3A_246 : i32 to index
      %swap3A_280 = arith.constant 16 : index
      %swap3A_281 = tpu.vector_load %arg7[%swap3A_278, %swap3A_279, %swap3A_280] {strides = array<i32>} : memref<2x128x128xf32, #tpu.memory_space<vmem>>, vector<1x1x16xf32>,
      %swap3A_282 = vector.shape_cast %swap3A_281 : vector<1x1x16xf32> to vector<16xf32>
      %swap3A_283 = vector.shape_cast %get3A_276 : vector<16xf32> to vector<1x1x16xf32>
      tpu.vector_store %arg7[%swap3A_278, %swap3A_279, %swap3A_280], %swap3A_283 {strides = array<i32>} : memref<2x128x128xf32, #tpu.memory_space<vmem>>, vector<1x1x16xf32>,
      %get3A_284 = arith.index_cast %select_n3A_261 : i32 to index
      %get3A_285 = arith.constant 32 : index
      %get3A_286 = tpu.vector_load %arg6[%get3A_284, %get3A_285] {strides = array<i32>} : memref<5x128xf32, #tpu.memory_space<vmem>>, vector<1x16xf32>,
      %get3A_287 = vector.shape_cast %get3A_286 : vector<1x16xf32> to vector<16xf32>
      %swap3A_288 = arith.constant 0 : i32
      %swap3A_289 = arith.index_cast %swap3A_288 : i32 to index
      %swap3A_290 = arith.index_cast %scan3A_246 : i32 to index
      %swap3A_291 = arith.constant 32 : index
      %swap3A_292 = tpu.vector_load %arg7[%swap3A_289, %swap3A_290, %swap3A_291] {strides = array<i32>} : memref<2x128x128xf32, #tpu.memory_space<vmem>>, vector<1x1x16xf32>,
      %swap3A_293 = vector.shape_cast %swap3A_292 : vector<1x1x16xf32> to vector<16xf32>
      %swap3A_294 = vector.shape_cast %get3A_287 : vector<16xf32> to vector<1x1x16xf32>
      tpu.vector_store %arg7[%swap3A_289, %swap3A_290, %swap3A_291], %swap3A_294 {strides = array<i32>} : memref<2x128x128xf32, #tpu.memory_space<vmem>>, vector<1x1x16xf32>,
      %get3A_295 = arith.index_cast %select_n3A_261 : i32 to index
      %get3A_296 = arith.constant 48 : index
      %get3A_297 = tpu.vector_load %arg6[%get3A_295, %get3A_296] {strides = array<i32>} : memref<5x128xf32, #tpu.memory_space<vmem>>, vector<1x16xf32>,
      %get3A_298 = vector.shape_cast %get3A_297 : vector<1x16xf32> to vector<16xf32>
      %swap3A_299 = arith.constant 0 : i32
      %swap3A_300 = arith.index_cast %swap3A_299 : i32 to index
      %swap3A_301 = arith.index_cast %scan3A_246 : i32 to index
      %swap3A_302 = arith.constant 48 : index
      %swap3A_303 = tpu.vector_load %arg7[%swap3A_300, %swap3A_301, %swap3A_302] {strides = array<i32>} : memref<2x128x128xf32, #tpu.memory_space<vmem>>, vector<1x1x16xf32>,
      %swap3A_304 = vector.shape_cast %swap3A_303 : vector<1x1x16xf32> to vector<16xf32>
      %swap3A_305 = vector.shape_cast %get3A_298 : vector<16xf32> to vector<1x1x16xf32>
      tpu.vector_store %arg7[%swap3A_300, %swap3A_301, %swap3A_302], %swap3A_305 {strides = array<i32>} : memref<2x128x128xf32, #tpu.memory_space<vmem>>, vector<1x1x16xf32>,
      %get3A_306 = arith.index_cast %select_n3A_261 : i32 to index
      %get3A_307 = arith.constant 64 : index
      %get3A_308 = tpu.vector_load %arg6[%get3A_306, %get3A_307] {strides = array<i32>} : memref<5x128xf32, #tpu.memory_space<vmem>>, vector<1x16xf32>,
      %get3A_309 = vector.shape_cast %get3A_308 : vector<1x16xf32> to vector<16xf32>
      %swap3A_310 = arith.constant 0 : i32
      %swap3A_311 = arith.index_cast %swap3A_310 : i32 to index
      %swap3A_312 = arith.index_cast %scan3A_246 : i32 to index
      %swap3A_313 = arith.constant 64 : index
      %swap3A_314 = tpu.vector_load %arg7[%swap3A_311, %swap3A_312, %swap3A_313] {strides = array<i32>} : memref<2x128x128xf32, #tpu.memory_space<vmem>>, vector<1x1x16xf32>,
      %swap3A_315 = vector.shape_cast %swap3A_314 : vector<1x1x16xf32> to vector<16xf32>
      %swap3A_316 = vector.shape_cast %get3A_309 : vector<16xf32> to vector<1x1x16xf32>
      tpu.vector_store %arg7[%swap3A_311, %swap3A_312, %swap3A_313], %swap3A_316 {strides = array<i32>} : memref<2x128x128xf32, #tpu.memory_space<vmem>>, vector<1x1x16xf32>,
      %get3A_317 = arith.index_cast %select_n3A_261 : i32 to index
      %get3A_318 = arith.constant 80 : index
      %get3A_319 = tpu.vector_load %arg6[%get3A_317, %get3A_318] {strides = array<i32>} : memref<5x128xf32, #tpu.memory_space<vmem>>, vector<1x16xf32>,
      %get3A_320 = vector.shape_cast %get3A_319 : vector<1x16xf32> to vector<16xf32>
      %swap3A_321 = arith.constant 0 : i32
      %swap3A_322 = arith.index_cast %swap3A_321 : i32 to index
      %swap3A_323 = arith.index_cast %scan3A_246 : i32 to index
      %swap3A_324 = arith.constant 80 : index
      %swap3A_325 = tpu.vector_load %arg7[%swap3A_322, %swap3A_323, %swap3A_324] {strides = array<i32>} : memref<2x128x128xf32, #tpu.memory_space<vmem>>, vector<1x1x16xf32>,
      %swap3A_326 = vector.shape_cast %swap3A_325 : vector<1x1x16xf32> to vector<16xf32>
      %swap3A_327 = vector.shape_cast %get3A_320 : vector<16xf32> to vector<1x1x16xf32>
      tpu.vector_store %arg7[%swap3A_322, %swap3A_323, %swap3A_324], %swap3A_327 {strides = array<i32>} : memref<2x128x128xf32, #tpu.memory_space<vmem>>, vector<1x1x16xf32>,
      %get3A_328 = arith.index_cast %select_n3A_261 : i32 to index
      %get3A_329 = arith.constant 96 : index
      %get3A_330 = tpu.vector_load %arg6[%get3A_328, %get3A_329] {strides = array<i32>} : memref<5x128xf32, #tpu.memory_space<vmem>>, vector<1x16xf32>,
      %get3A_331 = vector.shape_cast %get3A_330 : vector<1x16xf32> to vector<16xf32>
      %swap3A_332 = arith.constant 0 : i32
      %swap3A_333 = arith.index_cast %swap3A_332 : i32 to index
      %swap3A_334 = arith.index_cast %scan3A_246 : i32 to index
      %swap3A_335 = arith.constant 96 : index
      %swap3A_336 = tpu.vector_load %arg7[%swap3A_333, %swap3A_334, %swap3A_335] {strides = array<i32>} : memref<2x128x128xf32, #tpu.memory_space<vmem>>, vector<1x1x16xf32>,
      %swap3A_337 = vector.shape_cast %swap3A_336 : vector<1x1x16xf32> to vector<16xf32>
      %swap3A_338 = vector.shape_cast %get3A_331 : vector<16xf32> to vector<1x1x16xf32>
      tpu.vector_store %arg7[%swap3A_333, %swap3A_334, %swap3A_335], %swap3A_338 {strides = array<i32>} : memref<2x128x128xf32, #tpu.memory_space<vmem>>, vector<1x1x16xf32>,
      %get3A_339 = arith.index_cast %select_n3A_261 : i32 to index
      %get3A_340 = arith.constant 112 : index
      %get3A_341 = tpu.vector_load %arg6[%get3A_339, %get3A_340] {strides = array<i32>} : memref<5x128xf32, #tpu.memory_space<vmem>>, vector<1x16xf32>,
      %get3A_342 = vector.shape_cast %get3A_341 : vector<1x16xf32> to vector<16xf32>
      %swap3A_343 = arith.constant 0 : i32
      %swap3A_344 = arith.index_cast %swap3A_343 : i32 to index
      %swap3A_345 = arith.index_cast %scan3A_246 : i32 to index
      %swap3A_346 = arith.constant 112 : index
      %swap3A_347 = tpu.vector_load %arg7[%swap3A_344, %swap3A_345, %swap3A_346] {strides = array<i32>} : memref<2x128x128xf32, #tpu.memory_space<vmem>>, vector<1x1x16xf32>,
      %swap3A_348 = vector.shape_cast %swap3A_347 : vector<1x1x16xf32> to vector<16xf32>
      %swap3A_349 = vector.shape_cast %get3A_342 : vector<16xf32> to vector<1x1x16xf32>
      tpu.vector_store %arg7[%swap3A_344, %swap3A_345, %swap3A_346], %swap3A_349 {strides = array<i32>} : memref<2x128x128xf32, #tpu.memory_space<vmem>>, vector<1x1x16xf32>,
      %scan3A_350 = arith.constant 0 : i32
      %scan3A_351 = arith.constant 2 : i32
      %scan3A_352 = arith.addi %scan3A_148, %scan3A_351 : i32
      %add3A_353 = arith.constant 0 : i32
      %add3A_354 = arith.addi %add3A_353, %scan3A_352 : i32
      %get3A_355 = arith.index_cast %add3A_354 : i32 to index
      %get3A_356 = tpu.vector_load %arg5[%get3A_355] {strides = array<i32>} : memref<528xi32, #tpu.memory_space<vmem>>, vector<16xi32>,
      %get3A_357 = vector.shape_cast %get3A_356 : vector<16xi32> to vector<16xi32>
      %slice3A_358 = vector.extract_strided_slice %get3A_357 {offsets = [0], sizes = [1], strides = [1]} : vector<16xi32> to vector<1xi32>
      %squeeze3A_359 = vector.extract %slice3A_358[0] : i32 from vector<1xi32>
      %lt3A_360 = arith.constant 0 : i32
      %lt3A_361 = arith.cmpi slt, %squeeze3A_359, %lt3A_360 : i32
      %max3A_362 = arith.constant 0 : i32
      %max3A_363 = arith.maxsi %squeeze3A_359, %max3A_362 : i32
      %min3A_364 = arith.constant 3 : i32
      %min3A_365 = arith.minsi %max3A_363, %min3A_364 : i32
      %jit3A_366 = arith.constant 4 : i32
      %select_n3A_367 = arith.select %lt3A_361, %jit3A_366, %min3A_365 : i32
      %get3A_368 = arith.index_cast %select_n3A_367 : i32 to index
      %get3A_369 = arith.constant 0 : index
      %get3A_370 = tpu.vector_load %arg6[%get3A_368, %get3A_369] {strides = array<i32>} : memref<5x128xf32, #tpu.memory_space<vmem>>, vector<1x16xf32>,
      %get3A_371 = vector.shape_cast %get3A_370 : vector<1x16xf32> to vector<16xf32>
      %swap3A_372 = arith.constant 0 : i32
      %swap3A_373 = arith.index_cast %swap3A_372 : i32 to index
      %swap3A_374 = arith.index_cast %scan3A_352 : i32 to index
      %swap3A_375 = arith.constant 0 : index
      %swap3A_376 = tpu.vector_load %arg7[%swap3A_373, %swap3A_374, %swap3A_375] {strides = array<i32>} : memref<2x128x128xf32, #tpu.memory_space<vmem>>, vector<1x1x16xf32>,
      %swap3A_377 = vector.shape_cast %swap3A_376 : vector<1x1x16xf32> to vector<16xf32>
      %swap3A_378 = vector.shape_cast %get3A_371 : vector<16xf32> to vector<1x1x16xf32>
      tpu.vector_store %arg7[%swap3A_373, %swap3A_374, %swap3A_375], %swap3A_378 {strides = array<i32>} : memref<2x128x128xf32, #tpu.memory_space<vmem>>, vector<1x1x16xf32>,
      %get3A_379 = arith.index_cast %select_n3A_367 : i32 to index
      %get3A_380 = arith.constant 16 : index
      %get3A_381 = tpu.vector_load %arg6[%get3A_379, %get3A_380] {strides = array<i32>} : memref<5x128xf32, #tpu.memory_space<vmem>>, vector<1x16xf32>,
      %get3A_382 = vector.shape_cast %get3A_381 : vector<1x16xf32> to vector<16xf32>
      %swap3A_383 = arith.constant 0 : i32
      %swap3A_384 = arith.index_cast %swap3A_383 : i32 to index
      %swap3A_385 = arith.index_cast %scan3A_352 : i32 to index
      %swap3A_386 = arith.constant 16 : index
      %swap3A_387 = tpu.vector_load %arg7[%swap3A_384, %swap3A_385, %swap3A_386] {strides = array<i32>} : memref<2x128x128xf32, #tpu.memory_space<vmem>>, vector<1x1x16xf32>,
      %swap3A_388 = vector.shape_cast %swap3A_387 : vector<1x1x16xf32> to vector<16xf32>
      %swap3A_389 = vector.shape_cast %get3A_382 : vector<16xf32> to vector<1x1x16xf32>
      tpu.vector_store %arg7[%swap3A_384, %swap3A_385, %swap3A_386], %swap3A_389 {strides = array<i32>} : memref<2x128x128xf32, #tpu.memory_space<vmem>>, vector<1x1x16xf32>,
      %get3A_390 = arith.index_cast %select_n3A_367 : i32 to index
      %get3A_391 = arith.constant 32 : index
      %get3A_392 = tpu.vector_load %arg6[%get3A_390, %get3A_391] {strides = array<i32>} : memref<5x128xf32, #tpu.memory_space<vmem>>, vector<1x16xf32>,
      %get3A_393 = vector.shape_cast %get3A_392 : vector<1x16xf32> to vector<16xf32>
      %swap3A_394 = arith.constant 0 : i32
      %swap3A_395 = arith.index_cast %swap3A_394 : i32 to index
      %swap3A_396 = arith.index_cast %scan3A_352 : i32 to index
      %swap3A_397 = arith.constant 32 : index
      %swap3A_398 = tpu.vector_load %arg7[%swap3A_395, %swap3A_396, %swap3A_397] {strides = array<i32>} : memref<2x128x128xf32, #tpu.memory_space<vmem>>, vector<1x1x16xf32>,
      %swap3A_399 = vector.shape_cast %swap3A_398 : vector<1x1x16xf32> to vector<16xf32>
      %swap3A_400 = vector.shape_cast %get3A_393 : vector<16xf32> to vector<1x1x16xf32>
      tpu.vector_store %arg7[%swap3A_395, %swap3A_396, %swap3A_397], %swap3A_400 {strides = array<i32>} : memref<2x128x128xf32, #tpu.memory_space<vmem>>, vector<1x1x16xf32>,
      %get3A_401 = arith.index_cast %select_n3A_367 : i32 to index
      %get3A_402 = arith.constant 48 : index
      %get3A_403 = tpu.vector_load %arg6[%get3A_401, %get3A_402] {strides = array<i32>} : memref<5x128xf32, #tpu.memory_space<vmem>>, vector<1x16xf32>,
      %get3A_404 = vector.shape_cast %get3A_403 : vector<1x16xf32> to vector<16xf32>
      %swap3A_405 = arith.constant 0 : i32
      %swap3A_406 = arith.index_cast %swap3A_405 : i32 to index
      %swap3A_407 = arith.index_cast %scan3A_352 : i32 to index
      %swap3A_408 = arith.constant 48 : index
      %swap3A_409 = tpu.vector_load %arg7[%swap3A_406, %swap3A_407, %swap3A_408] {strides = array<i32>} : memref<2x128x128xf32, #tpu.memory_space<vmem>>, vector<1x1x16xf32>,
      %swap3A_410 = vector.shape_cast %swap3A_409 : vector<1x1x16xf32> to vector<16xf32>
      %swap3A_411 = vector.shape_cast %get3A_404 : vector<16xf32> to vector<1x1x16xf32>
      tpu.vector_store %arg7[%swap3A_406, %swap3A_407, %swap3A_408], %swap3A_411 {strides = array<i32>} : memref<2x128x128xf32, #tpu.memory_space<vmem>>, vector<1x1x16xf32>,
      %get3A_412 = arith.index_cast %select_n3A_367 : i32 to index
      %get3A_413 = arith.constant 64 : index
      %get3A_414 = tpu.vector_load %arg6[%get3A_412, %get3A_413] {strides = array<i32>} : memref<5x128xf32, #tpu.memory_space<vmem>>, vector<1x16xf32>,
      %get3A_415 = vector.shape_cast %get3A_414 : vector<1x16xf32> to vector<16xf32>
      %swap3A_416 = arith.constant 0 : i32
      %swap3A_417 = arith.index_cast %swap3A_416 : i32 to index
      %swap3A_418 = arith.index_cast %scan3A_352 : i32 to index
      %swap3A_419 = arith.constant 64 : index
      %swap3A_420 = tpu.vector_load %arg7[%swap3A_417, %swap3A_418, %swap3A_419] {strides = array<i32>} : memref<2x128x128xf32, #tpu.memory_space<vmem>>, vector<1x1x16xf32>,
      %swap3A_421 = vector.shape_cast %swap3A_420 : vector<1x1x16xf32> to vector<16xf32>
      %swap3A_422 = vector.shape_cast %get3A_415 : vector<16xf32> to vector<1x1x16xf32>
      tpu.vector_store %arg7[%swap3A_417, %swap3A_418, %swap3A_419], %swap3A_422 {strides = array<i32>} : memref<2x128x128xf32, #tpu.memory_space<vmem>>, vector<1x1x16xf32>,
      %get3A_423 = arith.index_cast %select_n3A_367 : i32 to index
      %get3A_424 = arith.constant 80 : index
      %get3A_425 = tpu.vector_load %arg6[%get3A_423, %get3A_424] {strides = array<i32>} : memref<5x128xf32, #tpu.memory_space<vmem>>, vector<1x16xf32>,
      %get3A_426 = vector.shape_cast %get3A_425 : vector<1x16xf32> to vector<16xf32>
      %swap3A_427 = arith.constant 0 : i32
      %swap3A_428 = arith.index_cast %swap3A_427 : i32 to index
      %swap3A_429 = arith.index_cast %scan3A_352 : i32 to index
      %swap3A_430 = arith.constant 80 : index
      %swap3A_431 = tpu.vector_load %arg7[%swap3A_428, %swap3A_429, %swap3A_430] {strides = array<i32>} : memref<2x128x128xf32, #tpu.memory_space<vmem>>, vector<1x1x16xf32>,
      %swap3A_432 = vector.shape_cast %swap3A_431 : vector<1x1x16xf32> to vector<16xf32>
      %swap3A_433 = vector.shape_cast %get3A_426 : vector<16xf32> to vector<1x1x16xf32>
      tpu.vector_store %arg7[%swap3A_428, %swap3A_429, %swap3A_430], %swap3A_433 {strides = array<i32>} : memref<2x128x128xf32, #tpu.memory_space<vmem>>, vector<1x1x16xf32>,
      %get3A_434 = arith.index_cast %select_n3A_367 : i32 to index
      %get3A_435 = arith.constant 96 : index
      %get3A_436 = tpu.vector_load %arg6[%get3A_434, %get3A_435] {strides = array<i32>} : memref<5x128xf32, #tpu.memory_space<vmem>>, vector<1x16xf32>,
      %get3A_437 = vector.shape_cast %get3A_436 : vector<1x16xf32> to vector<16xf32>
      %swap3A_438 = arith.constant 0 : i32
      %swap3A_439 = arith.index_cast %swap3A_438 : i32 to index
      %swap3A_440 = arith.index_cast %scan3A_352 : i32 to index
      %swap3A_441 = arith.constant 96 : index
      %swap3A_442 = tpu.vector_load %arg7[%swap3A_439, %swap3A_440, %swap3A_441] {strides = array<i32>} : memref<2x128x128xf32, #tpu.memory_space<vmem>>, vector<1x1x16xf32>,
      %swap3A_443 = vector.shape_cast %swap3A_442 : vector<1x1x16xf32> to vector<16xf32>
      %swap3A_444 = vector.shape_cast %get3A_437 : vector<16xf32> to vector<1x1x16xf32>
      tpu.vector_store %arg7[%swap3A_439, %swap3A_440, %swap3A_441], %swap3A_444 {strides = array<i32>} : memref<2x128x128xf32, #tpu.memory_space<vmem>>, vector<1x1x16xf32>,
      %get3A_445 = arith.index_cast %select_n3A_367 : i32 to index
      %get3A_446 = arith.constant 112 : index
      %get3A_447 = tpu.vector_load %arg6[%get3A_445, %get3A_446] {strides = array<i32>} : memref<5x128xf32, #tpu.memory_space<vmem>>, vector<1x16xf32>,
      %get3A_448 = vector.shape_cast %get3A_447 : vector<1x16xf32> to vector<16xf32>
      %swap3A_449 = arith.constant 0 : i32
      %swap3A_450 = arith.index_cast %swap3A_449 : i32 to index
      %swap3A_451 = arith.index_cast %scan3A_352 : i32 to index
      %swap3A_452 = arith.constant 112 : index
      %swap3A_453 = tpu.vector_load %arg7[%swap3A_450, %swap3A_451, %swap3A_452] {strides = array<i32>} : memref<2x128x128xf32, #tpu.memory_space<vmem>>, vector<1x1x16xf32>,
      %swap3A_454 = vector.shape_cast %swap3A_453 : vector<1x1x16xf32> to vector<16xf32>
      %swap3A_455 = vector.shape_cast %get3A_448 : vector<16xf32> to vector<1x1x16xf32>
      tpu.vector_store %arg7[%swap3A_450, %swap3A_451, %swap3A_452], %swap3A_455 {strides = array<i32>} : memref<2x128x128xf32, #tpu.memory_space<vmem>>, vector<1x1x16xf32>,
      %scan3A_456 = arith.constant 0 : i32
      %scan3A_457 = arith.constant 3 : i32
      %scan3A_458 = arith.addi %scan3A_148, %scan3A_457 : i32
      %add3A_459 = arith.constant 0 : i32
      %add3A_460 = arith.addi %add3A_459, %scan3A_458 : i32
      %get3A_461 = arith.index_cast %add3A_460 : i32 to index
      %get3A_462 = tpu.vector_load %arg5[%get3A_461] {strides = array<i32>} : memref<528xi32, #tpu.memory_space<vmem>>, vector<16xi32>,
      %get3A_463 = vector.shape_cast %get3A_462 : vector<16xi32> to vector<16xi32>
      %slice3A_464 = vector.extract_strided_slice %get3A_463 {offsets = [0], sizes = [1], strides = [1]} : vector<16xi32> to vector<1xi32>
      %squeeze3A_465 = vector.extract %slice3A_464[0] : i32 from vector<1xi32>
      %lt3A_466 = arith.constant 0 : i32
      %lt3A_467 = arith.cmpi slt, %squeeze3A_465, %lt3A_466 : i32
      %max3A_468 = arith.constant 0 : i32
      %max3A_469 = arith.maxsi %squeeze3A_465, %max3A_468 : i32
      %min3A_470 = arith.constant 3 : i32
      %min3A_471 = arith.minsi %max3A_469, %min3A_470 : i32
      %jit3A_472 = arith.constant 4 : i32
      %select_n3A_473 = arith.select %lt3A_467, %jit3A_472, %min3A_471 : i32
      %get3A_474 = arith.index_cast %select_n3A_473 : i32 to index
      %get3A_475 = arith.constant 0 : index
      %get3A_476 = tpu.vector_load %arg6[%get3A_474, %get3A_475] {strides = array<i32>} : memref<5x128xf32, #tpu.memory_space<vmem>>, vector<1x16xf32>,
      %get3A_477 = vector.shape_cast %get3A_476 : vector<1x16xf32> to vector<16xf32>
      %swap3A_478 = arith.constant 0 : i32
      %swap3A_479 = arith.index_cast %swap3A_478 : i32 to index
      %swap3A_480 = arith.index_cast %scan3A_458 : i32 to index
      %swap3A_481 = arith.constant 0 : index
      %swap3A_482 = tpu.vector_load %arg7[%swap3A_479, %swap3A_480, %swap3A_481] {strides = array<i32>} : memref<2x128x128xf32, #tpu.memory_space<vmem>>, vector<1x1x16xf32>,
      %swap3A_483 = vector.shape_cast %swap3A_482 : vector<1x1x16xf32> to vector<16xf32>
      %swap3A_484 = vector.shape_cast %get3A_477 : vector<16xf32> to vector<1x1x16xf32>
      tpu.vector_store %arg7[%swap3A_479, %swap3A_480, %swap3A_481], %swap3A_484 {strides = array<i32>} : memref<2x128x128xf32, #tpu.memory_space<vmem>>, vector<1x1x16xf32>,
      %get3A_485 = arith.index_cast %select_n3A_473 : i32 to index
      %get3A_486 = arith.constant 16 : index
      %get3A_487 = tpu.vector_load %arg6[%get3A_485, %get3A_486] {strides = array<i32>} : memref<5x128xf32, #tpu.memory_space<vmem>>, vector<1x16xf32>,
      %get3A_488 = vector.shape_cast %get3A_487 : vector<1x16xf32> to vector<16xf32>
      %swap3A_489 = arith.constant 0 : i32
      %swap3A_490 = arith.index_cast %swap3A_489 : i32 to index
      %swap3A_491 = arith.index_cast %scan3A_458 : i32 to index
      %swap3A_492 = arith.constant 16 : index
      %swap3A_493 = tpu.vector_load %arg7[%swap3A_490, %swap3A_491, %swap3A_492] {strides = array<i32>} : memref<2x128x128xf32, #tpu.memory_space<vmem>>, vector<1x1x16xf32>,
      %swap3A_494 = vector.shape_cast %swap3A_493 : vector<1x1x16xf32> to vector<16xf32>
      %swap3A_495 = vector.shape_cast %get3A_488 : vector<16xf32> to vector<1x1x16xf32>
      tpu.vector_store %arg7[%swap3A_490, %swap3A_491, %swap3A_492], %swap3A_495 {strides = array<i32>} : memref<2x128x128xf32, #tpu.memory_space<vmem>>, vector<1x1x16xf32>,
      %get3A_496 = arith.index_cast %select_n3A_473 : i32 to index
      %get3A_497 = arith.constant 32 : index
      %get3A_498 = tpu.vector_load %arg6[%get3A_496, %get3A_497] {strides = array<i32>} : memref<5x128xf32, #tpu.memory_space<vmem>>, vector<1x16xf32>,
      %get3A_499 = vector.shape_cast %get3A_498 : vector<1x16xf32> to vector<16xf32>
      %swap3A_500 = arith.constant 0 : i32
      %swap3A_501 = arith.index_cast %swap3A_500 : i32 to index
      %swap3A_502 = arith.index_cast %scan3A_458 : i32 to index
      %swap3A_503 = arith.constant 32 : index
      %swap3A_504 = tpu.vector_load %arg7[%swap3A_501, %swap3A_502, %swap3A_503] {strides = array<i32>} : memref<2x128x128xf32, #tpu.memory_space<vmem>>, vector<1x1x16xf32>,
      %swap3A_505 = vector.shape_cast %swap3A_504 : vector<1x1x16xf32> to vector<16xf32>
      %swap3A_506 = vector.shape_cast %get3A_499 : vector<16xf32> to vector<1x1x16xf32>
      tpu.vector_store %arg7[%swap3A_501, %swap3A_502, %swap3A_503], %swap3A_506 {strides = array<i32>} : memref<2x128x128xf32, #tpu.memory_space<vmem>>, vector<1x1x16xf32>,
      %get3A_507 = arith.index_cast %select_n3A_473 : i32 to index
      %get3A_508 = arith.constant 48 : index
      %get3A_509 = tpu.vector_load %arg6[%get3A_507, %get3A_508] {strides = array<i32>} : memref<5x128xf32, #tpu.memory_space<vmem>>, vector<1x16xf32>,
      %get3A_510 = vector.shape_cast %get3A_509 : vector<1x16xf32> to vector<16xf32>
      %swap3A_511 = arith.constant 0 : i32
      %swap3A_512 = arith.index_cast %swap3A_511 : i32 to index
      %swap3A_513 = arith.index_cast %scan3A_458 : i32 to index
      %swap3A_514 = arith.constant 48 : index
      %swap3A_515 = tpu.vector_load %arg7[%swap3A_512, %swap3A_513, %swap3A_514] {strides = array<i32>} : memref<2x128x128xf32, #tpu.memory_space<vmem>>, vector<1x1x16xf32>,
      %swap3A_516 = vector.shape_cast %swap3A_515 : vector<1x1x16xf32> to vector<16xf32>
      %swap3A_517 = vector.shape_cast %get3A_510 : vector<16xf32> to vector<1x1x16xf32>
      tpu.vector_store %arg7[%swap3A_512, %swap3A_513, %swap3A_514], %swap3A_517 {strides = array<i32>} : memref<2x128x128xf32, #tpu.memory_space<vmem>>, vector<1x1x16xf32>,
      %get3A_518 = arith.index_cast %select_n3A_473 : i32 to index
      %get3A_519 = arith.constant 64 : index
      %get3A_520 = tpu.vector_load %arg6[%get3A_518, %get3A_519] {strides = array<i32>} : memref<5x128xf32, #tpu.memory_space<vmem>>, vector<1x16xf32>,
      %get3A_521 = vector.shape_cast %get3A_520 : vector<1x16xf32> to vector<16xf32>
      %swap3A_522 = arith.constant 0 : i32
      %swap3A_523 = arith.index_cast %swap3A_522 : i32 to index
      %swap3A_524 = arith.index_cast %scan3A_458 : i32 to index
      %swap3A_525 = arith.constant 64 : index
      %swap3A_526 = tpu.vector_load %arg7[%swap3A_523, %swap3A_524, %swap3A_525] {strides = array<i32>} : memref<2x128x128xf32, #tpu.memory_space<vmem>>, vector<1x1x16xf32>,
      %swap3A_527 = vector.shape_cast %swap3A_526 : vector<1x1x16xf32> to vector<16xf32>
      %swap3A_528 = vector.shape_cast %get3A_521 : vector<16xf32> to vector<1x1x16xf32>
      tpu.vector_store %arg7[%swap3A_523, %swap3A_524, %swap3A_525], %swap3A_528 {strides = array<i32>} : memref<2x128x128xf32, #tpu.memory_space<vmem>>, vector<1x1x16xf32>,
      %get3A_529 = arith.index_cast %select_n3A_473 : i32 to index
      %get3A_530 = arith.constant 80 : index
      %get3A_531 = tpu.vector_load %arg6[%get3A_529, %get3A_530] {strides = array<i32>} : memref<5x128xf32, #tpu.memory_space<vmem>>, vector<1x16xf32>,
      %get3A_532 = vector.shape_cast %get3A_531 : vector<1x16xf32> to vector<16xf32>
      %swap3A_533 = arith.constant 0 : i32
      %swap3A_534 = arith.index_cast %swap3A_533 : i32 to index
      %swap3A_535 = arith.index_cast %scan3A_458 : i32 to index
      %swap3A_536 = arith.constant 80 : index
      %swap3A_537 = tpu.vector_load %arg7[%swap3A_534, %swap3A_535, %swap3A_536] {strides = array<i32>} : memref<2x128x128xf32, #tpu.memory_space<vmem>>, vector<1x1x16xf32>,
      %swap3A_538 = vector.shape_cast %swap3A_537 : vector<1x1x16xf32> to vector<16xf32>
      %swap3A_539 = vector.shape_cast %get3A_532 : vector<16xf32> to vector<1x1x16xf32>
      tpu.vector_store %arg7[%swap3A_534, %swap3A_535, %swap3A_536], %swap3A_539 {strides = array<i32>} : memref<2x128x128xf32, #tpu.memory_space<vmem>>, vector<1x1x16xf32>,
      %get3A_540 = arith.index_cast %select_n3A_473 : i32 to index
      %get3A_541 = arith.constant 96 : index
      %get3A_542 = tpu.vector_load %arg6[%get3A_540, %get3A_541] {strides = array<i32>} : memref<5x128xf32, #tpu.memory_space<vmem>>, vector<1x16xf32>,
      %get3A_543 = vector.shape_cast %get3A_542 : vector<1x16xf32> to vector<16xf32>
      %swap3A_544 = arith.constant 0 : i32
      %swap3A_545 = arith.index_cast %swap3A_544 : i32 to index
      %swap3A_546 = arith.index_cast %scan3A_458 : i32 to index
      %swap3A_547 = arith.constant 96 : index
      %swap3A_548 = tpu.vector_load %arg7[%swap3A_545, %swap3A_546, %swap3A_547] {strides = array<i32>} : memref<2x128x128xf32, #tpu.memory_space<vmem>>, vector<1x1x16xf32>,
      %swap3A_549 = vector.shape_cast %swap3A_548 : vector<1x1x16xf32> to vector<16xf32>
      %swap3A_550 = vector.shape_cast %get3A_543 : vector<16xf32> to vector<1x1x16xf32>
      tpu.vector_store %arg7[%swap3A_545, %swap3A_546, %swap3A_547], %swap3A_550 {strides = array<i32>} : memref<2x128x128xf32, #tpu.memory_space<vmem>>, vector<1x1x16xf32>,
      %get3A_551 = arith.index_cast %select_n3A_473 : i32 to index
      %get3A_552 = arith.constant 112 : index
      %get3A_553 = tpu.vector_load %arg6[%get3A_551, %get3A_552] {strides = array<i32>} : memref<5x128xf32, #tpu.memory_space<vmem>>, vector<1x16xf32>,
      %get3A_554 = vector.shape_cast %get3A_553 : vector<1x16xf32> to vector<16xf32>
      %swap3A_555 = arith.constant 0 : i32
      %swap3A_556 = arith.index_cast %swap3A_555 : i32 to index
      %swap3A_557 = arith.index_cast %scan3A_458 : i32 to index
      %swap3A_558 = arith.constant 112 : index
      %swap3A_559 = tpu.vector_load %arg7[%swap3A_556, %swap3A_557, %swap3A_558] {strides = array<i32>} : memref<2x128x128xf32, #tpu.memory_space<vmem>>, vector<1x1x16xf32>,
      %swap3A_560 = vector.shape_cast %swap3A_559 : vector<1x1x16xf32> to vector<16xf32>
      %swap3A_561 = vector.shape_cast %get3A_554 : vector<16xf32> to vector<1x1x16xf32>
      tpu.vector_store %arg7[%swap3A_556, %swap3A_557, %swap3A_558], %swap3A_561 {strides = array<i32>} : memref<2x128x128xf32, #tpu.memory_space<vmem>>, vector<1x1x16xf32>,
      %scan3A_562 = arith.constant 0 : i32
      %scan3A_563 = arith.constant 4 : i32
      %scan3A_564 = arith.addi %scan3A_148, %scan3A_563 : i32
      %add3A_565 = arith.constant 0 : i32
      %add3A_566 = arith.addi %add3A_565, %scan3A_564 : i32
      %get3A_567 = arith.index_cast %add3A_566 : i32 to index
      %get3A_568 = tpu.vector_load %arg5[%get3A_567] {strides = array<i32>} : memref<528xi32, #tpu.memory_space<vmem>>, vector<16xi32>,
      %get3A_569 = vector.shape_cast %get3A_568 : vector<16xi32> to vector<16xi32>
      %slice3A_570 = vector.extract_strided_slice %get3A_569 {offsets = [0], sizes = [1], strides = [1]} : vector<16xi32> to vector<1xi32>
      %squeeze3A_571 = vector.extract %slice3A_570[0] : i32 from vector<1xi32>
      %lt3A_572 = arith.constant 0 : i32
      %lt3A_573 = arith.cmpi slt, %squeeze3A_571, %lt3A_572 : i32
      %max3A_574 = arith.constant 0 : i32
      %max3A_575 = arith.maxsi %squeeze3A_571, %max3A_574 : i32
      %min3A_576 = arith.constant 3 : i32
      %min3A_577 = arith.minsi %max3A_575, %min3A_576 : i32
      %jit3A_578 = arith.constant 4 : i32
      %select_n3A_579 = arith.select %lt3A_573, %jit3A_578, %min3A_577 : i32
      %get3A_580 = arith.index_cast %select_n3A_579 : i32 to index
      %get3A_581 = arith.constant 0 : index
      %get3A_582 = tpu.vector_load %arg6[%get3A_580, %get3A_581] {strides = array<i32>} : memref<5x128xf32, #tpu.memory_space<vmem>>, vector<1x16xf32>,
      %get3A_583 = vector.shape_cast %get3A_582 : vector<1x16xf32> to vector<16xf32>
      %swap3A_584 = arith.constant 0 : i32
      %swap3A_585 = arith.index_cast %swap3A_584 : i32 to index
      %swap3A_586 = arith.index_cast %scan3A_564 : i32 to index
      %swap3A_587 = arith.constant 0 : index
      %swap3A_588 = tpu.vector_load %arg7[%swap3A_585, %swap3A_586, %swap3A_587] {strides = array<i32>} : memref<2x128x128xf32, #tpu.memory_space<vmem>>, vector<1x1x16xf32>,
      %swap3A_589 = vector.shape_cast %swap3A_588 : vector<1x1x16xf32> to vector<16xf32>
      %swap3A_590 = vector.shape_cast %get3A_583 : vector<16xf32> to vector<1x1x16xf32>
      tpu.vector_store %arg7[%swap3A_585, %swap3A_586, %swap3A_587], %swap3A_590 {strides = array<i32>} : memref<2x128x128xf32, #tpu.memory_space<vmem>>, vector<1x1x16xf32>,
      %get3A_591 = arith.index_cast %select_n3A_579 : i32 to index
      %get3A_592 = arith.constant 16 : index
      %get3A_593 = tpu.vector_load %arg6[%get3A_591, %get3A_592] {strides = array<i32>} : memref<5x128xf32, #tpu.memory_space<vmem>>, vector<1x16xf32>,
      %get3A_594 = vector.shape_cast %get3A_593 : vector<1x16xf32> to vector<16xf32>
      %swap3A_595 = arith.constant 0 : i32
      %swap3A_596 = arith.index_cast %swap3A_595 : i32 to index
      %swap3A_597 = arith.index_cast %scan3A_564 : i32 to index
      %swap3A_598 = arith.constant 16 : index
      %swap3A_599 = tpu.vector_load %arg7[%swap3A_596, %swap3A_597, %swap3A_598] {strides = array<i32>} : memref<2x128x128xf32, #tpu.memory_space<vmem>>, vector<1x1x16xf32>,
      %swap3A_600 = vector.shape_cast %swap3A_599 : vector<1x1x16xf32> to vector<16xf32>
      %swap3A_601 = vector.shape_cast %get3A_594 : vector<16xf32> to vector<1x1x16xf32>
      tpu.vector_store %arg7[%swap3A_596, %swap3A_597, %swap3A_598], %swap3A_601 {strides = array<i32>} : memref<2x128x128xf32, #tpu.memory_space<vmem>>, vector<1x1x16xf32>,
      %get3A_602 = arith.index_cast %select_n3A_579 : i32 to index
      %get3A_603 = arith.constant 32 : index
      %get3A_604 = tpu.vector_load %arg6[%get3A_602, %get3A_603] {strides = array<i32>} : memref<5x128xf32, #tpu.memory_space<vmem>>, vector<1x16xf32>,
      %get3A_605 = vector.shape_cast %get3A_604 : vector<1x16xf32> to vector<16xf32>
      %swap3A_606 = arith.constant 0 : i32
      %swap3A_607 = arith.index_cast %swap3A_606 : i32 to index
      %swap3A_608 = arith.index_cast %scan3A_564 : i32 to index
      %swap3A_609 = arith.constant 32 : index
      %swap3A_610 = tpu.vector_load %arg7[%swap3A_607, %swap3A_608, %swap3A_609] {strides = array<i32>} : memref<2x128x128xf32, #tpu.memory_space<vmem>>, vector<1x1x16xf32>,
      %swap3A_611 = vector.shape_cast %swap3A_610 : vector<1x1x16xf32> to vector<16xf32>
      %swap3A_612 = vector.shape_cast %get3A_605 : vector<16xf32> to vector<1x1x16xf32>
      tpu.vector_store %arg7[%swap3A_607, %swap3A_608, %swap3A_609], %swap3A_612 {strides = array<i32>} : memref<2x128x128xf32, #tpu.memory_space<vmem>>, vector<1x1x16xf32>,
      %get3A_613 = arith.index_cast %select_n3A_579 : i32 to index
      %get3A_614 = arith.constant 48 : index
      %get3A_615 = tpu.vector_load %arg6[%get3A_613, %get3A_614] {strides = array<i32>} : memref<5x128xf32, #tpu.memory_space<vmem>>, vector<1x16xf32>,
      %get3A_616 = vector.shape_cast %get3A_615 : vector<1x16xf32> to vector<16xf32>
      %swap3A_617 = arith.constant 0 : i32
      %swap3A_618 = arith.index_cast %swap3A_617 : i32 to index
      %swap3A_619 = arith.index_cast %scan3A_564 : i32 to index
      %swap3A_620 = arith.constant 48 : index
      %swap3A_621 = tpu.vector_load %arg7[%swap3A_618, %swap3A_619, %swap3A_620] {strides = array<i32>} : memref<2x128x128xf32, #tpu.memory_space<vmem>>, vector<1x1x16xf32>,
      %swap3A_622 = vector.shape_cast %swap3A_621 : vector<1x1x16xf32> to vector<16xf32>
      %swap3A_623 = vector.shape_cast %get3A_616 : vector<16xf32> to vector<1x1x16xf32>
      tpu.vector_store %arg7[%swap3A_618, %swap3A_619, %swap3A_620], %swap3A_623 {strides = array<i32>} : memref<2x128x128xf32, #tpu.memory_space<vmem>>, vector<1x1x16xf32>,
      %get3A_624 = arith.index_cast %select_n3A_579 : i32 to index
      %get3A_625 = arith.constant 64 : index
      %get3A_626 = tpu.vector_load %arg6[%get3A_624, %get3A_625] {strides = array<i32>} : memref<5x128xf32, #tpu.memory_space<vmem>>, vector<1x16xf32>,
      %get3A_627 = vector.shape_cast %get3A_626 : vector<1x16xf32> to vector<16xf32>
      %swap3A_628 = arith.constant 0 : i32
      %swap3A_629 = arith.index_cast %swap3A_628 : i32 to index
      %swap3A_630 = arith.index_cast %scan3A_564 : i32 to index
      %swap3A_631 = arith.constant 64 : index
      %swap3A_632 = tpu.vector_load %arg7[%swap3A_629, %swap3A_630, %swap3A_631] {strides = array<i32>} : memref<2x128x128xf32, #tpu.memory_space<vmem>>, vector<1x1x16xf32>,
      %swap3A_633 = vector.shape_cast %swap3A_632 : vector<1x1x16xf32> to vector<16xf32>
      %swap3A_634 = vector.shape_cast %get3A_627 : vector<16xf32> to vector<1x1x16xf32>
      tpu.vector_store %arg7[%swap3A_629, %swap3A_630, %swap3A_631], %swap3A_634 {strides = array<i32>} : memref<2x128x128xf32, #tpu.memory_space<vmem>>, vector<1x1x16xf32>,
      %get3A_635 = arith.index_cast %select_n3A_579 : i32 to index
      %get3A_636 = arith.constant 80 : index
      %get3A_637 = tpu.vector_load %arg6[%get3A_635, %get3A_636] {strides = array<i32>} : memref<5x128xf32, #tpu.memory_space<vmem>>, vector<1x16xf32>,
      %get3A_638 = vector.shape_cast %get3A_637 : vector<1x16xf32> to vector<16xf32>
      %swap3A_639 = arith.constant 0 : i32
      %swap3A_640 = arith.index_cast %swap3A_639 : i32 to index
      %swap3A_641 = arith.index_cast %scan3A_564 : i32 to index
      %swap3A_642 = arith.constant 80 : index
      %swap3A_643 = tpu.vector_load %arg7[%swap3A_640, %swap3A_641, %swap3A_642] {strides = array<i32>} : memref<2x128x128xf32, #tpu.memory_space<vmem>>, vector<1x1x16xf32>,
      %swap3A_644 = vector.shape_cast %swap3A_643 : vector<1x1x16xf32> to vector<16xf32>
      %swap3A_645 = vector.shape_cast %get3A_638 : vector<16xf32> to vector<1x1x16xf32>
      tpu.vector_store %arg7[%swap3A_640, %swap3A_641, %swap3A_642], %swap3A_645 {strides = array<i32>} : memref<2x128x128xf32, #tpu.memory_space<vmem>>, vector<1x1x16xf32>,
      %get3A_646 = arith.index_cast %select_n3A_579 : i32 to index
      %get3A_647 = arith.constant 96 : index
      %get3A_648 = tpu.vector_load %arg6[%get3A_646, %get3A_647] {strides = array<i32>} : memref<5x128xf32, #tpu.memory_space<vmem>>, vector<1x16xf32>,
      %get3A_649 = vector.shape_cast %get3A_648 : vector<1x16xf32> to vector<16xf32>
      %swap3A_650 = arith.constant 0 : i32
      %swap3A_651 = arith.index_cast %swap3A_650 : i32 to index
      %swap3A_652 = arith.index_cast %scan3A_564 : i32 to index
      %swap3A_653 = arith.constant 96 : index
      %swap3A_654 = tpu.vector_load %arg7[%swap3A_651, %swap3A_652, %swap3A_653] {strides = array<i32>} : memref<2x128x128xf32, #tpu.memory_space<vmem>>, vector<1x1x16xf32>,
      %swap3A_655 = vector.shape_cast %swap3A_654 : vector<1x1x16xf32> to vector<16xf32>
      %swap3A_656 = vector.shape_cast %get3A_649 : vector<16xf32> to vector<1x1x16xf32>
      tpu.vector_store %arg7[%swap3A_651, %swap3A_652, %swap3A_653], %swap3A_656 {strides = array<i32>} : memref<2x128x128xf32, #tpu.memory_space<vmem>>, vector<1x1x16xf32>,
      %get3A_657 = arith.index_cast %select_n3A_579 : i32 to index
      %get3A_658 = arith.constant 112 : index
      %get3A_659 = tpu.vector_load %arg6[%get3A_657, %get3A_658] {strides = array<i32>} : memref<5x128xf32, #tpu.memory_space<vmem>>, vector<1x16xf32>,
      %get3A_660 = vector.shape_cast %get3A_659 : vector<1x16xf32> to vector<16xf32>
      %swap3A_661 = arith.constant 0 : i32
      %swap3A_662 = arith.index_cast %swap3A_661 : i32 to index
      %swap3A_663 = arith.index_cast %scan3A_564 : i32 to index
      %swap3A_664 = arith.constant 112 : index
      %swap3A_665 = tpu.vector_load %arg7[%swap3A_662, %swap3A_663, %swap3A_664] {strides = array<i32>} : memref<2x128x128xf32, #tpu.memory_space<vmem>>, vector<1x1x16xf32>,
      %swap3A_666 = vector.shape_cast %swap3A_665 : vector<1x1x16xf32> to vector<16xf32>
      %swap3A_667 = vector.shape_cast %get3A_660 : vector<16xf32> to vector<1x1x16xf32>
      tpu.vector_store %arg7[%swap3A_662, %swap3A_663, %swap3A_664], %swap3A_667 {strides = array<i32>} : memref<2x128x128xf32, #tpu.memory_space<vmem>>, vector<1x1x16xf32>,
      %scan3A_668 = arith.constant 0 : i32
      %scan3A_669 = arith.constant 5 : i32
      %scan3A_670 = arith.addi %scan3A_148, %scan3A_669 : i32
      %add3A_671 = arith.constant 0 : i32
      %add3A_672 = arith.addi %add3A_671, %scan3A_670 : i32
      %get3A_673 = arith.index_cast %add3A_672 : i32 to index
      %get3A_674 = tpu.vector_load %arg5[%get3A_673] {strides = array<i32>} : memref<528xi32, #tpu.memory_space<vmem>>, vector<16xi32>,
      %get3A_675 = vector.shape_cast %get3A_674 : vector<16xi32> to vector<16xi32>
      %slice3A_676 = vector.extract_strided_slice %get3A_675 {offsets = [0], sizes = [1], strides = [1]} : vector<16xi32> to vector<1xi32>
      %squeeze3A_677 = vector.extract %slice3A_676[0] : i32 from vector<1xi32>
      %lt3A_678 = arith.constant 0 : i32
      %lt3A_679 = arith.cmpi slt, %squeeze3A_677, %lt3A_678 : i32
      %max3A_680 = arith.constant 0 : i32
      %max3A_681 = arith.maxsi %squeeze3A_677, %max3A_680 : i32
      %min3A_682 = arith.constant 3 : i32
      %min3A_683 = arith.minsi %max3A_681, %min3A_682 : i32
      %jit3A_684 = arith.constant 4 : i32
      %select_n3A_685 = arith.select %lt3A_679, %jit3A_684, %min3A_683 : i32
      %get3A_686 = arith.index_cast %select_n3A_685 : i32 to index
      %get3A_687 = arith.constant 0 : index
      %get3A_688 = tpu.vector_load %arg6[%get3A_686, %get3A_687] {strides = array<i32>} : memref<5x128xf32, #tpu.memory_space<vmem>>, vector<1x16xf32>,
      %get3A_689 = vector.shape_cast %get3A_688 : vector<1x16xf32> to vector<16xf32>
      %swap3A_690 = arith.constant 0 : i32
      %swap3A_691 = arith.index_cast %swap3A_690 : i32 to index
      %swap3A_692 = arith.index_cast %scan3A_670 : i32 to index
      %swap3A_693 = arith.constant 0 : index
      %swap3A_694 = tpu.vector_load %arg7[%swap3A_691, %swap3A_692, %swap3A_693] {strides = array<i32>} : memref<2x128x128xf32, #tpu.memory_space<vmem>>, vector<1x1x16xf32>,
      %swap3A_695 = vector.shape_cast %swap3A_694 : vector<1x1x16xf32> to vector<16xf32>
      %swap3A_696 = vector.shape_cast %get3A_689 : vector<16xf32> to vector<1x1x16xf32>
      tpu.vector_store %arg7[%swap3A_691, %swap3A_692, %swap3A_693], %swap3A_696 {strides = array<i32>} : memref<2x128x128xf32, #tpu.memory_space<vmem>>, vector<1x1x16xf32>,
      %get3A_697 = arith.index_cast %select_n3A_685 : i32 to index
      %get3A_698 = arith.constant 16 : index
      %get3A_699 = tpu.vector_load %arg6[%get3A_697, %get3A_698] {strides = array<i32>} : memref<5x128xf32, #tpu.memory_space<vmem>>, vector<1x16xf32>,
      %get3A_700 = vector.shape_cast %get3A_699 : vector<1x16xf32> to vector<16xf32>
      %swap3A_701 = arith.constant 0 : i32
      %swap3A_702 = arith.index_cast %swap3A_701 : i32 to index
      %swap3A_703 = arith.index_cast %scan3A_670 : i32 to index
      %swap3A_704 = arith.constant 16 : index
      %swap3A_705 = tpu.vector_load %arg7[%swap3A_702, %swap3A_703, %swap3A_704] {strides = array<i32>} : memref<2x128x128xf32, #tpu.memory_space<vmem>>, vector<1x1x16xf32>,
      %swap3A_706 = vector.shape_cast %swap3A_705 : vector<1x1x16xf32> to vector<16xf32>
      %swap3A_707 = vector.shape_cast %get3A_700 : vector<16xf32> to vector<1x1x16xf32>
      tpu.vector_store %arg7[%swap3A_702, %swap3A_703, %swap3A_704], %swap3A_707 {strides = array<i32>} : memref<2x128x128xf32, #tpu.memory_space<vmem>>, vector<1x1x16xf32>,
      %get3A_708 = arith.index_cast %select_n3A_685 : i32 to index
      %get3A_709 = arith.constant 32 : index
      %get3A_710 = tpu.vector_load %arg6[%get3A_708, %get3A_709] {strides = array<i32>} : memref<5x128xf32, #tpu.memory_space<vmem>>, vector<1x16xf32>,
      %get3A_711 = vector.shape_cast %get3A_710 : vector<1x16xf32> to vector<16xf32>
      %swap3A_712 = arith.constant 0 : i32
      %swap3A_713 = arith.index_cast %swap3A_712 : i32 to index
      %swap3A_714 = arith.index_cast %scan3A_670 : i32 to index
      %swap3A_715 = arith.constant 32 : index
      %swap3A_716 = tpu.vector_load %arg7[%swap3A_713, %swap3A_714, %swap3A_715] {strides = array<i32>} : memref<2x128x128xf32, #tpu.memory_space<vmem>>, vector<1x1x16xf32>,
      %swap3A_717 = vector.shape_cast %swap3A_716 : vector<1x1x16xf32> to vector<16xf32>
      %swap3A_718 = vector.shape_cast %get3A_711 : vector<16xf32> to vector<1x1x16xf32>
      tpu.vector_store %arg7[%swap3A_713, %swap3A_714, %swap3A_715], %swap3A_718 {strides = array<i32>} : memref<2x128x128xf32, #tpu.memory_space<vmem>>, vector<1x1x16xf32>,
      %get3A_719 = arith.index_cast %select_n3A_685 : i32 to index
      %get3A_720 = arith.constant 48 : index
      %get3A_721 = tpu.vector_load %arg6[%get3A_719, %get3A_720] {strides = array<i32>} : memref<5x128xf32, #tpu.memory_space<vmem>>, vector<1x16xf32>,
      %get3A_722 = vector.shape_cast %get3A_721 : vector<1x16xf32> to vector<16xf32>
      %swap3A_723 = arith.constant 0 : i32
      %swap3A_724 = arith.index_cast %swap3A_723 : i32 to index
      %swap3A_725 = arith.index_cast %scan3A_670 : i32 to index
      %swap3A_726 = arith.constant 48 : index
      %swap3A_727 = tpu.vector_load %arg7[%swap3A_724, %swap3A_725, %swap3A_726] {strides = array<i32>} : memref<2x128x128xf32, #tpu.memory_space<vmem>>, vector<1x1x16xf32>,
      %swap3A_728 = vector.shape_cast %swap3A_727 : vector<1x1x16xf32> to vector<16xf32>
      %swap3A_729 = vector.shape_cast %get3A_722 : vector<16xf32> to vector<1x1x16xf32>
      tpu.vector_store %arg7[%swap3A_724, %swap3A_725, %swap3A_726], %swap3A_729 {strides = array<i32>} : memref<2x128x128xf32, #tpu.memory_space<vmem>>, vector<1x1x16xf32>,
      %get3A_730 = arith.index_cast %select_n3A_685 : i32 to index
      %get3A_731 = arith.constant 64 : index
      %get3A_732 = tpu.vector_load %arg6[%get3A_730, %get3A_731] {strides = array<i32>} : memref<5x128xf32, #tpu.memory_space<vmem>>, vector<1x16xf32>,
      %get3A_733 = vector.shape_cast %get3A_732 : vector<1x16xf32> to vector<16xf32>
      %swap3A_734 = arith.constant 0 : i32
      %swap3A_735 = arith.index_cast %swap3A_734 : i32 to index
      %swap3A_736 = arith.index_cast %scan3A_670 : i32 to index
      %swap3A_737 = arith.constant 64 : index
      %swap3A_738 = tpu.vector_load %arg7[%swap3A_735, %swap3A_736, %swap3A_737] {strides = array<i32>} : memref<2x128x128xf32, #tpu.memory_space<vmem>>, vector<1x1x16xf32>,
      %swap3A_739 = vector.shape_cast %swap3A_738 : vector<1x1x16xf32> to vector<16xf32>
      %swap3A_740 = vector.shape_cast %get3A_733 : vector<16xf32> to vector<1x1x16xf32>
      tpu.vector_store %arg7[%swap3A_735, %swap3A_736, %swap3A_737], %swap3A_740 {strides = array<i32>} : memref<2x128x128xf32, #tpu.memory_space<vmem>>, vector<1x1x16xf32>,
      %get3A_741 = arith.index_cast %select_n3A_685 : i32 to index
      %get3A_742 = arith.constant 80 : index
      %get3A_743 = tpu.vector_load %arg6[%get3A_741, %get3A_742] {strides = array<i32>} : memref<5x128xf32, #tpu.memory_space<vmem>>, vector<1x16xf32>,
      %get3A_744 = vector.shape_cast %get3A_743 : vector<1x16xf32> to vector<16xf32>
      %swap3A_745 = arith.constant 0 : i32
      %swap3A_746 = arith.index_cast %swap3A_745 : i32 to index
      %swap3A_747 = arith.index_cast %scan3A_670 : i32 to index
      %swap3A_748 = arith.constant 80 : index
      %swap3A_749 = tpu.vector_load %arg7[%swap3A_746, %swap3A_747, %swap3A_748] {strides = array<i32>} : memref<2x128x128xf32, #tpu.memory_space<vmem>>, vector<1x1x16xf32>,
      %swap3A_750 = vector.shape_cast %swap3A_749 : vector<1x1x16xf32> to vector<16xf32>
      %swap3A_751 = vector.shape_cast %get3A_744 : vector<16xf32> to vector<1x1x16xf32>
      tpu.vector_store %arg7[%swap3A_746, %swap3A_747, %swap3A_748], %swap3A_751 {strides = array<i32>} : memref<2x128x128xf32, #tpu.memory_space<vmem>>, vector<1x1x16xf32>,
      %get3A_752 = arith.index_cast %select_n3A_685 : i32 to index
      %get3A_753 = arith.constant 96 : index
      %get3A_754 = tpu.vector_load %arg6[%get3A_752, %get3A_753] {strides = array<i32>} : memref<5x128xf32, #tpu.memory_space<vmem>>, vector<1x16xf32>,
      %get3A_755 = vector.shape_cast %get3A_754 : vector<1x16xf32> to vector<16xf32>
      %swap3A_756 = arith.constant 0 : i32
      %swap3A_757 = arith.index_cast %swap3A_756 : i32 to index
      %swap3A_758 = arith.index_cast %scan3A_670 : i32 to index
      %swap3A_759 = arith.constant 96 : index
      %swap3A_760 = tpu.vector_load %arg7[%swap3A_757, %swap3A_758, %swap3A_759] {strides = array<i32>} : memref<2x128x128xf32, #tpu.memory_space<vmem>>, vector<1x1x16xf32>,
      %swap3A_761 = vector.shape_cast %swap3A_760 : vector<1x1x16xf32> to vector<16xf32>
      %swap3A_762 = vector.shape_cast %get3A_755 : vector<16xf32> to vector<1x1x16xf32>
      tpu.vector_store %arg7[%swap3A_757, %swap3A_758, %swap3A_759], %swap3A_762 {strides = array<i32>} : memref<2x128x128xf32, #tpu.memory_space<vmem>>, vector<1x1x16xf32>,
      %get3A_763 = arith.index_cast %select_n3A_685 : i32 to index
      %get3A_764 = arith.constant 112 : index
      %get3A_765 = tpu.vector_load %arg6[%get3A_763, %get3A_764] {strides = array<i32>} : memref<5x128xf32, #tpu.memory_space<vmem>>, vector<1x16xf32>,
      %get3A_766 = vector.shape_cast %get3A_765 : vector<1x16xf32> to vector<16xf32>
      %swap3A_767 = arith.constant 0 : i32
      %swap3A_768 = arith.index_cast %swap3A_767 : i32 to index
      %swap3A_769 = arith.index_cast %scan3A_670 : i32 to index
      %swap3A_770 = arith.constant 112 : index
      %swap3A_771 = tpu.vector_load %arg7[%swap3A_768, %swap3A_769, %swap3A_770] {strides = array<i32>} : memref<2x128x128xf32, #tpu.memory_space<vmem>>, vector<1x1x16xf32>,
      %swap3A_772 = vector.shape_cast %swap3A_771 : vector<1x1x16xf32> to vector<16xf32>
      %swap3A_773 = vector.shape_cast %get3A_766 : vector<16xf32> to vector<1x1x16xf32>
      tpu.vector_store %arg7[%swap3A_768, %swap3A_769, %swap3A_770], %swap3A_773 {strides = array<i32>} : memref<2x128x128xf32, #tpu.memory_space<vmem>>, vector<1x1x16xf32>,
      %scan3A_774 = arith.constant 0 : i32
      %scan3A_775 = arith.constant 6 : i32
      %scan3A_776 = arith.addi %scan3A_148, %scan3A_775 : i32
      %add3A_777 = arith.constant 0 : i32
      %add3A_778 = arith.addi %add3A_777, %scan3A_776 : i32
      %get3A_779 = arith.index_cast %add3A_778 : i32 to index
      %get3A_780 = tpu.vector_load %arg5[%get3A_779] {strides = array<i32>} : memref<528xi32, #tpu.memory_space<vmem>>, vector<16xi32>,
      %get3A_781 = vector.shape_cast %get3A_780 : vector<16xi32> to vector<16xi32>
      %slice3A_782 = vector.extract_strided_slice %get3A_781 {offsets = [0], sizes = [1], strides = [1]} : vector<16xi32> to vector<1xi32>
      %squeeze3A_783 = vector.extract %slice3A_782[0] : i32 from vector<1xi32>
      %lt3A_784 = arith.constant 0 : i32
      %lt3A_785 = arith.cmpi slt, %squeeze3A_783, %lt3A_784 : i32
      %max3A_786 = arith.constant 0 : i32
      %max3A_787 = arith.maxsi %squeeze3A_783, %max3A_786 : i32
      %min3A_788 = arith.constant 3 : i32
      %min3A_789 = arith.minsi %max3A_787, %min3A_788 : i32
      %jit3A_790 = arith.constant 4 : i32
      %select_n3A_791 = arith.select %lt3A_785, %jit3A_790, %min3A_789 : i32
      %get3A_792 = arith.index_cast %select_n3A_791 : i32 to index
      %get3A_793 = arith.constant 0 : index
      %get3A_794 = tpu.vector_load %arg6[%get3A_792, %get3A_793] {strides = array<i32>} : memref<5x128xf32, #tpu.memory_space<vmem>>, vector<1x16xf32>,
      %get3A_795 = vector.shape_cast %get3A_794 : vector<1x16xf32> to vector<16xf32>
      %swap3A_796 = arith.constant 0 : i32
      %swap3A_797 = arith.index_cast %swap3A_796 : i32 to index
      %swap3A_798 = arith.index_cast %scan3A_776 : i32 to index
      %swap3A_799 = arith.constant 0 : index
      %swap3A_800 = tpu.vector_load %arg7[%swap3A_797, %swap3A_798, %swap3A_799] {strides = array<i32>} : memref<2x128x128xf32, #tpu.memory_space<vmem>>, vector<1x1x16xf32>,
      %swap3A_801 = vector.shape_cast %swap3A_800 : vector<1x1x16xf32> to vector<16xf32>
      %swap3A_802 = vector.shape_cast %get3A_795 : vector<16xf32> to vector<1x1x16xf32>
      tpu.vector_store %arg7[%swap3A_797, %swap3A_798, %swap3A_799], %swap3A_802 {strides = array<i32>} : memref<2x128x128xf32, #tpu.memory_space<vmem>>, vector<1x1x16xf32>,
      %get3A_803 = arith.index_cast %select_n3A_791 : i32 to index
      %get3A_804 = arith.constant 16 : index
      %get3A_805 = tpu.vector_load %arg6[%get3A_803, %get3A_804] {strides = array<i32>} : memref<5x128xf32, #tpu.memory_space<vmem>>, vector<1x16xf32>,
      %get3A_806 = vector.shape_cast %get3A_805 : vector<1x16xf32> to vector<16xf32>
      %swap3A_807 = arith.constant 0 : i32
      %swap3A_808 = arith.index_cast %swap3A_807 : i32 to index
      %swap3A_809 = arith.index_cast %scan3A_776 : i32 to index
      %swap3A_810 = arith.constant 16 : index
      %swap3A_811 = tpu.vector_load %arg7[%swap3A_808, %swap3A_809, %swap3A_810] {strides = array<i32>} : memref<2x128x128xf32, #tpu.memory_space<vmem>>, vector<1x1x16xf32>,
      %swap3A_812 = vector.shape_cast %swap3A_811 : vector<1x1x16xf32> to vector<16xf32>
      %swap3A_813 = vector.shape_cast %get3A_806 : vector<16xf32> to vector<1x1x16xf32>
      tpu.vector_store %arg7[%swap3A_808, %swap3A_809, %swap3A_810], %swap3A_813 {strides = array<i32>} : memref<2x128x128xf32, #tpu.memory_space<vmem>>, vector<1x1x16xf32>,
      %get3A_814 = arith.index_cast %select_n3A_791 : i32 to index
      %get3A_815 = arith.constant 32 : index
      %get3A_816 = tpu.vector_load %arg6[%get3A_814, %get3A_815] {strides = array<i32>} : memref<5x128xf32, #tpu.memory_space<vmem>>, vector<1x16xf32>,
      %get3A_817 = vector.shape_cast %get3A_816 : vector<1x16xf32> to vector<16xf32>
      %swap3A_818 = arith.constant 0 : i32
      %swap3A_819 = arith.index_cast %swap3A_818 : i32 to index
      %swap3A_820 = arith.index_cast %scan3A_776 : i32 to index
      %swap3A_821 = arith.constant 32 : index
      %swap3A_822 = tpu.vector_load %arg7[%swap3A_819, %swap3A_820, %swap3A_821] {strides = array<i32>} : memref<2x128x128xf32, #tpu.memory_space<vmem>>, vector<1x1x16xf32>,
      %swap3A_823 = vector.shape_cast %swap3A_822 : vector<1x1x16xf32> to vector<16xf32>
      %swap3A_824 = vector.shape_cast %get3A_817 : vector<16xf32> to vector<1x1x16xf32>
      tpu.vector_store %arg7[%swap3A_819, %swap3A_820, %swap3A_821], %swap3A_824 {strides = array<i32>} : memref<2x128x128xf32, #tpu.memory_space<vmem>>, vector<1x1x16xf32>,
      %get3A_825 = arith.index_cast %select_n3A_791 : i32 to index
      %get3A_826 = arith.constant 48 : index
      %get3A_827 = tpu.vector_load %arg6[%get3A_825, %get3A_826] {strides = array<i32>} : memref<5x128xf32, #tpu.memory_space<vmem>>, vector<1x16xf32>,
      %get3A_828 = vector.shape_cast %get3A_827 : vector<1x16xf32> to vector<16xf32>
      %swap3A_829 = arith.constant 0 : i32
      %swap3A_830 = arith.index_cast %swap3A_829 : i32 to index
      %swap3A_831 = arith.index_cast %scan3A_776 : i32 to index
      %swap3A_832 = arith.constant 48 : index
      %swap3A_833 = tpu.vector_load %arg7[%swap3A_830, %swap3A_831, %swap3A_832] {strides = array<i32>} : memref<2x128x128xf32, #tpu.memory_space<vmem>>, vector<1x1x16xf32>,
      %swap3A_834 = vector.shape_cast %swap3A_833 : vector<1x1x16xf32> to vector<16xf32>
      %swap3A_835 = vector.shape_cast %get3A_828 : vector<16xf32> to vector<1x1x16xf32>
      tpu.vector_store %arg7[%swap3A_830, %swap3A_831, %swap3A_832], %swap3A_835 {strides = array<i32>} : memref<2x128x128xf32, #tpu.memory_space<vmem>>, vector<1x1x16xf32>,
      %get3A_836 = arith.index_cast %select_n3A_791 : i32 to index
      %get3A_837 = arith.constant 64 : index
      %get3A_838 = tpu.vector_load %arg6[%get3A_836, %get3A_837] {strides = array<i32>} : memref<5x128xf32, #tpu.memory_space<vmem>>, vector<1x16xf32>,
      %get3A_839 = vector.shape_cast %get3A_838 : vector<1x16xf32> to vector<16xf32>
      %swap3A_840 = arith.constant 0 : i32
      %swap3A_841 = arith.index_cast %swap3A_840 : i32 to index
      %swap3A_842 = arith.index_cast %scan3A_776 : i32 to index
      %swap3A_843 = arith.constant 64 : index
      %swap3A_844 = tpu.vector_load %arg7[%swap3A_841, %swap3A_842, %swap3A_843] {strides = array<i32>} : memref<2x128x128xf32, #tpu.memory_space<vmem>>, vector<1x1x16xf32>,
      %swap3A_845 = vector.shape_cast %swap3A_844 : vector<1x1x16xf32> to vector<16xf32>
      %swap3A_846 = vector.shape_cast %get3A_839 : vector<16xf32> to vector<1x1x16xf32>
      tpu.vector_store %arg7[%swap3A_841, %swap3A_842, %swap3A_843], %swap3A_846 {strides = array<i32>} : memref<2x128x128xf32, #tpu.memory_space<vmem>>, vector<1x1x16xf32>,
      %get3A_847 = arith.index_cast %select_n3A_791 : i32 to index
      %get3A_848 = arith.constant 80 : index
      %get3A_849 = tpu.vector_load %arg6[%get3A_847, %get3A_848] {strides = array<i32>} : memref<5x128xf32, #tpu.memory_space<vmem>>, vector<1x16xf32>,
      %get3A_850 = vector.shape_cast %get3A_849 : vector<1x16xf32> to vector<16xf32>
      %swap3A_851 = arith.constant 0 : i32
      %swap3A_852 = arith.index_cast %swap3A_851 : i32 to index
      %swap3A_853 = arith.index_cast %scan3A_776 : i32 to index
      %swap3A_854 = arith.constant 80 : index
      %swap3A_855 = tpu.vector_load %arg7[%swap3A_852, %swap3A_853, %swap3A_854] {strides = array<i32>} : memref<2x128x128xf32, #tpu.memory_space<vmem>>, vector<1x1x16xf32>,
      %swap3A_856 = vector.shape_cast %swap3A_855 : vector<1x1x16xf32> to vector<16xf32>
      %swap3A_857 = vector.shape_cast %get3A_850 : vector<16xf32> to vector<1x1x16xf32>
      tpu.vector_store %arg7[%swap3A_852, %swap3A_853, %swap3A_854], %swap3A_857 {strides = array<i32>} : memref<2x128x128xf32, #tpu.memory_space<vmem>>, vector<1x1x16xf32>,
      %get3A_858 = arith.index_cast %select_n3A_791 : i32 to index
      %get3A_859 = arith.constant 96 : index
      %get3A_860 = tpu.vector_load %arg6[%get3A_858, %get3A_859] {strides = array<i32>} : memref<5x128xf32, #tpu.memory_space<vmem>>, vector<1x16xf32>,
      %get3A_861 = vector.shape_cast %get3A_860 : vector<1x16xf32> to vector<16xf32>
      %swap3A_862 = arith.constant 0 : i32
      %swap3A_863 = arith.index_cast %swap3A_862 : i32 to index
      %swap3A_864 = arith.index_cast %scan3A_776 : i32 to index
      %swap3A_865 = arith.constant 96 : index
      %swap3A_866 = tpu.vector_load %arg7[%swap3A_863, %swap3A_864, %swap3A_865] {strides = array<i32>} : memref<2x128x128xf32, #tpu.memory_space<vmem>>, vector<1x1x16xf32>,
      %swap3A_867 = vector.shape_cast %swap3A_866 : vector<1x1x16xf32> to vector<16xf32>
      %swap3A_868 = vector.shape_cast %get3A_861 : vector<16xf32> to vector<1x1x16xf32>
      tpu.vector_store %arg7[%swap3A_863, %swap3A_864, %swap3A_865], %swap3A_868 {strides = array<i32>} : memref<2x128x128xf32, #tpu.memory_space<vmem>>, vector<1x1x16xf32>,
      %get3A_869 = arith.index_cast %select_n3A_791 : i32 to index
      %get3A_870 = arith.constant 112 : index
      %get3A_871 = tpu.vector_load %arg6[%get3A_869, %get3A_870] {strides = array<i32>} : memref<5x128xf32, #tpu.memory_space<vmem>>, vector<1x16xf32>,
      %get3A_872 = vector.shape_cast %get3A_871 : vector<1x16xf32> to vector<16xf32>
      %swap3A_873 = arith.constant 0 : i32
      %swap3A_874 = arith.index_cast %swap3A_873 : i32 to index
      %swap3A_875 = arith.index_cast %scan3A_776 : i32 to index
      %swap3A_876 = arith.constant 112 : index
      %swap3A_877 = tpu.vector_load %arg7[%swap3A_874, %swap3A_875, %swap3A_876] {strides = array<i32>} : memref<2x128x128xf32, #tpu.memory_space<vmem>>, vector<1x1x16xf32>,
      %swap3A_878 = vector.shape_cast %swap3A_877 : vector<1x1x16xf32> to vector<16xf32>
      %swap3A_879 = vector.shape_cast %get3A_872 : vector<16xf32> to vector<1x1x16xf32>
      tpu.vector_store %arg7[%swap3A_874, %swap3A_875, %swap3A_876], %swap3A_879 {strides = array<i32>} : memref<2x128x128xf32, #tpu.memory_space<vmem>>, vector<1x1x16xf32>,
      %scan3A_880 = arith.constant 0 : i32
      %scan3A_881 = arith.constant 7 : i32
      %scan3A_882 = arith.addi %scan3A_148, %scan3A_881 : i32
      %add3A_883 = arith.constant 0 : i32
      %add3A_884 = arith.addi %add3A_883, %scan3A_882 : i32
      %get3A_885 = arith.index_cast %add3A_884 : i32 to index
      %get3A_886 = tpu.vector_load %arg5[%get3A_885] {strides = array<i32>} : memref<528xi32, #tpu.memory_space<vmem>>, vector<16xi32>,
      %get3A_887 = vector.shape_cast %get3A_886 : vector<16xi32> to vector<16xi32>
      %slice3A_888 = vector.extract_strided_slice %get3A_887 {offsets = [0], sizes = [1], strides = [1]} : vector<16xi32> to vector<1xi32>
      %squeeze3A_889 = vector.extract %slice3A_888[0] : i32 from vector<1xi32>
      %lt3A_890 = arith.constant 0 : i32
      %lt3A_891 = arith.cmpi slt, %squeeze3A_889, %lt3A_890 : i32
      %max3A_892 = arith.constant 0 : i32
      %max3A_893 = arith.maxsi %squeeze3A_889, %max3A_892 : i32
      %min3A_894 = arith.constant 3 : i32
      %min3A_895 = arith.minsi %max3A_893, %min3A_894 : i32
      %jit3A_896 = arith.constant 4 : i32
      %select_n3A_897 = arith.select %lt3A_891, %jit3A_896, %min3A_895 : i32
      %get3A_898 = arith.index_cast %select_n3A_897 : i32 to index
      %get3A_899 = arith.constant 0 : index
      %get3A_900 = tpu.vector_load %arg6[%get3A_898, %get3A_899] {strides = array<i32>} : memref<5x128xf32, #tpu.memory_space<vmem>>, vector<1x16xf32>,
      %get3A_901 = vector.shape_cast %get3A_900 : vector<1x16xf32> to vector<16xf32>
      %swap3A_902 = arith.constant 0 : i32
      %swap3A_903 = arith.index_cast %swap3A_902 : i32 to index
      %swap3A_904 = arith.index_cast %scan3A_882 : i32 to index
      %swap3A_905 = arith.constant 0 : index
      %swap3A_906 = tpu.vector_load %arg7[%swap3A_903, %swap3A_904, %swap3A_905] {strides = array<i32>} : memref<2x128x128xf32, #tpu.memory_space<vmem>>, vector<1x1x16xf32>,
      %swap3A_907 = vector.shape_cast %swap3A_906 : vector<1x1x16xf32> to vector<16xf32>
      %swap3A_908 = vector.shape_cast %get3A_901 : vector<16xf32> to vector<1x1x16xf32>
      tpu.vector_store %arg7[%swap3A_903, %swap3A_904, %swap3A_905], %swap3A_908 {strides = array<i32>} : memref<2x128x128xf32, #tpu.memory_space<vmem>>, vector<1x1x16xf32>,
      %get3A_909 = arith.index_cast %select_n3A_897 : i32 to index
      %get3A_910 = arith.constant 16 : index
      %get3A_911 = tpu.vector_load %arg6[%get3A_909, %get3A_910] {strides = array<i32>} : memref<5x128xf32, #tpu.memory_space<vmem>>, vector<1x16xf32>,
      %get3A_912 = vector.shape_cast %get3A_911 : vector<1x16xf32> to vector<16xf32>
      %swap3A_913 = arith.constant 0 : i32
      %swap3A_914 = arith.index_cast %swap3A_913 : i32 to index
      %swap3A_915 = arith.index_cast %scan3A_882 : i32 to index
      %swap3A_916 = arith.constant 16 : index
      %swap3A_917 = tpu.vector_load %arg7[%swap3A_914, %swap3A_915, %swap3A_916] {strides = array<i32>} : memref<2x128x128xf32, #tpu.memory_space<vmem>>, vector<1x1x16xf32>,
      %swap3A_918 = vector.shape_cast %swap3A_917 : vector<1x1x16xf32> to vector<16xf32>
      %swap3A_919 = vector.shape_cast %get3A_912 : vector<16xf32> to vector<1x1x16xf32>
      tpu.vector_store %arg7[%swap3A_914, %swap3A_915, %swap3A_916], %swap3A_919 {strides = array<i32>} : memref<2x128x128xf32, #tpu.memory_space<vmem>>, vector<1x1x16xf32>,
      %get3A_920 = arith.index_cast %select_n3A_897 : i32 to index
      %get3A_921 = arith.constant 32 : index
      %get3A_922 = tpu.vector_load %arg6[%get3A_920, %get3A_921] {strides = array<i32>} : memref<5x128xf32, #tpu.memory_space<vmem>>, vector<1x16xf32>,
      %get3A_923 = vector.shape_cast %get3A_922 : vector<1x16xf32> to vector<16xf32>
      %swap3A_924 = arith.constant 0 : i32
      %swap3A_925 = arith.index_cast %swap3A_924 : i32 to index
      %swap3A_926 = arith.index_cast %scan3A_882 : i32 to index
      %swap3A_927 = arith.constant 32 : index
      %swap3A_928 = tpu.vector_load %arg7[%swap3A_925, %swap3A_926, %swap3A_927] {strides = array<i32>} : memref<2x128x128xf32, #tpu.memory_space<vmem>>, vector<1x1x16xf32>,
      %swap3A_929 = vector.shape_cast %swap3A_928 : vector<1x1x16xf32> to vector<16xf32>
      %swap3A_930 = vector.shape_cast %get3A_923 : vector<16xf32> to vector<1x1x16xf32>
      tpu.vector_store %arg7[%swap3A_925, %swap3A_926, %swap3A_927], %swap3A_930 {strides = array<i32>} : memref<2x128x128xf32, #tpu.memory_space<vmem>>, vector<1x1x16xf32>,
      %get3A_931 = arith.index_cast %select_n3A_897 : i32 to index
      %get3A_932 = arith.constant 48 : index
      %get3A_933 = tpu.vector_load %arg6[%get3A_931, %get3A_932] {strides = array<i32>} : memref<5x128xf32, #tpu.memory_space<vmem>>, vector<1x16xf32>,
      %get3A_934 = vector.shape_cast %get3A_933 : vector<1x16xf32> to vector<16xf32>
      %swap3A_935 = arith.constant 0 : i32
      %swap3A_936 = arith.index_cast %swap3A_935 : i32 to index
      %swap3A_937 = arith.index_cast %scan3A_882 : i32 to index
      %swap3A_938 = arith.constant 48 : index
      %swap3A_939 = tpu.vector_load %arg7[%swap3A_936, %swap3A_937, %swap3A_938] {strides = array<i32>} : memref<2x128x128xf32, #tpu.memory_space<vmem>>, vector<1x1x16xf32>,
      %swap3A_940 = vector.shape_cast %swap3A_939 : vector<1x1x16xf32> to vector<16xf32>
      %swap3A_941 = vector.shape_cast %get3A_934 : vector<16xf32> to vector<1x1x16xf32>
      tpu.vector_store %arg7[%swap3A_936, %swap3A_937, %swap3A_938], %swap3A_941 {strides = array<i32>} : memref<2x128x128xf32, #tpu.memory_space<vmem>>, vector<1x1x16xf32>,
      %get3A_942 = arith.index_cast %select_n3A_897 : i32 to index
      %get3A_943 = arith.constant 64 : index
      %get3A_944 = tpu.vector_load %arg6[%get3A_942, %get3A_943] {strides = array<i32>} : memref<5x128xf32, #tpu.memory_space<vmem>>, vector<1x16xf32>,
      %get3A_945 = vector.shape_cast %get3A_944 : vector<1x16xf32> to vector<16xf32>
      %swap3A_946 = arith.constant 0 : i32
      %swap3A_947 = arith.index_cast %swap3A_946 : i32 to index
      %swap3A_948 = arith.index_cast %scan3A_882 : i32 to index
      %swap3A_949 = arith.constant 64 : index
      %swap3A_950 = tpu.vector_load %arg7[%swap3A_947, %swap3A_948, %swap3A_949] {strides = array<i32>} : memref<2x128x128xf32, #tpu.memory_space<vmem>>, vector<1x1x16xf32>,
      %swap3A_951 = vector.shape_cast %swap3A_950 : vector<1x1x16xf32> to vector<16xf32>
      %swap3A_952 = vector.shape_cast %get3A_945 : vector<16xf32> to vector<1x1x16xf32>
      tpu.vector_store %arg7[%swap3A_947, %swap3A_948, %swap3A_949], %swap3A_952 {strides = array<i32>} : memref<2x128x128xf32, #tpu.memory_space<vmem>>, vector<1x1x16xf32>,
      %get3A_953 = arith.index_cast %select_n3A_897 : i32 to index
      %get3A_954 = arith.constant 80 : index
      %get3A_955 = tpu.vector_load %arg6[%get3A_953, %get3A_954] {strides = array<i32>} : memref<5x128xf32, #tpu.memory_space<vmem>>, vector<1x16xf32>,
      %get3A_956 = vector.shape_cast %get3A_955 : vector<1x16xf32> to vector<16xf32>
      %swap3A_957 = arith.constant 0 : i32
      %swap3A_958 = arith.index_cast %swap3A_957 : i32 to index
      %swap3A_959 = arith.index_cast %scan3A_882 : i32 to index
      %swap3A_960 = arith.constant 80 : index
      %swap3A_961 = tpu.vector_load %arg7[%swap3A_958, %swap3A_959, %swap3A_960] {strides = array<i32>} : memref<2x128x128xf32, #tpu.memory_space<vmem>>, vector<1x1x16xf32>,
      %swap3A_962 = vector.shape_cast %swap3A_961 : vector<1x1x16xf32> to vector<16xf32>
      %swap3A_963 = vector.shape_cast %get3A_956 : vector<16xf32> to vector<1x1x16xf32>
      tpu.vector_store %arg7[%swap3A_958, %swap3A_959, %swap3A_960], %swap3A_963 {strides = array<i32>} : memref<2x128x128xf32, #tpu.memory_space<vmem>>, vector<1x1x16xf32>,
      %get3A_964 = arith.index_cast %select_n3A_897 : i32 to index
      %get3A_965 = arith.constant 96 : index
      %get3A_966 = tpu.vector_load %arg6[%get3A_964, %get3A_965] {strides = array<i32>} : memref<5x128xf32, #tpu.memory_space<vmem>>, vector<1x16xf32>,
      %get3A_967 = vector.shape_cast %get3A_966 : vector<1x16xf32> to vector<16xf32>
      %swap3A_968 = arith.constant 0 : i32
      %swap3A_969 = arith.index_cast %swap3A_968 : i32 to index
      %swap3A_970 = arith.index_cast %scan3A_882 : i32 to index
      %swap3A_971 = arith.constant 96 : index
      %swap3A_972 = tpu.vector_load %arg7[%swap3A_969, %swap3A_970, %swap3A_971] {strides = array<i32>} : memref<2x128x128xf32, #tpu.memory_space<vmem>>, vector<1x1x16xf32>,
      %swap3A_973 = vector.shape_cast %swap3A_972 : vector<1x1x16xf32> to vector<16xf32>
      %swap3A_974 = vector.shape_cast %get3A_967 : vector<16xf32> to vector<1x1x16xf32>
      tpu.vector_store %arg7[%swap3A_969, %swap3A_970, %swap3A_971], %swap3A_974 {strides = array<i32>} : memref<2x128x128xf32, #tpu.memory_space<vmem>>, vector<1x1x16xf32>,
      %get3A_975 = arith.index_cast %select_n3A_897 : i32 to index
      %get3A_976 = arith.constant 112 : index
      %get3A_977 = tpu.vector_load %arg6[%get3A_975, %get3A_976] {strides = array<i32>} : memref<5x128xf32, #tpu.memory_space<vmem>>, vector<1x16xf32>,
      %get3A_978 = vector.shape_cast %get3A_977 : vector<1x16xf32> to vector<16xf32>
      %swap3A_979 = arith.constant 0 : i32
      %swap3A_980 = arith.index_cast %swap3A_979 : i32 to index
      %swap3A_981 = arith.index_cast %scan3A_882 : i32 to index
      %swap3A_982 = arith.constant 112 : index
      %swap3A_983 = tpu.vector_load %arg7[%swap3A_980, %swap3A_981, %swap3A_982] {strides = array<i32>} : memref<2x128x128xf32, #tpu.memory_space<vmem>>, vector<1x1x16xf32>,
      %swap3A_984 = vector.shape_cast %swap3A_983 : vector<1x1x16xf32> to vector<16xf32>
      %swap3A_985 = vector.shape_cast %get3A_978 : vector<16xf32> to vector<1x1x16xf32>
      tpu.vector_store %arg7[%swap3A_980, %swap3A_981, %swap3A_982], %swap3A_985 {strides = array<i32>} : memref<2x128x128xf32, #tpu.memory_space<vmem>>, vector<1x1x16xf32>,
      %scan3A_986 = arith.constant 0 : i32
      scf.yield %scan3A_986 : i32
    }
    %scan3A_8 = arith.constant 128 : i32
    %add3A_9 = arith.constant 0 : i32
    %add3A_10 = arith.addi %mul3A_2, %add3A_9 : i32
    %dma_start3A = arith.constant 0 : i32
    %dma_start3A_11 = arith.constant 0 : i32
    %dma_start3A_12 = arith.constant 0 : i32
    %dma_start3A_13 = tpu.memref_slice %arg7[%dma_start3A, %dma_start3A_11, %dma_start3A_12] : memref<2x128x128xf32, #tpu.memory_space<vmem>> -> memref<1x128x128xf32, #tpu.memory_space<vmem>>
    %dma_start3A_14 = tpu.memref_squeeze %dma_start3A_13 : memref<1x128x128xf32, #tpu.memory_space<vmem>> -> memref<128x128xf32, #tpu.memory_space<vmem>>
    %dma_start3A_15 = arith.constant 0 : i32
    %dma_start3A_16 = tpu.memref_slice %arg4[%add3A_10, %dma_start3A_15] : memref<16384x128xf32, #tpu.memory_space<hbm>> -> memref<128x128xf32, #tpu.memory_space<hbm>>
    %dma_start3A_17 = arith.constant 0 : i32
    %dma_start3A_18 = tpu.memref_slice %arg4[%add3A_10, %dma_start3A_17] : memref<16384x128xf32, #tpu.memory_space<hbm>> -> memref<128x128xf32, #tpu.memory_space<hbm>>
    %dma_start3A_19 = arith.constant 0 : i32
    %dma_start3A_20 = arith.constant 0 : i32
    %dma_start3A_21 = tpu.memref_slice %arg7[%dma_start3A, %dma_start3A_19, %dma_start3A_20] : memref<2x128x128xf32, #tpu.memory_space<vmem>> -> memref<1x128x128xf32, #tpu.memory_space<vmem>>
    %dma_start3A_22 = tpu.memref_squeeze %dma_start3A_21 : memref<1x128x128xf32, #tpu.memory_space<vmem>> -> memref<128x128xf32, #tpu.memory_space<vmem>>
    tpu.enqueue_dma source(%dma_start3A_22 : memref<128x128xf32, #tpu.memory_space<vmem>>) target(%dma_start3A_18 : memref<128x128xf32, #tpu.memory_space<hbm>>) target_semaphore(%arg8 : memref<!tpu.dma_semaphore, #tpu.memory_space<semaphore_mem>>)
    %scan3A_23 = arith.constant 0 : i32
    %scan3A_24 = arith.constant 0 : i32
    %scan3A_25 = arith.constant 128 : i32
    %scan3A_26 = arith.addi %scan3A_24, %scan3A_25 : i32
    %scan3A_27 = arith.constant 8 : i32
    %scan3A_28 = scf.for %scan3A_148 = %scan3A_24 to %scan3A_26 step %scan3A_27 iter_args(%scan3A_149 = %scan3A_23) -> (i32)  : i32 {
      %add3A_150 = arith.constant 128 : i32
      %add3A_151 = arith.addi %add3A_150, %scan3A_148 : i32
      %get3A = arith.index_cast %add3A_151 : i32 to index
      %get3A_152 = tpu.vector_load %arg5[%get3A] {strides = array<i32>} : memref<528xi32, #tpu.memory_space<vmem>>, vector<16xi32>,
      %get3A_153 = vector.shape_cast %get3A_152 : vector<16xi32> to vector<16xi32>
      %slice3A = vector.extract_strided_slice %get3A_153 {offsets = [0], sizes = [1], strides = [1]} : vector<16xi32> to vector<1xi32>
      %squeeze3A = vector.extract %slice3A[0] : i32 from vector<1xi32>
      %lt3A = arith.constant 0 : i32
      %lt3A_154 = arith.cmpi slt, %squeeze3A, %lt3A : i32
      %max3A = arith.constant 0 : i32
      %max3A_155 = arith.maxsi %squeeze3A, %max3A : i32
      %min3A = arith.constant 3 : i32
      %min3A_156 = arith.minsi %max3A_155, %min3A : i32
      %jit3A = arith.constant 4 : i32
      %select_n3A = arith.select %lt3A_154, %jit3A, %min3A_156 : i32
      %get3A_157 = arith.index_cast %select_n3A : i32 to index
      %get3A_158 = arith.constant 0 : index
      %get3A_159 = tpu.vector_load %arg6[%get3A_157, %get3A_158] {strides = array<i32>} : memref<5x128xf32, #tpu.memory_space<vmem>>, vector<1x16xf32>,
      %get3A_160 = vector.shape_cast %get3A_159 : vector<1x16xf32> to vector<16xf32>
      %swap3A = arith.constant 1 : i32
      %swap3A_161 = arith.index_cast %swap3A : i32 to index
      %swap3A_162 = arith.index_cast %scan3A_148 : i32 to index
      %swap3A_163 = arith.constant 0 : index
      %swap3A_164 = tpu.vector_load %arg7[%swap3A_161, %swap3A_162, %swap3A_163] {strides = array<i32>} : memref<2x128x128xf32, #tpu.memory_space<vmem>>, vector<1x1x16xf32>,
      %swap3A_165 = vector.shape_cast %swap3A_164 : vector<1x1x16xf32> to vector<16xf32>
      %swap3A_166 = vector.shape_cast %get3A_160 : vector<16xf32> to vector<1x1x16xf32>
      tpu.vector_store %arg7[%swap3A_161, %swap3A_162, %swap3A_163], %swap3A_166 {strides = array<i32>} : memref<2x128x128xf32, #tpu.memory_space<vmem>>, vector<1x1x16xf32>,
      %get3A_167 = arith.index_cast %select_n3A : i32 to index
      %get3A_168 = arith.constant 16 : index
      %get3A_169 = tpu.vector_load %arg6[%get3A_167, %get3A_168] {strides = array<i32>} : memref<5x128xf32, #tpu.memory_space<vmem>>, vector<1x16xf32>,
      %get3A_170 = vector.shape_cast %get3A_169 : vector<1x16xf32> to vector<16xf32>
      %swap3A_171 = arith.constant 1 : i32
      %swap3A_172 = arith.index_cast %swap3A_171 : i32 to index
      %swap3A_173 = arith.index_cast %scan3A_148 : i32 to index
      %swap3A_174 = arith.constant 16 : index
      %swap3A_175 = tpu.vector_load %arg7[%swap3A_172, %swap3A_173, %swap3A_174] {strides = array<i32>} : memref<2x128x128xf32, #tpu.memory_space<vmem>>, vector<1x1x16xf32>,
      %swap3A_176 = vector.shape_cast %swap3A_175 : vector<1x1x16xf32> to vector<16xf32>
      %swap3A_177 = vector.shape_cast %get3A_170 : vector<16xf32> to vector<1x1x16xf32>
      tpu.vector_store %arg7[%swap3A_172, %swap3A_173, %swap3A_174], %swap3A_177 {strides = array<i32>} : memref<2x128x128xf32, #tpu.memory_space<vmem>>, vector<1x1x16xf32>,
      %get3A_178 = arith.index_cast %select_n3A : i32 to index
      %get3A_179 = arith.constant 32 : index
      %get3A_180 = tpu.vector_load %arg6[%get3A_178, %get3A_179] {strides = array<i32>} : memref<5x128xf32, #tpu.memory_space<vmem>>, vector<1x16xf32>,
      %get3A_181 = vector.shape_cast %get3A_180 : vector<1x16xf32> to vector<16xf32>
      %swap3A_182 = arith.constant 1 : i32
      %swap3A_183 = arith.index_cast %swap3A_182 : i32 to index
      %swap3A_184 = arith.index_cast %scan3A_148 : i32 to index
      %swap3A_185 = arith.constant 32 : index
      %swap3A_186 = tpu.vector_load %arg7[%swap3A_183, %swap3A_184, %swap3A_185] {strides = array<i32>} : memref<2x128x128xf32, #tpu.memory_space<vmem>>, vector<1x1x16xf32>,
      %swap3A_187 = vector.shape_cast %swap3A_186 : vector<1x1x16xf32> to vector<16xf32>
      %swap3A_188 = vector.shape_cast %get3A_181 : vector<16xf32> to vector<1x1x16xf32>
      tpu.vector_store %arg7[%swap3A_183, %swap3A_184, %swap3A_185], %swap3A_188 {strides = array<i32>} : memref<2x128x128xf32, #tpu.memory_space<vmem>>, vector<1x1x16xf32>,
      %get3A_189 = arith.index_cast %select_n3A : i32 to index
      %get3A_190 = arith.constant 48 : index
      %get3A_191 = tpu.vector_load %arg6[%get3A_189, %get3A_190] {strides = array<i32>} : memref<5x128xf32, #tpu.memory_space<vmem>>, vector<1x16xf32>,
      %get3A_192 = vector.shape_cast %get3A_191 : vector<1x16xf32> to vector<16xf32>
      %swap3A_193 = arith.constant 1 : i32
      %swap3A_194 = arith.index_cast %swap3A_193 : i32 to index
      %swap3A_195 = arith.index_cast %scan3A_148 : i32 to index
      %swap3A_196 = arith.constant 48 : index
      %swap3A_197 = tpu.vector_load %arg7[%swap3A_194, %swap3A_195, %swap3A_196] {strides = array<i32>} : memref<2x128x128xf32, #tpu.memory_space<vmem>>, vector<1x1x16xf32>,
      %swap3A_198 = vector.shape_cast %swap3A_197 : vector<1x1x16xf32> to vector<16xf32>
      %swap3A_199 = vector.shape_cast %get3A_192 : vector<16xf32> to vector<1x1x16xf32>
      tpu.vector_store %arg7[%swap3A_194, %swap3A_195, %swap3A_196], %swap3A_199 {strides = array<i32>} : memref<2x128x128xf32, #tpu.memory_space<vmem>>, vector<1x1x16xf32>,
      %get3A_200 = arith.index_cast %select_n3A : i32 to index
      %get3A_201 = arith.constant 64 : index
      %get3A_202 = tpu.vector_load %arg6[%get3A_200, %get3A_201] {strides = array<i32>} : memref<5x128xf32, #tpu.memory_space<vmem>>, vector<1x16xf32>,
      %get3A_203 = vector.shape_cast %get3A_202 : vector<1x16xf32> to vector<16xf32>
      %swap3A_204 = arith.constant 1 : i32
      %swap3A_205 = arith.index_cast %swap3A_204 : i32 to index
      %swap3A_206 = arith.index_cast %scan3A_148 : i32 to index
      %swap3A_207 = arith.constant 64 : index
      %swap3A_208 = tpu.vector_load %arg7[%swap3A_205, %swap3A_206, %swap3A_207] {strides = array<i32>} : memref<2x128x128xf32, #tpu.memory_space<vmem>>, vector<1x1x16xf32>,
      %swap3A_209 = vector.shape_cast %swap3A_208 : vector<1x1x16xf32> to vector<16xf32>
      %swap3A_210 = vector.shape_cast %get3A_203 : vector<16xf32> to vector<1x1x16xf32>
      tpu.vector_store %arg7[%swap3A_205, %swap3A_206, %swap3A_207], %swap3A_210 {strides = array<i32>} : memref<2x128x128xf32, #tpu.memory_space<vmem>>, vector<1x1x16xf32>,
      %get3A_211 = arith.index_cast %select_n3A : i32 to index
      %get3A_212 = arith.constant 80 : index
      %get3A_213 = tpu.vector_load %arg6[%get3A_211, %get3A_212] {strides = array<i32>} : memref<5x128xf32, #tpu.memory_space<vmem>>, vector<1x16xf32>,
      %get3A_214 = vector.shape_cast %get3A_213 : vector<1x16xf32> to vector<16xf32>
      %swap3A_215 = arith.constant 1 : i32
      %swap3A_216 = arith.index_cast %swap3A_215 : i32 to index
      %swap3A_217 = arith.index_cast %scan3A_148 : i32 to index
      %swap3A_218 = arith.constant 80 : index
      %swap3A_219 = tpu.vector_load %arg7[%swap3A_216, %swap3A_217, %swap3A_218] {strides = array<i32>} : memref<2x128x128xf32, #tpu.memory_space<vmem>>, vector<1x1x16xf32>,
      %swap3A_220 = vector.shape_cast %swap3A_219 : vector<1x1x16xf32> to vector<16xf32>
      %swap3A_221 = vector.shape_cast %get3A_214 : vector<16xf32> to vector<1x1x16xf32>
      tpu.vector_store %arg7[%swap3A_216, %swap3A_217, %swap3A_218], %swap3A_221 {strides = array<i32>} : memref<2x128x128xf32, #tpu.memory_space<vmem>>, vector<1x1x16xf32>,
      %get3A_222 = arith.index_cast %select_n3A : i32 to index
      %get3A_223 = arith.constant 96 : index
      %get3A_224 = tpu.vector_load %arg6[%get3A_222, %get3A_223] {strides = array<i32>} : memref<5x128xf32, #tpu.memory_space<vmem>>, vector<1x16xf32>,
      %get3A_225 = vector.shape_cast %get3A_224 : vector<1x16xf32> to vector<16xf32>
      %swap3A_226 = arith.constant 1 : i32
      %swap3A_227 = arith.index_cast %swap3A_226 : i32 to index
      %swap3A_228 = arith.index_cast %scan3A_148 : i32 to index
      %swap3A_229 = arith.constant 96 : index
      %swap3A_230 = tpu.vector_load %arg7[%swap3A_227, %swap3A_228, %swap3A_229] {strides = array<i32>} : memref<2x128x128xf32, #tpu.memory_space<vmem>>, vector<1x1x16xf32>,
      %swap3A_231 = vector.shape_cast %swap3A_230 : vector<1x1x16xf32> to vector<16xf32>
      %swap3A_232 = vector.shape_cast %get3A_225 : vector<16xf32> to vector<1x1x16xf32>
      tpu.vector_store %arg7[%swap3A_227, %swap3A_228, %swap3A_229], %swap3A_232 {strides = array<i32>} : memref<2x128x128xf32, #tpu.memory_space<vmem>>, vector<1x1x16xf32>,
      %get3A_233 = arith.index_cast %select_n3A : i32 to index
      %get3A_234 = arith.constant 112 : index
      %get3A_235 = tpu.vector_load %arg6[%get3A_233, %get3A_234] {strides = array<i32>} : memref<5x128xf32, #tpu.memory_space<vmem>>, vector<1x16xf32>,
      %get3A_236 = vector.shape_cast %get3A_235 : vector<1x16xf32> to vector<16xf32>
      %swap3A_237 = arith.constant 1 : i32
      %swap3A_238 = arith.index_cast %swap3A_237 : i32 to index
      %swap3A_239 = arith.index_cast %scan3A_148 : i32 to index
      %swap3A_240 = arith.constant 112 : index
      %swap3A_241 = tpu.vector_load %arg7[%swap3A_238, %swap3A_239, %swap3A_240] {strides = array<i32>} : memref<2x128x128xf32, #tpu.memory_space<vmem>>, vector<1x1x16xf32>,
      %swap3A_242 = vector.shape_cast %swap3A_241 : vector<1x1x16xf32> to vector<16xf32>
      %swap3A_243 = vector.shape_cast %get3A_236 : vector<16xf32> to vector<1x1x16xf32>
      tpu.vector_store %arg7[%swap3A_238, %swap3A_239, %swap3A_240], %swap3A_243 {strides = array<i32>} : memref<2x128x128xf32, #tpu.memory_space<vmem>>, vector<1x1x16xf32>,
      %scan3A_244 = arith.constant 0 : i32
      %scan3A_245 = arith.constant 1 : i32
      %scan3A_246 = arith.addi %scan3A_148, %scan3A_245 : i32
      %add3A_247 = arith.constant 128 : i32
      %add3A_248 = arith.addi %add3A_247, %scan3A_246 : i32
      %get3A_249 = arith.index_cast %add3A_248 : i32 to index
      %get3A_250 = tpu.vector_load %arg5[%get3A_249] {strides = array<i32>} : memref<528xi32, #tpu.memory_space<vmem>>, vector<16xi32>,
      %get3A_251 = vector.shape_cast %get3A_250 : vector<16xi32> to vector<16xi32>
      %slice3A_252 = vector.extract_strided_slice %get3A_251 {offsets = [0], sizes = [1], strides = [1]} : vector<16xi32> to vector<1xi32>
      %squeeze3A_253 = vector.extract %slice3A_252[0] : i32 from vector<1xi32>
      %lt3A_254 = arith.constant 0 : i32
      %lt3A_255 = arith.cmpi slt, %squeeze3A_253, %lt3A_254 : i32
      %max3A_256 = arith.constant 0 : i32
      %max3A_257 = arith.maxsi %squeeze3A_253, %max3A_256 : i32
      %min3A_258 = arith.constant 3 : i32
      %min3A_259 = arith.minsi %max3A_257, %min3A_258 : i32
      %jit3A_260 = arith.constant 4 : i32
      %select_n3A_261 = arith.select %lt3A_255, %jit3A_260, %min3A_259 : i32
      %get3A_262 = arith.index_cast %select_n3A_261 : i32 to index
      %get3A_263 = arith.constant 0 : index
      %get3A_264 = tpu.vector_load %arg6[%get3A_262, %get3A_263] {strides = array<i32>} : memref<5x128xf32, #tpu.memory_space<vmem>>, vector<1x16xf32>,
      %get3A_265 = vector.shape_cast %get3A_264 : vector<1x16xf32> to vector<16xf32>
      %swap3A_266 = arith.constant 1 : i32
      %swap3A_267 = arith.index_cast %swap3A_266 : i32 to index
      %swap3A_268 = arith.index_cast %scan3A_246 : i32 to index
      %swap3A_269 = arith.constant 0 : index
      %swap3A_270 = tpu.vector_load %arg7[%swap3A_267, %swap3A_268, %swap3A_269] {strides = array<i32>} : memref<2x128x128xf32, #tpu.memory_space<vmem>>, vector<1x1x16xf32>,
      %swap3A_271 = vector.shape_cast %swap3A_270 : vector<1x1x16xf32> to vector<16xf32>
      %swap3A_272 = vector.shape_cast %get3A_265 : vector<16xf32> to vector<1x1x16xf32>
      tpu.vector_store %arg7[%swap3A_267, %swap3A_268, %swap3A_269], %swap3A_272 {strides = array<i32>} : memref<2x128x128xf32, #tpu.memory_space<vmem>>, vector<1x1x16xf32>,
      %get3A_273 = arith.index_cast %select_n3A_261 : i32 to index
      %get3A_274 = arith.constant 16 : index
      %get3A_275 = tpu.vector_load %arg6[%get3A_273, %get3A_274] {strides = array<i32>} : memref<5x128xf32, #tpu.memory_space<vmem>>, vector<1x16xf32>,
      %get3A_276 = vector.shape_cast %get3A_275 : vector<1x16xf32> to vector<16xf32>
      %swap3A_277 = arith.constant 1 : i32
      %swap3A_278 = arith.index_cast %swap3A_277 : i32 to index
      %swap3A_279 = arith.index_cast %scan3A_246 : i32 to index
      %swap3A_280 = arith.constant 16 : index
      %swap3A_281 = tpu.vector_load %arg7[%swap3A_278, %swap3A_279, %swap3A_280] {strides = array<i32>} : memref<2x128x128xf32, #tpu.memory_space<vmem>>, vector<1x1x16xf32>,
      %swap3A_282 = vector.shape_cast %swap3A_281 : vector<1x1x16xf32> to vector<16xf32>
      %swap3A_283 = vector.shape_cast %get3A_276 : vector<16xf32> to vector<1x1x16xf32>
      tpu.vector_store %arg7[%swap3A_278, %swap3A_279, %swap3A_280], %swap3A_283 {strides = array<i32>} : memref<2x128x128xf32, #tpu.memory_space<vmem>>, vector<1x1x16xf32>,
      %get3A_284 = arith.index_cast %select_n3A_261 : i32 to index
      %get3A_285 = arith.constant 32 : index
      %get3A_286 = tpu.vector_load %arg6[%get3A_284, %get3A_285] {strides = array<i32>} : memref<5x128xf32, #tpu.memory_space<vmem>>, vector<1x16xf32>,
      %get3A_287 = vector.shape_cast %get3A_286 : vector<1x16xf32> to vector<16xf32>
      %swap3A_288 = arith.constant 1 : i32
      %swap3A_289 = arith.index_cast %swap3A_288 : i32 to index
      %swap3A_290 = arith.index_cast %scan3A_246 : i32 to index
      %swap3A_291 = arith.constant 32 : index
      %swap3A_292 = tpu.vector_load %arg7[%swap3A_289, %swap3A_290, %swap3A_291] {strides = array<i32>} : memref<2x128x128xf32, #tpu.memory_space<vmem>>, vector<1x1x16xf32>,
      %swap3A_293 = vector.shape_cast %swap3A_292 : vector<1x1x16xf32> to vector<16xf32>
      %swap3A_294 = vector.shape_cast %get3A_287 : vector<16xf32> to vector<1x1x16xf32>
      tpu.vector_store %arg7[%swap3A_289, %swap3A_290, %swap3A_291], %swap3A_294 {strides = array<i32>} : memref<2x128x128xf32, #tpu.memory_space<vmem>>, vector<1x1x16xf32>,
      %get3A_295 = arith.index_cast %select_n3A_261 : i32 to index
      %get3A_296 = arith.constant 48 : index
      %get3A_297 = tpu.vector_load %arg6[%get3A_295, %get3A_296] {strides = array<i32>} : memref<5x128xf32, #tpu.memory_space<vmem>>, vector<1x16xf32>,
      %get3A_298 = vector.shape_cast %get3A_297 : vector<1x16xf32> to vector<16xf32>
      %swap3A_299 = arith.constant 1 : i32
      %swap3A_300 = arith.index_cast %swap3A_299 : i32 to index
      %swap3A_301 = arith.index_cast %scan3A_246 : i32 to index
      %swap3A_302 = arith.constant 48 : index
      %swap3A_303 = tpu.vector_load %arg7[%swap3A_300, %swap3A_301, %swap3A_302] {strides = array<i32>} : memref<2x128x128xf32, #tpu.memory_space<vmem>>, vector<1x1x16xf32>,
      %swap3A_304 = vector.shape_cast %swap3A_303 : vector<1x1x16xf32> to vector<16xf32>
      %swap3A_305 = vector.shape_cast %get3A_298 : vector<16xf32> to vector<1x1x16xf32>
      tpu.vector_store %arg7[%swap3A_300, %swap3A_301, %swap3A_302], %swap3A_305 {strides = array<i32>} : memref<2x128x128xf32, #tpu.memory_space<vmem>>, vector<1x1x16xf32>,
      %get3A_306 = arith.index_cast %select_n3A_261 : i32 to index
      %get3A_307 = arith.constant 64 : index
      %get3A_308 = tpu.vector_load %arg6[%get3A_306, %get3A_307] {strides = array<i32>} : memref<5x128xf32, #tpu.memory_space<vmem>>, vector<1x16xf32>,
      %get3A_309 = vector.shape_cast %get3A_308 : vector<1x16xf32> to vector<16xf32>
      %swap3A_310 = arith.constant 1 : i32
      %swap3A_311 = arith.index_cast %swap3A_310 : i32 to index
      %swap3A_312 = arith.index_cast %scan3A_246 : i32 to index
      %swap3A_313 = arith.constant 64 : index
      %swap3A_314 = tpu.vector_load %arg7[%swap3A_311, %swap3A_312, %swap3A_313] {strides = array<i32>} : memref<2x128x128xf32, #tpu.memory_space<vmem>>, vector<1x1x16xf32>,
      %swap3A_315 = vector.shape_cast %swap3A_314 : vector<1x1x16xf32> to vector<16xf32>
      %swap3A_316 = vector.shape_cast %get3A_309 : vector<16xf32> to vector<1x1x16xf32>
      tpu.vector_store %arg7[%swap3A_311, %swap3A_312, %swap3A_313], %swap3A_316 {strides = array<i32>} : memref<2x128x128xf32, #tpu.memory_space<vmem>>, vector<1x1x16xf32>,
      %get3A_317 = arith.index_cast %select_n3A_261 : i32 to index
      %get3A_318 = arith.constant 80 : index
      %get3A_319 = tpu.vector_load %arg6[%get3A_317, %get3A_318] {strides = array<i32>} : memref<5x128xf32, #tpu.memory_space<vmem>>, vector<1x16xf32>,
      %get3A_320 = vector.shape_cast %get3A_319 : vector<1x16xf32> to vector<16xf32>
      %swap3A_321 = arith.constant 1 : i32
      %swap3A_322 = arith.index_cast %swap3A_321 : i32 to index
      %swap3A_323 = arith.index_cast %scan3A_246 : i32 to index
      %swap3A_324 = arith.constant 80 : index
      %swap3A_325 = tpu.vector_load %arg7[%swap3A_322, %swap3A_323, %swap3A_324] {strides = array<i32>} : memref<2x128x128xf32, #tpu.memory_space<vmem>>, vector<1x1x16xf32>,
      %swap3A_326 = vector.shape_cast %swap3A_325 : vector<1x1x16xf32> to vector<16xf32>
      %swap3A_327 = vector.shape_cast %get3A_320 : vector<16xf32> to vector<1x1x16xf32>
      tpu.vector_store %arg7[%swap3A_322, %swap3A_323, %swap3A_324], %swap3A_327 {strides = array<i32>} : memref<2x128x128xf32, #tpu.memory_space<vmem>>, vector<1x1x16xf32>,
      %get3A_328 = arith.index_cast %select_n3A_261 : i32 to index
      %get3A_329 = arith.constant 96 : index
      %get3A_330 = tpu.vector_load %arg6[%get3A_328, %get3A_329] {strides = array<i32>} : memref<5x128xf32, #tpu.memory_space<vmem>>, vector<1x16xf32>,
      %get3A_331 = vector.shape_cast %get3A_330 : vector<1x16xf32> to vector<16xf32>
      %swap3A_332 = arith.constant 1 : i32
      %swap3A_333 = arith.index_cast %swap3A_332 : i32 to index
      %swap3A_334 = arith.index_cast %scan3A_246 : i32 to index
      %swap3A_335 = arith.constant 96 : index
      %swap3A_336 = tpu.vector_load %arg7[%swap3A_333, %swap3A_334, %swap3A_335] {strides = array<i32>} : memref<2x128x128xf32, #tpu.memory_space<vmem>>, vector<1x1x16xf32>,
      %swap3A_337 = vector.shape_cast %swap3A_336 : vector<1x1x16xf32> to vector<16xf32>
      %swap3A_338 = vector.shape_cast %get3A_331 : vector<16xf32> to vector<1x1x16xf32>
      tpu.vector_store %arg7[%swap3A_333, %swap3A_334, %swap3A_335], %swap3A_338 {strides = array<i32>} : memref<2x128x128xf32, #tpu.memory_space<vmem>>, vector<1x1x16xf32>,
      %get3A_339 = arith.index_cast %select_n3A_261 : i32 to index
      %get3A_340 = arith.constant 112 : index
      %get3A_341 = tpu.vector_load %arg6[%get3A_339, %get3A_340] {strides = array<i32>} : memref<5x128xf32, #tpu.memory_space<vmem>>, vector<1x16xf32>,
      %get3A_342 = vector.shape_cast %get3A_341 : vector<1x16xf32> to vector<16xf32>
      %swap3A_343 = arith.constant 1 : i32
      %swap3A_344 = arith.index_cast %swap3A_343 : i32 to index
      %swap3A_345 = arith.index_cast %scan3A_246 : i32 to index
      %swap3A_346 = arith.constant 112 : index
      %swap3A_347 = tpu.vector_load %arg7[%swap3A_344, %swap3A_345, %swap3A_346] {strides = array<i32>} : memref<2x128x128xf32, #tpu.memory_space<vmem>>, vector<1x1x16xf32>,
      %swap3A_348 = vector.shape_cast %swap3A_347 : vector<1x1x16xf32> to vector<16xf32>
      %swap3A_349 = vector.shape_cast %get3A_342 : vector<16xf32> to vector<1x1x16xf32>
      tpu.vector_store %arg7[%swap3A_344, %swap3A_345, %swap3A_346], %swap3A_349 {strides = array<i32>} : memref<2x128x128xf32, #tpu.memory_space<vmem>>, vector<1x1x16xf32>,
      %scan3A_350 = arith.constant 0 : i32
      %scan3A_351 = arith.constant 2 : i32
      %scan3A_352 = arith.addi %scan3A_148, %scan3A_351 : i32
      %add3A_353 = arith.constant 128 : i32
      %add3A_354 = arith.addi %add3A_353, %scan3A_352 : i32
      %get3A_355 = arith.index_cast %add3A_354 : i32 to index
      %get3A_356 = tpu.vector_load %arg5[%get3A_355] {strides = array<i32>} : memref<528xi32, #tpu.memory_space<vmem>>, vector<16xi32>,
      %get3A_357 = vector.shape_cast %get3A_356 : vector<16xi32> to vector<16xi32>
      %slice3A_358 = vector.extract_strided_slice %get3A_357 {offsets = [0], sizes = [1], strides = [1]} : vector<16xi32> to vector<1xi32>
      %squeeze3A_359 = vector.extract %slice3A_358[0] : i32 from vector<1xi32>
      %lt3A_360 = arith.constant 0 : i32
      %lt3A_361 = arith.cmpi slt, %squeeze3A_359, %lt3A_360 : i32
      %max3A_362 = arith.constant 0 : i32
      %max3A_363 = arith.maxsi %squeeze3A_359, %max3A_362 : i32
      %min3A_364 = arith.constant 3 : i32
      %min3A_365 = arith.minsi %max3A_363, %min3A_364 : i32
      %jit3A_366 = arith.constant 4 : i32
      %select_n3A_367 = arith.select %lt3A_361, %jit3A_366, %min3A_365 : i32
      %get3A_368 = arith.index_cast %select_n3A_367 : i32 to index
      %get3A_369 = arith.constant 0 : index
      %get3A_370 = tpu.vector_load %arg6[%get3A_368, %get3A_369] {strides = array<i32>} : memref<5x128xf32, #tpu.memory_space<vmem>>, vector<1x16xf32>,
      %get3A_371 = vector.shape_cast %get3A_370 : vector<1x16xf32> to vector<16xf32>
      %swap3A_372 = arith.constant 1 : i32
      %swap3A_373 = arith.index_cast %swap3A_372 : i32 to index
      %swap3A_374 = arith.index_cast %scan3A_352 : i32 to index
      %swap3A_375 = arith.constant 0 : index
      %swap3A_376 = tpu.vector_load %arg7[%swap3A_373, %swap3A_374, %swap3A_375] {strides = array<i32>} : memref<2x128x128xf32, #tpu.memory_space<vmem>>, vector<1x1x16xf32>,
      %swap3A_377 = vector.shape_cast %swap3A_376 : vector<1x1x16xf32> to vector<16xf32>
      %swap3A_378 = vector.shape_cast %get3A_371 : vector<16xf32> to vector<1x1x16xf32>
      tpu.vector_store %arg7[%swap3A_373, %swap3A_374, %swap3A_375], %swap3A_378 {strides = array<i32>} : memref<2x128x128xf32, #tpu.memory_space<vmem>>, vector<1x1x16xf32>,
      %get3A_379 = arith.index_cast %select_n3A_367 : i32 to index
      %get3A_380 = arith.constant 16 : index
      %get3A_381 = tpu.vector_load %arg6[%get3A_379, %get3A_380] {strides = array<i32>} : memref<5x128xf32, #tpu.memory_space<vmem>>, vector<1x16xf32>,
      %get3A_382 = vector.shape_cast %get3A_381 : vector<1x16xf32> to vector<16xf32>
      %swap3A_383 = arith.constant 1 : i32
      %swap3A_384 = arith.index_cast %swap3A_383 : i32 to index
      %swap3A_385 = arith.index_cast %scan3A_352 : i32 to index
      %swap3A_386 = arith.constant 16 : index
      %swap3A_387 = tpu.vector_load %arg7[%swap3A_384, %swap3A_385, %swap3A_386] {strides = array<i32>} : memref<2x128x128xf32, #tpu.memory_space<vmem>>, vector<1x1x16xf32>,
      %swap3A_388 = vector.shape_cast %swap3A_387 : vector<1x1x16xf32> to vector<16xf32>
      %swap3A_389 = vector.shape_cast %get3A_382 : vector<16xf32> to vector<1x1x16xf32>
      tpu.vector_store %arg7[%swap3A_384, %swap3A_385, %swap3A_386], %swap3A_389 {strides = array<i32>} : memref<2x128x128xf32, #tpu.memory_space<vmem>>, vector<1x1x16xf32>,
      %get3A_390 = arith.index_cast %select_n3A_367 : i32 to index
      %get3A_391 = arith.constant 32 : index
      %get3A_392 = tpu.vector_load %arg6[%get3A_390, %get3A_391] {strides = array<i32>} : memref<5x128xf32, #tpu.memory_space<vmem>>, vector<1x16xf32>,
      %get3A_393 = vector.shape_cast %get3A_392 : vector<1x16xf32> to vector<16xf32>
      %swap3A_394 = arith.constant 1 : i32
      %swap3A_395 = arith.index_cast %swap3A_394 : i32 to index
      %swap3A_396 = arith.index_cast %scan3A_352 : i32 to index
      %swap3A_397 = arith.constant 32 : index
      %swap3A_398 = tpu.vector_load %arg7[%swap3A_395, %swap3A_396, %swap3A_397] {strides = array<i32>} : memref<2x128x128xf32, #tpu.memory_space<vmem>>, vector<1x1x16xf32>,
      %swap3A_399 = vector.shape_cast %swap3A_398 : vector<1x1x16xf32> to vector<16xf32>
      %swap3A_400 = vector.shape_cast %get3A_393 : vector<16xf32> to vector<1x1x16xf32>
      tpu.vector_store %arg7[%swap3A_395, %swap3A_396, %swap3A_397], %swap3A_400 {strides = array<i32>} : memref<2x128x128xf32, #tpu.memory_space<vmem>>, vector<1x1x16xf32>,
      %get3A_401 = arith.index_cast %select_n3A_367 : i32 to index
      %get3A_402 = arith.constant 48 : index
      %get3A_403 = tpu.vector_load %arg6[%get3A_401, %get3A_402] {strides = array<i32>} : memref<5x128xf32, #tpu.memory_space<vmem>>, vector<1x16xf32>,
      %get3A_404 = vector.shape_cast %get3A_403 : vector<1x16xf32> to vector<16xf32>
      %swap3A_405 = arith.constant 1 : i32
      %swap3A_406 = arith.index_cast %swap3A_405 : i32 to index
      %swap3A_407 = arith.index_cast %scan3A_352 : i32 to index
      %swap3A_408 = arith.constant 48 : index
      %swap3A_409 = tpu.vector_load %arg7[%swap3A_406, %swap3A_407, %swap3A_408] {strides = array<i32>} : memref<2x128x128xf32, #tpu.memory_space<vmem>>, vector<1x1x16xf32>,
      %swap3A_410 = vector.shape_cast %swap3A_409 : vector<1x1x16xf32> to vector<16xf32>
      %swap3A_411 = vector.shape_cast %get3A_404 : vector<16xf32> to vector<1x1x16xf32>
      tpu.vector_store %arg7[%swap3A_406, %swap3A_407, %swap3A_408], %swap3A_411 {strides = array<i32>} : memref<2x128x128xf32, #tpu.memory_space<vmem>>, vector<1x1x16xf32>,
      %get3A_412 = arith.index_cast %select_n3A_367 : i32 to index
      %get3A_413 = arith.constant 64 : index
      %get3A_414 = tpu.vector_load %arg6[%get3A_412, %get3A_413] {strides = array<i32>} : memref<5x128xf32, #tpu.memory_space<vmem>>, vector<1x16xf32>,
      %get3A_415 = vector.shape_cast %get3A_414 : vector<1x16xf32> to vector<16xf32>
      %swap3A_416 = arith.constant 1 : i32
      %swap3A_417 = arith.index_cast %swap3A_416 : i32 to index
      %swap3A_418 = arith.index_cast %scan3A_352 : i32 to index
      %swap3A_419 = arith.constant 64 : index
      %swap3A_420 = tpu.vector_load %arg7[%swap3A_417, %swap3A_418, %swap3A_419] {strides = array<i32>} : memref<2x128x128xf32, #tpu.memory_space<vmem>>, vector<1x1x16xf32>,
      %swap3A_421 = vector.shape_cast %swap3A_420 : vector<1x1x16xf32> to vector<16xf32>
      %swap3A_422 = vector.shape_cast %get3A_415 : vector<16xf32> to vector<1x1x16xf32>
      tpu.vector_store %arg7[%swap3A_417, %swap3A_418, %swap3A_419], %swap3A_422 {strides = array<i32>} : memref<2x128x128xf32, #tpu.memory_space<vmem>>, vector<1x1x16xf32>,
      %get3A_423 = arith.index_cast %select_n3A_367 : i32 to index
      %get3A_424 = arith.constant 80 : index
      %get3A_425 = tpu.vector_load %arg6[%get3A_423, %get3A_424] {strides = array<i32>} : memref<5x128xf32, #tpu.memory_space<vmem>>, vector<1x16xf32>,
      %get3A_426 = vector.shape_cast %get3A_425 : vector<1x16xf32> to vector<16xf32>
      %swap3A_427 = arith.constant 1 : i32
      %swap3A_428 = arith.index_cast %swap3A_427 : i32 to index
      %swap3A_429 = arith.index_cast %scan3A_352 : i32 to index
      %swap3A_430 = arith.constant 80 : index
      %swap3A_431 = tpu.vector_load %arg7[%swap3A_428, %swap3A_429, %swap3A_430] {strides = array<i32>} : memref<2x128x128xf32, #tpu.memory_space<vmem>>, vector<1x1x16xf32>,
      %swap3A_432 = vector.shape_cast %swap3A_431 : vector<1x1x16xf32> to vector<16xf32>
      %swap3A_433 = vector.shape_cast %get3A_426 : vector<16xf32> to vector<1x1x16xf32>
      tpu.vector_store %arg7[%swap3A_428, %swap3A_429, %swap3A_430], %swap3A_433 {strides = array<i32>} : memref<2x128x128xf32, #tpu.memory_space<vmem>>, vector<1x1x16xf32>,
      %get3A_434 = arith.index_cast %select_n3A_367 : i32 to index
      %get3A_435 = arith.constant 96 : index
      %get3A_436 = tpu.vector_load %arg6[%get3A_434, %get3A_435] {strides = array<i32>} : memref<5x128xf32, #tpu.memory_space<vmem>>, vector<1x16xf32>,
      %get3A_437 = vector.shape_cast %get3A_436 : vector<1x16xf32> to vector<16xf32>
      %swap3A_438 = arith.constant 1 : i32
      %swap3A_439 = arith.index_cast %swap3A_438 : i32 to index
      %swap3A_440 = arith.index_cast %scan3A_352 : i32 to index
      %swap3A_441 = arith.constant 96 : index
      %swap3A_442 = tpu.vector_load %arg7[%swap3A_439, %swap3A_440, %swap3A_441] {strides = array<i32>} : memref<2x128x128xf32, #tpu.memory_space<vmem>>, vector<1x1x16xf32>,
      %swap3A_443 = vector.shape_cast %swap3A_442 : vector<1x1x16xf32> to vector<16xf32>
      %swap3A_444 = vector.shape_cast %get3A_437 : vector<16xf32> to vector<1x1x16xf32>
      tpu.vector_store %arg7[%swap3A_439, %swap3A_440, %swap3A_441], %swap3A_444 {strides = array<i32>} : memref<2x128x128xf32, #tpu.memory_space<vmem>>, vector<1x1x16xf32>,
      %get3A_445 = arith.index_cast %select_n3A_367 : i32 to index
      %get3A_446 = arith.constant 112 : index
      %get3A_447 = tpu.vector_load %arg6[%get3A_445, %get3A_446] {strides = array<i32>} : memref<5x128xf32, #tpu.memory_space<vmem>>, vector<1x16xf32>,
      %get3A_448 = vector.shape_cast %get3A_447 : vector<1x16xf32> to vector<16xf32>
      %swap3A_449 = arith.constant 1 : i32
      %swap3A_450 = arith.index_cast %swap3A_449 : i32 to index
      %swap3A_451 = arith.index_cast %scan3A_352 : i32 to index
      %swap3A_452 = arith.constant 112 : index
      %swap3A_453 = tpu.vector_load %arg7[%swap3A_450, %swap3A_451, %swap3A_452] {strides = array<i32>} : memref<2x128x128xf32, #tpu.memory_space<vmem>>, vector<1x1x16xf32>,
      %swap3A_454 = vector.shape_cast %swap3A_453 : vector<1x1x16xf32> to vector<16xf32>
      %swap3A_455 = vector.shape_cast %get3A_448 : vector<16xf32> to vector<1x1x16xf32>
      tpu.vector_store %arg7[%swap3A_450, %swap3A_451, %swap3A_452], %swap3A_455 {strides = array<i32>} : memref<2x128x128xf32, #tpu.memory_space<vmem>>, vector<1x1x16xf32>,
      %scan3A_456 = arith.constant 0 : i32
      %scan3A_457 = arith.constant 3 : i32
      %scan3A_458 = arith.addi %scan3A_148, %scan3A_457 : i32
      %add3A_459 = arith.constant 128 : i32
      %add3A_460 = arith.addi %add3A_459, %scan3A_458 : i32
      %get3A_461 = arith.index_cast %add3A_460 : i32 to index
      %get3A_462 = tpu.vector_load %arg5[%get3A_461] {strides = array<i32>} : memref<528xi32, #tpu.memory_space<vmem>>, vector<16xi32>,
      %get3A_463 = vector.shape_cast %get3A_462 : vector<16xi32> to vector<16xi32>
      %slice3A_464 = vector.extract_strided_slice %get3A_463 {offsets = [0], sizes = [1], strides = [1]} : vector<16xi32> to vector<1xi32>
      %squeeze3A_465 = vector.extract %slice3A_464[0] : i32 from vector<1xi32>
      %lt3A_466 = arith.constant 0 : i32
      %lt3A_467 = arith.cmpi slt, %squeeze3A_465, %lt3A_466 : i32
      %max3A_468 = arith.constant 0 : i32
      %max3A_469 = arith.maxsi %squeeze3A_465, %max3A_468 : i32
      %min3A_470 = arith.constant 3 : i32
      %min3A_471 = arith.minsi %max3A_469, %min3A_470 : i32
      %jit3A_472 = arith.constant 4 : i32
      %select_n3A_473 = arith.select %lt3A_467, %jit3A_472, %min3A_471 : i32
      %get3A_474 = arith.index_cast %select_n3A_473 : i32 to index
      %get3A_475 = arith.constant 0 : index
      %get3A_476 = tpu.vector_load %arg6[%get3A_474, %get3A_475] {strides = array<i32>} : memref<5x128xf32, #tpu.memory_space<vmem>>, vector<1x16xf32>,
      %get3A_477 = vector.shape_cast %get3A_476 : vector<1x16xf32> to vector<16xf32>
      %swap3A_478 = arith.constant 1 : i32
      %swap3A_479 = arith.index_cast %swap3A_478 : i32 to index
      %swap3A_480 = arith.index_cast %scan3A_458 : i32 to index
      %swap3A_481 = arith.constant 0 : index
      %swap3A_482 = tpu.vector_load %arg7[%swap3A_479, %swap3A_480, %swap3A_481] {strides = array<i32>} : memref<2x128x128xf32, #tpu.memory_space<vmem>>, vector<1x1x16xf32>,
      %swap3A_483 = vector.shape_cast %swap3A_482 : vector<1x1x16xf32> to vector<16xf32>
      %swap3A_484 = vector.shape_cast %get3A_477 : vector<16xf32> to vector<1x1x16xf32>
      tpu.vector_store %arg7[%swap3A_479, %swap3A_480, %swap3A_481], %swap3A_484 {strides = array<i32>} : memref<2x128x128xf32, #tpu.memory_space<vmem>>, vector<1x1x16xf32>,
      %get3A_485 = arith.index_cast %select_n3A_473 : i32 to index
      %get3A_486 = arith.constant 16 : index
      %get3A_487 = tpu.vector_load %arg6[%get3A_485, %get3A_486] {strides = array<i32>} : memref<5x128xf32, #tpu.memory_space<vmem>>, vector<1x16xf32>,
      %get3A_488 = vector.shape_cast %get3A_487 : vector<1x16xf32> to vector<16xf32>
      %swap3A_489 = arith.constant 1 : i32
      %swap3A_490 = arith.index_cast %swap3A_489 : i32 to index
      %swap3A_491 = arith.index_cast %scan3A_458 : i32 to index
      %swap3A_492 = arith.constant 16 : index
      %swap3A_493 = tpu.vector_load %arg7[%swap3A_490, %swap3A_491, %swap3A_492] {strides = array<i32>} : memref<2x128x128xf32, #tpu.memory_space<vmem>>, vector<1x1x16xf32>,
      %swap3A_494 = vector.shape_cast %swap3A_493 : vector<1x1x16xf32> to vector<16xf32>
      %swap3A_495 = vector.shape_cast %get3A_488 : vector<16xf32> to vector<1x1x16xf32>
      tpu.vector_store %arg7[%swap3A_490, %swap3A_491, %swap3A_492], %swap3A_495 {strides = array<i32>} : memref<2x128x128xf32, #tpu.memory_space<vmem>>, vector<1x1x16xf32>,
      %get3A_496 = arith.index_cast %select_n3A_473 : i32 to index
      %get3A_497 = arith.constant 32 : index
      %get3A_498 = tpu.vector_load %arg6[%get3A_496, %get3A_497] {strides = array<i32>} : memref<5x128xf32, #tpu.memory_space<vmem>>, vector<1x16xf32>,
      %get3A_499 = vector.shape_cast %get3A_498 : vector<1x16xf32> to vector<16xf32>
      %swap3A_500 = arith.constant 1 : i32
      %swap3A_501 = arith.index_cast %swap3A_500 : i32 to index
      %swap3A_502 = arith.index_cast %scan3A_458 : i32 to index
      %swap3A_503 = arith.constant 32 : index
      %swap3A_504 = tpu.vector_load %arg7[%swap3A_501, %swap3A_502, %swap3A_503] {strides = array<i32>} : memref<2x128x128xf32, #tpu.memory_space<vmem>>, vector<1x1x16xf32>,
      %swap3A_505 = vector.shape_cast %swap3A_504 : vector<1x1x16xf32> to vector<16xf32>
      %swap3A_506 = vector.shape_cast %get3A_499 : vector<16xf32> to vector<1x1x16xf32>
      tpu.vector_store %arg7[%swap3A_501, %swap3A_502, %swap3A_503], %swap3A_506 {strides = array<i32>} : memref<2x128x128xf32, #tpu.memory_space<vmem>>, vector<1x1x16xf32>,
      %get3A_507 = arith.index_cast %select_n3A_473 : i32 to index
      %get3A_508 = arith.constant 48 : index
      %get3A_509 = tpu.vector_load %arg6[%get3A_507, %get3A_508] {strides = array<i32>} : memref<5x128xf32, #tpu.memory_space<vmem>>, vector<1x16xf32>,
      %get3A_510 = vector.shape_cast %get3A_509 : vector<1x16xf32> to vector<16xf32>
      %swap3A_511 = arith.constant 1 : i32
      %swap3A_512 = arith.index_cast %swap3A_511 : i32 to index
      %swap3A_513 = arith.index_cast %scan3A_458 : i32 to index
      %swap3A_514 = arith.constant 48 : index
      %swap3A_515 = tpu.vector_load %arg7[%swap3A_512, %swap3A_513, %swap3A_514] {strides = array<i32>} : memref<2x128x128xf32, #tpu.memory_space<vmem>>, vector<1x1x16xf32>,
      %swap3A_516 = vector.shape_cast %swap3A_515 : vector<1x1x16xf32> to vector<16xf32>
      %swap3A_517 = vector.shape_cast %get3A_510 : vector<16xf32> to vector<1x1x16xf32>
      tpu.vector_store %arg7[%swap3A_512, %swap3A_513, %swap3A_514], %swap3A_517 {strides = array<i32>} : memref<2x128x128xf32, #tpu.memory_space<vmem>>, vector<1x1x16xf32>,
      %get3A_518 = arith.index_cast %select_n3A_473 : i32 to index
      %get3A_519 = arith.constant 64 : index
      %get3A_520 = tpu.vector_load %arg6[%get3A_518, %get3A_519] {strides = array<i32>} : memref<5x128xf32, #tpu.memory_space<vmem>>, vector<1x16xf32>,
      %get3A_521 = vector.shape_cast %get3A_520 : vector<1x16xf32> to vector<16xf32>
      %swap3A_522 = arith.constant 1 : i32
      %swap3A_523 = arith.index_cast %swap3A_522 : i32 to index
      %swap3A_524 = arith.index_cast %scan3A_458 : i32 to index
      %swap3A_525 = arith.constant 64 : index
      %swap3A_526 = tpu.vector_load %arg7[%swap3A_523, %swap3A_524, %swap3A_525] {strides = array<i32>} : memref<2x128x128xf32, #tpu.memory_space<vmem>>, vector<1x1x16xf32>,
      %swap3A_527 = vector.shape_cast %swap3A_526 : vector<1x1x16xf32> to vector<16xf32>
      %swap3A_528 = vector.shape_cast %get3A_521 : vector<16xf32> to vector<1x1x16xf32>
      tpu.vector_store %arg7[%swap3A_523, %swap3A_524, %swap3A_525], %swap3A_528 {strides = array<i32>} : memref<2x128x128xf32, #tpu.memory_space<vmem>>, vector<1x1x16xf32>,
      %get3A_529 = arith.index_cast %select_n3A_473 : i32 to index
      %get3A_530 = arith.constant 80 : index
      %get3A_531 = tpu.vector_load %arg6[%get3A_529, %get3A_530] {strides = array<i32>} : memref<5x128xf32, #tpu.memory_space<vmem>>, vector<1x16xf32>,
      %get3A_532 = vector.shape_cast %get3A_531 : vector<1x16xf32> to vector<16xf32>
      %swap3A_533 = arith.constant 1 : i32
      %swap3A_534 = arith.index_cast %swap3A_533 : i32 to index
      %swap3A_535 = arith.index_cast %scan3A_458 : i32 to index
      %swap3A_536 = arith.constant 80 : index
      %swap3A_537 = tpu.vector_load %arg7[%swap3A_534, %swap3A_535, %swap3A_536] {strides = array<i32>} : memref<2x128x128xf32, #tpu.memory_space<vmem>>, vector<1x1x16xf32>,
      %swap3A_538 = vector.shape_cast %swap3A_537 : vector<1x1x16xf32> to vector<16xf32>
      %swap3A_539 = vector.shape_cast %get3A_532 : vector<16xf32> to vector<1x1x16xf32>
      tpu.vector_store %arg7[%swap3A_534, %swap3A_535, %swap3A_536], %swap3A_539 {strides = array<i32>} : memref<2x128x128xf32, #tpu.memory_space<vmem>>, vector<1x1x16xf32>,
      %get3A_540 = arith.index_cast %select_n3A_473 : i32 to index
      %get3A_541 = arith.constant 96 : index
      %get3A_542 = tpu.vector_load %arg6[%get3A_540, %get3A_541] {strides = array<i32>} : memref<5x128xf32, #tpu.memory_space<vmem>>, vector<1x16xf32>,
      %get3A_543 = vector.shape_cast %get3A_542 : vector<1x16xf32> to vector<16xf32>
      %swap3A_544 = arith.constant 1 : i32
      %swap3A_545 = arith.index_cast %swap3A_544 : i32 to index
      %swap3A_546 = arith.index_cast %scan3A_458 : i32 to index
      %swap3A_547 = arith.constant 96 : index
      %swap3A_548 = tpu.vector_load %arg7[%swap3A_545, %swap3A_546, %swap3A_547] {strides = array<i32>} : memref<2x128x128xf32, #tpu.memory_space<vmem>>, vector<1x1x16xf32>,
      %swap3A_549 = vector.shape_cast %swap3A_548 : vector<1x1x16xf32> to vector<16xf32>
      %swap3A_550 = vector.shape_cast %get3A_543 : vector<16xf32> to vector<1x1x16xf32>
      tpu.vector_store %arg7[%swap3A_545, %swap3A_546, %swap3A_547], %swap3A_550 {strides = array<i32>} : memref<2x128x128xf32, #tpu.memory_space<vmem>>, vector<1x1x16xf32>,
      %get3A_551 = arith.index_cast %select_n3A_473 : i32 to index
      %get3A_552 = arith.constant 112 : index
      %get3A_553 = tpu.vector_load %arg6[%get3A_551, %get3A_552] {strides = array<i32>} : memref<5x128xf32, #tpu.memory_space<vmem>>, vector<1x16xf32>,
      %get3A_554 = vector.shape_cast %get3A_553 : vector<1x16xf32> to vector<16xf32>
      %swap3A_555 = arith.constant 1 : i32
      %swap3A_556 = arith.index_cast %swap3A_555 : i32 to index
      %swap3A_557 = arith.index_cast %scan3A_458 : i32 to index
      %swap3A_558 = arith.constant 112 : index
      %swap3A_559 = tpu.vector_load %arg7[%swap3A_556, %swap3A_557, %swap3A_558] {strides = array<i32>} : memref<2x128x128xf32, #tpu.memory_space<vmem>>, vector<1x1x16xf32>,
      %swap3A_560 = vector.shape_cast %swap3A_559 : vector<1x1x16xf32> to vector<16xf32>
      %swap3A_561 = vector.shape_cast %get3A_554 : vector<16xf32> to vector<1x1x16xf32>
      tpu.vector_store %arg7[%swap3A_556, %swap3A_557, %swap3A_558], %swap3A_561 {strides = array<i32>} : memref<2x128x128xf32, #tpu.memory_space<vmem>>, vector<1x1x16xf32>,
      %scan3A_562 = arith.constant 0 : i32
      %scan3A_563 = arith.constant 4 : i32
      %scan3A_564 = arith.addi %scan3A_148, %scan3A_563 : i32
      %add3A_565 = arith.constant 128 : i32
      %add3A_566 = arith.addi %add3A_565, %scan3A_564 : i32
      %get3A_567 = arith.index_cast %add3A_566 : i32 to index
      %get3A_568 = tpu.vector_load %arg5[%get3A_567] {strides = array<i32>} : memref<528xi32, #tpu.memory_space<vmem>>, vector<16xi32>,
      %get3A_569 = vector.shape_cast %get3A_568 : vector<16xi32> to vector<16xi32>
      %slice3A_570 = vector.extract_strided_slice %get3A_569 {offsets = [0], sizes = [1], strides = [1]} : vector<16xi32> to vector<1xi32>
      %squeeze3A_571 = vector.extract %slice3A_570[0] : i32 from vector<1xi32>
      %lt3A_572 = arith.constant 0 : i32
      %lt3A_573 = arith.cmpi slt, %squeeze3A_571, %lt3A_572 : i32
      %max3A_574 = arith.constant 0 : i32
      %max3A_575 = arith.maxsi %squeeze3A_571, %max3A_574 : i32
      %min3A_576 = arith.constant 3 : i32
      %min3A_577 = arith.minsi %max3A_575, %min3A_576 : i32
      %jit3A_578 = arith.constant 4 : i32
      %select_n3A_579 = arith.select %lt3A_573, %jit3A_578, %min3A_577 : i32
      %get3A_580 = arith.index_cast %select_n3A_579 : i32 to index
      %get3A_581 = arith.constant 0 : index
      %get3A_582 = tpu.vector_load %arg6[%get3A_580, %get3A_581] {strides = array<i32>} : memref<5x128xf32, #tpu.memory_space<vmem>>, vector<1x16xf32>,
      %get3A_583 = vector.shape_cast %get3A_582 : vector<1x16xf32> to vector<16xf32>
      %swap3A_584 = arith.constant 1 : i32
      %swap3A_585 = arith.index_cast %swap3A_584 : i32 to index
      %swap3A_586 = arith.index_cast %scan3A_564 : i32 to index
      %swap3A_587 = arith.constant 0 : index
      %swap3A_588 = tpu.vector_load %arg7[%swap3A_585, %swap3A_586, %swap3A_587] {strides = array<i32>} : memref<2x128x128xf32, #tpu.memory_space<vmem>>, vector<1x1x16xf32>,
      %swap3A_589 = vector.shape_cast %swap3A_588 : vector<1x1x16xf32> to vector<16xf32>
      %swap3A_590 = vector.shape_cast %get3A_583 : vector<16xf32> to vector<1x1x16xf32>
      tpu.vector_store %arg7[%swap3A_585, %swap3A_586, %swap3A_587], %swap3A_590 {strides = array<i32>} : memref<2x128x128xf32, #tpu.memory_space<vmem>>, vector<1x1x16xf32>,
      %get3A_591 = arith.index_cast %select_n3A_579 : i32 to index
      %get3A_592 = arith.constant 16 : index
      %get3A_593 = tpu.vector_load %arg6[%get3A_591, %get3A_592] {strides = array<i32>} : memref<5x128xf32, #tpu.memory_space<vmem>>, vector<1x16xf32>,
      %get3A_594 = vector.shape_cast %get3A_593 : vector<1x16xf32> to vector<16xf32>
      %swap3A_595 = arith.constant 1 : i32
      %swap3A_596 = arith.index_cast %swap3A_595 : i32 to index
      %swap3A_597 = arith.index_cast %scan3A_564 : i32 to index
      %swap3A_598 = arith.constant 16 : index
      %swap3A_599 = tpu.vector_load %arg7[%swap3A_596, %swap3A_597, %swap3A_598] {strides = array<i32>} : memref<2x128x128xf32, #tpu.memory_space<vmem>>, vector<1x1x16xf32>,
      %swap3A_600 = vector.shape_cast %swap3A_599 : vector<1x1x16xf32> to vector<16xf32>
      %swap3A_601 = vector.shape_cast %get3A_594 : vector<16xf32> to vector<1x1x16xf32>
      tpu.vector_store %arg7[%swap3A_596, %swap3A_597, %swap3A_598], %swap3A_601 {strides = array<i32>} : memref<2x128x128xf32, #tpu.memory_space<vmem>>, vector<1x1x16xf32>,
      %get3A_602 = arith.index_cast %select_n3A_579 : i32 to index
      %get3A_603 = arith.constant 32 : index
      %get3A_604 = tpu.vector_load %arg6[%get3A_602, %get3A_603] {strides = array<i32>} : memref<5x128xf32, #tpu.memory_space<vmem>>, vector<1x16xf32>,
      %get3A_605 = vector.shape_cast %get3A_604 : vector<1x16xf32> to vector<16xf32>
      %swap3A_606 = arith.constant 1 : i32
      %swap3A_607 = arith.index_cast %swap3A_606 : i32 to index
      %swap3A_608 = arith.index_cast %scan3A_564 : i32 to index
      %swap3A_609 = arith.constant 32 : index
      %swap3A_610 = tpu.vector_load %arg7[%swap3A_607, %swap3A_608, %swap3A_609] {strides = array<i32>} : memref<2x128x128xf32, #tpu.memory_space<vmem>>, vector<1x1x16xf32>,
      %swap3A_611 = vector.shape_cast %swap3A_610 : vector<1x1x16xf32> to vector<16xf32>
      %swap3A_612 = vector.shape_cast %get3A_605 : vector<16xf32> to vector<1x1x16xf32>
      tpu.vector_store %arg7[%swap3A_607, %swap3A_608, %swap3A_609], %swap3A_612 {strides = array<i32>} : memref<2x128x128xf32, #tpu.memory_space<vmem>>, vector<1x1x16xf32>,
      %get3A_613 = arith.index_cast %select_n3A_579 : i32 to index
      %get3A_614 = arith.constant 48 : index
      %get3A_615 = tpu.vector_load %arg6[%get3A_613, %get3A_614] {strides = array<i32>} : memref<5x128xf32, #tpu.memory_space<vmem>>, vector<1x16xf32>,
      %get3A_616 = vector.shape_cast %get3A_615 : vector<1x16xf32> to vector<16xf32>
      %swap3A_617 = arith.constant 1 : i32
      %swap3A_618 = arith.index_cast %swap3A_617 : i32 to index
      %swap3A_619 = arith.index_cast %scan3A_564 : i32 to index
      %swap3A_620 = arith.constant 48 : index
      %swap3A_621 = tpu.vector_load %arg7[%swap3A_618, %swap3A_619, %swap3A_620] {strides = array<i32>} : memref<2x128x128xf32, #tpu.memory_space<vmem>>, vector<1x1x16xf32>,
      %swap3A_622 = vector.shape_cast %swap3A_621 : vector<1x1x16xf32> to vector<16xf32>
      %swap3A_623 = vector.shape_cast %get3A_616 : vector<16xf32> to vector<1x1x16xf32>
      tpu.vector_store %arg7[%swap3A_618, %swap3A_619, %swap3A_620], %swap3A_623 {strides = array<i32>} : memref<2x128x128xf32, #tpu.memory_space<vmem>>, vector<1x1x16xf32>,
      %get3A_624 = arith.index_cast %select_n3A_579 : i32 to index
      %get3A_625 = arith.constant 64 : index
      %get3A_626 = tpu.vector_load %arg6[%get3A_624, %get3A_625] {strides = array<i32>} : memref<5x128xf32, #tpu.memory_space<vmem>>, vector<1x16xf32>,
      %get3A_627 = vector.shape_cast %get3A_626 : vector<1x16xf32> to vector<16xf32>
      %swap3A_628 = arith.constant 1 : i32
      %swap3A_629 = arith.index_cast %swap3A_628 : i32 to index
      %swap3A_630 = arith.index_cast %scan3A_564 : i32 to index
      %swap3A_631 = arith.constant 64 : index
      %swap3A_632 = tpu.vector_load %arg7[%swap3A_629, %swap3A_630, %swap3A_631] {strides = array<i32>} : memref<2x128x128xf32, #tpu.memory_space<vmem>>, vector<1x1x16xf32>,
      %swap3A_633 = vector.shape_cast %swap3A_632 : vector<1x1x16xf32> to vector<16xf32>
      %swap3A_634 = vector.shape_cast %get3A_627 : vector<16xf32> to vector<1x1x16xf32>
      tpu.vector_store %arg7[%swap3A_629, %swap3A_630, %swap3A_631], %swap3A_634 {strides = array<i32>} : memref<2x128x128xf32, #tpu.memory_space<vmem>>, vector<1x1x16xf32>,
      %get3A_635 = arith.index_cast %select_n3A_579 : i32 to index
      %get3A_636 = arith.constant 80 : index
      %get3A_637 = tpu.vector_load %arg6[%get3A_635, %get3A_636] {strides = array<i32>} : memref<5x128xf32, #tpu.memory_space<vmem>>, vector<1x16xf32>,
      %get3A_638 = vector.shape_cast %get3A_637 : vector<1x16xf32> to vector<16xf32>
      %swap3A_639 = arith.constant 1 : i32
      %swap3A_640 = arith.index_cast %swap3A_639 : i32 to index
      %swap3A_641 = arith.index_cast %scan3A_564 : i32 to index
      %swap3A_642 = arith.constant 80 : index
      %swap3A_643 = tpu.vector_load %arg7[%swap3A_640, %swap3A_641, %swap3A_642] {strides = array<i32>} : memref<2x128x128xf32, #tpu.memory_space<vmem>>, vector<1x1x16xf32>,
      %swap3A_644 = vector.shape_cast %swap3A_643 : vector<1x1x16xf32> to vector<16xf32>
      %swap3A_645 = vector.shape_cast %get3A_638 : vector<16xf32> to vector<1x1x16xf32>
      tpu.vector_store %arg7[%swap3A_640, %swap3A_641, %swap3A_642], %swap3A_645 {strides = array<i32>} : memref<2x128x128xf32, #tpu.memory_space<vmem>>, vector<1x1x16xf32>,
      %get3A_646 = arith.index_cast %select_n3A_579 : i32 to index
      %get3A_647 = arith.constant 96 : index
      %get3A_648 = tpu.vector_load %arg6[%get3A_646, %get3A_647] {strides = array<i32>} : memref<5x128xf32, #tpu.memory_space<vmem>>, vector<1x16xf32>,
      %get3A_649 = vector.shape_cast %get3A_648 : vector<1x16xf32> to vector<16xf32>
      %swap3A_650 = arith.constant 1 : i32
      %swap3A_651 = arith.index_cast %swap3A_650 : i32 to index
      %swap3A_652 = arith.index_cast %scan3A_564 : i32 to index
      %swap3A_653 = arith.constant 96 : index
      %swap3A_654 = tpu.vector_load %arg7[%swap3A_651, %swap3A_652, %swap3A_653] {strides = array<i32>} : memref<2x128x128xf32, #tpu.memory_space<vmem>>, vector<1x1x16xf32>,
      %swap3A_655 = vector.shape_cast %swap3A_654 : vector<1x1x16xf32> to vector<16xf32>
      %swap3A_656 = vector.shape_cast %get3A_649 : vector<16xf32> to vector<1x1x16xf32>
      tpu.vector_store %arg7[%swap3A_651, %swap3A_652, %swap3A_653], %swap3A_656 {strides = array<i32>} : memref<2x128x128xf32, #tpu.memory_space<vmem>>, vector<1x1x16xf32>,
      %get3A_657 = arith.index_cast %select_n3A_579 : i32 to index
      %get3A_658 = arith.constant 112 : index
      %get3A_659 = tpu.vector_load %arg6[%get3A_657, %get3A_658] {strides = array<i32>} : memref<5x128xf32, #tpu.memory_space<vmem>>, vector<1x16xf32>,
      %get3A_660 = vector.shape_cast %get3A_659 : vector<1x16xf32> to vector<16xf32>
      %swap3A_661 = arith.constant 1 : i32
      %swap3A_662 = arith.index_cast %swap3A_661 : i32 to index
      %swap3A_663 = arith.index_cast %scan3A_564 : i32 to index
      %swap3A_664 = arith.constant 112 : index
      %swap3A_665 = tpu.vector_load %arg7[%swap3A_662, %swap3A_663, %swap3A_664] {strides = array<i32>} : memref<2x128x128xf32, #tpu.memory_space<vmem>>, vector<1x1x16xf32>,
      %swap3A_666 = vector.shape_cast %swap3A_665 : vector<1x1x16xf32> to vector<16xf32>
      %swap3A_667 = vector.shape_cast %get3A_660 : vector<16xf32> to vector<1x1x16xf32>
      tpu.vector_store %arg7[%swap3A_662, %swap3A_663, %swap3A_664], %swap3A_667 {strides = array<i32>} : memref<2x128x128xf32, #tpu.memory_space<vmem>>, vector<1x1x16xf32>,
      %scan3A_668 = arith.constant 0 : i32
      %scan3A_669 = arith.constant 5 : i32
      %scan3A_670 = arith.addi %scan3A_148, %scan3A_669 : i32
      %add3A_671 = arith.constant 128 : i32
      %add3A_672 = arith.addi %add3A_671, %scan3A_670 : i32
      %get3A_673 = arith.index_cast %add3A_672 : i32 to index
      %get3A_674 = tpu.vector_load %arg5[%get3A_673] {strides = array<i32>} : memref<528xi32, #tpu.memory_space<vmem>>, vector<16xi32>,
      %get3A_675 = vector.shape_cast %get3A_674 : vector<16xi32> to vector<16xi32>
      %slice3A_676 = vector.extract_strided_slice %get3A_675 {offsets = [0], sizes = [1], strides = [1]} : vector<16xi32> to vector<1xi32>
      %squeeze3A_677 = vector.extract %slice3A_676[0] : i32 from vector<1xi32>
      %lt3A_678 = arith.constant 0 : i32
      %lt3A_679 = arith.cmpi slt, %squeeze3A_677, %lt3A_678 : i32
      %max3A_680 = arith.constant 0 : i32
      %max3A_681 = arith.maxsi %squeeze3A_677, %max3A_680 : i32
      %min3A_682 = arith.constant 3 : i32
      %min3A_683 = arith.minsi %max3A_681, %min3A_682 : i32
      %jit3A_684 = arith.constant 4 : i32
      %select_n3A_685 = arith.select %lt3A_679, %jit3A_684, %min3A_683 : i32
      %get3A_686 = arith.index_cast %select_n3A_685 : i32 to index
      %get3A_687 = arith.constant 0 : index
      %get3A_688 = tpu.vector_load %arg6[%get3A_686, %get3A_687] {strides = array<i32>} : memref<5x128xf32, #tpu.memory_space<vmem>>, vector<1x16xf32>,
      %get3A_689 = vector.shape_cast %get3A_688 : vector<1x16xf32> to vector<16xf32>
      %swap3A_690 = arith.constant 1 : i32
      %swap3A_691 = arith.index_cast %swap3A_690 : i32 to index
      %swap3A_692 = arith.index_cast %scan3A_670 : i32 to index
      %swap3A_693 = arith.constant 0 : index
      %swap3A_694 = tpu.vector_load %arg7[%swap3A_691, %swap3A_692, %swap3A_693] {strides = array<i32>} : memref<2x128x128xf32, #tpu.memory_space<vmem>>, vector<1x1x16xf32>,
      %swap3A_695 = vector.shape_cast %swap3A_694 : vector<1x1x16xf32> to vector<16xf32>
      %swap3A_696 = vector.shape_cast %get3A_689 : vector<16xf32> to vector<1x1x16xf32>
      tpu.vector_store %arg7[%swap3A_691, %swap3A_692, %swap3A_693], %swap3A_696 {strides = array<i32>} : memref<2x128x128xf32, #tpu.memory_space<vmem>>, vector<1x1x16xf32>,
      %get3A_697 = arith.index_cast %select_n3A_685 : i32 to index
      %get3A_698 = arith.constant 16 : index
      %get3A_699 = tpu.vector_load %arg6[%get3A_697, %get3A_698] {strides = array<i32>} : memref<5x128xf32, #tpu.memory_space<vmem>>, vector<1x16xf32>,
      %get3A_700 = vector.shape_cast %get3A_699 : vector<1x16xf32> to vector<16xf32>
      %swap3A_701 = arith.constant 1 : i32
      %swap3A_702 = arith.index_cast %swap3A_701 : i32 to index
      %swap3A_703 = arith.index_cast %scan3A_670 : i32 to index
      %swap3A_704 = arith.constant 16 : index
      %swap3A_705 = tpu.vector_load %arg7[%swap3A_702, %swap3A_703, %swap3A_704] {strides = array<i32>} : memref<2x128x128xf32, #tpu.memory_space<vmem>>, vector<1x1x16xf32>,
      %swap3A_706 = vector.shape_cast %swap3A_705 : vector<1x1x16xf32> to vector<16xf32>
      %swap3A_707 = vector.shape_cast %get3A_700 : vector<16xf32> to vector<1x1x16xf32>
      tpu.vector_store %arg7[%swap3A_702, %swap3A_703, %swap3A_704], %swap3A_707 {strides = array<i32>} : memref<2x128x128xf32, #tpu.memory_space<vmem>>, vector<1x1x16xf32>,
      %get3A_708 = arith.index_cast %select_n3A_685 : i32 to index
      %get3A_709 = arith.constant 32 : index
      %get3A_710 = tpu.vector_load %arg6[%get3A_708, %get3A_709] {strides = array<i32>} : memref<5x128xf32, #tpu.memory_space<vmem>>, vector<1x16xf32>,
      %get3A_711 = vector.shape_cast %get3A_710 : vector<1x16xf32> to vector<16xf32>
      %swap3A_712 = arith.constant 1 : i32
      %swap3A_713 = arith.index_cast %swap3A_712 : i32 to index
      %swap3A_714 = arith.index_cast %scan3A_670 : i32 to index
      %swap3A_715 = arith.constant 32 : index
      %swap3A_716 = tpu.vector_load %arg7[%swap3A_713, %swap3A_714, %swap3A_715] {strides = array<i32>} : memref<2x128x128xf32, #tpu.memory_space<vmem>>, vector<1x1x16xf32>,
      %swap3A_717 = vector.shape_cast %swap3A_716 : vector<1x1x16xf32> to vector<16xf32>
      %swap3A_718 = vector.shape_cast %get3A_711 : vector<16xf32> to vector<1x1x16xf32>
      tpu.vector_store %arg7[%swap3A_713, %swap3A_714, %swap3A_715], %swap3A_718 {strides = array<i32>} : memref<2x128x128xf32, #tpu.memory_space<vmem>>, vector<1x1x16xf32>,
      %get3A_719 = arith.index_cast %select_n3A_685 : i32 to index
      %get3A_720 = arith.constant 48 : index
      %get3A_721 = tpu.vector_load %arg6[%get3A_719, %get3A_720] {strides = array<i32>} : memref<5x128xf32, #tpu.memory_space<vmem>>, vector<1x16xf32>,
      %get3A_722 = vector.shape_cast %get3A_721 : vector<1x16xf32> to vector<16xf32>
      %swap3A_723 = arith.constant 1 : i32
      %swap3A_724 = arith.index_cast %swap3A_723 : i32 to index
      %swap3A_725 = arith.index_cast %scan3A_670 : i32 to index
      %swap3A_726 = arith.constant 48 : index
      %swap3A_727 = tpu.vector_load %arg7[%swap3A_724, %swap3A_725, %swap3A_726] {strides = array<i32>} : memref<2x128x128xf32, #tpu.memory_space<vmem>>, vector<1x1x16xf32>,
      %swap3A_728 = vector.shape_cast %swap3A_727 : vector<1x1x16xf32> to vector<16xf32>
      %swap3A_729 = vector.shape_cast %get3A_722 : vector<16xf32> to vector<1x1x16xf32>
      tpu.vector_store %arg7[%swap3A_724, %swap3A_725, %swap3A_726], %swap3A_729 {strides = array<i32>} : memref<2x128x128xf32, #tpu.memory_space<vmem>>, vector<1x1x16xf32>,
      %get3A_730 = arith.index_cast %select_n3A_685 : i32 to index
      %get3A_731 = arith.constant 64 : index
      %get3A_732 = tpu.vector_load %arg6[%get3A_730, %get3A_731] {strides = array<i32>} : memref<5x128xf32, #tpu.memory_space<vmem>>, vector<1x16xf32>,
      %get3A_733 = vector.shape_cast %get3A_732 : vector<1x16xf32> to vector<16xf32>
      %swap3A_734 = arith.constant 1 : i32
      %swap3A_735 = arith.index_cast %swap3A_734 : i32 to index
      %swap3A_736 = arith.index_cast %scan3A_670 : i32 to index
      %swap3A_737 = arith.constant 64 : index
      %swap3A_738 = tpu.vector_load %arg7[%swap3A_735, %swap3A_736, %swap3A_737] {strides = array<i32>} : memref<2x128x128xf32, #tpu.memory_space<vmem>>, vector<1x1x16xf32>,
      %swap3A_739 = vector.shape_cast %swap3A_738 : vector<1x1x16xf32> to vector<16xf32>
      %swap3A_740 = vector.shape_cast %get3A_733 : vector<16xf32> to vector<1x1x16xf32>
      tpu.vector_store %arg7[%swap3A_735, %swap3A_736, %swap3A_737], %swap3A_740 {strides = array<i32>} : memref<2x128x128xf32, #tpu.memory_space<vmem>>, vector<1x1x16xf32>,
      %get3A_741 = arith.index_cast %select_n3A_685 : i32 to index
      %get3A_742 = arith.constant 80 : index
      %get3A_743 = tpu.vector_load %arg6[%get3A_741, %get3A_742] {strides = array<i32>} : memref<5x128xf32, #tpu.memory_space<vmem>>, vector<1x16xf32>,
      %get3A_744 = vector.shape_cast %get3A_743 : vector<1x16xf32> to vector<16xf32>
      %swap3A_745 = arith.constant 1 : i32
      %swap3A_746 = arith.index_cast %swap3A_745 : i32 to index
      %swap3A_747 = arith.index_cast %scan3A_670 : i32 to index
      %swap3A_748 = arith.constant 80 : index
      %swap3A_749 = tpu.vector_load %arg7[%swap3A_746, %swap3A_747, %swap3A_748] {strides = array<i32>} : memref<2x128x128xf32, #tpu.memory_space<vmem>>, vector<1x1x16xf32>,
      %swap3A_750 = vector.shape_cast %swap3A_749 : vector<1x1x16xf32> to vector<16xf32>
      %swap3A_751 = vector.shape_cast %get3A_744 : vector<16xf32> to vector<1x1x16xf32>
      tpu.vector_store %arg7[%swap3A_746, %swap3A_747, %swap3A_748], %swap3A_751 {strides = array<i32>} : memref<2x128x128xf32, #tpu.memory_space<vmem>>, vector<1x1x16xf32>,
      %get3A_752 = arith.index_cast %select_n3A_685 : i32 to index
      %get3A_753 = arith.constant 96 : index
      %get3A_754 = tpu.vector_load %arg6[%get3A_752, %get3A_753] {strides = array<i32>} : memref<5x128xf32, #tpu.memory_space<vmem>>, vector<1x16xf32>,
      %get3A_755 = vector.shape_cast %get3A_754 : vector<1x16xf32> to vector<16xf32>
      %swap3A_756 = arith.constant 1 : i32
      %swap3A_757 = arith.index_cast %swap3A_756 : i32 to index
      %swap3A_758 = arith.index_cast %scan3A_670 : i32 to index
      %swap3A_759 = arith.constant 96 : index
      %swap3A_760 = tpu.vector_load %arg7[%swap3A_757, %swap3A_758, %swap3A_759] {strides = array<i32>} : memref<2x128x128xf32, #tpu.memory_space<vmem>>, vector<1x1x16xf32>,
      %swap3A_761 = vector.shape_cast %swap3A_760 : vector<1x1x16xf32> to vector<16xf32>
      %swap3A_762 = vector.shape_cast %get3A_755 : vector<16xf32> to vector<1x1x16xf32>
      tpu.vector_store %arg7[%swap3A_757, %swap3A_758, %swap3A_759], %swap3A_762 {strides = array<i32>} : memref<2x128x128xf32, #tpu.memory_space<vmem>>, vector<1x1x16xf32>,
      %get3A_763 = arith.index_cast %select_n3A_685 : i32 to index
      %get3A_764 = arith.constant 112 : index
      %get3A_765 = tpu.vector_load %arg6[%get3A_763, %get3A_764] {strides = array<i32>} : memref<5x128xf32, #tpu.memory_space<vmem>>, vector<1x16xf32>,
      %get3A_766 = vector.shape_cast %get3A_765 : vector<1x16xf32> to vector<16xf32>
      %swap3A_767 = arith.constant 1 : i32
      %swap3A_768 = arith.index_cast %swap3A_767 : i32 to index
      %swap3A_769 = arith.index_cast %scan3A_670 : i32 to index
      %swap3A_770 = arith.constant 112 : index
      %swap3A_771 = tpu.vector_load %arg7[%swap3A_768, %swap3A_769, %swap3A_770] {strides = array<i32>} : memref<2x128x128xf32, #tpu.memory_space<vmem>>, vector<1x1x16xf32>,
      %swap3A_772 = vector.shape_cast %swap3A_771 : vector<1x1x16xf32> to vector<16xf32>
      %swap3A_773 = vector.shape_cast %get3A_766 : vector<16xf32> to vector<1x1x16xf32>
      tpu.vector_store %arg7[%swap3A_768, %swap3A_769, %swap3A_770], %swap3A_773 {strides = array<i32>} : memref<2x128x128xf32, #tpu.memory_space<vmem>>, vector<1x1x16xf32>,
      %scan3A_774 = arith.constant 0 : i32
      %scan3A_775 = arith.constant 6 : i32
      %scan3A_776 = arith.addi %scan3A_148, %scan3A_775 : i32
      %add3A_777 = arith.constant 128 : i32
      %add3A_778 = arith.addi %add3A_777, %scan3A_776 : i32
      %get3A_779 = arith.index_cast %add3A_778 : i32 to index
      %get3A_780 = tpu.vector_load %arg5[%get3A_779] {strides = array<i32>} : memref<528xi32, #tpu.memory_space<vmem>>, vector<16xi32>,
      %get3A_781 = vector.shape_cast %get3A_780 : vector<16xi32> to vector<16xi32>
      %slice3A_782 = vector.extract_strided_slice %get3A_781 {offsets = [0], sizes = [1], strides = [1]} : vector<16xi32> to vector<1xi32>
      %squeeze3A_783 = vector.extract %slice3A_782[0] : i32 from vector<1xi32>
      %lt3A_784 = arith.constant 0 : i32
      %lt3A_785 = arith.cmpi slt, %squeeze3A_783, %lt3A_784 : i32
      %max3A_786 = arith.constant 0 : i32
      %max3A_787 = arith.maxsi %squeeze3A_783, %max3A_786 : i32
      %min3A_788 = arith.constant 3 : i32
      %min3A_789 = arith.minsi %max3A_787, %min3A_788 : i32
      %jit3A_790 = arith.constant 4 : i32
      %select_n3A_791 = arith.select %lt3A_785, %jit3A_790, %min3A_789 : i32
      %get3A_792 = arith.index_cast %select_n3A_791 : i32 to index
      %get3A_793 = arith.constant 0 : index
      %get3A_794 = tpu.vector_load %arg6[%get3A_792, %get3A_793] {strides = array<i32>} : memref<5x128xf32, #tpu.memory_space<vmem>>, vector<1x16xf32>,
      %get3A_795 = vector.shape_cast %get3A_794 : vector<1x16xf32> to vector<16xf32>
      %swap3A_796 = arith.constant 1 : i32
      %swap3A_797 = arith.index_cast %swap3A_796 : i32 to index
      %swap3A_798 = arith.index_cast %scan3A_776 : i32 to index
      %swap3A_799 = arith.constant 0 : index
      %swap3A_800 = tpu.vector_load %arg7[%swap3A_797, %swap3A_798, %swap3A_799] {strides = array<i32>} : memref<2x128x128xf32, #tpu.memory_space<vmem>>, vector<1x1x16xf32>,
      %swap3A_801 = vector.shape_cast %swap3A_800 : vector<1x1x16xf32> to vector<16xf32>
      %swap3A_802 = vector.shape_cast %get3A_795 : vector<16xf32> to vector<1x1x16xf32>
      tpu.vector_store %arg7[%swap3A_797, %swap3A_798, %swap3A_799], %swap3A_802 {strides = array<i32>} : memref<2x128x128xf32, #tpu.memory_space<vmem>>, vector<1x1x16xf32>,
      %get3A_803 = arith.index_cast %select_n3A_791 : i32 to index
      %get3A_804 = arith.constant 16 : index
      %get3A_805 = tpu.vector_load %arg6[%get3A_803, %get3A_804] {strides = array<i32>} : memref<5x128xf32, #tpu.memory_space<vmem>>, vector<1x16xf32>,
      %get3A_806 = vector.shape_cast %get3A_805 : vector<1x16xf32> to vector<16xf32>
      %swap3A_807 = arith.constant 1 : i32
      %swap3A_808 = arith.index_cast %swap3A_807 : i32 to index
      %swap3A_809 = arith.index_cast %scan3A_776 : i32 to index
      %swap3A_810 = arith.constant 16 : index
      %swap3A_811 = tpu.vector_load %arg7[%swap3A_808, %swap3A_809, %swap3A_810] {strides = array<i32>} : memref<2x128x128xf32, #tpu.memory_space<vmem>>, vector<1x1x16xf32>,
      %swap3A_812 = vector.shape_cast %swap3A_811 : vector<1x1x16xf32> to vector<16xf32>
      %swap3A_813 = vector.shape_cast %get3A_806 : vector<16xf32> to vector<1x1x16xf32>
      tpu.vector_store %arg7[%swap3A_808, %swap3A_809, %swap3A_810], %swap3A_813 {strides = array<i32>} : memref<2x128x128xf32, #tpu.memory_space<vmem>>, vector<1x1x16xf32>,
      %get3A_814 = arith.index_cast %select_n3A_791 : i32 to index
      %get3A_815 = arith.constant 32 : index
      %get3A_816 = tpu.vector_load %arg6[%get3A_814, %get3A_815] {strides = array<i32>} : memref<5x128xf32, #tpu.memory_space<vmem>>, vector<1x16xf32>,
      %get3A_817 = vector.shape_cast %get3A_816 : vector<1x16xf32> to vector<16xf32>
      %swap3A_818 = arith.constant 1 : i32
      %swap3A_819 = arith.index_cast %swap3A_818 : i32 to index
      %swap3A_820 = arith.index_cast %scan3A_776 : i32 to index
      %swap3A_821 = arith.constant 32 : index
      %swap3A_822 = tpu.vector_load %arg7[%swap3A_819, %swap3A_820, %swap3A_821] {strides = array<i32>} : memref<2x128x128xf32, #tpu.memory_space<vmem>>, vector<1x1x16xf32>,
      %swap3A_823 = vector.shape_cast %swap3A_822 : vector<1x1x16xf32> to vector<16xf32>
      %swap3A_824 = vector.shape_cast %get3A_817 : vector<16xf32> to vector<1x1x16xf32>
      tpu.vector_store %arg7[%swap3A_819, %swap3A_820, %swap3A_821], %swap3A_824 {strides = array<i32>} : memref<2x128x128xf32, #tpu.memory_space<vmem>>, vector<1x1x16xf32>,
      %get3A_825 = arith.index_cast %select_n3A_791 : i32 to index
      %get3A_826 = arith.constant 48 : index
      %get3A_827 = tpu.vector_load %arg6[%get3A_825, %get3A_826] {strides = array<i32>} : memref<5x128xf32, #tpu.memory_space<vmem>>, vector<1x16xf32>,
      %get3A_828 = vector.shape_cast %get3A_827 : vector<1x16xf32> to vector<16xf32>
      %swap3A_829 = arith.constant 1 : i32
      %swap3A_830 = arith.index_cast %swap3A_829 : i32 to index
      %swap3A_831 = arith.index_cast %scan3A_776 : i32 to index
      %swap3A_832 = arith.constant 48 : index
      %swap3A_833 = tpu.vector_load %arg7[%swap3A_830, %swap3A_831, %swap3A_832] {strides = array<i32>} : memref<2x128x128xf32, #tpu.memory_space<vmem>>, vector<1x1x16xf32>,
      %swap3A_834 = vector.shape_cast %swap3A_833 : vector<1x1x16xf32> to vector<16xf32>
      %swap3A_835 = vector.shape_cast %get3A_828 : vector<16xf32> to vector<1x1x16xf32>
      tpu.vector_store %arg7[%swap3A_830, %swap3A_831, %swap3A_832], %swap3A_835 {strides = array<i32>} : memref<2x128x128xf32, #tpu.memory_space<vmem>>, vector<1x1x16xf32>,
      %get3A_836 = arith.index_cast %select_n3A_791 : i32 to index
      %get3A_837 = arith.constant 64 : index
      %get3A_838 = tpu.vector_load %arg6[%get3A_836, %get3A_837] {strides = array<i32>} : memref<5x128xf32, #tpu.memory_space<vmem>>, vector<1x16xf32>,
      %get3A_839 = vector.shape_cast %get3A_838 : vector<1x16xf32> to vector<16xf32>
      %swap3A_840 = arith.constant 1 : i32
      %swap3A_841 = arith.index_cast %swap3A_840 : i32 to index
      %swap3A_842 = arith.index_cast %scan3A_776 : i32 to index
      %swap3A_843 = arith.constant 64 : index
      %swap3A_844 = tpu.vector_load %arg7[%swap3A_841, %swap3A_842, %swap3A_843] {strides = array<i32>} : memref<2x128x128xf32, #tpu.memory_space<vmem>>, vector<1x1x16xf32>,
      %swap3A_845 = vector.shape_cast %swap3A_844 : vector<1x1x16xf32> to vector<16xf32>
      %swap3A_846 = vector.shape_cast %get3A_839 : vector<16xf32> to vector<1x1x16xf32>
      tpu.vector_store %arg7[%swap3A_841, %swap3A_842, %swap3A_843], %swap3A_846 {strides = array<i32>} : memref<2x128x128xf32, #tpu.memory_space<vmem>>, vector<1x1x16xf32>,
      %get3A_847 = arith.index_cast %select_n3A_791 : i32 to index
      %get3A_848 = arith.constant 80 : index
      %get3A_849 = tpu.vector_load %arg6[%get3A_847, %get3A_848] {strides = array<i32>} : memref<5x128xf32, #tpu.memory_space<vmem>>, vector<1x16xf32>,
      %get3A_850 = vector.shape_cast %get3A_849 : vector<1x16xf32> to vector<16xf32>
      %swap3A_851 = arith.constant 1 : i32
      %swap3A_852 = arith.index_cast %swap3A_851 : i32 to index
      %swap3A_853 = arith.index_cast %scan3A_776 : i32 to index
      %swap3A_854 = arith.constant 80 : index
      %swap3A_855 = tpu.vector_load %arg7[%swap3A_852, %swap3A_853, %swap3A_854] {strides = array<i32>} : memref<2x128x128xf32, #tpu.memory_space<vmem>>, vector<1x1x16xf32>,
      %swap3A_856 = vector.shape_cast %swap3A_855 : vector<1x1x16xf32> to vector<16xf32>
      %swap3A_857 = vector.shape_cast %get3A_850 : vector<16xf32> to vector<1x1x16xf32>
      tpu.vector_store %arg7[%swap3A_852, %swap3A_853, %swap3A_854], %swap3A_857 {strides = array<i32>} : memref<2x128x128xf32, #tpu.memory_space<vmem>>, vector<1x1x16xf32>,
      %get3A_858 = arith.index_cast %select_n3A_791 : i32 to index
      %get3A_859 = arith.constant 96 : index
      %get3A_860 = tpu.vector_load %arg6[%get3A_858, %get3A_859] {strides = array<i32>} : memref<5x128xf32, #tpu.memory_space<vmem>>, vector<1x16xf32>,
      %get3A_861 = vector.shape_cast %get3A_860 : vector<1x16xf32> to vector<16xf32>
      %swap3A_862 = arith.constant 1 : i32
      %swap3A_863 = arith.index_cast %swap3A_862 : i32 to index
      %swap3A_864 = arith.index_cast %scan3A_776 : i32 to index
      %swap3A_865 = arith.constant 96 : index
      %swap3A_866 = tpu.vector_load %arg7[%swap3A_863, %swap3A_864, %swap3A_865] {strides = array<i32>} : memref<2x128x128xf32, #tpu.memory_space<vmem>>, vector<1x1x16xf32>,
      %swap3A_867 = vector.shape_cast %swap3A_866 : vector<1x1x16xf32> to vector<16xf32>
      %swap3A_868 = vector.shape_cast %get3A_861 : vector<16xf32> to vector<1x1x16xf32>
      tpu.vector_store %arg7[%swap3A_863, %swap3A_864, %swap3A_865], %swap3A_868 {strides = array<i32>} : memref<2x128x128xf32, #tpu.memory_space<vmem>>, vector<1x1x16xf32>,
      %get3A_869 = arith.index_cast %select_n3A_791 : i32 to index
      %get3A_870 = arith.constant 112 : index
      %get3A_871 = tpu.vector_load %arg6[%get3A_869, %get3A_870] {strides = array<i32>} : memref<5x128xf32, #tpu.memory_space<vmem>>, vector<1x16xf32>,
      %get3A_872 = vector.shape_cast %get3A_871 : vector<1x16xf32> to vector<16xf32>
      %swap3A_873 = arith.constant 1 : i32
      %swap3A_874 = arith.index_cast %swap3A_873 : i32 to index
      %swap3A_875 = arith.index_cast %scan3A_776 : i32 to index
      %swap3A_876 = arith.constant 112 : index
      %swap3A_877 = tpu.vector_load %arg7[%swap3A_874, %swap3A_875, %swap3A_876] {strides = array<i32>} : memref<2x128x128xf32, #tpu.memory_space<vmem>>, vector<1x1x16xf32>,
      %swap3A_878 = vector.shape_cast %swap3A_877 : vector<1x1x16xf32> to vector<16xf32>
      %swap3A_879 = vector.shape_cast %get3A_872 : vector<16xf32> to vector<1x1x16xf32>
      tpu.vector_store %arg7[%swap3A_874, %swap3A_875, %swap3A_876], %swap3A_879 {strides = array<i32>} : memref<2x128x128xf32, #tpu.memory_space<vmem>>, vector<1x1x16xf32>,
      %scan3A_880 = arith.constant 0 : i32
      %scan3A_881 = arith.constant 7 : i32
      %scan3A_882 = arith.addi %scan3A_148, %scan3A_881 : i32
      %add3A_883 = arith.constant 128 : i32
      %add3A_884 = arith.addi %add3A_883, %scan3A_882 : i32
      %get3A_885 = arith.index_cast %add3A_884 : i32 to index
      %get3A_886 = tpu.vector_load %arg5[%get3A_885] {strides = array<i32>} : memref<528xi32, #tpu.memory_space<vmem>>, vector<16xi32>,
      %get3A_887 = vector.shape_cast %get3A_886 : vector<16xi32> to vector<16xi32>
      %slice3A_888 = vector.extract_strided_slice %get3A_887 {offsets = [0], sizes = [1], strides = [1]} : vector<16xi32> to vector<1xi32>
      %squeeze3A_889 = vector.extract %slice3A_888[0] : i32 from vector<1xi32>
      %lt3A_890 = arith.constant 0 : i32
      %lt3A_891 = arith.cmpi slt, %squeeze3A_889, %lt3A_890 : i32
      %max3A_892 = arith.constant 0 : i32
      %max3A_893 = arith.maxsi %squeeze3A_889, %max3A_892 : i32
      %min3A_894 = arith.constant 3 : i32
      %min3A_895 = arith.minsi %max3A_893, %min3A_894 : i32
      %jit3A_896 = arith.constant 4 : i32
      %select_n3A_897 = arith.select %lt3A_891, %jit3A_896, %min3A_895 : i32
      %get3A_898 = arith.index_cast %select_n3A_897 : i32 to index
      %get3A_899 = arith.constant 0 : index
      %get3A_900 = tpu.vector_load %arg6[%get3A_898, %get3A_899] {strides = array<i32>} : memref<5x128xf32, #tpu.memory_space<vmem>>, vector<1x16xf32>,
      %get3A_901 = vector.shape_cast %get3A_900 : vector<1x16xf32> to vector<16xf32>
      %swap3A_902 = arith.constant 1 : i32
      %swap3A_903 = arith.index_cast %swap3A_902 : i32 to index
      %swap3A_904 = arith.index_cast %scan3A_882 : i32 to index
      %swap3A_905 = arith.constant 0 : index
      %swap3A_906 = tpu.vector_load %arg7[%swap3A_903, %swap3A_904, %swap3A_905] {strides = array<i32>} : memref<2x128x128xf32, #tpu.memory_space<vmem>>, vector<1x1x16xf32>,
      %swap3A_907 = vector.shape_cast %swap3A_906 : vector<1x1x16xf32> to vector<16xf32>
      %swap3A_908 = vector.shape_cast %get3A_901 : vector<16xf32> to vector<1x1x16xf32>
      tpu.vector_store %arg7[%swap3A_903, %swap3A_904, %swap3A_905], %swap3A_908 {strides = array<i32>} : memref<2x128x128xf32, #tpu.memory_space<vmem>>, vector<1x1x16xf32>,
      %get3A_909 = arith.index_cast %select_n3A_897 : i32 to index
      %get3A_910 = arith.constant 16 : index
      %get3A_911 = tpu.vector_load %arg6[%get3A_909, %get3A_910] {strides = array<i32>} : memref<5x128xf32, #tpu.memory_space<vmem>>, vector<1x16xf32>,
      %get3A_912 = vector.shape_cast %get3A_911 : vector<1x16xf32> to vector<16xf32>
      %swap3A_913 = arith.constant 1 : i32
      %swap3A_914 = arith.index_cast %swap3A_913 : i32 to index
      %swap3A_915 = arith.index_cast %scan3A_882 : i32 to index
      %swap3A_916 = arith.constant 16 : index
      %swap3A_917 = tpu.vector_load %arg7[%swap3A_914, %swap3A_915, %swap3A_916] {strides = array<i32>} : memref<2x128x128xf32, #tpu.memory_space<vmem>>, vector<1x1x16xf32>,
      %swap3A_918 = vector.shape_cast %swap3A_917 : vector<1x1x16xf32> to vector<16xf32>
      %swap3A_919 = vector.shape_cast %get3A_912 : vector<16xf32> to vector<1x1x16xf32>
      tpu.vector_store %arg7[%swap3A_914, %swap3A_915, %swap3A_916], %swap3A_919 {strides = array<i32>} : memref<2x128x128xf32, #tpu.memory_space<vmem>>, vector<1x1x16xf32>,
      %get3A_920 = arith.index_cast %select_n3A_897 : i32 to index
      %get3A_921 = arith.constant 32 : index
      %get3A_922 = tpu.vector_load %arg6[%get3A_920, %get3A_921] {strides = array<i32>} : memref<5x128xf32, #tpu.memory_space<vmem>>, vector<1x16xf32>,
      %get3A_923 = vector.shape_cast %get3A_922 : vector<1x16xf32> to vector<16xf32>
      %swap3A_924 = arith.constant 1 : i32
      %swap3A_925 = arith.index_cast %swap3A_924 : i32 to index
      %swap3A_926 = arith.index_cast %scan3A_882 : i32 to index
      %swap3A_927 = arith.constant 32 : index
      %swap3A_928 = tpu.vector_load %arg7[%swap3A_925, %swap3A_926, %swap3A_927] {strides = array<i32>} : memref<2x128x128xf32, #tpu.memory_space<vmem>>, vector<1x1x16xf32>,
      %swap3A_929 = vector.shape_cast %swap3A_928 : vector<1x1x16xf32> to vector<16xf32>
      %swap3A_930 = vector.shape_cast %get3A_923 : vector<16xf32> to vector<1x1x16xf32>
      tpu.vector_store %arg7[%swap3A_925, %swap3A_926, %swap3A_927], %swap3A_930 {strides = array<i32>} : memref<2x128x128xf32, #tpu.memory_space<vmem>>, vector<1x1x16xf32>,
      %get3A_931 = arith.index_cast %select_n3A_897 : i32 to index
      %get3A_932 = arith.constant 48 : index
      %get3A_933 = tpu.vector_load %arg6[%get3A_931, %get3A_932] {strides = array<i32>} : memref<5x128xf32, #tpu.memory_space<vmem>>, vector<1x16xf32>,
      %get3A_934 = vector.shape_cast %get3A_933 : vector<1x16xf32> to vector<16xf32>
      %swap3A_935 = arith.constant 1 : i32
      %swap3A_936 = arith.index_cast %swap3A_935 : i32 to index
      %swap3A_937 = arith.index_cast %scan3A_882 : i32 to index
      %swap3A_938 = arith.constant 48 : index
      %swap3A_939 = tpu.vector_load %arg7[%swap3A_936, %swap3A_937, %swap3A_938] {strides = array<i32>} : memref<2x128x128xf32, #tpu.memory_space<vmem>>, vector<1x1x16xf32>,
      %swap3A_940 = vector.shape_cast %swap3A_939 : vector<1x1x16xf32> to vector<16xf32>
      %swap3A_941 = vector.shape_cast %get3A_934 : vector<16xf32> to vector<1x1x16xf32>
      tpu.vector_store %arg7[%swap3A_936, %swap3A_937, %swap3A_938], %swap3A_941 {strides = array<i32>} : memref<2x128x128xf32, #tpu.memory_space<vmem>>, vector<1x1x16xf32>,
      %get3A_942 = arith.index_cast %select_n3A_897 : i32 to index
      %get3A_943 = arith.constant 64 : index
      %get3A_944 = tpu.vector_load %arg6[%get3A_942, %get3A_943] {strides = array<i32>} : memref<5x128xf32, #tpu.memory_space<vmem>>, vector<1x16xf32>,
      %get3A_945 = vector.shape_cast %get3A_944 : vector<1x16xf32> to vector<16xf32>
      %swap3A_946 = arith.constant 1 : i32
      %swap3A_947 = arith.index_cast %swap3A_946 : i32 to index
      %swap3A_948 = arith.index_cast %scan3A_882 : i32 to index
      %swap3A_949 = arith.constant 64 : index
      %swap3A_950 = tpu.vector_load %arg7[%swap3A_947, %swap3A_948, %swap3A_949] {strides = array<i32>} : memref<2x128x128xf32, #tpu.memory_space<vmem>>, vector<1x1x16xf32>,
      %swap3A_951 = vector.shape_cast %swap3A_950 : vector<1x1x16xf32> to vector<16xf32>
      %swap3A_952 = vector.shape_cast %get3A_945 : vector<16xf32> to vector<1x1x16xf32>
      tpu.vector_store %arg7[%swap3A_947, %swap3A_948, %swap3A_949], %swap3A_952 {strides = array<i32>} : memref<2x128x128xf32, #tpu.memory_space<vmem>>, vector<1x1x16xf32>,
      %get3A_953 = arith.index_cast %select_n3A_897 : i32 to index
      %get3A_954 = arith.constant 80 : index
      %get3A_955 = tpu.vector_load %arg6[%get3A_953, %get3A_954] {strides = array<i32>} : memref<5x128xf32, #tpu.memory_space<vmem>>, vector<1x16xf32>,
      %get3A_956 = vector.shape_cast %get3A_955 : vector<1x16xf32> to vector<16xf32>
      %swap3A_957 = arith.constant 1 : i32
      %swap3A_958 = arith.index_cast %swap3A_957 : i32 to index
      %swap3A_959 = arith.index_cast %scan3A_882 : i32 to index
      %swap3A_960 = arith.constant 80 : index
      %swap3A_961 = tpu.vector_load %arg7[%swap3A_958, %swap3A_959, %swap3A_960] {strides = array<i32>} : memref<2x128x128xf32, #tpu.memory_space<vmem>>, vector<1x1x16xf32>,
      %swap3A_962 = vector.shape_cast %swap3A_961 : vector<1x1x16xf32> to vector<16xf32>
      %swap3A_963 = vector.shape_cast %get3A_956 : vector<16xf32> to vector<1x1x16xf32>
      tpu.vector_store %arg7[%swap3A_958, %swap3A_959, %swap3A_960], %swap3A_963 {strides = array<i32>} : memref<2x128x128xf32, #tpu.memory_space<vmem>>, vector<1x1x16xf32>,
      %get3A_964 = arith.index_cast %select_n3A_897 : i32 to index
      %get3A_965 = arith.constant 96 : index
      %get3A_966 = tpu.vector_load %arg6[%get3A_964, %get3A_965] {strides = array<i32>} : memref<5x128xf32, #tpu.memory_space<vmem>>, vector<1x16xf32>,
      %get3A_967 = vector.shape_cast %get3A_966 : vector<1x16xf32> to vector<16xf32>
      %swap3A_968 = arith.constant 1 : i32
      %swap3A_969 = arith.index_cast %swap3A_968 : i32 to index
      %swap3A_970 = arith.index_cast %scan3A_882 : i32 to index
      %swap3A_971 = arith.constant 96 : index
      %swap3A_972 = tpu.vector_load %arg7[%swap3A_969, %swap3A_970, %swap3A_971] {strides = array<i32>} : memref<2x128x128xf32, #tpu.memory_space<vmem>>, vector<1x1x16xf32>,
      %swap3A_973 = vector.shape_cast %swap3A_972 : vector<1x1x16xf32> to vector<16xf32>
      %swap3A_974 = vector.shape_cast %get3A_967 : vector<16xf32> to vector<1x1x16xf32>
      tpu.vector_store %arg7[%swap3A_969, %swap3A_970, %swap3A_971], %swap3A_974 {strides = array<i32>} : memref<2x128x128xf32, #tpu.memory_space<vmem>>, vector<1x1x16xf32>,
      %get3A_975 = arith.index_cast %select_n3A_897 : i32 to index
      %get3A_976 = arith.constant 112 : index
      %get3A_977 = tpu.vector_load %arg6[%get3A_975, %get3A_976] {strides = array<i32>} : memref<5x128xf32, #tpu.memory_space<vmem>>, vector<1x16xf32>,
      %get3A_978 = vector.shape_cast %get3A_977 : vector<1x16xf32> to vector<16xf32>
      %swap3A_979 = arith.constant 1 : i32
      %swap3A_980 = arith.index_cast %swap3A_979 : i32 to index
      %swap3A_981 = arith.index_cast %scan3A_882 : i32 to index
      %swap3A_982 = arith.constant 112 : index
      %swap3A_983 = tpu.vector_load %arg7[%swap3A_980, %swap3A_981, %swap3A_982] {strides = array<i32>} : memref<2x128x128xf32, #tpu.memory_space<vmem>>, vector<1x1x16xf32>,
      %swap3A_984 = vector.shape_cast %swap3A_983 : vector<1x1x16xf32> to vector<16xf32>
      %swap3A_985 = vector.shape_cast %get3A_978 : vector<16xf32> to vector<1x1x16xf32>
      tpu.vector_store %arg7[%swap3A_980, %swap3A_981, %swap3A_982], %swap3A_985 {strides = array<i32>} : memref<2x128x128xf32, #tpu.memory_space<vmem>>, vector<1x1x16xf32>,
      %scan3A_986 = arith.constant 0 : i32
      scf.yield %scan3A_986 : i32
    }
    %scan3A_29 = arith.constant 128 : i32
    %add3A_30 = arith.constant 128 : i32
    %add3A_31 = arith.addi %mul3A_2, %add3A_30 : i32
    %dma_start3A_32 = arith.constant 1 : i32
    %dma_start3A_33 = arith.constant 0 : i32
    %dma_start3A_34 = arith.constant 0 : i32
    %dma_start3A_35 = tpu.memref_slice %arg7[%dma_start3A_32, %dma_start3A_33, %dma_start3A_34] : memref<2x128x128xf32, #tpu.memory_space<vmem>> -> memref<1x128x128xf32, #tpu.memory_space<vmem>>
    %dma_start3A_36 = tpu.memref_squeeze %dma_start3A_35 : memref<1x128x128xf32, #tpu.memory_space<vmem>> -> memref<128x128xf32, #tpu.memory_space<vmem>>
    %dma_start3A_37 = arith.constant 0 : i32
    %dma_start3A_38 = tpu.memref_slice %arg4[%add3A_31, %dma_start3A_37] : memref<16384x128xf32, #tpu.memory_space<hbm>> -> memref<128x128xf32, #tpu.memory_space<hbm>>
    %dma_start3A_39 = arith.constant 0 : i32
    %dma_start3A_40 = tpu.memref_slice %arg4[%add3A_31, %dma_start3A_39] : memref<16384x128xf32, #tpu.memory_space<hbm>> -> memref<128x128xf32, #tpu.memory_space<hbm>>
    %dma_start3A_41 = arith.constant 0 : i32
    %dma_start3A_42 = arith.constant 0 : i32
    %dma_start3A_43 = tpu.memref_slice %arg7[%dma_start3A_32, %dma_start3A_41, %dma_start3A_42] : memref<2x128x128xf32, #tpu.memory_space<vmem>> -> memref<1x128x128xf32, #tpu.memory_space<vmem>>
    %dma_start3A_44 = tpu.memref_squeeze %dma_start3A_43 : memref<1x128x128xf32, #tpu.memory_space<vmem>> -> memref<128x128xf32, #tpu.memory_space<vmem>>
    tpu.enqueue_dma source(%dma_start3A_44 : memref<128x128xf32, #tpu.memory_space<vmem>>) target(%dma_start3A_40 : memref<128x128xf32, #tpu.memory_space<hbm>>) target_semaphore(%arg9 : memref<!tpu.dma_semaphore, #tpu.memory_space<semaphore_mem>>)
    %add3A_45 = arith.constant 0 : i32
    %add3A_46 = arith.addi %mul3A_2, %add3A_45 : i32
    %dma_wait3A = arith.constant 0 : i32
    %dma_wait3A_47 = arith.constant 0 : i32
    %dma_wait3A_48 = arith.constant 0 : i32
    %dma_wait3A_49 = tpu.memref_slice %arg7[%dma_wait3A, %dma_wait3A_47, %dma_wait3A_48] : memref<2x128x128xf32, #tpu.memory_space<vmem>> -> memref<1x128x128xf32, #tpu.memory_space<vmem>>
    %dma_wait3A_50 = tpu.memref_squeeze %dma_wait3A_49 : memref<1x128x128xf32, #tpu.memory_space<vmem>> -> memref<128x128xf32, #tpu.memory_space<vmem>>
    %dma_wait3A_51 = arith.constant 0 : i32
    %dma_wait3A_52 = tpu.memref_slice %arg4[%add3A_46, %dma_wait3A_51] : memref<16384x128xf32, #tpu.memory_space<hbm>> -> memref<128x128xf32, #tpu.memory_space<hbm>>
    %dma_wait3A_53 = arith.constant 0 : i32
    %dma_wait3A_54 = tpu.memref_slice %arg4[%add3A_46, %dma_wait3A_53] : memref<16384x128xf32, #tpu.memory_space<hbm>> -> memref<128x128xf32, #tpu.memory_space<hbm>>
    %dma_wait3A_55 = arith.constant 0 : i32
    %dma_wait3A_56 = arith.constant 0 : i32
    %dma_wait3A_57 = tpu.memref_slice %arg7[%dma_wait3A, %dma_wait3A_55, %dma_wait3A_56] : memref<2x128x128xf32, #tpu.memory_space<vmem>> -> memref<1x128x128xf32, #tpu.memory_space<vmem>>
    %dma_wait3A_58 = tpu.memref_squeeze %dma_wait3A_57 : memref<1x128x128xf32, #tpu.memory_space<vmem>> -> memref<128x128xf32, #tpu.memory_space<vmem>>
    tpu.wait_dma2 semaphore(%arg8 : memref<!tpu.dma_semaphore, #tpu.memory_space<semaphore_mem>>) src(%dma_wait3A_58 : memref<128x128xf32, #tpu.memory_space<vmem>>) dst(%dma_wait3A_54 : memref<128x128xf32, #tpu.memory_space<hbm>>)
    %scan3A_59 = arith.constant 0 : i32
    %scan3A_60 = arith.constant 0 : i32
    %scan3A_61 = arith.constant 128 : i32
    %scan3A_62 = arith.addi %scan3A_60, %scan3A_61 : i32
    %scan3A_63 = arith.constant 8 : i32
    %scan3A_64 = scf.for %scan3A_148 = %scan3A_60 to %scan3A_62 step %scan3A_63 iter_args(%scan3A_149 = %scan3A_59) -> (i32)  : i32 {
      %add3A_150 = arith.constant 256 : i32
      %add3A_151 = arith.addi %add3A_150, %scan3A_148 : i32
      %get3A = arith.index_cast %add3A_151 : i32 to index
      %get3A_152 = tpu.vector_load %arg5[%get3A] {strides = array<i32>} : memref<528xi32, #tpu.memory_space<vmem>>, vector<16xi32>,
      %get3A_153 = vector.shape_cast %get3A_152 : vector<16xi32> to vector<16xi32>
      %slice3A = vector.extract_strided_slice %get3A_153 {offsets = [0], sizes = [1], strides = [1]} : vector<16xi32> to vector<1xi32>
      %squeeze3A = vector.extract %slice3A[0] : i32 from vector<1xi32>
      %lt3A = arith.constant 0 : i32
      %lt3A_154 = arith.cmpi slt, %squeeze3A, %lt3A : i32
      %max3A = arith.constant 0 : i32
      %max3A_155 = arith.maxsi %squeeze3A, %max3A : i32
      %min3A = arith.constant 3 : i32
      %min3A_156 = arith.minsi %max3A_155, %min3A : i32
      %jit3A = arith.constant 4 : i32
      %select_n3A = arith.select %lt3A_154, %jit3A, %min3A_156 : i32
      %get3A_157 = arith.index_cast %select_n3A : i32 to index
      %get3A_158 = arith.constant 0 : index
      %get3A_159 = tpu.vector_load %arg6[%get3A_157, %get3A_158] {strides = array<i32>} : memref<5x128xf32, #tpu.memory_space<vmem>>, vector<1x16xf32>,
      %get3A_160 = vector.shape_cast %get3A_159 : vector<1x16xf32> to vector<16xf32>
      %swap3A = arith.constant 0 : i32
      %swap3A_161 = arith.index_cast %swap3A : i32 to index
      %swap3A_162 = arith.index_cast %scan3A_148 : i32 to index
      %swap3A_163 = arith.constant 0 : index
      %swap3A_164 = tpu.vector_load %arg7[%swap3A_161, %swap3A_162, %swap3A_163] {strides = array<i32>} : memref<2x128x128xf32, #tpu.memory_space<vmem>>, vector<1x1x16xf32>,
      %swap3A_165 = vector.shape_cast %swap3A_164 : vector<1x1x16xf32> to vector<16xf32>
      %swap3A_166 = vector.shape_cast %get3A_160 : vector<16xf32> to vector<1x1x16xf32>
      tpu.vector_store %arg7[%swap3A_161, %swap3A_162, %swap3A_163], %swap3A_166 {strides = array<i32>} : memref<2x128x128xf32, #tpu.memory_space<vmem>>, vector<1x1x16xf32>,
      %get3A_167 = arith.index_cast %select_n3A : i32 to index
      %get3A_168 = arith.constant 16 : index
      %get3A_169 = tpu.vector_load %arg6[%get3A_167, %get3A_168] {strides = array<i32>} : memref<5x128xf32, #tpu.memory_space<vmem>>, vector<1x16xf32>,
      %get3A_170 = vector.shape_cast %get3A_169 : vector<1x16xf32> to vector<16xf32>
      %swap3A_171 = arith.constant 0 : i32
      %swap3A_172 = arith.index_cast %swap3A_171 : i32 to index
      %swap3A_173 = arith.index_cast %scan3A_148 : i32 to index
      %swap3A_174 = arith.constant 16 : index
      %swap3A_175 = tpu.vector_load %arg7[%swap3A_172, %swap3A_173, %swap3A_174] {strides = array<i32>} : memref<2x128x128xf32, #tpu.memory_space<vmem>>, vector<1x1x16xf32>,
      %swap3A_176 = vector.shape_cast %swap3A_175 : vector<1x1x16xf32> to vector<16xf32>
      %swap3A_177 = vector.shape_cast %get3A_170 : vector<16xf32> to vector<1x1x16xf32>
      tpu.vector_store %arg7[%swap3A_172, %swap3A_173, %swap3A_174], %swap3A_177 {strides = array<i32>} : memref<2x128x128xf32, #tpu.memory_space<vmem>>, vector<1x1x16xf32>,
      %get3A_178 = arith.index_cast %select_n3A : i32 to index
      %get3A_179 = arith.constant 32 : index
      %get3A_180 = tpu.vector_load %arg6[%get3A_178, %get3A_179] {strides = array<i32>} : memref<5x128xf32, #tpu.memory_space<vmem>>, vector<1x16xf32>,
      %get3A_181 = vector.shape_cast %get3A_180 : vector<1x16xf32> to vector<16xf32>
      %swap3A_182 = arith.constant 0 : i32
      %swap3A_183 = arith.index_cast %swap3A_182 : i32 to index
      %swap3A_184 = arith.index_cast %scan3A_148 : i32 to index
      %swap3A_185 = arith.constant 32 : index
      %swap3A_186 = tpu.vector_load %arg7[%swap3A_183, %swap3A_184, %swap3A_185] {strides = array<i32>} : memref<2x128x128xf32, #tpu.memory_space<vmem>>, vector<1x1x16xf32>,
      %swap3A_187 = vector.shape_cast %swap3A_186 : vector<1x1x16xf32> to vector<16xf32>
      %swap3A_188 = vector.shape_cast %get3A_181 : vector<16xf32> to vector<1x1x16xf32>
      tpu.vector_store %arg7[%swap3A_183, %swap3A_184, %swap3A_185], %swap3A_188 {strides = array<i32>} : memref<2x128x128xf32, #tpu.memory_space<vmem>>, vector<1x1x16xf32>,
      %get3A_189 = arith.index_cast %select_n3A : i32 to index
      %get3A_190 = arith.constant 48 : index
      %get3A_191 = tpu.vector_load %arg6[%get3A_189, %get3A_190] {strides = array<i32>} : memref<5x128xf32, #tpu.memory_space<vmem>>, vector<1x16xf32>,
      %get3A_192 = vector.shape_cast %get3A_191 : vector<1x16xf32> to vector<16xf32>
      %swap3A_193 = arith.constant 0 : i32
      %swap3A_194 = arith.index_cast %swap3A_193 : i32 to index
      %swap3A_195 = arith.index_cast %scan3A_148 : i32 to index
      %swap3A_196 = arith.constant 48 : index
      %swap3A_197 = tpu.vector_load %arg7[%swap3A_194, %swap3A_195, %swap3A_196] {strides = array<i32>} : memref<2x128x128xf32, #tpu.memory_space<vmem>>, vector<1x1x16xf32>,
      %swap3A_198 = vector.shape_cast %swap3A_197 : vector<1x1x16xf32> to vector<16xf32>
      %swap3A_199 = vector.shape_cast %get3A_192 : vector<16xf32> to vector<1x1x16xf32>
      tpu.vector_store %arg7[%swap3A_194, %swap3A_195, %swap3A_196], %swap3A_199 {strides = array<i32>} : memref<2x128x128xf32, #tpu.memory_space<vmem>>, vector<1x1x16xf32>,
      %get3A_200 = arith.index_cast %select_n3A : i32 to index
      %get3A_201 = arith.constant 64 : index
      %get3A_202 = tpu.vector_load %arg6[%get3A_200, %get3A_201] {strides = array<i32>} : memref<5x128xf32, #tpu.memory_space<vmem>>, vector<1x16xf32>,
      %get3A_203 = vector.shape_cast %get3A_202 : vector<1x16xf32> to vector<16xf32>
      %swap3A_204 = arith.constant 0 : i32
      %swap3A_205 = arith.index_cast %swap3A_204 : i32 to index
      %swap3A_206 = arith.index_cast %scan3A_148 : i32 to index
      %swap3A_207 = arith.constant 64 : index
      %swap3A_208 = tpu.vector_load %arg7[%swap3A_205, %swap3A_206, %swap3A_207] {strides = array<i32>} : memref<2x128x128xf32, #tpu.memory_space<vmem>>, vector<1x1x16xf32>,
      %swap3A_209 = vector.shape_cast %swap3A_208 : vector<1x1x16xf32> to vector<16xf32>
      %swap3A_210 = vector.shape_cast %get3A_203 : vector<16xf32> to vector<1x1x16xf32>
      tpu.vector_store %arg7[%swap3A_205, %swap3A_206, %swap3A_207], %swap3A_210 {strides = array<i32>} : memref<2x128x128xf32, #tpu.memory_space<vmem>>, vector<1x1x16xf32>,
      %get3A_211 = arith.index_cast %select_n3A : i32 to index
      %get3A_212 = arith.constant 80 : index
      %get3A_213 = tpu.vector_load %arg6[%get3A_211, %get3A_212] {strides = array<i32>} : memref<5x128xf32, #tpu.memory_space<vmem>>, vector<1x16xf32>,
      %get3A_214 = vector.shape_cast %get3A_213 : vector<1x16xf32> to vector<16xf32>
      %swap3A_215 = arith.constant 0 : i32
      %swap3A_216 = arith.index_cast %swap3A_215 : i32 to index
      %swap3A_217 = arith.index_cast %scan3A_148 : i32 to index
      %swap3A_218 = arith.constant 80 : index
      %swap3A_219 = tpu.vector_load %arg7[%swap3A_216, %swap3A_217, %swap3A_218] {strides = array<i32>} : memref<2x128x128xf32, #tpu.memory_space<vmem>>, vector<1x1x16xf32>,
      %swap3A_220 = vector.shape_cast %swap3A_219 : vector<1x1x16xf32> to vector<16xf32>
      %swap3A_221 = vector.shape_cast %get3A_214 : vector<16xf32> to vector<1x1x16xf32>
      tpu.vector_store %arg7[%swap3A_216, %swap3A_217, %swap3A_218], %swap3A_221 {strides = array<i32>} : memref<2x128x128xf32, #tpu.memory_space<vmem>>, vector<1x1x16xf32>,
      %get3A_222 = arith.index_cast %select_n3A : i32 to index
      %get3A_223 = arith.constant 96 : index
      %get3A_224 = tpu.vector_load %arg6[%get3A_222, %get3A_223] {strides = array<i32>} : memref<5x128xf32, #tpu.memory_space<vmem>>, vector<1x16xf32>,
      %get3A_225 = vector.shape_cast %get3A_224 : vector<1x16xf32> to vector<16xf32>
      %swap3A_226 = arith.constant 0 : i32
      %swap3A_227 = arith.index_cast %swap3A_226 : i32 to index
      %swap3A_228 = arith.index_cast %scan3A_148 : i32 to index
      %swap3A_229 = arith.constant 96 : index
      %swap3A_230 = tpu.vector_load %arg7[%swap3A_227, %swap3A_228, %swap3A_229] {strides = array<i32>} : memref<2x128x128xf32, #tpu.memory_space<vmem>>, vector<1x1x16xf32>,
      %swap3A_231 = vector.shape_cast %swap3A_230 : vector<1x1x16xf32> to vector<16xf32>
      %swap3A_232 = vector.shape_cast %get3A_225 : vector<16xf32> to vector<1x1x16xf32>
      tpu.vector_store %arg7[%swap3A_227, %swap3A_228, %swap3A_229], %swap3A_232 {strides = array<i32>} : memref<2x128x128xf32, #tpu.memory_space<vmem>>, vector<1x1x16xf32>,
      %get3A_233 = arith.index_cast %select_n3A : i32 to index
      %get3A_234 = arith.constant 112 : index
      %get3A_235 = tpu.vector_load %arg6[%get3A_233, %get3A_234] {strides = array<i32>} : memref<5x128xf32, #tpu.memory_space<vmem>>, vector<1x16xf32>,
      %get3A_236 = vector.shape_cast %get3A_235 : vector<1x16xf32> to vector<16xf32>
      %swap3A_237 = arith.constant 0 : i32
      %swap3A_238 = arith.index_cast %swap3A_237 : i32 to index
      %swap3A_239 = arith.index_cast %scan3A_148 : i32 to index
      %swap3A_240 = arith.constant 112 : index
      %swap3A_241 = tpu.vector_load %arg7[%swap3A_238, %swap3A_239, %swap3A_240] {strides = array<i32>} : memref<2x128x128xf32, #tpu.memory_space<vmem>>, vector<1x1x16xf32>,
      %swap3A_242 = vector.shape_cast %swap3A_241 : vector<1x1x16xf32> to vector<16xf32>
      %swap3A_243 = vector.shape_cast %get3A_236 : vector<16xf32> to vector<1x1x16xf32>
      tpu.vector_store %arg7[%swap3A_238, %swap3A_239, %swap3A_240], %swap3A_243 {strides = array<i32>} : memref<2x128x128xf32, #tpu.memory_space<vmem>>, vector<1x1x16xf32>,
      %scan3A_244 = arith.constant 0 : i32
      %scan3A_245 = arith.constant 1 : i32
      %scan3A_246 = arith.addi %scan3A_148, %scan3A_245 : i32
      %add3A_247 = arith.constant 256 : i32
      %add3A_248 = arith.addi %add3A_247, %scan3A_246 : i32
      %get3A_249 = arith.index_cast %add3A_248 : i32 to index
      %get3A_250 = tpu.vector_load %arg5[%get3A_249] {strides = array<i32>} : memref<528xi32, #tpu.memory_space<vmem>>, vector<16xi32>,
      %get3A_251 = vector.shape_cast %get3A_250 : vector<16xi32> to vector<16xi32>
      %slice3A_252 = vector.extract_strided_slice %get3A_251 {offsets = [0], sizes = [1], strides = [1]} : vector<16xi32> to vector<1xi32>
      %squeeze3A_253 = vector.extract %slice3A_252[0] : i32 from vector<1xi32>
      %lt3A_254 = arith.constant 0 : i32
      %lt3A_255 = arith.cmpi slt, %squeeze3A_253, %lt3A_254 : i32
      %max3A_256 = arith.constant 0 : i32
      %max3A_257 = arith.maxsi %squeeze3A_253, %max3A_256 : i32
      %min3A_258 = arith.constant 3 : i32
      %min3A_259 = arith.minsi %max3A_257, %min3A_258 : i32
      %jit3A_260 = arith.constant 4 : i32
      %select_n3A_261 = arith.select %lt3A_255, %jit3A_260, %min3A_259 : i32
      %get3A_262 = arith.index_cast %select_n3A_261 : i32 to index
      %get3A_263 = arith.constant 0 : index
      %get3A_264 = tpu.vector_load %arg6[%get3A_262, %get3A_263] {strides = array<i32>} : memref<5x128xf32, #tpu.memory_space<vmem>>, vector<1x16xf32>,
      %get3A_265 = vector.shape_cast %get3A_264 : vector<1x16xf32> to vector<16xf32>
      %swap3A_266 = arith.constant 0 : i32
      %swap3A_267 = arith.index_cast %swap3A_266 : i32 to index
      %swap3A_268 = arith.index_cast %scan3A_246 : i32 to index
      %swap3A_269 = arith.constant 0 : index
      %swap3A_270 = tpu.vector_load %arg7[%swap3A_267, %swap3A_268, %swap3A_269] {strides = array<i32>} : memref<2x128x128xf32, #tpu.memory_space<vmem>>, vector<1x1x16xf32>,
      %swap3A_271 = vector.shape_cast %swap3A_270 : vector<1x1x16xf32> to vector<16xf32>
      %swap3A_272 = vector.shape_cast %get3A_265 : vector<16xf32> to vector<1x1x16xf32>
      tpu.vector_store %arg7[%swap3A_267, %swap3A_268, %swap3A_269], %swap3A_272 {strides = array<i32>} : memref<2x128x128xf32, #tpu.memory_space<vmem>>, vector<1x1x16xf32>,
      %get3A_273 = arith.index_cast %select_n3A_261 : i32 to index
      %get3A_274 = arith.constant 16 : index
      %get3A_275 = tpu.vector_load %arg6[%get3A_273, %get3A_274] {strides = array<i32>} : memref<5x128xf32, #tpu.memory_space<vmem>>, vector<1x16xf32>,
      %get3A_276 = vector.shape_cast %get3A_275 : vector<1x16xf32> to vector<16xf32>
      %swap3A_277 = arith.constant 0 : i32
      %swap3A_278 = arith.index_cast %swap3A_277 : i32 to index
      %swap3A_279 = arith.index_cast %scan3A_246 : i32 to index
      %swap3A_280 = arith.constant 16 : index
      %swap3A_281 = tpu.vector_load %arg7[%swap3A_278, %swap3A_279, %swap3A_280] {strides = array<i32>} : memref<2x128x128xf32, #tpu.memory_space<vmem>>, vector<1x1x16xf32>,
      %swap3A_282 = vector.shape_cast %swap3A_281 : vector<1x1x16xf32> to vector<16xf32>
      %swap3A_283 = vector.shape_cast %get3A_276 : vector<16xf32> to vector<1x1x16xf32>
      tpu.vector_store %arg7[%swap3A_278, %swap3A_279, %swap3A_280], %swap3A_283 {strides = array<i32>} : memref<2x128x128xf32, #tpu.memory_space<vmem>>, vector<1x1x16xf32>,
      %get3A_284 = arith.index_cast %select_n3A_261 : i32 to index
      %get3A_285 = arith.constant 32 : index
      %get3A_286 = tpu.vector_load %arg6[%get3A_284, %get3A_285] {strides = array<i32>} : memref<5x128xf32, #tpu.memory_space<vmem>>, vector<1x16xf32>,
      %get3A_287 = vector.shape_cast %get3A_286 : vector<1x16xf32> to vector<16xf32>
      %swap3A_288 = arith.constant 0 : i32
      %swap3A_289 = arith.index_cast %swap3A_288 : i32 to index
      %swap3A_290 = arith.index_cast %scan3A_246 : i32 to index
      %swap3A_291 = arith.constant 32 : index
      %swap3A_292 = tpu.vector_load %arg7[%swap3A_289, %swap3A_290, %swap3A_291] {strides = array<i32>} : memref<2x128x128xf32, #tpu.memory_space<vmem>>, vector<1x1x16xf32>,
      %swap3A_293 = vector.shape_cast %swap3A_292 : vector<1x1x16xf32> to vector<16xf32>
      %swap3A_294 = vector.shape_cast %get3A_287 : vector<16xf32> to vector<1x1x16xf32>
      tpu.vector_store %arg7[%swap3A_289, %swap3A_290, %swap3A_291], %swap3A_294 {strides = array<i32>} : memref<2x128x128xf32, #tpu.memory_space<vmem>>, vector<1x1x16xf32>,
      %get3A_295 = arith.index_cast %select_n3A_261 : i32 to index
      %get3A_296 = arith.constant 48 : index
      %get3A_297 = tpu.vector_load %arg6[%get3A_295, %get3A_296] {strides = array<i32>} : memref<5x128xf32, #tpu.memory_space<vmem>>, vector<1x16xf32>,
      %get3A_298 = vector.shape_cast %get3A_297 : vector<1x16xf32> to vector<16xf32>
      %swap3A_299 = arith.constant 0 : i32
      %swap3A_300 = arith.index_cast %swap3A_299 : i32 to index
      %swap3A_301 = arith.index_cast %scan3A_246 : i32 to index
      %swap3A_302 = arith.constant 48 : index
      %swap3A_303 = tpu.vector_load %arg7[%swap3A_300, %swap3A_301, %swap3A_302] {strides = array<i32>} : memref<2x128x128xf32, #tpu.memory_space<vmem>>, vector<1x1x16xf32>,
      %swap3A_304 = vector.shape_cast %swap3A_303 : vector<1x1x16xf32> to vector<16xf32>
      %swap3A_305 = vector.shape_cast %get3A_298 : vector<16xf32> to vector<1x1x16xf32>
      tpu.vector_store %arg7[%swap3A_300, %swap3A_301, %swap3A_302], %swap3A_305 {strides = array<i32>} : memref<2x128x128xf32, #tpu.memory_space<vmem>>, vector<1x1x16xf32>,
      %get3A_306 = arith.index_cast %select_n3A_261 : i32 to index
      %get3A_307 = arith.constant 64 : index
      %get3A_308 = tpu.vector_load %arg6[%get3A_306, %get3A_307] {strides = array<i32>} : memref<5x128xf32, #tpu.memory_space<vmem>>, vector<1x16xf32>,
      %get3A_309 = vector.shape_cast %get3A_308 : vector<1x16xf32> to vector<16xf32>
      %swap3A_310 = arith.constant 0 : i32
      %swap3A_311 = arith.index_cast %swap3A_310 : i32 to index
      %swap3A_312 = arith.index_cast %scan3A_246 : i32 to index
      %swap3A_313 = arith.constant 64 : index
      %swap3A_314 = tpu.vector_load %arg7[%swap3A_311, %swap3A_312, %swap3A_313] {strides = array<i32>} : memref<2x128x128xf32, #tpu.memory_space<vmem>>, vector<1x1x16xf32>,
      %swap3A_315 = vector.shape_cast %swap3A_314 : vector<1x1x16xf32> to vector<16xf32>
      %swap3A_316 = vector.shape_cast %get3A_309 : vector<16xf32> to vector<1x1x16xf32>
      tpu.vector_store %arg7[%swap3A_311, %swap3A_312, %swap3A_313], %swap3A_316 {strides = array<i32>} : memref<2x128x128xf32, #tpu.memory_space<vmem>>, vector<1x1x16xf32>,
      %get3A_317 = arith.index_cast %select_n3A_261 : i32 to index
      %get3A_318 = arith.constant 80 : index
      %get3A_319 = tpu.vector_load %arg6[%get3A_317, %get3A_318] {strides = array<i32>} : memref<5x128xf32, #tpu.memory_space<vmem>>, vector<1x16xf32>,
      %get3A_320 = vector.shape_cast %get3A_319 : vector<1x16xf32> to vector<16xf32>
      %swap3A_321 = arith.constant 0 : i32
      %swap3A_322 = arith.index_cast %swap3A_321 : i32 to index
      %swap3A_323 = arith.index_cast %scan3A_246 : i32 to index
      %swap3A_324 = arith.constant 80 : index
      %swap3A_325 = tpu.vector_load %arg7[%swap3A_322, %swap3A_323, %swap3A_324] {strides = array<i32>} : memref<2x128x128xf32, #tpu.memory_space<vmem>>, vector<1x1x16xf32>,
      %swap3A_326 = vector.shape_cast %swap3A_325 : vector<1x1x16xf32> to vector<16xf32>
      %swap3A_327 = vector.shape_cast %get3A_320 : vector<16xf32> to vector<1x1x16xf32>
      tpu.vector_store %arg7[%swap3A_322, %swap3A_323, %swap3A_324], %swap3A_327 {strides = array<i32>} : memref<2x128x128xf32, #tpu.memory_space<vmem>>, vector<1x1x16xf32>,
      %get3A_328 = arith.index_cast %select_n3A_261 : i32 to index
      %get3A_329 = arith.constant 96 : index
      %get3A_330 = tpu.vector_load %arg6[%get3A_328, %get3A_329] {strides = array<i32>} : memref<5x128xf32, #tpu.memory_space<vmem>>, vector<1x16xf32>,
      %get3A_331 = vector.shape_cast %get3A_330 : vector<1x16xf32> to vector<16xf32>
      %swap3A_332 = arith.constant 0 : i32
      %swap3A_333 = arith.index_cast %swap3A_332 : i32 to index
      %swap3A_334 = arith.index_cast %scan3A_246 : i32 to index
      %swap3A_335 = arith.constant 96 : index
      %swap3A_336 = tpu.vector_load %arg7[%swap3A_333, %swap3A_334, %swap3A_335] {strides = array<i32>} : memref<2x128x128xf32, #tpu.memory_space<vmem>>, vector<1x1x16xf32>,
      %swap3A_337 = vector.shape_cast %swap3A_336 : vector<1x1x16xf32> to vector<16xf32>
      %swap3A_338 = vector.shape_cast %get3A_331 : vector<16xf32> to vector<1x1x16xf32>
      tpu.vector_store %arg7[%swap3A_333, %swap3A_334, %swap3A_335], %swap3A_338 {strides = array<i32>} : memref<2x128x128xf32, #tpu.memory_space<vmem>>, vector<1x1x16xf32>,
      %get3A_339 = arith.index_cast %select_n3A_261 : i32 to index
      %get3A_340 = arith.constant 112 : index
      %get3A_341 = tpu.vector_load %arg6[%get3A_339, %get3A_340] {strides = array<i32>} : memref<5x128xf32, #tpu.memory_space<vmem>>, vector<1x16xf32>,
      %get3A_342 = vector.shape_cast %get3A_341 : vector<1x16xf32> to vector<16xf32>
      %swap3A_343 = arith.constant 0 : i32
      %swap3A_344 = arith.index_cast %swap3A_343 : i32 to index
      %swap3A_345 = arith.index_cast %scan3A_246 : i32 to index
      %swap3A_346 = arith.constant 112 : index
      %swap3A_347 = tpu.vector_load %arg7[%swap3A_344, %swap3A_345, %swap3A_346] {strides = array<i32>} : memref<2x128x128xf32, #tpu.memory_space<vmem>>, vector<1x1x16xf32>,
      %swap3A_348 = vector.shape_cast %swap3A_347 : vector<1x1x16xf32> to vector<16xf32>
      %swap3A_349 = vector.shape_cast %get3A_342 : vector<16xf32> to vector<1x1x16xf32>
      tpu.vector_store %arg7[%swap3A_344, %swap3A_345, %swap3A_346], %swap3A_349 {strides = array<i32>} : memref<2x128x128xf32, #tpu.memory_space<vmem>>, vector<1x1x16xf32>,
      %scan3A_350 = arith.constant 0 : i32
      %scan3A_351 = arith.constant 2 : i32
      %scan3A_352 = arith.addi %scan3A_148, %scan3A_351 : i32
      %add3A_353 = arith.constant 256 : i32
      %add3A_354 = arith.addi %add3A_353, %scan3A_352 : i32
      %get3A_355 = arith.index_cast %add3A_354 : i32 to index
      %get3A_356 = tpu.vector_load %arg5[%get3A_355] {strides = array<i32>} : memref<528xi32, #tpu.memory_space<vmem>>, vector<16xi32>,
      %get3A_357 = vector.shape_cast %get3A_356 : vector<16xi32> to vector<16xi32>
      %slice3A_358 = vector.extract_strided_slice %get3A_357 {offsets = [0], sizes = [1], strides = [1]} : vector<16xi32> to vector<1xi32>
      %squeeze3A_359 = vector.extract %slice3A_358[0] : i32 from vector<1xi32>
      %lt3A_360 = arith.constant 0 : i32
      %lt3A_361 = arith.cmpi slt, %squeeze3A_359, %lt3A_360 : i32
      %max3A_362 = arith.constant 0 : i32
      %max3A_363 = arith.maxsi %squeeze3A_359, %max3A_362 : i32
      %min3A_364 = arith.constant 3 : i32
      %min3A_365 = arith.minsi %max3A_363, %min3A_364 : i32
      %jit3A_366 = arith.constant 4 : i32
      %select_n3A_367 = arith.select %lt3A_361, %jit3A_366, %min3A_365 : i32
      %get3A_368 = arith.index_cast %select_n3A_367 : i32 to index
      %get3A_369 = arith.constant 0 : index
      %get3A_370 = tpu.vector_load %arg6[%get3A_368, %get3A_369] {strides = array<i32>} : memref<5x128xf32, #tpu.memory_space<vmem>>, vector<1x16xf32>,
      %get3A_371 = vector.shape_cast %get3A_370 : vector<1x16xf32> to vector<16xf32>
      %swap3A_372 = arith.constant 0 : i32
      %swap3A_373 = arith.index_cast %swap3A_372 : i32 to index
      %swap3A_374 = arith.index_cast %scan3A_352 : i32 to index
      %swap3A_375 = arith.constant 0 : index
      %swap3A_376 = tpu.vector_load %arg7[%swap3A_373, %swap3A_374, %swap3A_375] {strides = array<i32>} : memref<2x128x128xf32, #tpu.memory_space<vmem>>, vector<1x1x16xf32>,
      %swap3A_377 = vector.shape_cast %swap3A_376 : vector<1x1x16xf32> to vector<16xf32>
      %swap3A_378 = vector.shape_cast %get3A_371 : vector<16xf32> to vector<1x1x16xf32>
      tpu.vector_store %arg7[%swap3A_373, %swap3A_374, %swap3A_375], %swap3A_378 {strides = array<i32>} : memref<2x128x128xf32, #tpu.memory_space<vmem>>, vector<1x1x16xf32>,
      %get3A_379 = arith.index_cast %select_n3A_367 : i32 to index
      %get3A_380 = arith.constant 16 : index
      %get3A_381 = tpu.vector_load %arg6[%get3A_379, %get3A_380] {strides = array<i32>} : memref<5x128xf32, #tpu.memory_space<vmem>>, vector<1x16xf32>,
      %get3A_382 = vector.shape_cast %get3A_381 : vector<1x16xf32> to vector<16xf32>
      %swap3A_383 = arith.constant 0 : i32
      %swap3A_384 = arith.index_cast %swap3A_383 : i32 to index
      %swap3A_385 = arith.index_cast %scan3A_352 : i32 to index
      %swap3A_386 = arith.constant 16 : index
      %swap3A_387 = tpu.vector_load %arg7[%swap3A_384, %swap3A_385, %swap3A_386] {strides = array<i32>} : memref<2x128x128xf32, #tpu.memory_space<vmem>>, vector<1x1x16xf32>,
      %swap3A_388 = vector.shape_cast %swap3A_387 : vector<1x1x16xf32> to vector<16xf32>
      %swap3A_389 = vector.shape_cast %get3A_382 : vector<16xf32> to vector<1x1x16xf32>
      tpu.vector_store %arg7[%swap3A_384, %swap3A_385, %swap3A_386], %swap3A_389 {strides = array<i32>} : memref<2x128x128xf32, #tpu.memory_space<vmem>>, vector<1x1x16xf32>,
      %get3A_390 = arith.index_cast %select_n3A_367 : i32 to index
      %get3A_391 = arith.constant 32 : index
      %get3A_392 = tpu.vector_load %arg6[%get3A_390, %get3A_391] {strides = array<i32>} : memref<5x128xf32, #tpu.memory_space<vmem>>, vector<1x16xf32>,
      %get3A_393 = vector.shape_cast %get3A_392 : vector<1x16xf32> to vector<16xf32>
      %swap3A_394 = arith.constant 0 : i32
      %swap3A_395 = arith.index_cast %swap3A_394 : i32 to index
      %swap3A_396 = arith.index_cast %scan3A_352 : i32 to index
      %swap3A_397 = arith.constant 32 : index
      %swap3A_398 = tpu.vector_load %arg7[%swap3A_395, %swap3A_396, %swap3A_397] {strides = array<i32>} : memref<2x128x128xf32, #tpu.memory_space<vmem>>, vector<1x1x16xf32>,
      %swap3A_399 = vector.shape_cast %swap3A_398 : vector<1x1x16xf32> to vector<16xf32>
      %swap3A_400 = vector.shape_cast %get3A_393 : vector<16xf32> to vector<1x1x16xf32>
      tpu.vector_store %arg7[%swap3A_395, %swap3A_396, %swap3A_397], %swap3A_400 {strides = array<i32>} : memref<2x128x128xf32, #tpu.memory_space<vmem>>, vector<1x1x16xf32>,
      %get3A_401 = arith.index_cast %select_n3A_367 : i32 to index
      %get3A_402 = arith.constant 48 : index
      %get3A_403 = tpu.vector_load %arg6[%get3A_401, %get3A_402] {strides = array<i32>} : memref<5x128xf32, #tpu.memory_space<vmem>>, vector<1x16xf32>,
      %get3A_404 = vector.shape_cast %get3A_403 : vector<1x16xf32> to vector<16xf32>
      %swap3A_405 = arith.constant 0 : i32
      %swap3A_406 = arith.index_cast %swap3A_405 : i32 to index
      %swap3A_407 = arith.index_cast %scan3A_352 : i32 to index
      %swap3A_408 = arith.constant 48 : index
      %swap3A_409 = tpu.vector_load %arg7[%swap3A_406, %swap3A_407, %swap3A_408] {strides = array<i32>} : memref<2x128x128xf32, #tpu.memory_space<vmem>>, vector<1x1x16xf32>,
      %swap3A_410 = vector.shape_cast %swap3A_409 : vector<1x1x16xf32> to vector<16xf32>
      %swap3A_411 = vector.shape_cast %get3A_404 : vector<16xf32> to vector<1x1x16xf32>
      tpu.vector_store %arg7[%swap3A_406, %swap3A_407, %swap3A_408], %swap3A_411 {strides = array<i32>} : memref<2x128x128xf32, #tpu.memory_space<vmem>>, vector<1x1x16xf32>,
      %get3A_412 = arith.index_cast %select_n3A_367 : i32 to index
      %get3A_413 = arith.constant 64 : index
      %get3A_414 = tpu.vector_load %arg6[%get3A_412, %get3A_413] {strides = array<i32>} : memref<5x128xf32, #tpu.memory_space<vmem>>, vector<1x16xf32>,
      %get3A_415 = vector.shape_cast %get3A_414 : vector<1x16xf32> to vector<16xf32>
      %swap3A_416 = arith.constant 0 : i32
      %swap3A_417 = arith.index_cast %swap3A_416 : i32 to index
      %swap3A_418 = arith.index_cast %scan3A_352 : i32 to index
      %swap3A_419 = arith.constant 64 : index
      %swap3A_420 = tpu.vector_load %arg7[%swap3A_417, %swap3A_418, %swap3A_419] {strides = array<i32>} : memref<2x128x128xf32, #tpu.memory_space<vmem>>, vector<1x1x16xf32>,
      %swap3A_421 = vector.shape_cast %swap3A_420 : vector<1x1x16xf32> to vector<16xf32>
      %swap3A_422 = vector.shape_cast %get3A_415 : vector<16xf32> to vector<1x1x16xf32>
      tpu.vector_store %arg7[%swap3A_417, %swap3A_418, %swap3A_419], %swap3A_422 {strides = array<i32>} : memref<2x128x128xf32, #tpu.memory_space<vmem>>, vector<1x1x16xf32>,
      %get3A_423 = arith.index_cast %select_n3A_367 : i32 to index
      %get3A_424 = arith.constant 80 : index
      %get3A_425 = tpu.vector_load %arg6[%get3A_423, %get3A_424] {strides = array<i32>} : memref<5x128xf32, #tpu.memory_space<vmem>>, vector<1x16xf32>,
      %get3A_426 = vector.shape_cast %get3A_425 : vector<1x16xf32> to vector<16xf32>
      %swap3A_427 = arith.constant 0 : i32
      %swap3A_428 = arith.index_cast %swap3A_427 : i32 to index
      %swap3A_429 = arith.index_cast %scan3A_352 : i32 to index
      %swap3A_430 = arith.constant 80 : index
      %swap3A_431 = tpu.vector_load %arg7[%swap3A_428, %swap3A_429, %swap3A_430] {strides = array<i32>} : memref<2x128x128xf32, #tpu.memory_space<vmem>>, vector<1x1x16xf32>,
      %swap3A_432 = vector.shape_cast %swap3A_431 : vector<1x1x16xf32> to vector<16xf32>
      %swap3A_433 = vector.shape_cast %get3A_426 : vector<16xf32> to vector<1x1x16xf32>
      tpu.vector_store %arg7[%swap3A_428, %swap3A_429, %swap3A_430], %swap3A_433 {strides = array<i32>} : memref<2x128x128xf32, #tpu.memory_space<vmem>>, vector<1x1x16xf32>,
      %get3A_434 = arith.index_cast %select_n3A_367 : i32 to index
      %get3A_435 = arith.constant 96 : index
      %get3A_436 = tpu.vector_load %arg6[%get3A_434, %get3A_435] {strides = array<i32>} : memref<5x128xf32, #tpu.memory_space<vmem>>, vector<1x16xf32>,
      %get3A_437 = vector.shape_cast %get3A_436 : vector<1x16xf32> to vector<16xf32>
      %swap3A_438 = arith.constant 0 : i32
      %swap3A_439 = arith.index_cast %swap3A_438 : i32 to index
      %swap3A_440 = arith.index_cast %scan3A_352 : i32 to index
      %swap3A_441 = arith.constant 96 : index
      %swap3A_442 = tpu.vector_load %arg7[%swap3A_439, %swap3A_440, %swap3A_441] {strides = array<i32>} : memref<2x128x128xf32, #tpu.memory_space<vmem>>, vector<1x1x16xf32>,
      %swap3A_443 = vector.shape_cast %swap3A_442 : vector<1x1x16xf32> to vector<16xf32>
      %swap3A_444 = vector.shape_cast %get3A_437 : vector<16xf32> to vector<1x1x16xf32>
      tpu.vector_store %arg7[%swap3A_439, %swap3A_440, %swap3A_441], %swap3A_444 {strides = array<i32>} : memref<2x128x128xf32, #tpu.memory_space<vmem>>, vector<1x1x16xf32>,
      %get3A_445 = arith.index_cast %select_n3A_367 : i32 to index
      %get3A_446 = arith.constant 112 : index
      %get3A_447 = tpu.vector_load %arg6[%get3A_445, %get3A_446] {strides = array<i32>} : memref<5x128xf32, #tpu.memory_space<vmem>>, vector<1x16xf32>,
      %get3A_448 = vector.shape_cast %get3A_447 : vector<1x16xf32> to vector<16xf32>
      %swap3A_449 = arith.constant 0 : i32
      %swap3A_450 = arith.index_cast %swap3A_449 : i32 to index
      %swap3A_451 = arith.index_cast %scan3A_352 : i32 to index
      %swap3A_452 = arith.constant 112 : index
      %swap3A_453 = tpu.vector_load %arg7[%swap3A_450, %swap3A_451, %swap3A_452] {strides = array<i32>} : memref<2x128x128xf32, #tpu.memory_space<vmem>>, vector<1x1x16xf32>,
      %swap3A_454 = vector.shape_cast %swap3A_453 : vector<1x1x16xf32> to vector<16xf32>
      %swap3A_455 = vector.shape_cast %get3A_448 : vector<16xf32> to vector<1x1x16xf32>
      tpu.vector_store %arg7[%swap3A_450, %swap3A_451, %swap3A_452], %swap3A_455 {strides = array<i32>} : memref<2x128x128xf32, #tpu.memory_space<vmem>>, vector<1x1x16xf32>,
      %scan3A_456 = arith.constant 0 : i32
      %scan3A_457 = arith.constant 3 : i32
      %scan3A_458 = arith.addi %scan3A_148, %scan3A_457 : i32
      %add3A_459 = arith.constant 256 : i32
      %add3A_460 = arith.addi %add3A_459, %scan3A_458 : i32
      %get3A_461 = arith.index_cast %add3A_460 : i32 to index
      %get3A_462 = tpu.vector_load %arg5[%get3A_461] {strides = array<i32>} : memref<528xi32, #tpu.memory_space<vmem>>, vector<16xi32>,
      %get3A_463 = vector.shape_cast %get3A_462 : vector<16xi32> to vector<16xi32>
      %slice3A_464 = vector.extract_strided_slice %get3A_463 {offsets = [0], sizes = [1], strides = [1]} : vector<16xi32> to vector<1xi32>
      %squeeze3A_465 = vector.extract %slice3A_464[0] : i32 from vector<1xi32>
      %lt3A_466 = arith.constant 0 : i32
      %lt3A_467 = arith.cmpi slt, %squeeze3A_465, %lt3A_466 : i32
      %max3A_468 = arith.constant 0 : i32
      %max3A_469 = arith.maxsi %squeeze3A_465, %max3A_468 : i32
      %min3A_470 = arith.constant 3 : i32
      %min3A_471 = arith.minsi %max3A_469, %min3A_470 : i32
      %jit3A_472 = arith.constant 4 : i32
      %select_n3A_473 = arith.select %lt3A_467, %jit3A_472, %min3A_471 : i32
      %get3A_474 = arith.index_cast %select_n3A_473 : i32 to index
      %get3A_475 = arith.constant 0 : index
      %get3A_476 = tpu.vector_load %arg6[%get3A_474, %get3A_475] {strides = array<i32>} : memref<5x128xf32, #tpu.memory_space<vmem>>, vector<1x16xf32>,
      %get3A_477 = vector.shape_cast %get3A_476 : vector<1x16xf32> to vector<16xf32>
      %swap3A_478 = arith.constant 0 : i32
      %swap3A_479 = arith.index_cast %swap3A_478 : i32 to index
      %swap3A_480 = arith.index_cast %scan3A_458 : i32 to index
      %swap3A_481 = arith.constant 0 : index
      %swap3A_482 = tpu.vector_load %arg7[%swap3A_479, %swap3A_480, %swap3A_481] {strides = array<i32>} : memref<2x128x128xf32, #tpu.memory_space<vmem>>, vector<1x1x16xf32>,
      %swap3A_483 = vector.shape_cast %swap3A_482 : vector<1x1x16xf32> to vector<16xf32>
      %swap3A_484 = vector.shape_cast %get3A_477 : vector<16xf32> to vector<1x1x16xf32>
      tpu.vector_store %arg7[%swap3A_479, %swap3A_480, %swap3A_481], %swap3A_484 {strides = array<i32>} : memref<2x128x128xf32, #tpu.memory_space<vmem>>, vector<1x1x16xf32>,
      %get3A_485 = arith.index_cast %select_n3A_473 : i32 to index
      %get3A_486 = arith.constant 16 : index
      %get3A_487 = tpu.vector_load %arg6[%get3A_485, %get3A_486] {strides = array<i32>} : memref<5x128xf32, #tpu.memory_space<vmem>>, vector<1x16xf32>,
      %get3A_488 = vector.shape_cast %get3A_487 : vector<1x16xf32> to vector<16xf32>
      %swap3A_489 = arith.constant 0 : i32
      %swap3A_490 = arith.index_cast %swap3A_489 : i32 to index
      %swap3A_491 = arith.index_cast %scan3A_458 : i32 to index
      %swap3A_492 = arith.constant 16 : index
      %swap3A_493 = tpu.vector_load %arg7[%swap3A_490, %swap3A_491, %swap3A_492] {strides = array<i32>} : memref<2x128x128xf32, #tpu.memory_space<vmem>>, vector<1x1x16xf32>,
      %swap3A_494 = vector.shape_cast %swap3A_493 : vector<1x1x16xf32> to vector<16xf32>
      %swap3A_495 = vector.shape_cast %get3A_488 : vector<16xf32> to vector<1x1x16xf32>
      tpu.vector_store %arg7[%swap3A_490, %swap3A_491, %swap3A_492], %swap3A_495 {strides = array<i32>} : memref<2x128x128xf32, #tpu.memory_space<vmem>>, vector<1x1x16xf32>,
      %get3A_496 = arith.index_cast %select_n3A_473 : i32 to index
      %get3A_497 = arith.constant 32 : index
      %get3A_498 = tpu.vector_load %arg6[%get3A_496, %get3A_497] {strides = array<i32>} : memref<5x128xf32, #tpu.memory_space<vmem>>, vector<1x16xf32>,
      %get3A_499 = vector.shape_cast %get3A_498 : vector<1x16xf32> to vector<16xf32>
      %swap3A_500 = arith.constant 0 : i32
      %swap3A_501 = arith.index_cast %swap3A_500 : i32 to index
      %swap3A_502 = arith.index_cast %scan3A_458 : i32 to index
      %swap3A_503 = arith.constant 32 : index
      %swap3A_504 = tpu.vector_load %arg7[%swap3A_501, %swap3A_502, %swap3A_503] {strides = array<i32>} : memref<2x128x128xf32, #tpu.memory_space<vmem>>, vector<1x1x16xf32>,
      %swap3A_505 = vector.shape_cast %swap3A_504 : vector<1x1x16xf32> to vector<16xf32>
      %swap3A_506 = vector.shape_cast %get3A_499 : vector<16xf32> to vector<1x1x16xf32>
      tpu.vector_store %arg7[%swap3A_501, %swap3A_502, %swap3A_503], %swap3A_506 {strides = array<i32>} : memref<2x128x128xf32, #tpu.memory_space<vmem>>, vector<1x1x16xf32>,
      %get3A_507 = arith.index_cast %select_n3A_473 : i32 to index
      %get3A_508 = arith.constant 48 : index
      %get3A_509 = tpu.vector_load %arg6[%get3A_507, %get3A_508] {strides = array<i32>} : memref<5x128xf32, #tpu.memory_space<vmem>>, vector<1x16xf32>,
      %get3A_510 = vector.shape_cast %get3A_509 : vector<1x16xf32> to vector<16xf32>
      %swap3A_511 = arith.constant 0 : i32
      %swap3A_512 = arith.index_cast %swap3A_511 : i32 to index
      %swap3A_513 = arith.index_cast %scan3A_458 : i32 to index
      %swap3A_514 = arith.constant 48 : index
      %swap3A_515 = tpu.vector_load %arg7[%swap3A_512, %swap3A_513, %swap3A_514] {strides = array<i32>} : memref<2x128x128xf32, #tpu.memory_space<vmem>>, vector<1x1x16xf32>,
      %swap3A_516 = vector.shape_cast %swap3A_515 : vector<1x1x16xf32> to vector<16xf32>
      %swap3A_517 = vector.shape_cast %get3A_510 : vector<16xf32> to vector<1x1x16xf32>
      tpu.vector_store %arg7[%swap3A_512, %swap3A_513, %swap3A_514], %swap3A_517 {strides = array<i32>} : memref<2x128x128xf32, #tpu.memory_space<vmem>>, vector<1x1x16xf32>,
      %get3A_518 = arith.index_cast %select_n3A_473 : i32 to index
      %get3A_519 = arith.constant 64 : index
      %get3A_520 = tpu.vector_load %arg6[%get3A_518, %get3A_519] {strides = array<i32>} : memref<5x128xf32, #tpu.memory_space<vmem>>, vector<1x16xf32>,
      %get3A_521 = vector.shape_cast %get3A_520 : vector<1x16xf32> to vector<16xf32>
      %swap3A_522 = arith.constant 0 : i32
      %swap3A_523 = arith.index_cast %swap3A_522 : i32 to index
      %swap3A_524 = arith.index_cast %scan3A_458 : i32 to index
      %swap3A_525 = arith.constant 64 : index
      %swap3A_526 = tpu.vector_load %arg7[%swap3A_523, %swap3A_524, %swap3A_525] {strides = array<i32>} : memref<2x128x128xf32, #tpu.memory_space<vmem>>, vector<1x1x16xf32>,
      %swap3A_527 = vector.shape_cast %swap3A_526 : vector<1x1x16xf32> to vector<16xf32>
      %swap3A_528 = vector.shape_cast %get3A_521 : vector<16xf32> to vector<1x1x16xf32>
      tpu.vector_store %arg7[%swap3A_523, %swap3A_524, %swap3A_525], %swap3A_528 {strides = array<i32>} : memref<2x128x128xf32, #tpu.memory_space<vmem>>, vector<1x1x16xf32>,
      %get3A_529 = arith.index_cast %select_n3A_473 : i32 to index
      %get3A_530 = arith.constant 80 : index
      %get3A_531 = tpu.vector_load %arg6[%get3A_529, %get3A_530] {strides = array<i32>} : memref<5x128xf32, #tpu.memory_space<vmem>>, vector<1x16xf32>,
      %get3A_532 = vector.shape_cast %get3A_531 : vector<1x16xf32> to vector<16xf32>
      %swap3A_533 = arith.constant 0 : i32
      %swap3A_534 = arith.index_cast %swap3A_533 : i32 to index
      %swap3A_535 = arith.index_cast %scan3A_458 : i32 to index
      %swap3A_536 = arith.constant 80 : index
      %swap3A_537 = tpu.vector_load %arg7[%swap3A_534, %swap3A_535, %swap3A_536] {strides = array<i32>} : memref<2x128x128xf32, #tpu.memory_space<vmem>>, vector<1x1x16xf32>,
      %swap3A_538 = vector.shape_cast %swap3A_537 : vector<1x1x16xf32> to vector<16xf32>
      %swap3A_539 = vector.shape_cast %get3A_532 : vector<16xf32> to vector<1x1x16xf32>
      tpu.vector_store %arg7[%swap3A_534, %swap3A_535, %swap3A_536], %swap3A_539 {strides = array<i32>} : memref<2x128x128xf32, #tpu.memory_space<vmem>>, vector<1x1x16xf32>,
      %get3A_540 = arith.index_cast %select_n3A_473 : i32 to index
      %get3A_541 = arith.constant 96 : index
      %get3A_542 = tpu.vector_load %arg6[%get3A_540, %get3A_541] {strides = array<i32>} : memref<5x128xf32, #tpu.memory_space<vmem>>, vector<1x16xf32>,
      %get3A_543 = vector.shape_cast %get3A_542 : vector<1x16xf32> to vector<16xf32>
      %swap3A_544 = arith.constant 0 : i32
      %swap3A_545 = arith.index_cast %swap3A_544 : i32 to index
      %swap3A_546 = arith.index_cast %scan3A_458 : i32 to index
      %swap3A_547 = arith.constant 96 : index
      %swap3A_548 = tpu.vector_load %arg7[%swap3A_545, %swap3A_546, %swap3A_547] {strides = array<i32>} : memref<2x128x128xf32, #tpu.memory_space<vmem>>, vector<1x1x16xf32>,
      %swap3A_549 = vector.shape_cast %swap3A_548 : vector<1x1x16xf32> to vector<16xf32>
      %swap3A_550 = vector.shape_cast %get3A_543 : vector<16xf32> to vector<1x1x16xf32>
      tpu.vector_store %arg7[%swap3A_545, %swap3A_546, %swap3A_547], %swap3A_550 {strides = array<i32>} : memref<2x128x128xf32, #tpu.memory_space<vmem>>, vector<1x1x16xf32>,
      %get3A_551 = arith.index_cast %select_n3A_473 : i32 to index
      %get3A_552 = arith.constant 112 : index
      %get3A_553 = tpu.vector_load %arg6[%get3A_551, %get3A_552] {strides = array<i32>} : memref<5x128xf32, #tpu.memory_space<vmem>>, vector<1x16xf32>,
      %get3A_554 = vector.shape_cast %get3A_553 : vector<1x16xf32> to vector<16xf32>
      %swap3A_555 = arith.constant 0 : i32
      %swap3A_556 = arith.index_cast %swap3A_555 : i32 to index
      %swap3A_557 = arith.index_cast %scan3A_458 : i32 to index
      %swap3A_558 = arith.constant 112 : index
      %swap3A_559 = tpu.vector_load %arg7[%swap3A_556, %swap3A_557, %swap3A_558] {strides = array<i32>} : memref<2x128x128xf32, #tpu.memory_space<vmem>>, vector<1x1x16xf32>,
      %swap3A_560 = vector.shape_cast %swap3A_559 : vector<1x1x16xf32> to vector<16xf32>
      %swap3A_561 = vector.shape_cast %get3A_554 : vector<16xf32> to vector<1x1x16xf32>
      tpu.vector_store %arg7[%swap3A_556, %swap3A_557, %swap3A_558], %swap3A_561 {strides = array<i32>} : memref<2x128x128xf32, #tpu.memory_space<vmem>>, vector<1x1x16xf32>,
      %scan3A_562 = arith.constant 0 : i32
      %scan3A_563 = arith.constant 4 : i32
      %scan3A_564 = arith.addi %scan3A_148, %scan3A_563 : i32
      %add3A_565 = arith.constant 256 : i32
      %add3A_566 = arith.addi %add3A_565, %scan3A_564 : i32
      %get3A_567 = arith.index_cast %add3A_566 : i32 to index
      %get3A_568 = tpu.vector_load %arg5[%get3A_567] {strides = array<i32>} : memref<528xi32, #tpu.memory_space<vmem>>, vector<16xi32>,
      %get3A_569 = vector.shape_cast %get3A_568 : vector<16xi32> to vector<16xi32>
      %slice3A_570 = vector.extract_strided_slice %get3A_569 {offsets = [0], sizes = [1], strides = [1]} : vector<16xi32> to vector<1xi32>
      %squeeze3A_571 = vector.extract %slice3A_570[0] : i32 from vector<1xi32>
      %lt3A_572 = arith.constant 0 : i32
      %lt3A_573 = arith.cmpi slt, %squeeze3A_571, %lt3A_572 : i32
      %max3A_574 = arith.constant 0 : i32
      %max3A_575 = arith.maxsi %squeeze3A_571, %max3A_574 : i32
      %min3A_576 = arith.constant 3 : i32
      %min3A_577 = arith.minsi %max3A_575, %min3A_576 : i32
      %jit3A_578 = arith.constant 4 : i32
      %select_n3A_579 = arith.select %lt3A_573, %jit3A_578, %min3A_577 : i32
      %get3A_580 = arith.index_cast %select_n3A_579 : i32 to index
      %get3A_581 = arith.constant 0 : index
      %get3A_582 = tpu.vector_load %arg6[%get3A_580, %get3A_581] {strides = array<i32>} : memref<5x128xf32, #tpu.memory_space<vmem>>, vector<1x16xf32>,
      %get3A_583 = vector.shape_cast %get3A_582 : vector<1x16xf32> to vector<16xf32>
      %swap3A_584 = arith.constant 0 : i32
      %swap3A_585 = arith.index_cast %swap3A_584 : i32 to index
      %swap3A_586 = arith.index_cast %scan3A_564 : i32 to index
      %swap3A_587 = arith.constant 0 : index
      %swap3A_588 = tpu.vector_load %arg7[%swap3A_585, %swap3A_586, %swap3A_587] {strides = array<i32>} : memref<2x128x128xf32, #tpu.memory_space<vmem>>, vector<1x1x16xf32>,
      %swap3A_589 = vector.shape_cast %swap3A_588 : vector<1x1x16xf32> to vector<16xf32>
      %swap3A_590 = vector.shape_cast %get3A_583 : vector<16xf32> to vector<1x1x16xf32>
      tpu.vector_store %arg7[%swap3A_585, %swap3A_586, %swap3A_587], %swap3A_590 {strides = array<i32>} : memref<2x128x128xf32, #tpu.memory_space<vmem>>, vector<1x1x16xf32>,
      %get3A_591 = arith.index_cast %select_n3A_579 : i32 to index
      %get3A_592 = arith.constant 16 : index
      %get3A_593 = tpu.vector_load %arg6[%get3A_591, %get3A_592] {strides = array<i32>} : memref<5x128xf32, #tpu.memory_space<vmem>>, vector<1x16xf32>,
      %get3A_594 = vector.shape_cast %get3A_593 : vector<1x16xf32> to vector<16xf32>
      %swap3A_595 = arith.constant 0 : i32
      %swap3A_596 = arith.index_cast %swap3A_595 : i32 to index
      %swap3A_597 = arith.index_cast %scan3A_564 : i32 to index
      %swap3A_598 = arith.constant 16 : index
      %swap3A_599 = tpu.vector_load %arg7[%swap3A_596, %swap3A_597, %swap3A_598] {strides = array<i32>} : memref<2x128x128xf32, #tpu.memory_space<vmem>>, vector<1x1x16xf32>,
      %swap3A_600 = vector.shape_cast %swap3A_599 : vector<1x1x16xf32> to vector<16xf32>
      %swap3A_601 = vector.shape_cast %get3A_594 : vector<16xf32> to vector<1x1x16xf32>
      tpu.vector_store %arg7[%swap3A_596, %swap3A_597, %swap3A_598], %swap3A_601 {strides = array<i32>} : memref<2x128x128xf32, #tpu.memory_space<vmem>>, vector<1x1x16xf32>,
      %get3A_602 = arith.index_cast %select_n3A_579 : i32 to index
      %get3A_603 = arith.constant 32 : index
      %get3A_604 = tpu.vector_load %arg6[%get3A_602, %get3A_603] {strides = array<i32>} : memref<5x128xf32, #tpu.memory_space<vmem>>, vector<1x16xf32>,
      %get3A_605 = vector.shape_cast %get3A_604 : vector<1x16xf32> to vector<16xf32>
      %swap3A_606 = arith.constant 0 : i32
      %swap3A_607 = arith.index_cast %swap3A_606 : i32 to index
      %swap3A_608 = arith.index_cast %scan3A_564 : i32 to index
      %swap3A_609 = arith.constant 32 : index
      %swap3A_610 = tpu.vector_load %arg7[%swap3A_607, %swap3A_608, %swap3A_609] {strides = array<i32>} : memref<2x128x128xf32, #tpu.memory_space<vmem>>, vector<1x1x16xf32>,
      %swap3A_611 = vector.shape_cast %swap3A_610 : vector<1x1x16xf32> to vector<16xf32>
      %swap3A_612 = vector.shape_cast %get3A_605 : vector<16xf32> to vector<1x1x16xf32>
      tpu.vector_store %arg7[%swap3A_607, %swap3A_608, %swap3A_609], %swap3A_612 {strides = array<i32>} : memref<2x128x128xf32, #tpu.memory_space<vmem>>, vector<1x1x16xf32>,
      %get3A_613 = arith.index_cast %select_n3A_579 : i32 to index
      %get3A_614 = arith.constant 48 : index
      %get3A_615 = tpu.vector_load %arg6[%get3A_613, %get3A_614] {strides = array<i32>} : memref<5x128xf32, #tpu.memory_space<vmem>>, vector<1x16xf32>,
      %get3A_616 = vector.shape_cast %get3A_615 : vector<1x16xf32> to vector<16xf32>
      %swap3A_617 = arith.constant 0 : i32
      %swap3A_618 = arith.index_cast %swap3A_617 : i32 to index
      %swap3A_619 = arith.index_cast %scan3A_564 : i32 to index
      %swap3A_620 = arith.constant 48 : index
      %swap3A_621 = tpu.vector_load %arg7[%swap3A_618, %swap3A_619, %swap3A_620] {strides = array<i32>} : memref<2x128x128xf32, #tpu.memory_space<vmem>>, vector<1x1x16xf32>,
      %swap3A_622 = vector.shape_cast %swap3A_621 : vector<1x1x16xf32> to vector<16xf32>
      %swap3A_623 = vector.shape_cast %get3A_616 : vector<16xf32> to vector<1x1x16xf32>
      tpu.vector_store %arg7[%swap3A_618, %swap3A_619, %swap3A_620], %swap3A_623 {strides = array<i32>} : memref<2x128x128xf32, #tpu.memory_space<vmem>>, vector<1x1x16xf32>,
      %get3A_624 = arith.index_cast %select_n3A_579 : i32 to index
      %get3A_625 = arith.constant 64 : index
      %get3A_626 = tpu.vector_load %arg6[%get3A_624, %get3A_625] {strides = array<i32>} : memref<5x128xf32, #tpu.memory_space<vmem>>, vector<1x16xf32>,
      %get3A_627 = vector.shape_cast %get3A_626 : vector<1x16xf32> to vector<16xf32>
      %swap3A_628 = arith.constant 0 : i32
      %swap3A_629 = arith.index_cast %swap3A_628 : i32 to index
      %swap3A_630 = arith.index_cast %scan3A_564 : i32 to index
      %swap3A_631 = arith.constant 64 : index
      %swap3A_632 = tpu.vector_load %arg7[%swap3A_629, %swap3A_630, %swap3A_631] {strides = array<i32>} : memref<2x128x128xf32, #tpu.memory_space<vmem>>, vector<1x1x16xf32>,
      %swap3A_633 = vector.shape_cast %swap3A_632 : vector<1x1x16xf32> to vector<16xf32>
      %swap3A_634 = vector.shape_cast %get3A_627 : vector<16xf32> to vector<1x1x16xf32>
      tpu.vector_store %arg7[%swap3A_629, %swap3A_630, %swap3A_631], %swap3A_634 {strides = array<i32>} : memref<2x128x128xf32, #tpu.memory_space<vmem>>, vector<1x1x16xf32>,
      %get3A_635 = arith.index_cast %select_n3A_579 : i32 to index
      %get3A_636 = arith.constant 80 : index
      %get3A_637 = tpu.vector_load %arg6[%get3A_635, %get3A_636] {strides = array<i32>} : memref<5x128xf32, #tpu.memory_space<vmem>>, vector<1x16xf32>,
      %get3A_638 = vector.shape_cast %get3A_637 : vector<1x16xf32> to vector<16xf32>
      %swap3A_639 = arith.constant 0 : i32
      %swap3A_640 = arith.index_cast %swap3A_639 : i32 to index
      %swap3A_641 = arith.index_cast %scan3A_564 : i32 to index
      %swap3A_642 = arith.constant 80 : index
      %swap3A_643 = tpu.vector_load %arg7[%swap3A_640, %swap3A_641, %swap3A_642] {strides = array<i32>} : memref<2x128x128xf32, #tpu.memory_space<vmem>>, vector<1x1x16xf32>,
      %swap3A_644 = vector.shape_cast %swap3A_643 : vector<1x1x16xf32> to vector<16xf32>
      %swap3A_645 = vector.shape_cast %get3A_638 : vector<16xf32> to vector<1x1x16xf32>
      tpu.vector_store %arg7[%swap3A_640, %swap3A_641, %swap3A_642], %swap3A_645 {strides = array<i32>} : memref<2x128x128xf32, #tpu.memory_space<vmem>>, vector<1x1x16xf32>,
      %get3A_646 = arith.index_cast %select_n3A_579 : i32 to index
      %get3A_647 = arith.constant 96 : index
      %get3A_648 = tpu.vector_load %arg6[%get3A_646, %get3A_647] {strides = array<i32>} : memref<5x128xf32, #tpu.memory_space<vmem>>, vector<1x16xf32>,
      %get3A_649 = vector.shape_cast %get3A_648 : vector<1x16xf32> to vector<16xf32>
      %swap3A_650 = arith.constant 0 : i32
      %swap3A_651 = arith.index_cast %swap3A_650 : i32 to index
      %swap3A_652 = arith.index_cast %scan3A_564 : i32 to index
      %swap3A_653 = arith.constant 96 : index
      %swap3A_654 = tpu.vector_load %arg7[%swap3A_651, %swap3A_652, %swap3A_653] {strides = array<i32>} : memref<2x128x128xf32, #tpu.memory_space<vmem>>, vector<1x1x16xf32>,
      %swap3A_655 = vector.shape_cast %swap3A_654 : vector<1x1x16xf32> to vector<16xf32>
      %swap3A_656 = vector.shape_cast %get3A_649 : vector<16xf32> to vector<1x1x16xf32>
      tpu.vector_store %arg7[%swap3A_651, %swap3A_652, %swap3A_653], %swap3A_656 {strides = array<i32>} : memref<2x128x128xf32, #tpu.memory_space<vmem>>, vector<1x1x16xf32>,
      %get3A_657 = arith.index_cast %select_n3A_579 : i32 to index
      %get3A_658 = arith.constant 112 : index
      %get3A_659 = tpu.vector_load %arg6[%get3A_657, %get3A_658] {strides = array<i32>} : memref<5x128xf32, #tpu.memory_space<vmem>>, vector<1x16xf32>,
      %get3A_660 = vector.shape_cast %get3A_659 : vector<1x16xf32> to vector<16xf32>
      %swap3A_661 = arith.constant 0 : i32
      %swap3A_662 = arith.index_cast %swap3A_661 : i32 to index
      %swap3A_663 = arith.index_cast %scan3A_564 : i32 to index
      %swap3A_664 = arith.constant 112 : index
      %swap3A_665 = tpu.vector_load %arg7[%swap3A_662, %swap3A_663, %swap3A_664] {strides = array<i32>} : memref<2x128x128xf32, #tpu.memory_space<vmem>>, vector<1x1x16xf32>,
      %swap3A_666 = vector.shape_cast %swap3A_665 : vector<1x1x16xf32> to vector<16xf32>
      %swap3A_667 = vector.shape_cast %get3A_660 : vector<16xf32> to vector<1x1x16xf32>
      tpu.vector_store %arg7[%swap3A_662, %swap3A_663, %swap3A_664], %swap3A_667 {strides = array<i32>} : memref<2x128x128xf32, #tpu.memory_space<vmem>>, vector<1x1x16xf32>,
      %scan3A_668 = arith.constant 0 : i32
      %scan3A_669 = arith.constant 5 : i32
      %scan3A_670 = arith.addi %scan3A_148, %scan3A_669 : i32
      %add3A_671 = arith.constant 256 : i32
      %add3A_672 = arith.addi %add3A_671, %scan3A_670 : i32
      %get3A_673 = arith.index_cast %add3A_672 : i32 to index
      %get3A_674 = tpu.vector_load %arg5[%get3A_673] {strides = array<i32>} : memref<528xi32, #tpu.memory_space<vmem>>, vector<16xi32>,
      %get3A_675 = vector.shape_cast %get3A_674 : vector<16xi32> to vector<16xi32>
      %slice3A_676 = vector.extract_strided_slice %get3A_675 {offsets = [0], sizes = [1], strides = [1]} : vector<16xi32> to vector<1xi32>
      %squeeze3A_677 = vector.extract %slice3A_676[0] : i32 from vector<1xi32>
      %lt3A_678 = arith.constant 0 : i32
      %lt3A_679 = arith.cmpi slt, %squeeze3A_677, %lt3A_678 : i32
      %max3A_680 = arith.constant 0 : i32
      %max3A_681 = arith.maxsi %squeeze3A_677, %max3A_680 : i32
      %min3A_682 = arith.constant 3 : i32
      %min3A_683 = arith.minsi %max3A_681, %min3A_682 : i32
      %jit3A_684 = arith.constant 4 : i32
      %select_n3A_685 = arith.select %lt3A_679, %jit3A_684, %min3A_683 : i32
      %get3A_686 = arith.index_cast %select_n3A_685 : i32 to index
      %get3A_687 = arith.constant 0 : index
      %get3A_688 = tpu.vector_load %arg6[%get3A_686, %get3A_687] {strides = array<i32>} : memref<5x128xf32, #tpu.memory_space<vmem>>, vector<1x16xf32>,
      %get3A_689 = vector.shape_cast %get3A_688 : vector<1x16xf32> to vector<16xf32>
      %swap3A_690 = arith.constant 0 : i32
      %swap3A_691 = arith.index_cast %swap3A_690 : i32 to index
      %swap3A_692 = arith.index_cast %scan3A_670 : i32 to index
      %swap3A_693 = arith.constant 0 : index
      %swap3A_694 = tpu.vector_load %arg7[%swap3A_691, %swap3A_692, %swap3A_693] {strides = array<i32>} : memref<2x128x128xf32, #tpu.memory_space<vmem>>, vector<1x1x16xf32>,
      %swap3A_695 = vector.shape_cast %swap3A_694 : vector<1x1x16xf32> to vector<16xf32>
      %swap3A_696 = vector.shape_cast %get3A_689 : vector<16xf32> to vector<1x1x16xf32>
      tpu.vector_store %arg7[%swap3A_691, %swap3A_692, %swap3A_693], %swap3A_696 {strides = array<i32>} : memref<2x128x128xf32, #tpu.memory_space<vmem>>, vector<1x1x16xf32>,
      %get3A_697 = arith.index_cast %select_n3A_685 : i32 to index
      %get3A_698 = arith.constant 16 : index
      %get3A_699 = tpu.vector_load %arg6[%get3A_697, %get3A_698] {strides = array<i32>} : memref<5x128xf32, #tpu.memory_space<vmem>>, vector<1x16xf32>,
      %get3A_700 = vector.shape_cast %get3A_699 : vector<1x16xf32> to vector<16xf32>
      %swap3A_701 = arith.constant 0 : i32
      %swap3A_702 = arith.index_cast %swap3A_701 : i32 to index
      %swap3A_703 = arith.index_cast %scan3A_670 : i32 to index
      %swap3A_704 = arith.constant 16 : index
      %swap3A_705 = tpu.vector_load %arg7[%swap3A_702, %swap3A_703, %swap3A_704] {strides = array<i32>} : memref<2x128x128xf32, #tpu.memory_space<vmem>>, vector<1x1x16xf32>,
      %swap3A_706 = vector.shape_cast %swap3A_705 : vector<1x1x16xf32> to vector<16xf32>
      %swap3A_707 = vector.shape_cast %get3A_700 : vector<16xf32> to vector<1x1x16xf32>
      tpu.vector_store %arg7[%swap3A_702, %swap3A_703, %swap3A_704], %swap3A_707 {strides = array<i32>} : memref<2x128x128xf32, #tpu.memory_space<vmem>>, vector<1x1x16xf32>,
      %get3A_708 = arith.index_cast %select_n3A_685 : i32 to index
      %get3A_709 = arith.constant 32 : index
      %get3A_710 = tpu.vector_load %arg6[%get3A_708, %get3A_709] {strides = array<i32>} : memref<5x128xf32, #tpu.memory_space<vmem>>, vector<1x16xf32>,
      %get3A_711 = vector.shape_cast %get3A_710 : vector<1x16xf32> to vector<16xf32>
      %swap3A_712 = arith.constant 0 : i32
      %swap3A_713 = arith.index_cast %swap3A_712 : i32 to index
      %swap3A_714 = arith.index_cast %scan3A_670 : i32 to index
      %swap3A_715 = arith.constant 32 : index
      %swap3A_716 = tpu.vector_load %arg7[%swap3A_713, %swap3A_714, %swap3A_715] {strides = array<i32>} : memref<2x128x128xf32, #tpu.memory_space<vmem>>, vector<1x1x16xf32>,
      %swap3A_717 = vector.shape_cast %swap3A_716 : vector<1x1x16xf32> to vector<16xf32>
      %swap3A_718 = vector.shape_cast %get3A_711 : vector<16xf32> to vector<1x1x16xf32>
      tpu.vector_store %arg7[%swap3A_713, %swap3A_714, %swap3A_715], %swap3A_718 {strides = array<i32>} : memref<2x128x128xf32, #tpu.memory_space<vmem>>, vector<1x1x16xf32>,
      %get3A_719 = arith.index_cast %select_n3A_685 : i32 to index
      %get3A_720 = arith.constant 48 : index
      %get3A_721 = tpu.vector_load %arg6[%get3A_719, %get3A_720] {strides = array<i32>} : memref<5x128xf32, #tpu.memory_space<vmem>>, vector<1x16xf32>,
      %get3A_722 = vector.shape_cast %get3A_721 : vector<1x16xf32> to vector<16xf32>
      %swap3A_723 = arith.constant 0 : i32
      %swap3A_724 = arith.index_cast %swap3A_723 : i32 to index
      %swap3A_725 = arith.index_cast %scan3A_670 : i32 to index
      %swap3A_726 = arith.constant 48 : index
      %swap3A_727 = tpu.vector_load %arg7[%swap3A_724, %swap3A_725, %swap3A_726] {strides = array<i32>} : memref<2x128x128xf32, #tpu.memory_space<vmem>>, vector<1x1x16xf32>,
      %swap3A_728 = vector.shape_cast %swap3A_727 : vector<1x1x16xf32> to vector<16xf32>
      %swap3A_729 = vector.shape_cast %get3A_722 : vector<16xf32> to vector<1x1x16xf32>
      tpu.vector_store %arg7[%swap3A_724, %swap3A_725, %swap3A_726], %swap3A_729 {strides = array<i32>} : memref<2x128x128xf32, #tpu.memory_space<vmem>>, vector<1x1x16xf32>,
      %get3A_730 = arith.index_cast %select_n3A_685 : i32 to index
      %get3A_731 = arith.constant 64 : index
      %get3A_732 = tpu.vector_load %arg6[%get3A_730, %get3A_731] {strides = array<i32>} : memref<5x128xf32, #tpu.memory_space<vmem>>, vector<1x16xf32>,
      %get3A_733 = vector.shape_cast %get3A_732 : vector<1x16xf32> to vector<16xf32>
      %swap3A_734 = arith.constant 0 : i32
      %swap3A_735 = arith.index_cast %swap3A_734 : i32 to index
      %swap3A_736 = arith.index_cast %scan3A_670 : i32 to index
      %swap3A_737 = arith.constant 64 : index
      %swap3A_738 = tpu.vector_load %arg7[%swap3A_735, %swap3A_736, %swap3A_737] {strides = array<i32>} : memref<2x128x128xf32, #tpu.memory_space<vmem>>, vector<1x1x16xf32>,
      %swap3A_739 = vector.shape_cast %swap3A_738 : vector<1x1x16xf32> to vector<16xf32>
      %swap3A_740 = vector.shape_cast %get3A_733 : vector<16xf32> to vector<1x1x16xf32>
      tpu.vector_store %arg7[%swap3A_735, %swap3A_736, %swap3A_737], %swap3A_740 {strides = array<i32>} : memref<2x128x128xf32, #tpu.memory_space<vmem>>, vector<1x1x16xf32>,
      %get3A_741 = arith.index_cast %select_n3A_685 : i32 to index
      %get3A_742 = arith.constant 80 : index
      %get3A_743 = tpu.vector_load %arg6[%get3A_741, %get3A_742] {strides = array<i32>} : memref<5x128xf32, #tpu.memory_space<vmem>>, vector<1x16xf32>,
      %get3A_744 = vector.shape_cast %get3A_743 : vector<1x16xf32> to vector<16xf32>
      %swap3A_745 = arith.constant 0 : i32
      %swap3A_746 = arith.index_cast %swap3A_745 : i32 to index
      %swap3A_747 = arith.index_cast %scan3A_670 : i32 to index
      %swap3A_748 = arith.constant 80 : index
      %swap3A_749 = tpu.vector_load %arg7[%swap3A_746, %swap3A_747, %swap3A_748] {strides = array<i32>} : memref<2x128x128xf32, #tpu.memory_space<vmem>>, vector<1x1x16xf32>,
      %swap3A_750 = vector.shape_cast %swap3A_749 : vector<1x1x16xf32> to vector<16xf32>
      %swap3A_751 = vector.shape_cast %get3A_744 : vector<16xf32> to vector<1x1x16xf32>
      tpu.vector_store %arg7[%swap3A_746, %swap3A_747, %swap3A_748], %swap3A_751 {strides = array<i32>} : memref<2x128x128xf32, #tpu.memory_space<vmem>>, vector<1x1x16xf32>,
      %get3A_752 = arith.index_cast %select_n3A_685 : i32 to index
      %get3A_753 = arith.constant 96 : index
      %get3A_754 = tpu.vector_load %arg6[%get3A_752, %get3A_753] {strides = array<i32>} : memref<5x128xf32, #tpu.memory_space<vmem>>, vector<1x16xf32>,
      %get3A_755 = vector.shape_cast %get3A_754 : vector<1x16xf32> to vector<16xf32>
      %swap3A_756 = arith.constant 0 : i32
      %swap3A_757 = arith.index_cast %swap3A_756 : i32 to index
      %swap3A_758 = arith.index_cast %scan3A_670 : i32 to index
      %swap3A_759 = arith.constant 96 : index
      %swap3A_760 = tpu.vector_load %arg7[%swap3A_757, %swap3A_758, %swap3A_759] {strides = array<i32>} : memref<2x128x128xf32, #tpu.memory_space<vmem>>, vector<1x1x16xf32>,
      %swap3A_761 = vector.shape_cast %swap3A_760 : vector<1x1x16xf32> to vector<16xf32>
      %swap3A_762 = vector.shape_cast %get3A_755 : vector<16xf32> to vector<1x1x16xf32>
      tpu.vector_store %arg7[%swap3A_757, %swap3A_758, %swap3A_759], %swap3A_762 {strides = array<i32>} : memref<2x128x128xf32, #tpu.memory_space<vmem>>, vector<1x1x16xf32>,
      %get3A_763 = arith.index_cast %select_n3A_685 : i32 to index
      %get3A_764 = arith.constant 112 : index
      %get3A_765 = tpu.vector_load %arg6[%get3A_763, %get3A_764] {strides = array<i32>} : memref<5x128xf32, #tpu.memory_space<vmem>>, vector<1x16xf32>,
      %get3A_766 = vector.shape_cast %get3A_765 : vector<1x16xf32> to vector<16xf32>
      %swap3A_767 = arith.constant 0 : i32
      %swap3A_768 = arith.index_cast %swap3A_767 : i32 to index
      %swap3A_769 = arith.index_cast %scan3A_670 : i32 to index
      %swap3A_770 = arith.constant 112 : index
      %swap3A_771 = tpu.vector_load %arg7[%swap3A_768, %swap3A_769, %swap3A_770] {strides = array<i32>} : memref<2x128x128xf32, #tpu.memory_space<vmem>>, vector<1x1x16xf32>,
      %swap3A_772 = vector.shape_cast %swap3A_771 : vector<1x1x16xf32> to vector<16xf32>
      %swap3A_773 = vector.shape_cast %get3A_766 : vector<16xf32> to vector<1x1x16xf32>
      tpu.vector_store %arg7[%swap3A_768, %swap3A_769, %swap3A_770], %swap3A_773 {strides = array<i32>} : memref<2x128x128xf32, #tpu.memory_space<vmem>>, vector<1x1x16xf32>,
      %scan3A_774 = arith.constant 0 : i32
      %scan3A_775 = arith.constant 6 : i32
      %scan3A_776 = arith.addi %scan3A_148, %scan3A_775 : i32
      %add3A_777 = arith.constant 256 : i32
      %add3A_778 = arith.addi %add3A_777, %scan3A_776 : i32
      %get3A_779 = arith.index_cast %add3A_778 : i32 to index
      %get3A_780 = tpu.vector_load %arg5[%get3A_779] {strides = array<i32>} : memref<528xi32, #tpu.memory_space<vmem>>, vector<16xi32>,
      %get3A_781 = vector.shape_cast %get3A_780 : vector<16xi32> to vector<16xi32>
      %slice3A_782 = vector.extract_strided_slice %get3A_781 {offsets = [0], sizes = [1], strides = [1]} : vector<16xi32> to vector<1xi32>
      %squeeze3A_783 = vector.extract %slice3A_782[0] : i32 from vector<1xi32>
      %lt3A_784 = arith.constant 0 : i32
      %lt3A_785 = arith.cmpi slt, %squeeze3A_783, %lt3A_784 : i32
      %max3A_786 = arith.constant 0 : i32
      %max3A_787 = arith.maxsi %squeeze3A_783, %max3A_786 : i32
      %min3A_788 = arith.constant 3 : i32
      %min3A_789 = arith.minsi %max3A_787, %min3A_788 : i32
      %jit3A_790 = arith.constant 4 : i32
      %select_n3A_791 = arith.select %lt3A_785, %jit3A_790, %min3A_789 : i32
      %get3A_792 = arith.index_cast %select_n3A_791 : i32 to index
      %get3A_793 = arith.constant 0 : index
      %get3A_794 = tpu.vector_load %arg6[%get3A_792, %get3A_793] {strides = array<i32>} : memref<5x128xf32, #tpu.memory_space<vmem>>, vector<1x16xf32>,
      %get3A_795 = vector.shape_cast %get3A_794 : vector<1x16xf32> to vector<16xf32>
      %swap3A_796 = arith.constant 0 : i32
      %swap3A_797 = arith.index_cast %swap3A_796 : i32 to index
      %swap3A_798 = arith.index_cast %scan3A_776 : i32 to index
      %swap3A_799 = arith.constant 0 : index
      %swap3A_800 = tpu.vector_load %arg7[%swap3A_797, %swap3A_798, %swap3A_799] {strides = array<i32>} : memref<2x128x128xf32, #tpu.memory_space<vmem>>, vector<1x1x16xf32>,
      %swap3A_801 = vector.shape_cast %swap3A_800 : vector<1x1x16xf32> to vector<16xf32>
      %swap3A_802 = vector.shape_cast %get3A_795 : vector<16xf32> to vector<1x1x16xf32>
      tpu.vector_store %arg7[%swap3A_797, %swap3A_798, %swap3A_799], %swap3A_802 {strides = array<i32>} : memref<2x128x128xf32, #tpu.memory_space<vmem>>, vector<1x1x16xf32>,
      %get3A_803 = arith.index_cast %select_n3A_791 : i32 to index
      %get3A_804 = arith.constant 16 : index
      %get3A_805 = tpu.vector_load %arg6[%get3A_803, %get3A_804] {strides = array<i32>} : memref<5x128xf32, #tpu.memory_space<vmem>>, vector<1x16xf32>,
      %get3A_806 = vector.shape_cast %get3A_805 : vector<1x16xf32> to vector<16xf32>
      %swap3A_807 = arith.constant 0 : i32
      %swap3A_808 = arith.index_cast %swap3A_807 : i32 to index
      %swap3A_809 = arith.index_cast %scan3A_776 : i32 to index
      %swap3A_810 = arith.constant 16 : index
      %swap3A_811 = tpu.vector_load %arg7[%swap3A_808, %swap3A_809, %swap3A_810] {strides = array<i32>} : memref<2x128x128xf32, #tpu.memory_space<vmem>>, vector<1x1x16xf32>,
      %swap3A_812 = vector.shape_cast %swap3A_811 : vector<1x1x16xf32> to vector<16xf32>
      %swap3A_813 = vector.shape_cast %get3A_806 : vector<16xf32> to vector<1x1x16xf32>
      tpu.vector_store %arg7[%swap3A_808, %swap3A_809, %swap3A_810], %swap3A_813 {strides = array<i32>} : memref<2x128x128xf32, #tpu.memory_space<vmem>>, vector<1x1x16xf32>,
      %get3A_814 = arith.index_cast %select_n3A_791 : i32 to index
      %get3A_815 = arith.constant 32 : index
      %get3A_816 = tpu.vector_load %arg6[%get3A_814, %get3A_815] {strides = array<i32>} : memref<5x128xf32, #tpu.memory_space<vmem>>, vector<1x16xf32>,
      %get3A_817 = vector.shape_cast %get3A_816 : vector<1x16xf32> to vector<16xf32>
      %swap3A_818 = arith.constant 0 : i32
      %swap3A_819 = arith.index_cast %swap3A_818 : i32 to index
      %swap3A_820 = arith.index_cast %scan3A_776 : i32 to index
      %swap3A_821 = arith.constant 32 : index
      %swap3A_822 = tpu.vector_load %arg7[%swap3A_819, %swap3A_820, %swap3A_821] {strides = array<i32>} : memref<2x128x128xf32, #tpu.memory_space<vmem>>, vector<1x1x16xf32>,
      %swap3A_823 = vector.shape_cast %swap3A_822 : vector<1x1x16xf32> to vector<16xf32>
      %swap3A_824 = vector.shape_cast %get3A_817 : vector<16xf32> to vector<1x1x16xf32>
      tpu.vector_store %arg7[%swap3A_819, %swap3A_820, %swap3A_821], %swap3A_824 {strides = array<i32>} : memref<2x128x128xf32, #tpu.memory_space<vmem>>, vector<1x1x16xf32>,
      %get3A_825 = arith.index_cast %select_n3A_791 : i32 to index
      %get3A_826 = arith.constant 48 : index
      %get3A_827 = tpu.vector_load %arg6[%get3A_825, %get3A_826] {strides = array<i32>} : memref<5x128xf32, #tpu.memory_space<vmem>>, vector<1x16xf32>,
      %get3A_828 = vector.shape_cast %get3A_827 : vector<1x16xf32> to vector<16xf32>
      %swap3A_829 = arith.constant 0 : i32
      %swap3A_830 = arith.index_cast %swap3A_829 : i32 to index
      %swap3A_831 = arith.index_cast %scan3A_776 : i32 to index
      %swap3A_832 = arith.constant 48 : index
      %swap3A_833 = tpu.vector_load %arg7[%swap3A_830, %swap3A_831, %swap3A_832] {strides = array<i32>} : memref<2x128x128xf32, #tpu.memory_space<vmem>>, vector<1x1x16xf32>,
      %swap3A_834 = vector.shape_cast %swap3A_833 : vector<1x1x16xf32> to vector<16xf32>
      %swap3A_835 = vector.shape_cast %get3A_828 : vector<16xf32> to vector<1x1x16xf32>
      tpu.vector_store %arg7[%swap3A_830, %swap3A_831, %swap3A_832], %swap3A_835 {strides = array<i32>} : memref<2x128x128xf32, #tpu.memory_space<vmem>>, vector<1x1x16xf32>,
      %get3A_836 = arith.index_cast %select_n3A_791 : i32 to index
      %get3A_837 = arith.constant 64 : index
      %get3A_838 = tpu.vector_load %arg6[%get3A_836, %get3A_837] {strides = array<i32>} : memref<5x128xf32, #tpu.memory_space<vmem>>, vector<1x16xf32>,
      %get3A_839 = vector.shape_cast %get3A_838 : vector<1x16xf32> to vector<16xf32>
      %swap3A_840 = arith.constant 0 : i32
      %swap3A_841 = arith.index_cast %swap3A_840 : i32 to index
      %swap3A_842 = arith.index_cast %scan3A_776 : i32 to index
      %swap3A_843 = arith.constant 64 : index
      %swap3A_844 = tpu.vector_load %arg7[%swap3A_841, %swap3A_842, %swap3A_843] {strides = array<i32>} : memref<2x128x128xf32, #tpu.memory_space<vmem>>, vector<1x1x16xf32>,
      %swap3A_845 = vector.shape_cast %swap3A_844 : vector<1x1x16xf32> to vector<16xf32>
      %swap3A_846 = vector.shape_cast %get3A_839 : vector<16xf32> to vector<1x1x16xf32>
      tpu.vector_store %arg7[%swap3A_841, %swap3A_842, %swap3A_843], %swap3A_846 {strides = array<i32>} : memref<2x128x128xf32, #tpu.memory_space<vmem>>, vector<1x1x16xf32>,
      %get3A_847 = arith.index_cast %select_n3A_791 : i32 to index
      %get3A_848 = arith.constant 80 : index
      %get3A_849 = tpu.vector_load %arg6[%get3A_847, %get3A_848] {strides = array<i32>} : memref<5x128xf32, #tpu.memory_space<vmem>>, vector<1x16xf32>,
      %get3A_850 = vector.shape_cast %get3A_849 : vector<1x16xf32> to vector<16xf32>
      %swap3A_851 = arith.constant 0 : i32
      %swap3A_852 = arith.index_cast %swap3A_851 : i32 to index
      %swap3A_853 = arith.index_cast %scan3A_776 : i32 to index
      %swap3A_854 = arith.constant 80 : index
      %swap3A_855 = tpu.vector_load %arg7[%swap3A_852, %swap3A_853, %swap3A_854] {strides = array<i32>} : memref<2x128x128xf32, #tpu.memory_space<vmem>>, vector<1x1x16xf32>,
      %swap3A_856 = vector.shape_cast %swap3A_855 : vector<1x1x16xf32> to vector<16xf32>
      %swap3A_857 = vector.shape_cast %get3A_850 : vector<16xf32> to vector<1x1x16xf32>
      tpu.vector_store %arg7[%swap3A_852, %swap3A_853, %swap3A_854], %swap3A_857 {strides = array<i32>} : memref<2x128x128xf32, #tpu.memory_space<vmem>>, vector<1x1x16xf32>,
      %get3A_858 = arith.index_cast %select_n3A_791 : i32 to index
      %get3A_859 = arith.constant 96 : index
      %get3A_860 = tpu.vector_load %arg6[%get3A_858, %get3A_859] {strides = array<i32>} : memref<5x128xf32, #tpu.memory_space<vmem>>, vector<1x16xf32>,
      %get3A_861 = vector.shape_cast %get3A_860 : vector<1x16xf32> to vector<16xf32>
      %swap3A_862 = arith.constant 0 : i32
      %swap3A_863 = arith.index_cast %swap3A_862 : i32 to index
      %swap3A_864 = arith.index_cast %scan3A_776 : i32 to index
      %swap3A_865 = arith.constant 96 : index
      %swap3A_866 = tpu.vector_load %arg7[%swap3A_863, %swap3A_864, %swap3A_865] {strides = array<i32>} : memref<2x128x128xf32, #tpu.memory_space<vmem>>, vector<1x1x16xf32>,
      %swap3A_867 = vector.shape_cast %swap3A_866 : vector<1x1x16xf32> to vector<16xf32>
      %swap3A_868 = vector.shape_cast %get3A_861 : vector<16xf32> to vector<1x1x16xf32>
      tpu.vector_store %arg7[%swap3A_863, %swap3A_864, %swap3A_865], %swap3A_868 {strides = array<i32>} : memref<2x128x128xf32, #tpu.memory_space<vmem>>, vector<1x1x16xf32>,
      %get3A_869 = arith.index_cast %select_n3A_791 : i32 to index
      %get3A_870 = arith.constant 112 : index
      %get3A_871 = tpu.vector_load %arg6[%get3A_869, %get3A_870] {strides = array<i32>} : memref<5x128xf32, #tpu.memory_space<vmem>>, vector<1x16xf32>,
      %get3A_872 = vector.shape_cast %get3A_871 : vector<1x16xf32> to vector<16xf32>
      %swap3A_873 = arith.constant 0 : i32
      %swap3A_874 = arith.index_cast %swap3A_873 : i32 to index
      %swap3A_875 = arith.index_cast %scan3A_776 : i32 to index
      %swap3A_876 = arith.constant 112 : index
      %swap3A_877 = tpu.vector_load %arg7[%swap3A_874, %swap3A_875, %swap3A_876] {strides = array<i32>} : memref<2x128x128xf32, #tpu.memory_space<vmem>>, vector<1x1x16xf32>,
      %swap3A_878 = vector.shape_cast %swap3A_877 : vector<1x1x16xf32> to vector<16xf32>
      %swap3A_879 = vector.shape_cast %get3A_872 : vector<16xf32> to vector<1x1x16xf32>
      tpu.vector_store %arg7[%swap3A_874, %swap3A_875, %swap3A_876], %swap3A_879 {strides = array<i32>} : memref<2x128x128xf32, #tpu.memory_space<vmem>>, vector<1x1x16xf32>,
      %scan3A_880 = arith.constant 0 : i32
      %scan3A_881 = arith.constant 7 : i32
      %scan3A_882 = arith.addi %scan3A_148, %scan3A_881 : i32
      %add3A_883 = arith.constant 256 : i32
      %add3A_884 = arith.addi %add3A_883, %scan3A_882 : i32
      %get3A_885 = arith.index_cast %add3A_884 : i32 to index
      %get3A_886 = tpu.vector_load %arg5[%get3A_885] {strides = array<i32>} : memref<528xi32, #tpu.memory_space<vmem>>, vector<16xi32>,
      %get3A_887 = vector.shape_cast %get3A_886 : vector<16xi32> to vector<16xi32>
      %slice3A_888 = vector.extract_strided_slice %get3A_887 {offsets = [0], sizes = [1], strides = [1]} : vector<16xi32> to vector<1xi32>
      %squeeze3A_889 = vector.extract %slice3A_888[0] : i32 from vector<1xi32>
      %lt3A_890 = arith.constant 0 : i32
      %lt3A_891 = arith.cmpi slt, %squeeze3A_889, %lt3A_890 : i32
      %max3A_892 = arith.constant 0 : i32
      %max3A_893 = arith.maxsi %squeeze3A_889, %max3A_892 : i32
      %min3A_894 = arith.constant 3 : i32
      %min3A_895 = arith.minsi %max3A_893, %min3A_894 : i32
      %jit3A_896 = arith.constant 4 : i32
      %select_n3A_897 = arith.select %lt3A_891, %jit3A_896, %min3A_895 : i32
      %get3A_898 = arith.index_cast %select_n3A_897 : i32 to index
      %get3A_899 = arith.constant 0 : index
      %get3A_900 = tpu.vector_load %arg6[%get3A_898, %get3A_899] {strides = array<i32>} : memref<5x128xf32, #tpu.memory_space<vmem>>, vector<1x16xf32>,
      %get3A_901 = vector.shape_cast %get3A_900 : vector<1x16xf32> to vector<16xf32>
      %swap3A_902 = arith.constant 0 : i32
      %swap3A_903 = arith.index_cast %swap3A_902 : i32 to index
      %swap3A_904 = arith.index_cast %scan3A_882 : i32 to index
      %swap3A_905 = arith.constant 0 : index
      %swap3A_906 = tpu.vector_load %arg7[%swap3A_903, %swap3A_904, %swap3A_905] {strides = array<i32>} : memref<2x128x128xf32, #tpu.memory_space<vmem>>, vector<1x1x16xf32>,
      %swap3A_907 = vector.shape_cast %swap3A_906 : vector<1x1x16xf32> to vector<16xf32>
      %swap3A_908 = vector.shape_cast %get3A_901 : vector<16xf32> to vector<1x1x16xf32>
      tpu.vector_store %arg7[%swap3A_903, %swap3A_904, %swap3A_905], %swap3A_908 {strides = array<i32>} : memref<2x128x128xf32, #tpu.memory_space<vmem>>, vector<1x1x16xf32>,
      %get3A_909 = arith.index_cast %select_n3A_897 : i32 to index
      %get3A_910 = arith.constant 16 : index
      %get3A_911 = tpu.vector_load %arg6[%get3A_909, %get3A_910] {strides = array<i32>} : memref<5x128xf32, #tpu.memory_space<vmem>>, vector<1x16xf32>,
      %get3A_912 = vector.shape_cast %get3A_911 : vector<1x16xf32> to vector<16xf32>
      %swap3A_913 = arith.constant 0 : i32
      %swap3A_914 = arith.index_cast %swap3A_913 : i32 to index
      %swap3A_915 = arith.index_cast %scan3A_882 : i32 to index
      %swap3A_916 = arith.constant 16 : index
      %swap3A_917 = tpu.vector_load %arg7[%swap3A_914, %swap3A_915, %swap3A_916] {strides = array<i32>} : memref<2x128x128xf32, #tpu.memory_space<vmem>>, vector<1x1x16xf32>,
      %swap3A_918 = vector.shape_cast %swap3A_917 : vector<1x1x16xf32> to vector<16xf32>
      %swap3A_919 = vector.shape_cast %get3A_912 : vector<16xf32> to vector<1x1x16xf32>
      tpu.vector_store %arg7[%swap3A_914, %swap3A_915, %swap3A_916], %swap3A_919 {strides = array<i32>} : memref<2x128x128xf32, #tpu.memory_space<vmem>>, vector<1x1x16xf32>,
      %get3A_920 = arith.index_cast %select_n3A_897 : i32 to index
      %get3A_921 = arith.constant 32 : index
      %get3A_922 = tpu.vector_load %arg6[%get3A_920, %get3A_921] {strides = array<i32>} : memref<5x128xf32, #tpu.memory_space<vmem>>, vector<1x16xf32>,
      %get3A_923 = vector.shape_cast %get3A_922 : vector<1x16xf32> to vector<16xf32>
      %swap3A_924 = arith.constant 0 : i32
      %swap3A_925 = arith.index_cast %swap3A_924 : i32 to index
      %swap3A_926 = arith.index_cast %scan3A_882 : i32 to index
      %swap3A_927 = arith.constant 32 : index
      %swap3A_928 = tpu.vector_load %arg7[%swap3A_925, %swap3A_926, %swap3A_927] {strides = array<i32>} : memref<2x128x128xf32, #tpu.memory_space<vmem>>, vector<1x1x16xf32>,
      %swap3A_929 = vector.shape_cast %swap3A_928 : vector<1x1x16xf32> to vector<16xf32>
      %swap3A_930 = vector.shape_cast %get3A_923 : vector<16xf32> to vector<1x1x16xf32>
      tpu.vector_store %arg7[%swap3A_925, %swap3A_926, %swap3A_927], %swap3A_930 {strides = array<i32>} : memref<2x128x128xf32, #tpu.memory_space<vmem>>, vector<1x1x16xf32>,
      %get3A_931 = arith.index_cast %select_n3A_897 : i32 to index
      %get3A_932 = arith.constant 48 : index
      %get3A_933 = tpu.vector_load %arg6[%get3A_931, %get3A_932] {strides = array<i32>} : memref<5x128xf32, #tpu.memory_space<vmem>>, vector<1x16xf32>,
      %get3A_934 = vector.shape_cast %get3A_933 : vector<1x16xf32> to vector<16xf32>
      %swap3A_935 = arith.constant 0 : i32
      %swap3A_936 = arith.index_cast %swap3A_935 : i32 to index
      %swap3A_937 = arith.index_cast %scan3A_882 : i32 to index
      %swap3A_938 = arith.constant 48 : index
      %swap3A_939 = tpu.vector_load %arg7[%swap3A_936, %swap3A_937, %swap3A_938] {strides = array<i32>} : memref<2x128x128xf32, #tpu.memory_space<vmem>>, vector<1x1x16xf32>,
      %swap3A_940 = vector.shape_cast %swap3A_939 : vector<1x1x16xf32> to vector<16xf32>
      %swap3A_941 = vector.shape_cast %get3A_934 : vector<16xf32> to vector<1x1x16xf32>
      tpu.vector_store %arg7[%swap3A_936, %swap3A_937, %swap3A_938], %swap3A_941 {strides = array<i32>} : memref<2x128x128xf32, #tpu.memory_space<vmem>>, vector<1x1x16xf32>,
      %get3A_942 = arith.index_cast %select_n3A_897 : i32 to index
      %get3A_943 = arith.constant 64 : index
      %get3A_944 = tpu.vector_load %arg6[%get3A_942, %get3A_943] {strides = array<i32>} : memref<5x128xf32, #tpu.memory_space<vmem>>, vector<1x16xf32>,
      %get3A_945 = vector.shape_cast %get3A_944 : vector<1x16xf32> to vector<16xf32>
      %swap3A_946 = arith.constant 0 : i32
      %swap3A_947 = arith.index_cast %swap3A_946 : i32 to index
      %swap3A_948 = arith.index_cast %scan3A_882 : i32 to index
      %swap3A_949 = arith.constant 64 : index
      %swap3A_950 = tpu.vector_load %arg7[%swap3A_947, %swap3A_948, %swap3A_949] {strides = array<i32>} : memref<2x128x128xf32, #tpu.memory_space<vmem>>, vector<1x1x16xf32>,
      %swap3A_951 = vector.shape_cast %swap3A_950 : vector<1x1x16xf32> to vector<16xf32>
      %swap3A_952 = vector.shape_cast %get3A_945 : vector<16xf32> to vector<1x1x16xf32>
      tpu.vector_store %arg7[%swap3A_947, %swap3A_948, %swap3A_949], %swap3A_952 {strides = array<i32>} : memref<2x128x128xf32, #tpu.memory_space<vmem>>, vector<1x1x16xf32>,
      %get3A_953 = arith.index_cast %select_n3A_897 : i32 to index
      %get3A_954 = arith.constant 80 : index
      %get3A_955 = tpu.vector_load %arg6[%get3A_953, %get3A_954] {strides = array<i32>} : memref<5x128xf32, #tpu.memory_space<vmem>>, vector<1x16xf32>,
      %get3A_956 = vector.shape_cast %get3A_955 : vector<1x16xf32> to vector<16xf32>
      %swap3A_957 = arith.constant 0 : i32
      %swap3A_958 = arith.index_cast %swap3A_957 : i32 to index
      %swap3A_959 = arith.index_cast %scan3A_882 : i32 to index
      %swap3A_960 = arith.constant 80 : index
      %swap3A_961 = tpu.vector_load %arg7[%swap3A_958, %swap3A_959, %swap3A_960] {strides = array<i32>} : memref<2x128x128xf32, #tpu.memory_space<vmem>>, vector<1x1x16xf32>,
      %swap3A_962 = vector.shape_cast %swap3A_961 : vector<1x1x16xf32> to vector<16xf32>
      %swap3A_963 = vector.shape_cast %get3A_956 : vector<16xf32> to vector<1x1x16xf32>
      tpu.vector_store %arg7[%swap3A_958, %swap3A_959, %swap3A_960], %swap3A_963 {strides = array<i32>} : memref<2x128x128xf32, #tpu.memory_space<vmem>>, vector<1x1x16xf32>,
      %get3A_964 = arith.index_cast %select_n3A_897 : i32 to index
      %get3A_965 = arith.constant 96 : index
      %get3A_966 = tpu.vector_load %arg6[%get3A_964, %get3A_965] {strides = array<i32>} : memref<5x128xf32, #tpu.memory_space<vmem>>, vector<1x16xf32>,
      %get3A_967 = vector.shape_cast %get3A_966 : vector<1x16xf32> to vector<16xf32>
      %swap3A_968 = arith.constant 0 : i32
      %swap3A_969 = arith.index_cast %swap3A_968 : i32 to index
      %swap3A_970 = arith.index_cast %scan3A_882 : i32 to index
      %swap3A_971 = arith.constant 96 : index
      %swap3A_972 = tpu.vector_load %arg7[%swap3A_969, %swap3A_970, %swap3A_971] {strides = array<i32>} : memref<2x128x128xf32, #tpu.memory_space<vmem>>, vector<1x1x16xf32>,
      %swap3A_973 = vector.shape_cast %swap3A_972 : vector<1x1x16xf32> to vector<16xf32>
      %swap3A_974 = vector.shape_cast %get3A_967 : vector<16xf32> to vector<1x1x16xf32>
      tpu.vector_store %arg7[%swap3A_969, %swap3A_970, %swap3A_971], %swap3A_974 {strides = array<i32>} : memref<2x128x128xf32, #tpu.memory_space<vmem>>, vector<1x1x16xf32>,
      %get3A_975 = arith.index_cast %select_n3A_897 : i32 to index
      %get3A_976 = arith.constant 112 : index
      %get3A_977 = tpu.vector_load %arg6[%get3A_975, %get3A_976] {strides = array<i32>} : memref<5x128xf32, #tpu.memory_space<vmem>>, vector<1x16xf32>,
      %get3A_978 = vector.shape_cast %get3A_977 : vector<1x16xf32> to vector<16xf32>
      %swap3A_979 = arith.constant 0 : i32
      %swap3A_980 = arith.index_cast %swap3A_979 : i32 to index
      %swap3A_981 = arith.index_cast %scan3A_882 : i32 to index
      %swap3A_982 = arith.constant 112 : index
      %swap3A_983 = tpu.vector_load %arg7[%swap3A_980, %swap3A_981, %swap3A_982] {strides = array<i32>} : memref<2x128x128xf32, #tpu.memory_space<vmem>>, vector<1x1x16xf32>,
      %swap3A_984 = vector.shape_cast %swap3A_983 : vector<1x1x16xf32> to vector<16xf32>
      %swap3A_985 = vector.shape_cast %get3A_978 : vector<16xf32> to vector<1x1x16xf32>
      tpu.vector_store %arg7[%swap3A_980, %swap3A_981, %swap3A_982], %swap3A_985 {strides = array<i32>} : memref<2x128x128xf32, #tpu.memory_space<vmem>>, vector<1x1x16xf32>,
      %scan3A_986 = arith.constant 0 : i32
      scf.yield %scan3A_986 : i32
    }
    %scan3A_65 = arith.constant 128 : i32
    %add3A_66 = arith.constant 256 : i32
    %add3A_67 = arith.addi %mul3A_2, %add3A_66 : i32
    %dma_start3A_68 = arith.constant 0 : i32
    %dma_start3A_69 = arith.constant 0 : i32
    %dma_start3A_70 = arith.constant 0 : i32
    %dma_start3A_71 = tpu.memref_slice %arg7[%dma_start3A_68, %dma_start3A_69, %dma_start3A_70] : memref<2x128x128xf32, #tpu.memory_space<vmem>> -> memref<1x128x128xf32, #tpu.memory_space<vmem>>
    %dma_start3A_72 = tpu.memref_squeeze %dma_start3A_71 : memref<1x128x128xf32, #tpu.memory_space<vmem>> -> memref<128x128xf32, #tpu.memory_space<vmem>>
    %dma_start3A_73 = arith.constant 0 : i32
    %dma_start3A_74 = tpu.memref_slice %arg4[%add3A_67, %dma_start3A_73] : memref<16384x128xf32, #tpu.memory_space<hbm>> -> memref<128x128xf32, #tpu.memory_space<hbm>>
    %dma_start3A_75 = arith.constant 0 : i32
    %dma_start3A_76 = tpu.memref_slice %arg4[%add3A_67, %dma_start3A_75] : memref<16384x128xf32, #tpu.memory_space<hbm>> -> memref<128x128xf32, #tpu.memory_space<hbm>>
    %dma_start3A_77 = arith.constant 0 : i32
    %dma_start3A_78 = arith.constant 0 : i32
    %dma_start3A_79 = tpu.memref_slice %arg7[%dma_start3A_68, %dma_start3A_77, %dma_start3A_78] : memref<2x128x128xf32, #tpu.memory_space<vmem>> -> memref<1x128x128xf32, #tpu.memory_space<vmem>>
    %dma_start3A_80 = tpu.memref_squeeze %dma_start3A_79 : memref<1x128x128xf32, #tpu.memory_space<vmem>> -> memref<128x128xf32, #tpu.memory_space<vmem>>
    tpu.enqueue_dma source(%dma_start3A_80 : memref<128x128xf32, #tpu.memory_space<vmem>>) target(%dma_start3A_76 : memref<128x128xf32, #tpu.memory_space<hbm>>) target_semaphore(%arg8 : memref<!tpu.dma_semaphore, #tpu.memory_space<semaphore_mem>>)
    %add3A_81 = arith.constant 128 : i32
    %add3A_82 = arith.addi %mul3A_2, %add3A_81 : i32
    %dma_wait3A_83 = arith.constant 1 : i32
    %dma_wait3A_84 = arith.constant 0 : i32
    %dma_wait3A_85 = arith.constant 0 : i32
    %dma_wait3A_86 = tpu.memref_slice %arg7[%dma_wait3A_83, %dma_wait3A_84, %dma_wait3A_85] : memref<2x128x128xf32, #tpu.memory_space<vmem>> -> memref<1x128x128xf32, #tpu.memory_space<vmem>>
    %dma_wait3A_87 = tpu.memref_squeeze %dma_wait3A_86 : memref<1x128x128xf32, #tpu.memory_space<vmem>> -> memref<128x128xf32, #tpu.memory_space<vmem>>
    %dma_wait3A_88 = arith.constant 0 : i32
    %dma_wait3A_89 = tpu.memref_slice %arg4[%add3A_82, %dma_wait3A_88] : memref<16384x128xf32, #tpu.memory_space<hbm>> -> memref<128x128xf32, #tpu.memory_space<hbm>>
    %dma_wait3A_90 = arith.constant 0 : i32
    %dma_wait3A_91 = tpu.memref_slice %arg4[%add3A_82, %dma_wait3A_90] : memref<16384x128xf32, #tpu.memory_space<hbm>> -> memref<128x128xf32, #tpu.memory_space<hbm>>
    %dma_wait3A_92 = arith.constant 0 : i32
    %dma_wait3A_93 = arith.constant 0 : i32
    %dma_wait3A_94 = tpu.memref_slice %arg7[%dma_wait3A_83, %dma_wait3A_92, %dma_wait3A_93] : memref<2x128x128xf32, #tpu.memory_space<vmem>> -> memref<1x128x128xf32, #tpu.memory_space<vmem>>
    %dma_wait3A_95 = tpu.memref_squeeze %dma_wait3A_94 : memref<1x128x128xf32, #tpu.memory_space<vmem>> -> memref<128x128xf32, #tpu.memory_space<vmem>>
    tpu.wait_dma2 semaphore(%arg9 : memref<!tpu.dma_semaphore, #tpu.memory_space<semaphore_mem>>) src(%dma_wait3A_95 : memref<128x128xf32, #tpu.memory_space<vmem>>) dst(%dma_wait3A_91 : memref<128x128xf32, #tpu.memory_space<hbm>>)
    %scan3A_96 = arith.constant 0 : i32
    %scan3A_97 = arith.constant 0 : i32
    %scan3A_98 = arith.constant 128 : i32
    %scan3A_99 = arith.addi %scan3A_97, %scan3A_98 : i32
    %scan3A_100 = arith.constant 8 : i32
    %scan3A_101 = scf.for %scan3A_148 = %scan3A_97 to %scan3A_99 step %scan3A_100 iter_args(%scan3A_149 = %scan3A_96) -> (i32)  : i32 {
      %add3A_150 = arith.constant 384 : i32
      %add3A_151 = arith.addi %add3A_150, %scan3A_148 : i32
      %get3A = arith.index_cast %add3A_151 : i32 to index
      %get3A_152 = tpu.vector_load %arg5[%get3A] {strides = array<i32>} : memref<528xi32, #tpu.memory_space<vmem>>, vector<16xi32>,
      %get3A_153 = vector.shape_cast %get3A_152 : vector<16xi32> to vector<16xi32>
      %slice3A = vector.extract_strided_slice %get3A_153 {offsets = [0], sizes = [1], strides = [1]} : vector<16xi32> to vector<1xi32>
      %squeeze3A = vector.extract %slice3A[0] : i32 from vector<1xi32>
      %lt3A = arith.constant 0 : i32
      %lt3A_154 = arith.cmpi slt, %squeeze3A, %lt3A : i32
      %max3A = arith.constant 0 : i32
      %max3A_155 = arith.maxsi %squeeze3A, %max3A : i32
      %min3A = arith.constant 3 : i32
      %min3A_156 = arith.minsi %max3A_155, %min3A : i32
      %jit3A = arith.constant 4 : i32
      %select_n3A = arith.select %lt3A_154, %jit3A, %min3A_156 : i32
      %get3A_157 = arith.index_cast %select_n3A : i32 to index
      %get3A_158 = arith.constant 0 : index
      %get3A_159 = tpu.vector_load %arg6[%get3A_157, %get3A_158] {strides = array<i32>} : memref<5x128xf32, #tpu.memory_space<vmem>>, vector<1x16xf32>,
      %get3A_160 = vector.shape_cast %get3A_159 : vector<1x16xf32> to vector<16xf32>
      %swap3A = arith.constant 1 : i32
      %swap3A_161 = arith.index_cast %swap3A : i32 to index
      %swap3A_162 = arith.index_cast %scan3A_148 : i32 to index
      %swap3A_163 = arith.constant 0 : index
      %swap3A_164 = tpu.vector_load %arg7[%swap3A_161, %swap3A_162, %swap3A_163] {strides = array<i32>} : memref<2x128x128xf32, #tpu.memory_space<vmem>>, vector<1x1x16xf32>,
      %swap3A_165 = vector.shape_cast %swap3A_164 : vector<1x1x16xf32> to vector<16xf32>
      %swap3A_166 = vector.shape_cast %get3A_160 : vector<16xf32> to vector<1x1x16xf32>
      tpu.vector_store %arg7[%swap3A_161, %swap3A_162, %swap3A_163], %swap3A_166 {strides = array<i32>} : memref<2x128x128xf32, #tpu.memory_space<vmem>>, vector<1x1x16xf32>,
      %get3A_167 = arith.index_cast %select_n3A : i32 to index
      %get3A_168 = arith.constant 16 : index
      %get3A_169 = tpu.vector_load %arg6[%get3A_167, %get3A_168] {strides = array<i32>} : memref<5x128xf32, #tpu.memory_space<vmem>>, vector<1x16xf32>,
      %get3A_170 = vector.shape_cast %get3A_169 : vector<1x16xf32> to vector<16xf32>
      %swap3A_171 = arith.constant 1 : i32
      %swap3A_172 = arith.index_cast %swap3A_171 : i32 to index
      %swap3A_173 = arith.index_cast %scan3A_148 : i32 to index
      %swap3A_174 = arith.constant 16 : index
      %swap3A_175 = tpu.vector_load %arg7[%swap3A_172, %swap3A_173, %swap3A_174] {strides = array<i32>} : memref<2x128x128xf32, #tpu.memory_space<vmem>>, vector<1x1x16xf32>,
      %swap3A_176 = vector.shape_cast %swap3A_175 : vector<1x1x16xf32> to vector<16xf32>
      %swap3A_177 = vector.shape_cast %get3A_170 : vector<16xf32> to vector<1x1x16xf32>
      tpu.vector_store %arg7[%swap3A_172, %swap3A_173, %swap3A_174], %swap3A_177 {strides = array<i32>} : memref<2x128x128xf32, #tpu.memory_space<vmem>>, vector<1x1x16xf32>,
      %get3A_178 = arith.index_cast %select_n3A : i32 to index
      %get3A_179 = arith.constant 32 : index
      %get3A_180 = tpu.vector_load %arg6[%get3A_178, %get3A_179] {strides = array<i32>} : memref<5x128xf32, #tpu.memory_space<vmem>>, vector<1x16xf32>,
      %get3A_181 = vector.shape_cast %get3A_180 : vector<1x16xf32> to vector<16xf32>
      %swap3A_182 = arith.constant 1 : i32
      %swap3A_183 = arith.index_cast %swap3A_182 : i32 to index
      %swap3A_184 = arith.index_cast %scan3A_148 : i32 to index
      %swap3A_185 = arith.constant 32 : index
      %swap3A_186 = tpu.vector_load %arg7[%swap3A_183, %swap3A_184, %swap3A_185] {strides = array<i32>} : memref<2x128x128xf32, #tpu.memory_space<vmem>>, vector<1x1x16xf32>,
      %swap3A_187 = vector.shape_cast %swap3A_186 : vector<1x1x16xf32> to vector<16xf32>
      %swap3A_188 = vector.shape_cast %get3A_181 : vector<16xf32> to vector<1x1x16xf32>
      tpu.vector_store %arg7[%swap3A_183, %swap3A_184, %swap3A_185], %swap3A_188 {strides = array<i32>} : memref<2x128x128xf32, #tpu.memory_space<vmem>>, vector<1x1x16xf32>,
      %get3A_189 = arith.index_cast %select_n3A : i32 to index
      %get3A_190 = arith.constant 48 : index
      %get3A_191 = tpu.vector_load %arg6[%get3A_189, %get3A_190] {strides = array<i32>} : memref<5x128xf32, #tpu.memory_space<vmem>>, vector<1x16xf32>,
      %get3A_192 = vector.shape_cast %get3A_191 : vector<1x16xf32> to vector<16xf32>
      %swap3A_193 = arith.constant 1 : i32
      %swap3A_194 = arith.index_cast %swap3A_193 : i32 to index
      %swap3A_195 = arith.index_cast %scan3A_148 : i32 to index
      %swap3A_196 = arith.constant 48 : index
      %swap3A_197 = tpu.vector_load %arg7[%swap3A_194, %swap3A_195, %swap3A_196] {strides = array<i32>} : memref<2x128x128xf32, #tpu.memory_space<vmem>>, vector<1x1x16xf32>,
      %swap3A_198 = vector.shape_cast %swap3A_197 : vector<1x1x16xf32> to vector<16xf32>
      %swap3A_199 = vector.shape_cast %get3A_192 : vector<16xf32> to vector<1x1x16xf32>
      tpu.vector_store %arg7[%swap3A_194, %swap3A_195, %swap3A_196], %swap3A_199 {strides = array<i32>} : memref<2x128x128xf32, #tpu.memory_space<vmem>>, vector<1x1x16xf32>,
      %get3A_200 = arith.index_cast %select_n3A : i32 to index
      %get3A_201 = arith.constant 64 : index
      %get3A_202 = tpu.vector_load %arg6[%get3A_200, %get3A_201] {strides = array<i32>} : memref<5x128xf32, #tpu.memory_space<vmem>>, vector<1x16xf32>,
      %get3A_203 = vector.shape_cast %get3A_202 : vector<1x16xf32> to vector<16xf32>
      %swap3A_204 = arith.constant 1 : i32
      %swap3A_205 = arith.index_cast %swap3A_204 : i32 to index
      %swap3A_206 = arith.index_cast %scan3A_148 : i32 to index
      %swap3A_207 = arith.constant 64 : index
      %swap3A_208 = tpu.vector_load %arg7[%swap3A_205, %swap3A_206, %swap3A_207] {strides = array<i32>} : memref<2x128x128xf32, #tpu.memory_space<vmem>>, vector<1x1x16xf32>,
      %swap3A_209 = vector.shape_cast %swap3A_208 : vector<1x1x16xf32> to vector<16xf32>
      %swap3A_210 = vector.shape_cast %get3A_203 : vector<16xf32> to vector<1x1x16xf32>
      tpu.vector_store %arg7[%swap3A_205, %swap3A_206, %swap3A_207], %swap3A_210 {strides = array<i32>} : memref<2x128x128xf32, #tpu.memory_space<vmem>>, vector<1x1x16xf32>,
      %get3A_211 = arith.index_cast %select_n3A : i32 to index
      %get3A_212 = arith.constant 80 : index
      %get3A_213 = tpu.vector_load %arg6[%get3A_211, %get3A_212] {strides = array<i32>} : memref<5x128xf32, #tpu.memory_space<vmem>>, vector<1x16xf32>,
      %get3A_214 = vector.shape_cast %get3A_213 : vector<1x16xf32> to vector<16xf32>
      %swap3A_215 = arith.constant 1 : i32
      %swap3A_216 = arith.index_cast %swap3A_215 : i32 to index
      %swap3A_217 = arith.index_cast %scan3A_148 : i32 to index
      %swap3A_218 = arith.constant 80 : index
      %swap3A_219 = tpu.vector_load %arg7[%swap3A_216, %swap3A_217, %swap3A_218] {strides = array<i32>} : memref<2x128x128xf32, #tpu.memory_space<vmem>>, vector<1x1x16xf32>,
      %swap3A_220 = vector.shape_cast %swap3A_219 : vector<1x1x16xf32> to vector<16xf32>
      %swap3A_221 = vector.shape_cast %get3A_214 : vector<16xf32> to vector<1x1x16xf32>
      tpu.vector_store %arg7[%swap3A_216, %swap3A_217, %swap3A_218], %swap3A_221 {strides = array<i32>} : memref<2x128x128xf32, #tpu.memory_space<vmem>>, vector<1x1x16xf32>,
      %get3A_222 = arith.index_cast %select_n3A : i32 to index
      %get3A_223 = arith.constant 96 : index
      %get3A_224 = tpu.vector_load %arg6[%get3A_222, %get3A_223] {strides = array<i32>} : memref<5x128xf32, #tpu.memory_space<vmem>>, vector<1x16xf32>,
      %get3A_225 = vector.shape_cast %get3A_224 : vector<1x16xf32> to vector<16xf32>
      %swap3A_226 = arith.constant 1 : i32
      %swap3A_227 = arith.index_cast %swap3A_226 : i32 to index
      %swap3A_228 = arith.index_cast %scan3A_148 : i32 to index
      %swap3A_229 = arith.constant 96 : index
      %swap3A_230 = tpu.vector_load %arg7[%swap3A_227, %swap3A_228, %swap3A_229] {strides = array<i32>} : memref<2x128x128xf32, #tpu.memory_space<vmem>>, vector<1x1x16xf32>,
      %swap3A_231 = vector.shape_cast %swap3A_230 : vector<1x1x16xf32> to vector<16xf32>
      %swap3A_232 = vector.shape_cast %get3A_225 : vector<16xf32> to vector<1x1x16xf32>
      tpu.vector_store %arg7[%swap3A_227, %swap3A_228, %swap3A_229], %swap3A_232 {strides = array<i32>} : memref<2x128x128xf32, #tpu.memory_space<vmem>>, vector<1x1x16xf32>,
      %get3A_233 = arith.index_cast %select_n3A : i32 to index
      %get3A_234 = arith.constant 112 : index
      %get3A_235 = tpu.vector_load %arg6[%get3A_233, %get3A_234] {strides = array<i32>} : memref<5x128xf32, #tpu.memory_space<vmem>>, vector<1x16xf32>,
      %get3A_236 = vector.shape_cast %get3A_235 : vector<1x16xf32> to vector<16xf32>
      %swap3A_237 = arith.constant 1 : i32
      %swap3A_238 = arith.index_cast %swap3A_237 : i32 to index
      %swap3A_239 = arith.index_cast %scan3A_148 : i32 to index
      %swap3A_240 = arith.constant 112 : index
      %swap3A_241 = tpu.vector_load %arg7[%swap3A_238, %swap3A_239, %swap3A_240] {strides = array<i32>} : memref<2x128x128xf32, #tpu.memory_space<vmem>>, vector<1x1x16xf32>,
      %swap3A_242 = vector.shape_cast %swap3A_241 : vector<1x1x16xf32> to vector<16xf32>
      %swap3A_243 = vector.shape_cast %get3A_236 : vector<16xf32> to vector<1x1x16xf32>
      tpu.vector_store %arg7[%swap3A_238, %swap3A_239, %swap3A_240], %swap3A_243 {strides = array<i32>} : memref<2x128x128xf32, #tpu.memory_space<vmem>>, vector<1x1x16xf32>,
      %scan3A_244 = arith.constant 0 : i32
      %scan3A_245 = arith.constant 1 : i32
      %scan3A_246 = arith.addi %scan3A_148, %scan3A_245 : i32
      %add3A_247 = arith.constant 384 : i32
      %add3A_248 = arith.addi %add3A_247, %scan3A_246 : i32
      %get3A_249 = arith.index_cast %add3A_248 : i32 to index
      %get3A_250 = tpu.vector_load %arg5[%get3A_249] {strides = array<i32>} : memref<528xi32, #tpu.memory_space<vmem>>, vector<16xi32>,
      %get3A_251 = vector.shape_cast %get3A_250 : vector<16xi32> to vector<16xi32>
      %slice3A_252 = vector.extract_strided_slice %get3A_251 {offsets = [0], sizes = [1], strides = [1]} : vector<16xi32> to vector<1xi32>
      %squeeze3A_253 = vector.extract %slice3A_252[0] : i32 from vector<1xi32>
      %lt3A_254 = arith.constant 0 : i32
      %lt3A_255 = arith.cmpi slt, %squeeze3A_253, %lt3A_254 : i32
      %max3A_256 = arith.constant 0 : i32
      %max3A_257 = arith.maxsi %squeeze3A_253, %max3A_256 : i32
      %min3A_258 = arith.constant 3 : i32
      %min3A_259 = arith.minsi %max3A_257, %min3A_258 : i32
      %jit3A_260 = arith.constant 4 : i32
      %select_n3A_261 = arith.select %lt3A_255, %jit3A_260, %min3A_259 : i32
      %get3A_262 = arith.index_cast %select_n3A_261 : i32 to index
      %get3A_263 = arith.constant 0 : index
      %get3A_264 = tpu.vector_load %arg6[%get3A_262, %get3A_263] {strides = array<i32>} : memref<5x128xf32, #tpu.memory_space<vmem>>, vector<1x16xf32>,
      %get3A_265 = vector.shape_cast %get3A_264 : vector<1x16xf32> to vector<16xf32>
      %swap3A_266 = arith.constant 1 : i32
      %swap3A_267 = arith.index_cast %swap3A_266 : i32 to index
      %swap3A_268 = arith.index_cast %scan3A_246 : i32 to index
      %swap3A_269 = arith.constant 0 : index
      %swap3A_270 = tpu.vector_load %arg7[%swap3A_267, %swap3A_268, %swap3A_269] {strides = array<i32>} : memref<2x128x128xf32, #tpu.memory_space<vmem>>, vector<1x1x16xf32>,
      %swap3A_271 = vector.shape_cast %swap3A_270 : vector<1x1x16xf32> to vector<16xf32>
      %swap3A_272 = vector.shape_cast %get3A_265 : vector<16xf32> to vector<1x1x16xf32>
      tpu.vector_store %arg7[%swap3A_267, %swap3A_268, %swap3A_269], %swap3A_272 {strides = array<i32>} : memref<2x128x128xf32, #tpu.memory_space<vmem>>, vector<1x1x16xf32>,
      %get3A_273 = arith.index_cast %select_n3A_261 : i32 to index
      %get3A_274 = arith.constant 16 : index
      %get3A_275 = tpu.vector_load %arg6[%get3A_273, %get3A_274] {strides = array<i32>} : memref<5x128xf32, #tpu.memory_space<vmem>>, vector<1x16xf32>,
      %get3A_276 = vector.shape_cast %get3A_275 : vector<1x16xf32> to vector<16xf32>
      %swap3A_277 = arith.constant 1 : i32
      %swap3A_278 = arith.index_cast %swap3A_277 : i32 to index
      %swap3A_279 = arith.index_cast %scan3A_246 : i32 to index
      %swap3A_280 = arith.constant 16 : index
      %swap3A_281 = tpu.vector_load %arg7[%swap3A_278, %swap3A_279, %swap3A_280] {strides = array<i32>} : memref<2x128x128xf32, #tpu.memory_space<vmem>>, vector<1x1x16xf32>,
      %swap3A_282 = vector.shape_cast %swap3A_281 : vector<1x1x16xf32> to vector<16xf32>
      %swap3A_283 = vector.shape_cast %get3A_276 : vector<16xf32> to vector<1x1x16xf32>
      tpu.vector_store %arg7[%swap3A_278, %swap3A_279, %swap3A_280], %swap3A_283 {strides = array<i32>} : memref<2x128x128xf32, #tpu.memory_space<vmem>>, vector<1x1x16xf32>,
      %get3A_284 = arith.index_cast %select_n3A_261 : i32 to index
      %get3A_285 = arith.constant 32 : index
      %get3A_286 = tpu.vector_load %arg6[%get3A_284, %get3A_285] {strides = array<i32>} : memref<5x128xf32, #tpu.memory_space<vmem>>, vector<1x16xf32>,
      %get3A_287 = vector.shape_cast %get3A_286 : vector<1x16xf32> to vector<16xf32>
      %swap3A_288 = arith.constant 1 : i32
      %swap3A_289 = arith.index_cast %swap3A_288 : i32 to index
      %swap3A_290 = arith.index_cast %scan3A_246 : i32 to index
      %swap3A_291 = arith.constant 32 : index
      %swap3A_292 = tpu.vector_load %arg7[%swap3A_289, %swap3A_290, %swap3A_291] {strides = array<i32>} : memref<2x128x128xf32, #tpu.memory_space<vmem>>, vector<1x1x16xf32>,
      %swap3A_293 = vector.shape_cast %swap3A_292 : vector<1x1x16xf32> to vector<16xf32>
      %swap3A_294 = vector.shape_cast %get3A_287 : vector<16xf32> to vector<1x1x16xf32>
      tpu.vector_store %arg7[%swap3A_289, %swap3A_290, %swap3A_291], %swap3A_294 {strides = array<i32>} : memref<2x128x128xf32, #tpu.memory_space<vmem>>, vector<1x1x16xf32>,
      %get3A_295 = arith.index_cast %select_n3A_261 : i32 to index
      %get3A_296 = arith.constant 48 : index
      %get3A_297 = tpu.vector_load %arg6[%get3A_295, %get3A_296] {strides = array<i32>} : memref<5x128xf32, #tpu.memory_space<vmem>>, vector<1x16xf32>,
      %get3A_298 = vector.shape_cast %get3A_297 : vector<1x16xf32> to vector<16xf32>
      %swap3A_299 = arith.constant 1 : i32
      %swap3A_300 = arith.index_cast %swap3A_299 : i32 to index
      %swap3A_301 = arith.index_cast %scan3A_246 : i32 to index
      %swap3A_302 = arith.constant 48 : index
      %swap3A_303 = tpu.vector_load %arg7[%swap3A_300, %swap3A_301, %swap3A_302] {strides = array<i32>} : memref<2x128x128xf32, #tpu.memory_space<vmem>>, vector<1x1x16xf32>,
      %swap3A_304 = vector.shape_cast %swap3A_303 : vector<1x1x16xf32> to vector<16xf32>
      %swap3A_305 = vector.shape_cast %get3A_298 : vector<16xf32> to vector<1x1x16xf32>
      tpu.vector_store %arg7[%swap3A_300, %swap3A_301, %swap3A_302], %swap3A_305 {strides = array<i32>} : memref<2x128x128xf32, #tpu.memory_space<vmem>>, vector<1x1x16xf32>,
      %get3A_306 = arith.index_cast %select_n3A_261 : i32 to index
      %get3A_307 = arith.constant 64 : index
      %get3A_308 = tpu.vector_load %arg6[%get3A_306, %get3A_307] {strides = array<i32>} : memref<5x128xf32, #tpu.memory_space<vmem>>, vector<1x16xf32>,
      %get3A_309 = vector.shape_cast %get3A_308 : vector<1x16xf32> to vector<16xf32>
      %swap3A_310 = arith.constant 1 : i32
      %swap3A_311 = arith.index_cast %swap3A_310 : i32 to index
      %swap3A_312 = arith.index_cast %scan3A_246 : i32 to index
      %swap3A_313 = arith.constant 64 : index
      %swap3A_314 = tpu.vector_load %arg7[%swap3A_311, %swap3A_312, %swap3A_313] {strides = array<i32>} : memref<2x128x128xf32, #tpu.memory_space<vmem>>, vector<1x1x16xf32>,
      %swap3A_315 = vector.shape_cast %swap3A_314 : vector<1x1x16xf32> to vector<16xf32>
      %swap3A_316 = vector.shape_cast %get3A_309 : vector<16xf32> to vector<1x1x16xf32>
      tpu.vector_store %arg7[%swap3A_311, %swap3A_312, %swap3A_313], %swap3A_316 {strides = array<i32>} : memref<2x128x128xf32, #tpu.memory_space<vmem>>, vector<1x1x16xf32>,
      %get3A_317 = arith.index_cast %select_n3A_261 : i32 to index
      %get3A_318 = arith.constant 80 : index
      %get3A_319 = tpu.vector_load %arg6[%get3A_317, %get3A_318] {strides = array<i32>} : memref<5x128xf32, #tpu.memory_space<vmem>>, vector<1x16xf32>,
      %get3A_320 = vector.shape_cast %get3A_319 : vector<1x16xf32> to vector<16xf32>
      %swap3A_321 = arith.constant 1 : i32
      %swap3A_322 = arith.index_cast %swap3A_321 : i32 to index
      %swap3A_323 = arith.index_cast %scan3A_246 : i32 to index
      %swap3A_324 = arith.constant 80 : index
      %swap3A_325 = tpu.vector_load %arg7[%swap3A_322, %swap3A_323, %swap3A_324] {strides = array<i32>} : memref<2x128x128xf32, #tpu.memory_space<vmem>>, vector<1x1x16xf32>,
      %swap3A_326 = vector.shape_cast %swap3A_325 : vector<1x1x16xf32> to vector<16xf32>
      %swap3A_327 = vector.shape_cast %get3A_320 : vector<16xf32> to vector<1x1x16xf32>
      tpu.vector_store %arg7[%swap3A_322, %swap3A_323, %swap3A_324], %swap3A_327 {strides = array<i32>} : memref<2x128x128xf32, #tpu.memory_space<vmem>>, vector<1x1x16xf32>,
      %get3A_328 = arith.index_cast %select_n3A_261 : i32 to index
      %get3A_329 = arith.constant 96 : index
      %get3A_330 = tpu.vector_load %arg6[%get3A_328, %get3A_329] {strides = array<i32>} : memref<5x128xf32, #tpu.memory_space<vmem>>, vector<1x16xf32>,
      %get3A_331 = vector.shape_cast %get3A_330 : vector<1x16xf32> to vector<16xf32>
      %swap3A_332 = arith.constant 1 : i32
      %swap3A_333 = arith.index_cast %swap3A_332 : i32 to index
      %swap3A_334 = arith.index_cast %scan3A_246 : i32 to index
      %swap3A_335 = arith.constant 96 : index
      %swap3A_336 = tpu.vector_load %arg7[%swap3A_333, %swap3A_334, %swap3A_335] {strides = array<i32>} : memref<2x128x128xf32, #tpu.memory_space<vmem>>, vector<1x1x16xf32>,
      %swap3A_337 = vector.shape_cast %swap3A_336 : vector<1x1x16xf32> to vector<16xf32>
      %swap3A_338 = vector.shape_cast %get3A_331 : vector<16xf32> to vector<1x1x16xf32>
      tpu.vector_store %arg7[%swap3A_333, %swap3A_334, %swap3A_335], %swap3A_338 {strides = array<i32>} : memref<2x128x128xf32, #tpu.memory_space<vmem>>, vector<1x1x16xf32>,
      %get3A_339 = arith.index_cast %select_n3A_261 : i32 to index
      %get3A_340 = arith.constant 112 : index
      %get3A_341 = tpu.vector_load %arg6[%get3A_339, %get3A_340] {strides = array<i32>} : memref<5x128xf32, #tpu.memory_space<vmem>>, vector<1x16xf32>,
      %get3A_342 = vector.shape_cast %get3A_341 : vector<1x16xf32> to vector<16xf32>
      %swap3A_343 = arith.constant 1 : i32
      %swap3A_344 = arith.index_cast %swap3A_343 : i32 to index
      %swap3A_345 = arith.index_cast %scan3A_246 : i32 to index
      %swap3A_346 = arith.constant 112 : index
      %swap3A_347 = tpu.vector_load %arg7[%swap3A_344, %swap3A_345, %swap3A_346] {strides = array<i32>} : memref<2x128x128xf32, #tpu.memory_space<vmem>>, vector<1x1x16xf32>,
      %swap3A_348 = vector.shape_cast %swap3A_347 : vector<1x1x16xf32> to vector<16xf32>
      %swap3A_349 = vector.shape_cast %get3A_342 : vector<16xf32> to vector<1x1x16xf32>
      tpu.vector_store %arg7[%swap3A_344, %swap3A_345, %swap3A_346], %swap3A_349 {strides = array<i32>} : memref<2x128x128xf32, #tpu.memory_space<vmem>>, vector<1x1x16xf32>,
      %scan3A_350 = arith.constant 0 : i32
      %scan3A_351 = arith.constant 2 : i32
      %scan3A_352 = arith.addi %scan3A_148, %scan3A_351 : i32
      %add3A_353 = arith.constant 384 : i32
      %add3A_354 = arith.addi %add3A_353, %scan3A_352 : i32
      %get3A_355 = arith.index_cast %add3A_354 : i32 to index
      %get3A_356 = tpu.vector_load %arg5[%get3A_355] {strides = array<i32>} : memref<528xi32, #tpu.memory_space<vmem>>, vector<16xi32>,
      %get3A_357 = vector.shape_cast %get3A_356 : vector<16xi32> to vector<16xi32>
      %slice3A_358 = vector.extract_strided_slice %get3A_357 {offsets = [0], sizes = [1], strides = [1]} : vector<16xi32> to vector<1xi32>
      %squeeze3A_359 = vector.extract %slice3A_358[0] : i32 from vector<1xi32>
      %lt3A_360 = arith.constant 0 : i32
      %lt3A_361 = arith.cmpi slt, %squeeze3A_359, %lt3A_360 : i32
      %max3A_362 = arith.constant 0 : i32
      %max3A_363 = arith.maxsi %squeeze3A_359, %max3A_362 : i32
      %min3A_364 = arith.constant 3 : i32
      %min3A_365 = arith.minsi %max3A_363, %min3A_364 : i32
      %jit3A_366 = arith.constant 4 : i32
      %select_n3A_367 = arith.select %lt3A_361, %jit3A_366, %min3A_365 : i32
      %get3A_368 = arith.index_cast %select_n3A_367 : i32 to index
      %get3A_369 = arith.constant 0 : index
      %get3A_370 = tpu.vector_load %arg6[%get3A_368, %get3A_369] {strides = array<i32>} : memref<5x128xf32, #tpu.memory_space<vmem>>, vector<1x16xf32>,
      %get3A_371 = vector.shape_cast %get3A_370 : vector<1x16xf32> to vector<16xf32>
      %swap3A_372 = arith.constant 1 : i32
      %swap3A_373 = arith.index_cast %swap3A_372 : i32 to index
      %swap3A_374 = arith.index_cast %scan3A_352 : i32 to index
      %swap3A_375 = arith.constant 0 : index
      %swap3A_376 = tpu.vector_load %arg7[%swap3A_373, %swap3A_374, %swap3A_375] {strides = array<i32>} : memref<2x128x128xf32, #tpu.memory_space<vmem>>, vector<1x1x16xf32>,
      %swap3A_377 = vector.shape_cast %swap3A_376 : vector<1x1x16xf32> to vector<16xf32>
      %swap3A_378 = vector.shape_cast %get3A_371 : vector<16xf32> to vector<1x1x16xf32>
      tpu.vector_store %arg7[%swap3A_373, %swap3A_374, %swap3A_375], %swap3A_378 {strides = array<i32>} : memref<2x128x128xf32, #tpu.memory_space<vmem>>, vector<1x1x16xf32>,
      %get3A_379 = arith.index_cast %select_n3A_367 : i32 to index
      %get3A_380 = arith.constant 16 : index
      %get3A_381 = tpu.vector_load %arg6[%get3A_379, %get3A_380] {strides = array<i32>} : memref<5x128xf32, #tpu.memory_space<vmem>>, vector<1x16xf32>,
      %get3A_382 = vector.shape_cast %get3A_381 : vector<1x16xf32> to vector<16xf32>
      %swap3A_383 = arith.constant 1 : i32
      %swap3A_384 = arith.index_cast %swap3A_383 : i32 to index
      %swap3A_385 = arith.index_cast %scan3A_352 : i32 to index
      %swap3A_386 = arith.constant 16 : index
      %swap3A_387 = tpu.vector_load %arg7[%swap3A_384, %swap3A_385, %swap3A_386] {strides = array<i32>} : memref<2x128x128xf32, #tpu.memory_space<vmem>>, vector<1x1x16xf32>,
      %swap3A_388 = vector.shape_cast %swap3A_387 : vector<1x1x16xf32> to vector<16xf32>
      %swap3A_389 = vector.shape_cast %get3A_382 : vector<16xf32> to vector<1x1x16xf32>
      tpu.vector_store %arg7[%swap3A_384, %swap3A_385, %swap3A_386], %swap3A_389 {strides = array<i32>} : memref<2x128x128xf32, #tpu.memory_space<vmem>>, vector<1x1x16xf32>,
      %get3A_390 = arith.index_cast %select_n3A_367 : i32 to index
      %get3A_391 = arith.constant 32 : index
      %get3A_392 = tpu.vector_load %arg6[%get3A_390, %get3A_391] {strides = array<i32>} : memref<5x128xf32, #tpu.memory_space<vmem>>, vector<1x16xf32>,
      %get3A_393 = vector.shape_cast %get3A_392 : vector<1x16xf32> to vector<16xf32>
      %swap3A_394 = arith.constant 1 : i32
      %swap3A_395 = arith.index_cast %swap3A_394 : i32 to index
      %swap3A_396 = arith.index_cast %scan3A_352 : i32 to index
      %swap3A_397 = arith.constant 32 : index
      %swap3A_398 = tpu.vector_load %arg7[%swap3A_395, %swap3A_396, %swap3A_397] {strides = array<i32>} : memref<2x128x128xf32, #tpu.memory_space<vmem>>, vector<1x1x16xf32>,
      %swap3A_399 = vector.shape_cast %swap3A_398 : vector<1x1x16xf32> to vector<16xf32>
      %swap3A_400 = vector.shape_cast %get3A_393 : vector<16xf32> to vector<1x1x16xf32>
      tpu.vector_store %arg7[%swap3A_395, %swap3A_396, %swap3A_397], %swap3A_400 {strides = array<i32>} : memref<2x128x128xf32, #tpu.memory_space<vmem>>, vector<1x1x16xf32>,
      %get3A_401 = arith.index_cast %select_n3A_367 : i32 to index
      %get3A_402 = arith.constant 48 : index
      %get3A_403 = tpu.vector_load %arg6[%get3A_401, %get3A_402] {strides = array<i32>} : memref<5x128xf32, #tpu.memory_space<vmem>>, vector<1x16xf32>,
      %get3A_404 = vector.shape_cast %get3A_403 : vector<1x16xf32> to vector<16xf32>
      %swap3A_405 = arith.constant 1 : i32
      %swap3A_406 = arith.index_cast %swap3A_405 : i32 to index
      %swap3A_407 = arith.index_cast %scan3A_352 : i32 to index
      %swap3A_408 = arith.constant 48 : index
      %swap3A_409 = tpu.vector_load %arg7[%swap3A_406, %swap3A_407, %swap3A_408] {strides = array<i32>} : memref<2x128x128xf32, #tpu.memory_space<vmem>>, vector<1x1x16xf32>,
      %swap3A_410 = vector.shape_cast %swap3A_409 : vector<1x1x16xf32> to vector<16xf32>
      %swap3A_411 = vector.shape_cast %get3A_404 : vector<16xf32> to vector<1x1x16xf32>
      tpu.vector_store %arg7[%swap3A_406, %swap3A_407, %swap3A_408], %swap3A_411 {strides = array<i32>} : memref<2x128x128xf32, #tpu.memory_space<vmem>>, vector<1x1x16xf32>,
      %get3A_412 = arith.index_cast %select_n3A_367 : i32 to index
      %get3A_413 = arith.constant 64 : index
      %get3A_414 = tpu.vector_load %arg6[%get3A_412, %get3A_413] {strides = array<i32>} : memref<5x128xf32, #tpu.memory_space<vmem>>, vector<1x16xf32>,
      %get3A_415 = vector.shape_cast %get3A_414 : vector<1x16xf32> to vector<16xf32>
      %swap3A_416 = arith.constant 1 : i32
      %swap3A_417 = arith.index_cast %swap3A_416 : i32 to index
      %swap3A_418 = arith.index_cast %scan3A_352 : i32 to index
      %swap3A_419 = arith.constant 64 : index
      %swap3A_420 = tpu.vector_load %arg7[%swap3A_417, %swap3A_418, %swap3A_419] {strides = array<i32>} : memref<2x128x128xf32, #tpu.memory_space<vmem>>, vector<1x1x16xf32>,
      %swap3A_421 = vector.shape_cast %swap3A_420 : vector<1x1x16xf32> to vector<16xf32>
      %swap3A_422 = vector.shape_cast %get3A_415 : vector<16xf32> to vector<1x1x16xf32>
      tpu.vector_store %arg7[%swap3A_417, %swap3A_418, %swap3A_419], %swap3A_422 {strides = array<i32>} : memref<2x128x128xf32, #tpu.memory_space<vmem>>, vector<1x1x16xf32>,
      %get3A_423 = arith.index_cast %select_n3A_367 : i32 to index
      %get3A_424 = arith.constant 80 : index
      %get3A_425 = tpu.vector_load %arg6[%get3A_423, %get3A_424] {strides = array<i32>} : memref<5x128xf32, #tpu.memory_space<vmem>>, vector<1x16xf32>,
      %get3A_426 = vector.shape_cast %get3A_425 : vector<1x16xf32> to vector<16xf32>
      %swap3A_427 = arith.constant 1 : i32
      %swap3A_428 = arith.index_cast %swap3A_427 : i32 to index
      %swap3A_429 = arith.index_cast %scan3A_352 : i32 to index
      %swap3A_430 = arith.constant 80 : index
      %swap3A_431 = tpu.vector_load %arg7[%swap3A_428, %swap3A_429, %swap3A_430] {strides = array<i32>} : memref<2x128x128xf32, #tpu.memory_space<vmem>>, vector<1x1x16xf32>,
      %swap3A_432 = vector.shape_cast %swap3A_431 : vector<1x1x16xf32> to vector<16xf32>
      %swap3A_433 = vector.shape_cast %get3A_426 : vector<16xf32> to vector<1x1x16xf32>
      tpu.vector_store %arg7[%swap3A_428, %swap3A_429, %swap3A_430], %swap3A_433 {strides = array<i32>} : memref<2x128x128xf32, #tpu.memory_space<vmem>>, vector<1x1x16xf32>,
      %get3A_434 = arith.index_cast %select_n3A_367 : i32 to index
      %get3A_435 = arith.constant 96 : index
      %get3A_436 = tpu.vector_load %arg6[%get3A_434, %get3A_435] {strides = array<i32>} : memref<5x128xf32, #tpu.memory_space<vmem>>, vector<1x16xf32>,
      %get3A_437 = vector.shape_cast %get3A_436 : vector<1x16xf32> to vector<16xf32>
      %swap3A_438 = arith.constant 1 : i32
      %swap3A_439 = arith.index_cast %swap3A_438 : i32 to index
      %swap3A_440 = arith.index_cast %scan3A_352 : i32 to index
      %swap3A_441 = arith.constant 96 : index
      %swap3A_442 = tpu.vector_load %arg7[%swap3A_439, %swap3A_440, %swap3A_441] {strides = array<i32>} : memref<2x128x128xf32, #tpu.memory_space<vmem>>, vector<1x1x16xf32>,
      %swap3A_443 = vector.shape_cast %swap3A_442 : vector<1x1x16xf32> to vector<16xf32>
      %swap3A_444 = vector.shape_cast %get3A_437 : vector<16xf32> to vector<1x1x16xf32>
      tpu.vector_store %arg7[%swap3A_439, %swap3A_440, %swap3A_441], %swap3A_444 {strides = array<i32>} : memref<2x128x128xf32, #tpu.memory_space<vmem>>, vector<1x1x16xf32>,
      %get3A_445 = arith.index_cast %select_n3A_367 : i32 to index
      %get3A_446 = arith.constant 112 : index
      %get3A_447 = tpu.vector_load %arg6[%get3A_445, %get3A_446] {strides = array<i32>} : memref<5x128xf32, #tpu.memory_space<vmem>>, vector<1x16xf32>,
      %get3A_448 = vector.shape_cast %get3A_447 : vector<1x16xf32> to vector<16xf32>
      %swap3A_449 = arith.constant 1 : i32
      %swap3A_450 = arith.index_cast %swap3A_449 : i32 to index
      %swap3A_451 = arith.index_cast %scan3A_352 : i32 to index
      %swap3A_452 = arith.constant 112 : index
      %swap3A_453 = tpu.vector_load %arg7[%swap3A_450, %swap3A_451, %swap3A_452] {strides = array<i32>} : memref<2x128x128xf32, #tpu.memory_space<vmem>>, vector<1x1x16xf32>,
      %swap3A_454 = vector.shape_cast %swap3A_453 : vector<1x1x16xf32> to vector<16xf32>
      %swap3A_455 = vector.shape_cast %get3A_448 : vector<16xf32> to vector<1x1x16xf32>
      tpu.vector_store %arg7[%swap3A_450, %swap3A_451, %swap3A_452], %swap3A_455 {strides = array<i32>} : memref<2x128x128xf32, #tpu.memory_space<vmem>>, vector<1x1x16xf32>,
      %scan3A_456 = arith.constant 0 : i32
      %scan3A_457 = arith.constant 3 : i32
      %scan3A_458 = arith.addi %scan3A_148, %scan3A_457 : i32
      %add3A_459 = arith.constant 384 : i32
      %add3A_460 = arith.addi %add3A_459, %scan3A_458 : i32
      %get3A_461 = arith.index_cast %add3A_460 : i32 to index
      %get3A_462 = tpu.vector_load %arg5[%get3A_461] {strides = array<i32>} : memref<528xi32, #tpu.memory_space<vmem>>, vector<16xi32>,
      %get3A_463 = vector.shape_cast %get3A_462 : vector<16xi32> to vector<16xi32>
      %slice3A_464 = vector.extract_strided_slice %get3A_463 {offsets = [0], sizes = [1], strides = [1]} : vector<16xi32> to vector<1xi32>
      %squeeze3A_465 = vector.extract %slice3A_464[0] : i32 from vector<1xi32>
      %lt3A_466 = arith.constant 0 : i32
      %lt3A_467 = arith.cmpi slt, %squeeze3A_465, %lt3A_466 : i32
      %max3A_468 = arith.constant 0 : i32
      %max3A_469 = arith.maxsi %squeeze3A_465, %max3A_468 : i32
      %min3A_470 = arith.constant 3 : i32
      %min3A_471 = arith.minsi %max3A_469, %min3A_470 : i32
      %jit3A_472 = arith.constant 4 : i32
      %select_n3A_473 = arith.select %lt3A_467, %jit3A_472, %min3A_471 : i32
      %get3A_474 = arith.index_cast %select_n3A_473 : i32 to index
      %get3A_475 = arith.constant 0 : index
      %get3A_476 = tpu.vector_load %arg6[%get3A_474, %get3A_475] {strides = array<i32>} : memref<5x128xf32, #tpu.memory_space<vmem>>, vector<1x16xf32>,
      %get3A_477 = vector.shape_cast %get3A_476 : vector<1x16xf32> to vector<16xf32>
      %swap3A_478 = arith.constant 1 : i32
      %swap3A_479 = arith.index_cast %swap3A_478 : i32 to index
      %swap3A_480 = arith.index_cast %scan3A_458 : i32 to index
      %swap3A_481 = arith.constant 0 : index
      %swap3A_482 = tpu.vector_load %arg7[%swap3A_479, %swap3A_480, %swap3A_481] {strides = array<i32>} : memref<2x128x128xf32, #tpu.memory_space<vmem>>, vector<1x1x16xf32>,
      %swap3A_483 = vector.shape_cast %swap3A_482 : vector<1x1x16xf32> to vector<16xf32>
      %swap3A_484 = vector.shape_cast %get3A_477 : vector<16xf32> to vector<1x1x16xf32>
      tpu.vector_store %arg7[%swap3A_479, %swap3A_480, %swap3A_481], %swap3A_484 {strides = array<i32>} : memref<2x128x128xf32, #tpu.memory_space<vmem>>, vector<1x1x16xf32>,
      %get3A_485 = arith.index_cast %select_n3A_473 : i32 to index
      %get3A_486 = arith.constant 16 : index
      %get3A_487 = tpu.vector_load %arg6[%get3A_485, %get3A_486] {strides = array<i32>} : memref<5x128xf32, #tpu.memory_space<vmem>>, vector<1x16xf32>,
      %get3A_488 = vector.shape_cast %get3A_487 : vector<1x16xf32> to vector<16xf32>
      %swap3A_489 = arith.constant 1 : i32
      %swap3A_490 = arith.index_cast %swap3A_489 : i32 to index
      %swap3A_491 = arith.index_cast %scan3A_458 : i32 to index
      %swap3A_492 = arith.constant 16 : index
      %swap3A_493 = tpu.vector_load %arg7[%swap3A_490, %swap3A_491, %swap3A_492] {strides = array<i32>} : memref<2x128x128xf32, #tpu.memory_space<vmem>>, vector<1x1x16xf32>,
      %swap3A_494 = vector.shape_cast %swap3A_493 : vector<1x1x16xf32> to vector<16xf32>
      %swap3A_495 = vector.shape_cast %get3A_488 : vector<16xf32> to vector<1x1x16xf32>
      tpu.vector_store %arg7[%swap3A_490, %swap3A_491, %swap3A_492], %swap3A_495 {strides = array<i32>} : memref<2x128x128xf32, #tpu.memory_space<vmem>>, vector<1x1x16xf32>,
      %get3A_496 = arith.index_cast %select_n3A_473 : i32 to index
      %get3A_497 = arith.constant 32 : index
      %get3A_498 = tpu.vector_load %arg6[%get3A_496, %get3A_497] {strides = array<i32>} : memref<5x128xf32, #tpu.memory_space<vmem>>, vector<1x16xf32>,
      %get3A_499 = vector.shape_cast %get3A_498 : vector<1x16xf32> to vector<16xf32>
      %swap3A_500 = arith.constant 1 : i32
      %swap3A_501 = arith.index_cast %swap3A_500 : i32 to index
      %swap3A_502 = arith.index_cast %scan3A_458 : i32 to index
      %swap3A_503 = arith.constant 32 : index
      %swap3A_504 = tpu.vector_load %arg7[%swap3A_501, %swap3A_502, %swap3A_503] {strides = array<i32>} : memref<2x128x128xf32, #tpu.memory_space<vmem>>, vector<1x1x16xf32>,
      %swap3A_505 = vector.shape_cast %swap3A_504 : vector<1x1x16xf32> to vector<16xf32>
      %swap3A_506 = vector.shape_cast %get3A_499 : vector<16xf32> to vector<1x1x16xf32>
      tpu.vector_store %arg7[%swap3A_501, %swap3A_502, %swap3A_503], %swap3A_506 {strides = array<i32>} : memref<2x128x128xf32, #tpu.memory_space<vmem>>, vector<1x1x16xf32>,
      %get3A_507 = arith.index_cast %select_n3A_473 : i32 to index
      %get3A_508 = arith.constant 48 : index
      %get3A_509 = tpu.vector_load %arg6[%get3A_507, %get3A_508] {strides = array<i32>} : memref<5x128xf32, #tpu.memory_space<vmem>>, vector<1x16xf32>,
      %get3A_510 = vector.shape_cast %get3A_509 : vector<1x16xf32> to vector<16xf32>
      %swap3A_511 = arith.constant 1 : i32
      %swap3A_512 = arith.index_cast %swap3A_511 : i32 to index
      %swap3A_513 = arith.index_cast %scan3A_458 : i32 to index
      %swap3A_514 = arith.constant 48 : index
      %swap3A_515 = tpu.vector_load %arg7[%swap3A_512, %swap3A_513, %swap3A_514] {strides = array<i32>} : memref<2x128x128xf32, #tpu.memory_space<vmem>>, vector<1x1x16xf32>,
      %swap3A_516 = vector.shape_cast %swap3A_515 : vector<1x1x16xf32> to vector<16xf32>
      %swap3A_517 = vector.shape_cast %get3A_510 : vector<16xf32> to vector<1x1x16xf32>
      tpu.vector_store %arg7[%swap3A_512, %swap3A_513, %swap3A_514], %swap3A_517 {strides = array<i32>} : memref<2x128x128xf32, #tpu.memory_space<vmem>>, vector<1x1x16xf32>,
      %get3A_518 = arith.index_cast %select_n3A_473 : i32 to index
      %get3A_519 = arith.constant 64 : index
      %get3A_520 = tpu.vector_load %arg6[%get3A_518, %get3A_519] {strides = array<i32>} : memref<5x128xf32, #tpu.memory_space<vmem>>, vector<1x16xf32>,
      %get3A_521 = vector.shape_cast %get3A_520 : vector<1x16xf32> to vector<16xf32>
      %swap3A_522 = arith.constant 1 : i32
      %swap3A_523 = arith.index_cast %swap3A_522 : i32 to index
      %swap3A_524 = arith.index_cast %scan3A_458 : i32 to index
      %swap3A_525 = arith.constant 64 : index
      %swap3A_526 = tpu.vector_load %arg7[%swap3A_523, %swap3A_524, %swap3A_525] {strides = array<i32>} : memref<2x128x128xf32, #tpu.memory_space<vmem>>, vector<1x1x16xf32>,
      %swap3A_527 = vector.shape_cast %swap3A_526 : vector<1x1x16xf32> to vector<16xf32>
      %swap3A_528 = vector.shape_cast %get3A_521 : vector<16xf32> to vector<1x1x16xf32>
      tpu.vector_store %arg7[%swap3A_523, %swap3A_524, %swap3A_525], %swap3A_528 {strides = array<i32>} : memref<2x128x128xf32, #tpu.memory_space<vmem>>, vector<1x1x16xf32>,
      %get3A_529 = arith.index_cast %select_n3A_473 : i32 to index
      %get3A_530 = arith.constant 80 : index
      %get3A_531 = tpu.vector_load %arg6[%get3A_529, %get3A_530] {strides = array<i32>} : memref<5x128xf32, #tpu.memory_space<vmem>>, vector<1x16xf32>,
      %get3A_532 = vector.shape_cast %get3A_531 : vector<1x16xf32> to vector<16xf32>
      %swap3A_533 = arith.constant 1 : i32
      %swap3A_534 = arith.index_cast %swap3A_533 : i32 to index
      %swap3A_535 = arith.index_cast %scan3A_458 : i32 to index
      %swap3A_536 = arith.constant 80 : index
      %swap3A_537 = tpu.vector_load %arg7[%swap3A_534, %swap3A_535, %swap3A_536] {strides = array<i32>} : memref<2x128x128xf32, #tpu.memory_space<vmem>>, vector<1x1x16xf32>,
      %swap3A_538 = vector.shape_cast %swap3A_537 : vector<1x1x16xf32> to vector<16xf32>
      %swap3A_539 = vector.shape_cast %get3A_532 : vector<16xf32> to vector<1x1x16xf32>
      tpu.vector_store %arg7[%swap3A_534, %swap3A_535, %swap3A_536], %swap3A_539 {strides = array<i32>} : memref<2x128x128xf32, #tpu.memory_space<vmem>>, vector<1x1x16xf32>,
      %get3A_540 = arith.index_cast %select_n3A_473 : i32 to index
      %get3A_541 = arith.constant 96 : index
      %get3A_542 = tpu.vector_load %arg6[%get3A_540, %get3A_541] {strides = array<i32>} : memref<5x128xf32, #tpu.memory_space<vmem>>, vector<1x16xf32>,
      %get3A_543 = vector.shape_cast %get3A_542 : vector<1x16xf32> to vector<16xf32>
      %swap3A_544 = arith.constant 1 : i32
      %swap3A_545 = arith.index_cast %swap3A_544 : i32 to index
      %swap3A_546 = arith.index_cast %scan3A_458 : i32 to index
      %swap3A_547 = arith.constant 96 : index
      %swap3A_548 = tpu.vector_load %arg7[%swap3A_545, %swap3A_546, %swap3A_547] {strides = array<i32>} : memref<2x128x128xf32, #tpu.memory_space<vmem>>, vector<1x1x16xf32>,
      %swap3A_549 = vector.shape_cast %swap3A_548 : vector<1x1x16xf32> to vector<16xf32>
      %swap3A_550 = vector.shape_cast %get3A_543 : vector<16xf32> to vector<1x1x16xf32>
      tpu.vector_store %arg7[%swap3A_545, %swap3A_546, %swap3A_547], %swap3A_550 {strides = array<i32>} : memref<2x128x128xf32, #tpu.memory_space<vmem>>, vector<1x1x16xf32>,
      %get3A_551 = arith.index_cast %select_n3A_473 : i32 to index
      %get3A_552 = arith.constant 112 : index
      %get3A_553 = tpu.vector_load %arg6[%get3A_551, %get3A_552] {strides = array<i32>} : memref<5x128xf32, #tpu.memory_space<vmem>>, vector<1x16xf32>,
      %get3A_554 = vector.shape_cast %get3A_553 : vector<1x16xf32> to vector<16xf32>
      %swap3A_555 = arith.constant 1 : i32
      %swap3A_556 = arith.index_cast %swap3A_555 : i32 to index
      %swap3A_557 = arith.index_cast %scan3A_458 : i32 to index
      %swap3A_558 = arith.constant 112 : index
      %swap3A_559 = tpu.vector_load %arg7[%swap3A_556, %swap3A_557, %swap3A_558] {strides = array<i32>} : memref<2x128x128xf32, #tpu.memory_space<vmem>>, vector<1x1x16xf32>,
      %swap3A_560 = vector.shape_cast %swap3A_559 : vector<1x1x16xf32> to vector<16xf32>
      %swap3A_561 = vector.shape_cast %get3A_554 : vector<16xf32> to vector<1x1x16xf32>
      tpu.vector_store %arg7[%swap3A_556, %swap3A_557, %swap3A_558], %swap3A_561 {strides = array<i32>} : memref<2x128x128xf32, #tpu.memory_space<vmem>>, vector<1x1x16xf32>,
      %scan3A_562 = arith.constant 0 : i32
      %scan3A_563 = arith.constant 4 : i32
      %scan3A_564 = arith.addi %scan3A_148, %scan3A_563 : i32
      %add3A_565 = arith.constant 384 : i32
      %add3A_566 = arith.addi %add3A_565, %scan3A_564 : i32
      %get3A_567 = arith.index_cast %add3A_566 : i32 to index
      %get3A_568 = tpu.vector_load %arg5[%get3A_567] {strides = array<i32>} : memref<528xi32, #tpu.memory_space<vmem>>, vector<16xi32>,
      %get3A_569 = vector.shape_cast %get3A_568 : vector<16xi32> to vector<16xi32>
      %slice3A_570 = vector.extract_strided_slice %get3A_569 {offsets = [0], sizes = [1], strides = [1]} : vector<16xi32> to vector<1xi32>
      %squeeze3A_571 = vector.extract %slice3A_570[0] : i32 from vector<1xi32>
      %lt3A_572 = arith.constant 0 : i32
      %lt3A_573 = arith.cmpi slt, %squeeze3A_571, %lt3A_572 : i32
      %max3A_574 = arith.constant 0 : i32
      %max3A_575 = arith.maxsi %squeeze3A_571, %max3A_574 : i32
      %min3A_576 = arith.constant 3 : i32
      %min3A_577 = arith.minsi %max3A_575, %min3A_576 : i32
      %jit3A_578 = arith.constant 4 : i32
      %select_n3A_579 = arith.select %lt3A_573, %jit3A_578, %min3A_577 : i32
      %get3A_580 = arith.index_cast %select_n3A_579 : i32 to index
      %get3A_581 = arith.constant 0 : index
      %get3A_582 = tpu.vector_load %arg6[%get3A_580, %get3A_581] {strides = array<i32>} : memref<5x128xf32, #tpu.memory_space<vmem>>, vector<1x16xf32>,
      %get3A_583 = vector.shape_cast %get3A_582 : vector<1x16xf32> to vector<16xf32>
      %swap3A_584 = arith.constant 1 : i32
      %swap3A_585 = arith.index_cast %swap3A_584 : i32 to index
      %swap3A_586 = arith.index_cast %scan3A_564 : i32 to index
      %swap3A_587 = arith.constant 0 : index
      %swap3A_588 = tpu.vector_load %arg7[%swap3A_585, %swap3A_586, %swap3A_587] {strides = array<i32>} : memref<2x128x128xf32, #tpu.memory_space<vmem>>, vector<1x1x16xf32>,
      %swap3A_589 = vector.shape_cast %swap3A_588 : vector<1x1x16xf32> to vector<16xf32>
      %swap3A_590 = vector.shape_cast %get3A_583 : vector<16xf32> to vector<1x1x16xf32>
      tpu.vector_store %arg7[%swap3A_585, %swap3A_586, %swap3A_587], %swap3A_590 {strides = array<i32>} : memref<2x128x128xf32, #tpu.memory_space<vmem>>, vector<1x1x16xf32>,
      %get3A_591 = arith.index_cast %select_n3A_579 : i32 to index
      %get3A_592 = arith.constant 16 : index
      %get3A_593 = tpu.vector_load %arg6[%get3A_591, %get3A_592] {strides = array<i32>} : memref<5x128xf32, #tpu.memory_space<vmem>>, vector<1x16xf32>,
      %get3A_594 = vector.shape_cast %get3A_593 : vector<1x16xf32> to vector<16xf32>
      %swap3A_595 = arith.constant 1 : i32
      %swap3A_596 = arith.index_cast %swap3A_595 : i32 to index
      %swap3A_597 = arith.index_cast %scan3A_564 : i32 to index
      %swap3A_598 = arith.constant 16 : index
      %swap3A_599 = tpu.vector_load %arg7[%swap3A_596, %swap3A_597, %swap3A_598] {strides = array<i32>} : memref<2x128x128xf32, #tpu.memory_space<vmem>>, vector<1x1x16xf32>,
      %swap3A_600 = vector.shape_cast %swap3A_599 : vector<1x1x16xf32> to vector<16xf32>
      %swap3A_601 = vector.shape_cast %get3A_594 : vector<16xf32> to vector<1x1x16xf32>
      tpu.vector_store %arg7[%swap3A_596, %swap3A_597, %swap3A_598], %swap3A_601 {strides = array<i32>} : memref<2x128x128xf32, #tpu.memory_space<vmem>>, vector<1x1x16xf32>,
      %get3A_602 = arith.index_cast %select_n3A_579 : i32 to index
      %get3A_603 = arith.constant 32 : index
      %get3A_604 = tpu.vector_load %arg6[%get3A_602, %get3A_603] {strides = array<i32>} : memref<5x128xf32, #tpu.memory_space<vmem>>, vector<1x16xf32>,
      %get3A_605 = vector.shape_cast %get3A_604 : vector<1x16xf32> to vector<16xf32>
      %swap3A_606 = arith.constant 1 : i32
      %swap3A_607 = arith.index_cast %swap3A_606 : i32 to index
      %swap3A_608 = arith.index_cast %scan3A_564 : i32 to index
      %swap3A_609 = arith.constant 32 : index
      %swap3A_610 = tpu.vector_load %arg7[%swap3A_607, %swap3A_608, %swap3A_609] {strides = array<i32>} : memref<2x128x128xf32, #tpu.memory_space<vmem>>, vector<1x1x16xf32>,
      %swap3A_611 = vector.shape_cast %swap3A_610 : vector<1x1x16xf32> to vector<16xf32>
      %swap3A_612 = vector.shape_cast %get3A_605 : vector<16xf32> to vector<1x1x16xf32>
      tpu.vector_store %arg7[%swap3A_607, %swap3A_608, %swap3A_609], %swap3A_612 {strides = array<i32>} : memref<2x128x128xf32, #tpu.memory_space<vmem>>, vector<1x1x16xf32>,
      %get3A_613 = arith.index_cast %select_n3A_579 : i32 to index
      %get3A_614 = arith.constant 48 : index
      %get3A_615 = tpu.vector_load %arg6[%get3A_613, %get3A_614] {strides = array<i32>} : memref<5x128xf32, #tpu.memory_space<vmem>>, vector<1x16xf32>,
      %get3A_616 = vector.shape_cast %get3A_615 : vector<1x16xf32> to vector<16xf32>
      %swap3A_617 = arith.constant 1 : i32
      %swap3A_618 = arith.index_cast %swap3A_617 : i32 to index
      %swap3A_619 = arith.index_cast %scan3A_564 : i32 to index
      %swap3A_620 = arith.constant 48 : index
      %swap3A_621 = tpu.vector_load %arg7[%swap3A_618, %swap3A_619, %swap3A_620] {strides = array<i32>} : memref<2x128x128xf32, #tpu.memory_space<vmem>>, vector<1x1x16xf32>,
      %swap3A_622 = vector.shape_cast %swap3A_621 : vector<1x1x16xf32> to vector<16xf32>
      %swap3A_623 = vector.shape_cast %get3A_616 : vector<16xf32> to vector<1x1x16xf32>
      tpu.vector_store %arg7[%swap3A_618, %swap3A_619, %swap3A_620], %swap3A_623 {strides = array<i32>} : memref<2x128x128xf32, #tpu.memory_space<vmem>>, vector<1x1x16xf32>,
      %get3A_624 = arith.index_cast %select_n3A_579 : i32 to index
      %get3A_625 = arith.constant 64 : index
      %get3A_626 = tpu.vector_load %arg6[%get3A_624, %get3A_625] {strides = array<i32>} : memref<5x128xf32, #tpu.memory_space<vmem>>, vector<1x16xf32>,
      %get3A_627 = vector.shape_cast %get3A_626 : vector<1x16xf32> to vector<16xf32>
      %swap3A_628 = arith.constant 1 : i32
      %swap3A_629 = arith.index_cast %swap3A_628 : i32 to index
      %swap3A_630 = arith.index_cast %scan3A_564 : i32 to index
      %swap3A_631 = arith.constant 64 : index
      %swap3A_632 = tpu.vector_load %arg7[%swap3A_629, %swap3A_630, %swap3A_631] {strides = array<i32>} : memref<2x128x128xf32, #tpu.memory_space<vmem>>, vector<1x1x16xf32>,
      %swap3A_633 = vector.shape_cast %swap3A_632 : vector<1x1x16xf32> to vector<16xf32>
      %swap3A_634 = vector.shape_cast %get3A_627 : vector<16xf32> to vector<1x1x16xf32>
      tpu.vector_store %arg7[%swap3A_629, %swap3A_630, %swap3A_631], %swap3A_634 {strides = array<i32>} : memref<2x128x128xf32, #tpu.memory_space<vmem>>, vector<1x1x16xf32>,
      %get3A_635 = arith.index_cast %select_n3A_579 : i32 to index
      %get3A_636 = arith.constant 80 : index
      %get3A_637 = tpu.vector_load %arg6[%get3A_635, %get3A_636] {strides = array<i32>} : memref<5x128xf32, #tpu.memory_space<vmem>>, vector<1x16xf32>,
      %get3A_638 = vector.shape_cast %get3A_637 : vector<1x16xf32> to vector<16xf32>
      %swap3A_639 = arith.constant 1 : i32
      %swap3A_640 = arith.index_cast %swap3A_639 : i32 to index
      %swap3A_641 = arith.index_cast %scan3A_564 : i32 to index
      %swap3A_642 = arith.constant 80 : index
      %swap3A_643 = tpu.vector_load %arg7[%swap3A_640, %swap3A_641, %swap3A_642] {strides = array<i32>} : memref<2x128x128xf32, #tpu.memory_space<vmem>>, vector<1x1x16xf32>,
      %swap3A_644 = vector.shape_cast %swap3A_643 : vector<1x1x16xf32> to vector<16xf32>
      %swap3A_645 = vector.shape_cast %get3A_638 : vector<16xf32> to vector<1x1x16xf32>
      tpu.vector_store %arg7[%swap3A_640, %swap3A_641, %swap3A_642], %swap3A_645 {strides = array<i32>} : memref<2x128x128xf32, #tpu.memory_space<vmem>>, vector<1x1x16xf32>,
      %get3A_646 = arith.index_cast %select_n3A_579 : i32 to index
      %get3A_647 = arith.constant 96 : index
      %get3A_648 = tpu.vector_load %arg6[%get3A_646, %get3A_647] {strides = array<i32>} : memref<5x128xf32, #tpu.memory_space<vmem>>, vector<1x16xf32>,
      %get3A_649 = vector.shape_cast %get3A_648 : vector<1x16xf32> to vector<16xf32>
      %swap3A_650 = arith.constant 1 : i32
      %swap3A_651 = arith.index_cast %swap3A_650 : i32 to index
      %swap3A_652 = arith.index_cast %scan3A_564 : i32 to index
      %swap3A_653 = arith.constant 96 : index
      %swap3A_654 = tpu.vector_load %arg7[%swap3A_651, %swap3A_652, %swap3A_653] {strides = array<i32>} : memref<2x128x128xf32, #tpu.memory_space<vmem>>, vector<1x1x16xf32>,
      %swap3A_655 = vector.shape_cast %swap3A_654 : vector<1x1x16xf32> to vector<16xf32>
      %swap3A_656 = vector.shape_cast %get3A_649 : vector<16xf32> to vector<1x1x16xf32>
      tpu.vector_store %arg7[%swap3A_651, %swap3A_652, %swap3A_653], %swap3A_656 {strides = array<i32>} : memref<2x128x128xf32, #tpu.memory_space<vmem>>, vector<1x1x16xf32>,
      %get3A_657 = arith.index_cast %select_n3A_579 : i32 to index
      %get3A_658 = arith.constant 112 : index
      %get3A_659 = tpu.vector_load %arg6[%get3A_657, %get3A_658] {strides = array<i32>} : memref<5x128xf32, #tpu.memory_space<vmem>>, vector<1x16xf32>,
      %get3A_660 = vector.shape_cast %get3A_659 : vector<1x16xf32> to vector<16xf32>
      %swap3A_661 = arith.constant 1 : i32
      %swap3A_662 = arith.index_cast %swap3A_661 : i32 to index
      %swap3A_663 = arith.index_cast %scan3A_564 : i32 to index
      %swap3A_664 = arith.constant 112 : index
      %swap3A_665 = tpu.vector_load %arg7[%swap3A_662, %swap3A_663, %swap3A_664] {strides = array<i32>} : memref<2x128x128xf32, #tpu.memory_space<vmem>>, vector<1x1x16xf32>,
      %swap3A_666 = vector.shape_cast %swap3A_665 : vector<1x1x16xf32> to vector<16xf32>
      %swap3A_667 = vector.shape_cast %get3A_660 : vector<16xf32> to vector<1x1x16xf32>
      tpu.vector_store %arg7[%swap3A_662, %swap3A_663, %swap3A_664], %swap3A_667 {strides = array<i32>} : memref<2x128x128xf32, #tpu.memory_space<vmem>>, vector<1x1x16xf32>,
      %scan3A_668 = arith.constant 0 : i32
      %scan3A_669 = arith.constant 5 : i32
      %scan3A_670 = arith.addi %scan3A_148, %scan3A_669 : i32
      %add3A_671 = arith.constant 384 : i32
      %add3A_672 = arith.addi %add3A_671, %scan3A_670 : i32
      %get3A_673 = arith.index_cast %add3A_672 : i32 to index
      %get3A_674 = tpu.vector_load %arg5[%get3A_673] {strides = array<i32>} : memref<528xi32, #tpu.memory_space<vmem>>, vector<16xi32>,
      %get3A_675 = vector.shape_cast %get3A_674 : vector<16xi32> to vector<16xi32>
      %slice3A_676 = vector.extract_strided_slice %get3A_675 {offsets = [0], sizes = [1], strides = [1]} : vector<16xi32> to vector<1xi32>
      %squeeze3A_677 = vector.extract %slice3A_676[0] : i32 from vector<1xi32>
      %lt3A_678 = arith.constant 0 : i32
      %lt3A_679 = arith.cmpi slt, %squeeze3A_677, %lt3A_678 : i32
      %max3A_680 = arith.constant 0 : i32
      %max3A_681 = arith.maxsi %squeeze3A_677, %max3A_680 : i32
      %min3A_682 = arith.constant 3 : i32
      %min3A_683 = arith.minsi %max3A_681, %min3A_682 : i32
      %jit3A_684 = arith.constant 4 : i32
      %select_n3A_685 = arith.select %lt3A_679, %jit3A_684, %min3A_683 : i32
      %get3A_686 = arith.index_cast %select_n3A_685 : i32 to index
      %get3A_687 = arith.constant 0 : index
      %get3A_688 = tpu.vector_load %arg6[%get3A_686, %get3A_687] {strides = array<i32>} : memref<5x128xf32, #tpu.memory_space<vmem>>, vector<1x16xf32>,
      %get3A_689 = vector.shape_cast %get3A_688 : vector<1x16xf32> to vector<16xf32>
      %swap3A_690 = arith.constant 1 : i32
      %swap3A_691 = arith.index_cast %swap3A_690 : i32 to index
      %swap3A_692 = arith.index_cast %scan3A_670 : i32 to index
      %swap3A_693 = arith.constant 0 : index
      %swap3A_694 = tpu.vector_load %arg7[%swap3A_691, %swap3A_692, %swap3A_693] {strides = array<i32>} : memref<2x128x128xf32, #tpu.memory_space<vmem>>, vector<1x1x16xf32>,
      %swap3A_695 = vector.shape_cast %swap3A_694 : vector<1x1x16xf32> to vector<16xf32>
      %swap3A_696 = vector.shape_cast %get3A_689 : vector<16xf32> to vector<1x1x16xf32>
      tpu.vector_store %arg7[%swap3A_691, %swap3A_692, %swap3A_693], %swap3A_696 {strides = array<i32>} : memref<2x128x128xf32, #tpu.memory_space<vmem>>, vector<1x1x16xf32>,
      %get3A_697 = arith.index_cast %select_n3A_685 : i32 to index
      %get3A_698 = arith.constant 16 : index
      %get3A_699 = tpu.vector_load %arg6[%get3A_697, %get3A_698] {strides = array<i32>} : memref<5x128xf32, #tpu.memory_space<vmem>>, vector<1x16xf32>,
      %get3A_700 = vector.shape_cast %get3A_699 : vector<1x16xf32> to vector<16xf32>
      %swap3A_701 = arith.constant 1 : i32
      %swap3A_702 = arith.index_cast %swap3A_701 : i32 to index
      %swap3A_703 = arith.index_cast %scan3A_670 : i32 to index
      %swap3A_704 = arith.constant 16 : index
      %swap3A_705 = tpu.vector_load %arg7[%swap3A_702, %swap3A_703, %swap3A_704] {strides = array<i32>} : memref<2x128x128xf32, #tpu.memory_space<vmem>>, vector<1x1x16xf32>,
      %swap3A_706 = vector.shape_cast %swap3A_705 : vector<1x1x16xf32> to vector<16xf32>
      %swap3A_707 = vector.shape_cast %get3A_700 : vector<16xf32> to vector<1x1x16xf32>
      tpu.vector_store %arg7[%swap3A_702, %swap3A_703, %swap3A_704], %swap3A_707 {strides = array<i32>} : memref<2x128x128xf32, #tpu.memory_space<vmem>>, vector<1x1x16xf32>,
      %get3A_708 = arith.index_cast %select_n3A_685 : i32 to index
      %get3A_709 = arith.constant 32 : index
      %get3A_710 = tpu.vector_load %arg6[%get3A_708, %get3A_709] {strides = array<i32>} : memref<5x128xf32, #tpu.memory_space<vmem>>, vector<1x16xf32>,
      %get3A_711 = vector.shape_cast %get3A_710 : vector<1x16xf32> to vector<16xf32>
      %swap3A_712 = arith.constant 1 : i32
      %swap3A_713 = arith.index_cast %swap3A_712 : i32 to index
      %swap3A_714 = arith.index_cast %scan3A_670 : i32 to index
      %swap3A_715 = arith.constant 32 : index
      %swap3A_716 = tpu.vector_load %arg7[%swap3A_713, %swap3A_714, %swap3A_715] {strides = array<i32>} : memref<2x128x128xf32, #tpu.memory_space<vmem>>, vector<1x1x16xf32>,
      %swap3A_717 = vector.shape_cast %swap3A_716 : vector<1x1x16xf32> to vector<16xf32>
      %swap3A_718 = vector.shape_cast %get3A_711 : vector<16xf32> to vector<1x1x16xf32>
      tpu.vector_store %arg7[%swap3A_713, %swap3A_714, %swap3A_715], %swap3A_718 {strides = array<i32>} : memref<2x128x128xf32, #tpu.memory_space<vmem>>, vector<1x1x16xf32>,
      %get3A_719 = arith.index_cast %select_n3A_685 : i32 to index
      %get3A_720 = arith.constant 48 : index
      %get3A_721 = tpu.vector_load %arg6[%get3A_719, %get3A_720] {strides = array<i32>} : memref<5x128xf32, #tpu.memory_space<vmem>>, vector<1x16xf32>,
      %get3A_722 = vector.shape_cast %get3A_721 : vector<1x16xf32> to vector<16xf32>
      %swap3A_723 = arith.constant 1 : i32
      %swap3A_724 = arith.index_cast %swap3A_723 : i32 to index
      %swap3A_725 = arith.index_cast %scan3A_670 : i32 to index
      %swap3A_726 = arith.constant 48 : index
      %swap3A_727 = tpu.vector_load %arg7[%swap3A_724, %swap3A_725, %swap3A_726] {strides = array<i32>} : memref<2x128x128xf32, #tpu.memory_space<vmem>>, vector<1x1x16xf32>,
      %swap3A_728 = vector.shape_cast %swap3A_727 : vector<1x1x16xf32> to vector<16xf32>
      %swap3A_729 = vector.shape_cast %get3A_722 : vector<16xf32> to vector<1x1x16xf32>
      tpu.vector_store %arg7[%swap3A_724, %swap3A_725, %swap3A_726], %swap3A_729 {strides = array<i32>} : memref<2x128x128xf32, #tpu.memory_space<vmem>>, vector<1x1x16xf32>,
      %get3A_730 = arith.index_cast %select_n3A_685 : i32 to index
      %get3A_731 = arith.constant 64 : index
      %get3A_732 = tpu.vector_load %arg6[%get3A_730, %get3A_731] {strides = array<i32>} : memref<5x128xf32, #tpu.memory_space<vmem>>, vector<1x16xf32>,
      %get3A_733 = vector.shape_cast %get3A_732 : vector<1x16xf32> to vector<16xf32>
      %swap3A_734 = arith.constant 1 : i32
      %swap3A_735 = arith.index_cast %swap3A_734 : i32 to index
      %swap3A_736 = arith.index_cast %scan3A_670 : i32 to index
      %swap3A_737 = arith.constant 64 : index
      %swap3A_738 = tpu.vector_load %arg7[%swap3A_735, %swap3A_736, %swap3A_737] {strides = array<i32>} : memref<2x128x128xf32, #tpu.memory_space<vmem>>, vector<1x1x16xf32>,
      %swap3A_739 = vector.shape_cast %swap3A_738 : vector<1x1x16xf32> to vector<16xf32>
      %swap3A_740 = vector.shape_cast %get3A_733 : vector<16xf32> to vector<1x1x16xf32>
      tpu.vector_store %arg7[%swap3A_735, %swap3A_736, %swap3A_737], %swap3A_740 {strides = array<i32>} : memref<2x128x128xf32, #tpu.memory_space<vmem>>, vector<1x1x16xf32>,
      %get3A_741 = arith.index_cast %select_n3A_685 : i32 to index
      %get3A_742 = arith.constant 80 : index
      %get3A_743 = tpu.vector_load %arg6[%get3A_741, %get3A_742] {strides = array<i32>} : memref<5x128xf32, #tpu.memory_space<vmem>>, vector<1x16xf32>,
      %get3A_744 = vector.shape_cast %get3A_743 : vector<1x16xf32> to vector<16xf32>
      %swap3A_745 = arith.constant 1 : i32
      %swap3A_746 = arith.index_cast %swap3A_745 : i32 to index
      %swap3A_747 = arith.index_cast %scan3A_670 : i32 to index
      %swap3A_748 = arith.constant 80 : index
      %swap3A_749 = tpu.vector_load %arg7[%swap3A_746, %swap3A_747, %swap3A_748] {strides = array<i32>} : memref<2x128x128xf32, #tpu.memory_space<vmem>>, vector<1x1x16xf32>,
      %swap3A_750 = vector.shape_cast %swap3A_749 : vector<1x1x16xf32> to vector<16xf32>
      %swap3A_751 = vector.shape_cast %get3A_744 : vector<16xf32> to vector<1x1x16xf32>
      tpu.vector_store %arg7[%swap3A_746, %swap3A_747, %swap3A_748], %swap3A_751 {strides = array<i32>} : memref<2x128x128xf32, #tpu.memory_space<vmem>>, vector<1x1x16xf32>,
      %get3A_752 = arith.index_cast %select_n3A_685 : i32 to index
      %get3A_753 = arith.constant 96 : index
      %get3A_754 = tpu.vector_load %arg6[%get3A_752, %get3A_753] {strides = array<i32>} : memref<5x128xf32, #tpu.memory_space<vmem>>, vector<1x16xf32>,
      %get3A_755 = vector.shape_cast %get3A_754 : vector<1x16xf32> to vector<16xf32>
      %swap3A_756 = arith.constant 1 : i32
      %swap3A_757 = arith.index_cast %swap3A_756 : i32 to index
      %swap3A_758 = arith.index_cast %scan3A_670 : i32 to index
      %swap3A_759 = arith.constant 96 : index
      %swap3A_760 = tpu.vector_load %arg7[%swap3A_757, %swap3A_758, %swap3A_759] {strides = array<i32>} : memref<2x128x128xf32, #tpu.memory_space<vmem>>, vector<1x1x16xf32>,
      %swap3A_761 = vector.shape_cast %swap3A_760 : vector<1x1x16xf32> to vector<16xf32>
      %swap3A_762 = vector.shape_cast %get3A_755 : vector<16xf32> to vector<1x1x16xf32>
      tpu.vector_store %arg7[%swap3A_757, %swap3A_758, %swap3A_759], %swap3A_762 {strides = array<i32>} : memref<2x128x128xf32, #tpu.memory_space<vmem>>, vector<1x1x16xf32>,
      %get3A_763 = arith.index_cast %select_n3A_685 : i32 to index
      %get3A_764 = arith.constant 112 : index
      %get3A_765 = tpu.vector_load %arg6[%get3A_763, %get3A_764] {strides = array<i32>} : memref<5x128xf32, #tpu.memory_space<vmem>>, vector<1x16xf32>,
      %get3A_766 = vector.shape_cast %get3A_765 : vector<1x16xf32> to vector<16xf32>
      %swap3A_767 = arith.constant 1 : i32
      %swap3A_768 = arith.index_cast %swap3A_767 : i32 to index
      %swap3A_769 = arith.index_cast %scan3A_670 : i32 to index
      %swap3A_770 = arith.constant 112 : index
      %swap3A_771 = tpu.vector_load %arg7[%swap3A_768, %swap3A_769, %swap3A_770] {strides = array<i32>} : memref<2x128x128xf32, #tpu.memory_space<vmem>>, vector<1x1x16xf32>,
      %swap3A_772 = vector.shape_cast %swap3A_771 : vector<1x1x16xf32> to vector<16xf32>
      %swap3A_773 = vector.shape_cast %get3A_766 : vector<16xf32> to vector<1x1x16xf32>
      tpu.vector_store %arg7[%swap3A_768, %swap3A_769, %swap3A_770], %swap3A_773 {strides = array<i32>} : memref<2x128x128xf32, #tpu.memory_space<vmem>>, vector<1x1x16xf32>,
      %scan3A_774 = arith.constant 0 : i32
      %scan3A_775 = arith.constant 6 : i32
      %scan3A_776 = arith.addi %scan3A_148, %scan3A_775 : i32
      %add3A_777 = arith.constant 384 : i32
      %add3A_778 = arith.addi %add3A_777, %scan3A_776 : i32
      %get3A_779 = arith.index_cast %add3A_778 : i32 to index
      %get3A_780 = tpu.vector_load %arg5[%get3A_779] {strides = array<i32>} : memref<528xi32, #tpu.memory_space<vmem>>, vector<16xi32>,
      %get3A_781 = vector.shape_cast %get3A_780 : vector<16xi32> to vector<16xi32>
      %slice3A_782 = vector.extract_strided_slice %get3A_781 {offsets = [0], sizes = [1], strides = [1]} : vector<16xi32> to vector<1xi32>
      %squeeze3A_783 = vector.extract %slice3A_782[0] : i32 from vector<1xi32>
      %lt3A_784 = arith.constant 0 : i32
      %lt3A_785 = arith.cmpi slt, %squeeze3A_783, %lt3A_784 : i32
      %max3A_786 = arith.constant 0 : i32
      %max3A_787 = arith.maxsi %squeeze3A_783, %max3A_786 : i32
      %min3A_788 = arith.constant 3 : i32
      %min3A_789 = arith.minsi %max3A_787, %min3A_788 : i32
      %jit3A_790 = arith.constant 4 : i32
      %select_n3A_791 = arith.select %lt3A_785, %jit3A_790, %min3A_789 : i32
      %get3A_792 = arith.index_cast %select_n3A_791 : i32 to index
      %get3A_793 = arith.constant 0 : index
      %get3A_794 = tpu.vector_load %arg6[%get3A_792, %get3A_793] {strides = array<i32>} : memref<5x128xf32, #tpu.memory_space<vmem>>, vector<1x16xf32>,
      %get3A_795 = vector.shape_cast %get3A_794 : vector<1x16xf32> to vector<16xf32>
      %swap3A_796 = arith.constant 1 : i32
      %swap3A_797 = arith.index_cast %swap3A_796 : i32 to index
      %swap3A_798 = arith.index_cast %scan3A_776 : i32 to index
      %swap3A_799 = arith.constant 0 : index
      %swap3A_800 = tpu.vector_load %arg7[%swap3A_797, %swap3A_798, %swap3A_799] {strides = array<i32>} : memref<2x128x128xf32, #tpu.memory_space<vmem>>, vector<1x1x16xf32>,
      %swap3A_801 = vector.shape_cast %swap3A_800 : vector<1x1x16xf32> to vector<16xf32>
      %swap3A_802 = vector.shape_cast %get3A_795 : vector<16xf32> to vector<1x1x16xf32>
      tpu.vector_store %arg7[%swap3A_797, %swap3A_798, %swap3A_799], %swap3A_802 {strides = array<i32>} : memref<2x128x128xf32, #tpu.memory_space<vmem>>, vector<1x1x16xf32>,
      %get3A_803 = arith.index_cast %select_n3A_791 : i32 to index
      %get3A_804 = arith.constant 16 : index
      %get3A_805 = tpu.vector_load %arg6[%get3A_803, %get3A_804] {strides = array<i32>} : memref<5x128xf32, #tpu.memory_space<vmem>>, vector<1x16xf32>,
      %get3A_806 = vector.shape_cast %get3A_805 : vector<1x16xf32> to vector<16xf32>
      %swap3A_807 = arith.constant 1 : i32
      %swap3A_808 = arith.index_cast %swap3A_807 : i32 to index
      %swap3A_809 = arith.index_cast %scan3A_776 : i32 to index
      %swap3A_810 = arith.constant 16 : index
      %swap3A_811 = tpu.vector_load %arg7[%swap3A_808, %swap3A_809, %swap3A_810] {strides = array<i32>} : memref<2x128x128xf32, #tpu.memory_space<vmem>>, vector<1x1x16xf32>,
      %swap3A_812 = vector.shape_cast %swap3A_811 : vector<1x1x16xf32> to vector<16xf32>
      %swap3A_813 = vector.shape_cast %get3A_806 : vector<16xf32> to vector<1x1x16xf32>
      tpu.vector_store %arg7[%swap3A_808, %swap3A_809, %swap3A_810], %swap3A_813 {strides = array<i32>} : memref<2x128x128xf32, #tpu.memory_space<vmem>>, vector<1x1x16xf32>,
      %get3A_814 = arith.index_cast %select_n3A_791 : i32 to index
      %get3A_815 = arith.constant 32 : index
      %get3A_816 = tpu.vector_load %arg6[%get3A_814, %get3A_815] {strides = array<i32>} : memref<5x128xf32, #tpu.memory_space<vmem>>, vector<1x16xf32>,
      %get3A_817 = vector.shape_cast %get3A_816 : vector<1x16xf32> to vector<16xf32>
      %swap3A_818 = arith.constant 1 : i32
      %swap3A_819 = arith.index_cast %swap3A_818 : i32 to index
      %swap3A_820 = arith.index_cast %scan3A_776 : i32 to index
      %swap3A_821 = arith.constant 32 : index
      %swap3A_822 = tpu.vector_load %arg7[%swap3A_819, %swap3A_820, %swap3A_821] {strides = array<i32>} : memref<2x128x128xf32, #tpu.memory_space<vmem>>, vector<1x1x16xf32>,
      %swap3A_823 = vector.shape_cast %swap3A_822 : vector<1x1x16xf32> to vector<16xf32>
      %swap3A_824 = vector.shape_cast %get3A_817 : vector<16xf32> to vector<1x1x16xf32>
      tpu.vector_store %arg7[%swap3A_819, %swap3A_820, %swap3A_821], %swap3A_824 {strides = array<i32>} : memref<2x128x128xf32, #tpu.memory_space<vmem>>, vector<1x1x16xf32>,
      %get3A_825 = arith.index_cast %select_n3A_791 : i32 to index
      %get3A_826 = arith.constant 48 : index
      %get3A_827 = tpu.vector_load %arg6[%get3A_825, %get3A_826] {strides = array<i32>} : memref<5x128xf32, #tpu.memory_space<vmem>>, vector<1x16xf32>,
      %get3A_828 = vector.shape_cast %get3A_827 : vector<1x16xf32> to vector<16xf32>
      %swap3A_829 = arith.constant 1 : i32
      %swap3A_830 = arith.index_cast %swap3A_829 : i32 to index
      %swap3A_831 = arith.index_cast %scan3A_776 : i32 to index
      %swap3A_832 = arith.constant 48 : index
      %swap3A_833 = tpu.vector_load %arg7[%swap3A_830, %swap3A_831, %swap3A_832] {strides = array<i32>} : memref<2x128x128xf32, #tpu.memory_space<vmem>>, vector<1x1x16xf32>,
      %swap3A_834 = vector.shape_cast %swap3A_833 : vector<1x1x16xf32> to vector<16xf32>
      %swap3A_835 = vector.shape_cast %get3A_828 : vector<16xf32> to vector<1x1x16xf32>
      tpu.vector_store %arg7[%swap3A_830, %swap3A_831, %swap3A_832], %swap3A_835 {strides = array<i32>} : memref<2x128x128xf32, #tpu.memory_space<vmem>>, vector<1x1x16xf32>,
      %get3A_836 = arith.index_cast %select_n3A_791 : i32 to index
      %get3A_837 = arith.constant 64 : index
      %get3A_838 = tpu.vector_load %arg6[%get3A_836, %get3A_837] {strides = array<i32>} : memref<5x128xf32, #tpu.memory_space<vmem>>, vector<1x16xf32>,
      %get3A_839 = vector.shape_cast %get3A_838 : vector<1x16xf32> to vector<16xf32>
      %swap3A_840 = arith.constant 1 : i32
      %swap3A_841 = arith.index_cast %swap3A_840 : i32 to index
      %swap3A_842 = arith.index_cast %scan3A_776 : i32 to index
      %swap3A_843 = arith.constant 64 : index
      %swap3A_844 = tpu.vector_load %arg7[%swap3A_841, %swap3A_842, %swap3A_843] {strides = array<i32>} : memref<2x128x128xf32, #tpu.memory_space<vmem>>, vector<1x1x16xf32>,
      %swap3A_845 = vector.shape_cast %swap3A_844 : vector<1x1x16xf32> to vector<16xf32>
      %swap3A_846 = vector.shape_cast %get3A_839 : vector<16xf32> to vector<1x1x16xf32>
      tpu.vector_store %arg7[%swap3A_841, %swap3A_842, %swap3A_843], %swap3A_846 {strides = array<i32>} : memref<2x128x128xf32, #tpu.memory_space<vmem>>, vector<1x1x16xf32>,
      %get3A_847 = arith.index_cast %select_n3A_791 : i32 to index
      %get3A_848 = arith.constant 80 : index
      %get3A_849 = tpu.vector_load %arg6[%get3A_847, %get3A_848] {strides = array<i32>} : memref<5x128xf32, #tpu.memory_space<vmem>>, vector<1x16xf32>,
      %get3A_850 = vector.shape_cast %get3A_849 : vector<1x16xf32> to vector<16xf32>
      %swap3A_851 = arith.constant 1 : i32
      %swap3A_852 = arith.index_cast %swap3A_851 : i32 to index
      %swap3A_853 = arith.index_cast %scan3A_776 : i32 to index
      %swap3A_854 = arith.constant 80 : index
      %swap3A_855 = tpu.vector_load %arg7[%swap3A_852, %swap3A_853, %swap3A_854] {strides = array<i32>} : memref<2x128x128xf32, #tpu.memory_space<vmem>>, vector<1x1x16xf32>,
      %swap3A_856 = vector.shape_cast %swap3A_855 : vector<1x1x16xf32> to vector<16xf32>
      %swap3A_857 = vector.shape_cast %get3A_850 : vector<16xf32> to vector<1x1x16xf32>
      tpu.vector_store %arg7[%swap3A_852, %swap3A_853, %swap3A_854], %swap3A_857 {strides = array<i32>} : memref<2x128x128xf32, #tpu.memory_space<vmem>>, vector<1x1x16xf32>,
      %get3A_858 = arith.index_cast %select_n3A_791 : i32 to index
      %get3A_859 = arith.constant 96 : index
      %get3A_860 = tpu.vector_load %arg6[%get3A_858, %get3A_859] {strides = array<i32>} : memref<5x128xf32, #tpu.memory_space<vmem>>, vector<1x16xf32>,
      %get3A_861 = vector.shape_cast %get3A_860 : vector<1x16xf32> to vector<16xf32>
      %swap3A_862 = arith.constant 1 : i32
      %swap3A_863 = arith.index_cast %swap3A_862 : i32 to index
      %swap3A_864 = arith.index_cast %scan3A_776 : i32 to index
      %swap3A_865 = arith.constant 96 : index
      %swap3A_866 = tpu.vector_load %arg7[%swap3A_863, %swap3A_864, %swap3A_865] {strides = array<i32>} : memref<2x128x128xf32, #tpu.memory_space<vmem>>, vector<1x1x16xf32>,
      %swap3A_867 = vector.shape_cast %swap3A_866 : vector<1x1x16xf32> to vector<16xf32>
      %swap3A_868 = vector.shape_cast %get3A_861 : vector<16xf32> to vector<1x1x16xf32>
      tpu.vector_store %arg7[%swap3A_863, %swap3A_864, %swap3A_865], %swap3A_868 {strides = array<i32>} : memref<2x128x128xf32, #tpu.memory_space<vmem>>, vector<1x1x16xf32>,
      %get3A_869 = arith.index_cast %select_n3A_791 : i32 to index
      %get3A_870 = arith.constant 112 : index
      %get3A_871 = tpu.vector_load %arg6[%get3A_869, %get3A_870] {strides = array<i32>} : memref<5x128xf32, #tpu.memory_space<vmem>>, vector<1x16xf32>,
      %get3A_872 = vector.shape_cast %get3A_871 : vector<1x16xf32> to vector<16xf32>
      %swap3A_873 = arith.constant 1 : i32
      %swap3A_874 = arith.index_cast %swap3A_873 : i32 to index
      %swap3A_875 = arith.index_cast %scan3A_776 : i32 to index
      %swap3A_876 = arith.constant 112 : index
      %swap3A_877 = tpu.vector_load %arg7[%swap3A_874, %swap3A_875, %swap3A_876] {strides = array<i32>} : memref<2x128x128xf32, #tpu.memory_space<vmem>>, vector<1x1x16xf32>,
      %swap3A_878 = vector.shape_cast %swap3A_877 : vector<1x1x16xf32> to vector<16xf32>
      %swap3A_879 = vector.shape_cast %get3A_872 : vector<16xf32> to vector<1x1x16xf32>
      tpu.vector_store %arg7[%swap3A_874, %swap3A_875, %swap3A_876], %swap3A_879 {strides = array<i32>} : memref<2x128x128xf32, #tpu.memory_space<vmem>>, vector<1x1x16xf32>,
      %scan3A_880 = arith.constant 0 : i32
      %scan3A_881 = arith.constant 7 : i32
      %scan3A_882 = arith.addi %scan3A_148, %scan3A_881 : i32
      %add3A_883 = arith.constant 384 : i32
      %add3A_884 = arith.addi %add3A_883, %scan3A_882 : i32
      %get3A_885 = arith.index_cast %add3A_884 : i32 to index
      %get3A_886 = tpu.vector_load %arg5[%get3A_885] {strides = array<i32>} : memref<528xi32, #tpu.memory_space<vmem>>, vector<16xi32>,
      %get3A_887 = vector.shape_cast %get3A_886 : vector<16xi32> to vector<16xi32>
      %slice3A_888 = vector.extract_strided_slice %get3A_887 {offsets = [0], sizes = [1], strides = [1]} : vector<16xi32> to vector<1xi32>
      %squeeze3A_889 = vector.extract %slice3A_888[0] : i32 from vector<1xi32>
      %lt3A_890 = arith.constant 0 : i32
      %lt3A_891 = arith.cmpi slt, %squeeze3A_889, %lt3A_890 : i32
      %max3A_892 = arith.constant 0 : i32
      %max3A_893 = arith.maxsi %squeeze3A_889, %max3A_892 : i32
      %min3A_894 = arith.constant 3 : i32
      %min3A_895 = arith.minsi %max3A_893, %min3A_894 : i32
      %jit3A_896 = arith.constant 4 : i32
      %select_n3A_897 = arith.select %lt3A_891, %jit3A_896, %min3A_895 : i32
      %get3A_898 = arith.index_cast %select_n3A_897 : i32 to index
      %get3A_899 = arith.constant 0 : index
      %get3A_900 = tpu.vector_load %arg6[%get3A_898, %get3A_899] {strides = array<i32>} : memref<5x128xf32, #tpu.memory_space<vmem>>, vector<1x16xf32>,
      %get3A_901 = vector.shape_cast %get3A_900 : vector<1x16xf32> to vector<16xf32>
      %swap3A_902 = arith.constant 1 : i32
      %swap3A_903 = arith.index_cast %swap3A_902 : i32 to index
      %swap3A_904 = arith.index_cast %scan3A_882 : i32 to index
      %swap3A_905 = arith.constant 0 : index
      %swap3A_906 = tpu.vector_load %arg7[%swap3A_903, %swap3A_904, %swap3A_905] {strides = array<i32>} : memref<2x128x128xf32, #tpu.memory_space<vmem>>, vector<1x1x16xf32>,
      %swap3A_907 = vector.shape_cast %swap3A_906 : vector<1x1x16xf32> to vector<16xf32>
      %swap3A_908 = vector.shape_cast %get3A_901 : vector<16xf32> to vector<1x1x16xf32>
      tpu.vector_store %arg7[%swap3A_903, %swap3A_904, %swap3A_905], %swap3A_908 {strides = array<i32>} : memref<2x128x128xf32, #tpu.memory_space<vmem>>, vector<1x1x16xf32>,
      %get3A_909 = arith.index_cast %select_n3A_897 : i32 to index
      %get3A_910 = arith.constant 16 : index
      %get3A_911 = tpu.vector_load %arg6[%get3A_909, %get3A_910] {strides = array<i32>} : memref<5x128xf32, #tpu.memory_space<vmem>>, vector<1x16xf32>,
      %get3A_912 = vector.shape_cast %get3A_911 : vector<1x16xf32> to vector<16xf32>
      %swap3A_913 = arith.constant 1 : i32
      %swap3A_914 = arith.index_cast %swap3A_913 : i32 to index
      %swap3A_915 = arith.index_cast %scan3A_882 : i32 to index
      %swap3A_916 = arith.constant 16 : index
      %swap3A_917 = tpu.vector_load %arg7[%swap3A_914, %swap3A_915, %swap3A_916] {strides = array<i32>} : memref<2x128x128xf32, #tpu.memory_space<vmem>>, vector<1x1x16xf32>,
      %swap3A_918 = vector.shape_cast %swap3A_917 : vector<1x1x16xf32> to vector<16xf32>
      %swap3A_919 = vector.shape_cast %get3A_912 : vector<16xf32> to vector<1x1x16xf32>
      tpu.vector_store %arg7[%swap3A_914, %swap3A_915, %swap3A_916], %swap3A_919 {strides = array<i32>} : memref<2x128x128xf32, #tpu.memory_space<vmem>>, vector<1x1x16xf32>,
      %get3A_920 = arith.index_cast %select_n3A_897 : i32 to index
      %get3A_921 = arith.constant 32 : index
      %get3A_922 = tpu.vector_load %arg6[%get3A_920, %get3A_921] {strides = array<i32>} : memref<5x128xf32, #tpu.memory_space<vmem>>, vector<1x16xf32>,
      %get3A_923 = vector.shape_cast %get3A_922 : vector<1x16xf32> to vector<16xf32>
      %swap3A_924 = arith.constant 1 : i32
      %swap3A_925 = arith.index_cast %swap3A_924 : i32 to index
      %swap3A_926 = arith.index_cast %scan3A_882 : i32 to index
      %swap3A_927 = arith.constant 32 : index
      %swap3A_928 = tpu.vector_load %arg7[%swap3A_925, %swap3A_926, %swap3A_927] {strides = array<i32>} : memref<2x128x128xf32, #tpu.memory_space<vmem>>, vector<1x1x16xf32>,
      %swap3A_929 = vector.shape_cast %swap3A_928 : vector<1x1x16xf32> to vector<16xf32>
      %swap3A_930 = vector.shape_cast %get3A_923 : vector<16xf32> to vector<1x1x16xf32>
      tpu.vector_store %arg7[%swap3A_925, %swap3A_926, %swap3A_927], %swap3A_930 {strides = array<i32>} : memref<2x128x128xf32, #tpu.memory_space<vmem>>, vector<1x1x16xf32>,
      %get3A_931 = arith.index_cast %select_n3A_897 : i32 to index
      %get3A_932 = arith.constant 48 : index
      %get3A_933 = tpu.vector_load %arg6[%get3A_931, %get3A_932] {strides = array<i32>} : memref<5x128xf32, #tpu.memory_space<vmem>>, vector<1x16xf32>,
      %get3A_934 = vector.shape_cast %get3A_933 : vector<1x16xf32> to vector<16xf32>
      %swap3A_935 = arith.constant 1 : i32
      %swap3A_936 = arith.index_cast %swap3A_935 : i32 to index
      %swap3A_937 = arith.index_cast %scan3A_882 : i32 to index
      %swap3A_938 = arith.constant 48 : index
      %swap3A_939 = tpu.vector_load %arg7[%swap3A_936, %swap3A_937, %swap3A_938] {strides = array<i32>} : memref<2x128x128xf32, #tpu.memory_space<vmem>>, vector<1x1x16xf32>,
      %swap3A_940 = vector.shape_cast %swap3A_939 : vector<1x1x16xf32> to vector<16xf32>
      %swap3A_941 = vector.shape_cast %get3A_934 : vector<16xf32> to vector<1x1x16xf32>
      tpu.vector_store %arg7[%swap3A_936, %swap3A_937, %swap3A_938], %swap3A_941 {strides = array<i32>} : memref<2x128x128xf32, #tpu.memory_space<vmem>>, vector<1x1x16xf32>,
      %get3A_942 = arith.index_cast %select_n3A_897 : i32 to index
      %get3A_943 = arith.constant 64 : index
      %get3A_944 = tpu.vector_load %arg6[%get3A_942, %get3A_943] {strides = array<i32>} : memref<5x128xf32, #tpu.memory_space<vmem>>, vector<1x16xf32>,
      %get3A_945 = vector.shape_cast %get3A_944 : vector<1x16xf32> to vector<16xf32>
      %swap3A_946 = arith.constant 1 : i32
      %swap3A_947 = arith.index_cast %swap3A_946 : i32 to index
      %swap3A_948 = arith.index_cast %scan3A_882 : i32 to index
      %swap3A_949 = arith.constant 64 : index
      %swap3A_950 = tpu.vector_load %arg7[%swap3A_947, %swap3A_948, %swap3A_949] {strides = array<i32>} : memref<2x128x128xf32, #tpu.memory_space<vmem>>, vector<1x1x16xf32>,
      %swap3A_951 = vector.shape_cast %swap3A_950 : vector<1x1x16xf32> to vector<16xf32>
      %swap3A_952 = vector.shape_cast %get3A_945 : vector<16xf32> to vector<1x1x16xf32>
      tpu.vector_store %arg7[%swap3A_947, %swap3A_948, %swap3A_949], %swap3A_952 {strides = array<i32>} : memref<2x128x128xf32, #tpu.memory_space<vmem>>, vector<1x1x16xf32>,
      %get3A_953 = arith.index_cast %select_n3A_897 : i32 to index
      %get3A_954 = arith.constant 80 : index
      %get3A_955 = tpu.vector_load %arg6[%get3A_953, %get3A_954] {strides = array<i32>} : memref<5x128xf32, #tpu.memory_space<vmem>>, vector<1x16xf32>,
      %get3A_956 = vector.shape_cast %get3A_955 : vector<1x16xf32> to vector<16xf32>
      %swap3A_957 = arith.constant 1 : i32
      %swap3A_958 = arith.index_cast %swap3A_957 : i32 to index
      %swap3A_959 = arith.index_cast %scan3A_882 : i32 to index
      %swap3A_960 = arith.constant 80 : index
      %swap3A_961 = tpu.vector_load %arg7[%swap3A_958, %swap3A_959, %swap3A_960] {strides = array<i32>} : memref<2x128x128xf32, #tpu.memory_space<vmem>>, vector<1x1x16xf32>,
      %swap3A_962 = vector.shape_cast %swap3A_961 : vector<1x1x16xf32> to vector<16xf32>
      %swap3A_963 = vector.shape_cast %get3A_956 : vector<16xf32> to vector<1x1x16xf32>
      tpu.vector_store %arg7[%swap3A_958, %swap3A_959, %swap3A_960], %swap3A_963 {strides = array<i32>} : memref<2x128x128xf32, #tpu.memory_space<vmem>>, vector<1x1x16xf32>,
      %get3A_964 = arith.index_cast %select_n3A_897 : i32 to index
      %get3A_965 = arith.constant 96 : index
      %get3A_966 = tpu.vector_load %arg6[%get3A_964, %get3A_965] {strides = array<i32>} : memref<5x128xf32, #tpu.memory_space<vmem>>, vector<1x16xf32>,
      %get3A_967 = vector.shape_cast %get3A_966 : vector<1x16xf32> to vector<16xf32>
      %swap3A_968 = arith.constant 1 : i32
      %swap3A_969 = arith.index_cast %swap3A_968 : i32 to index
      %swap3A_970 = arith.index_cast %scan3A_882 : i32 to index
      %swap3A_971 = arith.constant 96 : index
      %swap3A_972 = tpu.vector_load %arg7[%swap3A_969, %swap3A_970, %swap3A_971] {strides = array<i32>} : memref<2x128x128xf32, #tpu.memory_space<vmem>>, vector<1x1x16xf32>,
      %swap3A_973 = vector.shape_cast %swap3A_972 : vector<1x1x16xf32> to vector<16xf32>
      %swap3A_974 = vector.shape_cast %get3A_967 : vector<16xf32> to vector<1x1x16xf32>
      tpu.vector_store %arg7[%swap3A_969, %swap3A_970, %swap3A_971], %swap3A_974 {strides = array<i32>} : memref<2x128x128xf32, #tpu.memory_space<vmem>>, vector<1x1x16xf32>,
      %get3A_975 = arith.index_cast %select_n3A_897 : i32 to index
      %get3A_976 = arith.constant 112 : index
      %get3A_977 = tpu.vector_load %arg6[%get3A_975, %get3A_976] {strides = array<i32>} : memref<5x128xf32, #tpu.memory_space<vmem>>, vector<1x16xf32>,
      %get3A_978 = vector.shape_cast %get3A_977 : vector<1x16xf32> to vector<16xf32>
      %swap3A_979 = arith.constant 1 : i32
      %swap3A_980 = arith.index_cast %swap3A_979 : i32 to index
      %swap3A_981 = arith.index_cast %scan3A_882 : i32 to index
      %swap3A_982 = arith.constant 112 : index
      %swap3A_983 = tpu.vector_load %arg7[%swap3A_980, %swap3A_981, %swap3A_982] {strides = array<i32>} : memref<2x128x128xf32, #tpu.memory_space<vmem>>, vector<1x1x16xf32>,
      %swap3A_984 = vector.shape_cast %swap3A_983 : vector<1x1x16xf32> to vector<16xf32>
      %swap3A_985 = vector.shape_cast %get3A_978 : vector<16xf32> to vector<1x1x16xf32>
      tpu.vector_store %arg7[%swap3A_980, %swap3A_981, %swap3A_982], %swap3A_985 {strides = array<i32>} : memref<2x128x128xf32, #tpu.memory_space<vmem>>, vector<1x1x16xf32>,
      %scan3A_986 = arith.constant 0 : i32
      scf.yield %scan3A_986 : i32
    }
    %scan3A_102 = arith.constant 128 : i32
    %add3A_103 = arith.constant 384 : i32
    %add3A_104 = arith.addi %mul3A_2, %add3A_103 : i32
    %dma_start3A_105 = arith.constant 1 : i32
    %dma_start3A_106 = arith.constant 0 : i32
    %dma_start3A_107 = arith.constant 0 : i32
    %dma_start3A_108 = tpu.memref_slice %arg7[%dma_start3A_105, %dma_start3A_106, %dma_start3A_107] : memref<2x128x128xf32, #tpu.memory_space<vmem>> -> memref<1x128x128xf32, #tpu.memory_space<vmem>>
    %dma_start3A_109 = tpu.memref_squeeze %dma_start3A_108 : memref<1x128x128xf32, #tpu.memory_space<vmem>> -> memref<128x128xf32, #tpu.memory_space<vmem>>
    %dma_start3A_110 = arith.constant 0 : i32
    %dma_start3A_111 = tpu.memref_slice %arg4[%add3A_104, %dma_start3A_110] : memref<16384x128xf32, #tpu.memory_space<hbm>> -> memref<128x128xf32, #tpu.memory_space<hbm>>
    %dma_start3A_112 = arith.constant 0 : i32
    %dma_start3A_113 = tpu.memref_slice %arg4[%add3A_104, %dma_start3A_112] : memref<16384x128xf32, #tpu.memory_space<hbm>> -> memref<128x128xf32, #tpu.memory_space<hbm>>
    %dma_start3A_114 = arith.constant 0 : i32
    %dma_start3A_115 = arith.constant 0 : i32
    %dma_start3A_116 = tpu.memref_slice %arg7[%dma_start3A_105, %dma_start3A_114, %dma_start3A_115] : memref<2x128x128xf32, #tpu.memory_space<vmem>> -> memref<1x128x128xf32, #tpu.memory_space<vmem>>
    %dma_start3A_117 = tpu.memref_squeeze %dma_start3A_116 : memref<1x128x128xf32, #tpu.memory_space<vmem>> -> memref<128x128xf32, #tpu.memory_space<vmem>>
    tpu.enqueue_dma source(%dma_start3A_117 : memref<128x128xf32, #tpu.memory_space<vmem>>) target(%dma_start3A_113 : memref<128x128xf32, #tpu.memory_space<hbm>>) target_semaphore(%arg9 : memref<!tpu.dma_semaphore, #tpu.memory_space<semaphore_mem>>)
    %add3A_118 = arith.constant 256 : i32
    %add3A_119 = arith.addi %mul3A_2, %add3A_118 : i32
    %dma_wait3A_120 = arith.constant 0 : i32
    %dma_wait3A_121 = arith.constant 0 : i32
    %dma_wait3A_122 = arith.constant 0 : i32
    %dma_wait3A_123 = tpu.memref_slice %arg7[%dma_wait3A_120, %dma_wait3A_121, %dma_wait3A_122] : memref<2x128x128xf32, #tpu.memory_space<vmem>> -> memref<1x128x128xf32, #tpu.memory_space<vmem>>
    %dma_wait3A_124 = tpu.memref_squeeze %dma_wait3A_123 : memref<1x128x128xf32, #tpu.memory_space<vmem>> -> memref<128x128xf32, #tpu.memory_space<vmem>>
    %dma_wait3A_125 = arith.constant 0 : i32
    %dma_wait3A_126 = tpu.memref_slice %arg4[%add3A_119, %dma_wait3A_125] : memref<16384x128xf32, #tpu.memory_space<hbm>> -> memref<128x128xf32, #tpu.memory_space<hbm>>
    %dma_wait3A_127 = arith.constant 0 : i32
    %dma_wait3A_128 = tpu.memref_slice %arg4[%add3A_119, %dma_wait3A_127] : memref<16384x128xf32, #tpu.memory_space<hbm>> -> memref<128x128xf32, #tpu.memory_space<hbm>>
    %dma_wait3A_129 = arith.constant 0 : i32
    %dma_wait3A_130 = arith.constant 0 : i32
    %dma_wait3A_131 = tpu.memref_slice %arg7[%dma_wait3A_120, %dma_wait3A_129, %dma_wait3A_130] : memref<2x128x128xf32, #tpu.memory_space<vmem>> -> memref<1x128x128xf32, #tpu.memory_space<vmem>>
    %dma_wait3A_132 = tpu.memref_squeeze %dma_wait3A_131 : memref<1x128x128xf32, #tpu.memory_space<vmem>> -> memref<128x128xf32, #tpu.memory_space<vmem>>
    tpu.wait_dma2 semaphore(%arg8 : memref<!tpu.dma_semaphore, #tpu.memory_space<semaphore_mem>>) src(%dma_wait3A_132 : memref<128x128xf32, #tpu.memory_space<vmem>>) dst(%dma_wait3A_128 : memref<128x128xf32, #tpu.memory_space<hbm>>)
    %add3A_133 = arith.constant 384 : i32
    %add3A_134 = arith.addi %mul3A_2, %add3A_133 : i32
    %dma_wait3A_135 = arith.constant 1 : i32
    %dma_wait3A_136 = arith.constant 0 : i32
    %dma_wait3A_137 = arith.constant 0 : i32
    %dma_wait3A_138 = tpu.memref_slice %arg7[%dma_wait3A_135, %dma_wait3A_136, %dma_wait3A_137] : memref<2x128x128xf32, #tpu.memory_space<vmem>> -> memref<1x128x128xf32, #tpu.memory_space<vmem>>
    %dma_wait3A_139 = tpu.memref_squeeze %dma_wait3A_138 : memref<1x128x128xf32, #tpu.memory_space<vmem>> -> memref<128x128xf32, #tpu.memory_space<vmem>>
    %dma_wait3A_140 = arith.constant 0 : i32
    %dma_wait3A_141 = tpu.memref_slice %arg4[%add3A_134, %dma_wait3A_140] : memref<16384x128xf32, #tpu.memory_space<hbm>> -> memref<128x128xf32, #tpu.memory_space<hbm>>
    %dma_wait3A_142 = arith.constant 0 : i32
    %dma_wait3A_143 = tpu.memref_slice %arg4[%add3A_134, %dma_wait3A_142] : memref<16384x128xf32, #tpu.memory_space<hbm>> -> memref<128x128xf32, #tpu.memory_space<hbm>>
    %dma_wait3A_144 = arith.constant 0 : i32
    %dma_wait3A_145 = arith.constant 0 : i32
    %dma_wait3A_146 = tpu.memref_slice %arg7[%dma_wait3A_135, %dma_wait3A_144, %dma_wait3A_145] : memref<2x128x128xf32, #tpu.memory_space<vmem>> -> memref<1x128x128xf32, #tpu.memory_space<vmem>>
    %dma_wait3A_147 = tpu.memref_squeeze %dma_wait3A_146 : memref<1x128x128xf32, #tpu.memory_space<vmem>> -> memref<128x128xf32, #tpu.memory_space<vmem>>
    tpu.wait_dma2 semaphore(%arg9 : memref<!tpu.dma_semaphore, #tpu.memory_space<semaphore_mem>>) src(%dma_wait3A_147 : memref<128x128xf32, #tpu.memory_space<vmem>>) dst(%dma_wait3A_143 : memref<128x128xf32, #tpu.memory_space<hbm>>)
    return
  }
}

module attributes {stable_mosaic.version = 14 : i64} {
  func.func @_tc_sample(%arg0: i32, %arg1: memref<1x2048xi32, #tpu.memory_space<vmem>>, %arg2: memref<2048x128xf32, #tpu.memory_space<vmem>>, %arg3: memref<5x128xf32, #tpu.memory_space<vmem>>, %arg4: memref<5x128xf32, #tpu.memory_space<vmem>>, %arg5: memref<2048x128xf32, #tpu.memory_space<vmem>>, %arg6: memref<2048x128xf32, #tpu.memory_space<vmem>>) attributes {dimension_semantics = [#tpu.dimension_semantics<arbitrary>], iteration_bounds = array<i64: 8>, scalar_prefetch = 0 : i64, scratch_operands = 0 : i64, tpu.core_type = #tpu.core_type<tc>, window_params = [{transform_indices = @transform_0, window_bounds = array<i64: 1, 2048>}, {transform_indices = @transform_1, window_bounds = array<i64: 2048, 128>}, {pipeline_mode = #tpu.pipeline_mode<synchronous>, transform_indices = @transform_2, window_bounds = array<i64: 5, 128>}, {pipeline_mode = #tpu.pipeline_mode<synchronous>, transform_indices = @transform_3, window_bounds = array<i64: 5, 128>}, {transform_indices = @transform_4, window_bounds = array<i64: 2048, 128>}, {transform_indices = @transform_5, window_bounds = array<i64: 2048, 128>}]} {
    %get3A = arith.constant 0 : index
    %get3A_0 = arith.constant 0 : index
    %get3A_1 = vector.load %arg1[%get3A, %get3A_0] : memref<1x2048xi32, #tpu.memory_space<vmem>>, vector<1x2048xi32>
    %lt3A = arith.constant 0 : i32
    %lt3A_2 = vector.broadcast %lt3A : i32 to vector<1x2048xi32>
    %lt3A_3 = arith.cmpi slt, %get3A_1, %lt3A_2 : vector<1x2048xi32>
    %jit3A = arith.constant 0 : i32
    %jit3A_4 = arith.constant 3 : i32
    %max3A = vector.broadcast %jit3A : i32 to vector<1x2048xi32>
    %max3A_5 = arith.maxsi %max3A, %get3A_1 : vector<1x2048xi32>
    %min3A = vector.broadcast %jit3A_4 : i32 to vector<1x2048xi32>
    %min3A_6 = arith.minsi %min3A, %max3A_5 : vector<1x2048xi32>
    %jit3A_7 = arith.constant 4 : i32
    %broadcast_in_dim3A = vector.broadcast %jit3A_7 : i32 to vector<1x2048xi32>
    %select_n3A = arith.select %lt3A_3, %broadcast_in_dim3A, %min3A_6 : vector<1x2048xi1>, vector<1x2048xi32>
    %eq3A = arith.constant 0 : i32
    %eq3A_8 = vector.broadcast %eq3A : i32 to vector<1x2048xi32>
    %eq3A_9 = arith.cmpi eq, %select_n3A, %eq3A_8 : vector<1x2048xi32>
    %convert_element_type3A = arith.extui %eq3A_9 : vector<1x2048xi1> to vector<1x2048xi32>
    %convert_element_type3A_10 = arith.sitofp %convert_element_type3A : vector<1x2048xi32> to vector<1x2048xf32>
    %eq3A_11 = arith.constant 1 : i32
    %eq3A_12 = vector.broadcast %eq3A_11 : i32 to vector<1x2048xi32>
    %eq3A_13 = arith.cmpi eq, %select_n3A, %eq3A_12 : vector<1x2048xi32>
    %convert_element_type3A_14 = arith.extui %eq3A_13 : vector<1x2048xi1> to vector<1x2048xi32>
    %convert_element_type3A_15 = arith.sitofp %convert_element_type3A_14 : vector<1x2048xi32> to vector<1x2048xf32>
    %eq3A_16 = arith.constant 2 : i32
    %eq3A_17 = vector.broadcast %eq3A_16 : i32 to vector<1x2048xi32>
    %eq3A_18 = arith.cmpi eq, %select_n3A, %eq3A_17 : vector<1x2048xi32>
    %convert_element_type3A_19 = arith.extui %eq3A_18 : vector<1x2048xi1> to vector<1x2048xi32>
    %convert_element_type3A_20 = arith.sitofp %convert_element_type3A_19 : vector<1x2048xi32> to vector<1x2048xf32>
    %eq3A_21 = arith.constant 3 : i32
    %eq3A_22 = vector.broadcast %eq3A_21 : i32 to vector<1x2048xi32>
    %eq3A_23 = arith.cmpi eq, %select_n3A, %eq3A_22 : vector<1x2048xi32>
    %convert_element_type3A_24 = arith.extui %eq3A_23 : vector<1x2048xi1> to vector<1x2048xi32>
    %convert_element_type3A_25 = arith.sitofp %convert_element_type3A_24 : vector<1x2048xi32> to vector<1x2048xf32>
    %eq3A_26 = arith.constant 4 : i32
    %eq3A_27 = vector.broadcast %eq3A_26 : i32 to vector<1x2048xi32>
    %eq3A_28 = arith.cmpi eq, %select_n3A, %eq3A_27 : vector<1x2048xi32>
    %convert_element_type3A_29 = arith.extui %eq3A_28 : vector<1x2048xi1> to vector<1x2048xi32>
    %convert_element_type3A_30 = arith.sitofp %convert_element_type3A_29 : vector<1x2048xi32> to vector<1x2048xf32>
    %concatenate3A = tpu.concatenate %convert_element_type3A_10, %convert_element_type3A_15, %convert_element_type3A_20, %convert_element_type3A_25, %convert_element_type3A_30 in 0 : vector<1x2048xf32>, vector<1x2048xf32>, vector<1x2048xf32>, vector<1x2048xf32>, vector<1x2048xf32> -> vector<5x2048xf32>
    %get3A_31 = arith.constant 0 : index
    %get3A_32 = arith.constant 0 : index
    %get3A_33 = vector.load %arg3[%get3A_31, %get3A_32] : memref<5x128xf32, #tpu.memory_space<vmem>>, vector<5x128xf32>
    %dot_general3A = arith.constant dense<0.000000e+00> : vector<2048x128xf32>
    %dot_general3A_34 = tpu.matmul %concatenate3A, %get3A_33, %dot_general3A {dimension_numbers = #tpu.dot_dimension_numbers<[0], [0], [1], [1], [0, 1, 1, 1], [], []>, transpose_lhs_hint = false} : vector<5x2048xf32>, vector<5x128xf32>, vector<2048x128xf32> -> vector<2048x128xf32>
    %get3A_35 = arith.constant 0 : index
    %get3A_36 = arith.constant 0 : index
    %get3A_37 = vector.load %arg4[%get3A_35, %get3A_36] : memref<5x128xf32, #tpu.memory_space<vmem>>, vector<5x128xf32>
    %dot_general3A_38 = arith.constant dense<0.000000e+00> : vector<2048x128xf32>
    %dot_general3A_39 = tpu.matmul %concatenate3A, %get3A_37, %dot_general3A_38 {dimension_numbers = #tpu.dot_dimension_numbers<[0], [0], [1], [1], [0, 1, 1, 1], [], []>, transpose_lhs_hint = false} : vector<5x2048xf32>, vector<5x128xf32>, vector<2048x128xf32> -> vector<2048x128xf32>
    %exp3A = math.exp %dot_general3A_39 : vector<2048x128xf32>
    %swap3A = arith.constant 0 : index
    %swap3A_40 = arith.constant 0 : index
    %swap3A_41 = vector.load %arg5[%swap3A, %swap3A_40] : memref<2048x128xf32, #tpu.memory_space<vmem>>, vector<2048x128xf32>
    tpu.vector_store %arg5[%swap3A, %swap3A_40], %dot_general3A_34 {strides = array<i32>} : memref<2048x128xf32, #tpu.memory_space<vmem>>, vector<2048x128xf32>,
    %get3A_42 = arith.constant 0 : index
    %get3A_43 = arith.constant 0 : index
    %get3A_44 = vector.load %arg2[%get3A_42, %get3A_43] : memref<2048x128xf32, #tpu.memory_space<vmem>>, vector<2048x128xf32>
    %mul3A = arith.mulf %get3A_44, %exp3A : vector<2048x128xf32>
    %add3A = arith.addf %dot_general3A_34, %mul3A : vector<2048x128xf32>
    %swap3A_45 = arith.constant 0 : index
    %swap3A_46 = arith.constant 0 : index
    %swap3A_47 = vector.load %arg6[%swap3A_45, %swap3A_46] : memref<2048x128xf32, #tpu.memory_space<vmem>>, vector<2048x128xf32>
    tpu.vector_store %arg6[%swap3A_45, %swap3A_46], %add3A {strides = array<i32>} : memref<2048x128xf32, #tpu.memory_space<vmem>>, vector<2048x128xf32>,
    return
  }
  func.func @transform_0(%arg0: i32) -> (i32, i32) {
    %c0_i32 = arith.constant 0 : i32
    %c0_i32_0 = arith.constant 0 : i32
    return %c0_i32, %arg0 : i32, i32
  }
  func.func @transform_1(%arg0: i32) -> (i32, i32) {
    %c0_i32 = arith.constant 0 : i32
    %c0_i32_0 = arith.constant 0 : i32
    return %arg0, %c0_i32 : i32, i32
  }
  func.func @transform_2(%arg0: i32) -> (i32, i32) {
    %c0_i32 = arith.constant 0 : i32
    %c0_i32_0 = arith.constant 0 : i32
    %c0_i32_1 = arith.constant 0 : i32
    return %c0_i32, %c0_i32_0 : i32, i32
  }
  func.func @transform_3(%arg0: i32) -> (i32, i32) {
    %c0_i32 = arith.constant 0 : i32
    %c0_i32_0 = arith.constant 0 : i32
    %c0_i32_1 = arith.constant 0 : i32
    return %c0_i32, %c0_i32_0 : i32, i32
  }
  func.func @transform_4(%arg0: i32) -> (i32, i32) {
    %c0_i32 = arith.constant 0 : i32
    %c0_i32_0 = arith.constant 0 : i32
    return %arg0, %c0_i32 : i32, i32
  }
  func.func @transform_5(%arg0: i32) -> (i32, i32) {
    %c0_i32 = arith.constant 0 : i32
    %c0_i32_0 = arith.constant 0 : i32
    return %arg0, %c0_i32 : i32, i32
  }
}

</mosaic_0001>

<sc_bundles>
// kernel: kernel.4.cloned.1.call-start
scs
__scs_entry_jumppad:
0x0: {  	(pc) =	sbr.rel $0x88, $3  }
0x1: {  	(tag) =	ssettag $0x0;
	lr =	simm.s32 $0x1  }
0x2: {  	[smem:$0x3F9B] =	sst lr;
	_ =	strace $0xD0000000  }
0x3: {  	_ = 	snop  }
0x4: {  	_ = 	snop  }
0x5: {  	_ = 	snop  }
0x6: {  	_ = 	snop  }
0x7: {  	_ = 	snop  }
__scs_overlays_trampoline_lowered:
0x8: {  	[smem:$0x3FAA] =	sst s0  }
0x9: {  	[smem:$0x3FAB] =	sst s1  }
0xa: {  	[smem:$0x3FAC] =	sst s2  }
0xb: {  	[smem:$0x3FAD] =	sst s3  }
0xc: {  	[smem:$0x3FAE] =	sst s4  }
0xd: {  	[smem:$0x3FAF] =	sst s5  }
0xe: {  	[smem:$0x3FB0] =	sst s6  }
0xf: {  	[smem:$0x3FB1] =	sst s7  }
0x10: {  	[smem:$0x3FB2] =	sst s8  }
0x11: {  	[smem:$0x3FB3] =	sst s9;
	s0 =	simm.s32 @!p0 $0x0  }
0x12: {  	s1 =	sld [smem:$0x3F99];
	s0 =	simm.s32 @p0 $0x1  }
0x13: {  	[smem:$0x3FB4] =	sst s0;
	s0 =	simm.s32 @!p1 $0x0  }
0x14: {  	s2 =	sld [smem:$0x3F98];
	s0 =	simm.s32 @p1 $0x1  }
0x15: {  	[smem:$0x3FB5] =	sst s0;
	s0 =	simm.s32 @!p2 $0x0  }
0x16: {  	s3 =	sld [smem:$0x3FDB];
	s0 =	simm.s32 @p2 $0x1  }
0x17: {  	s4 =	simm.s32 $0x1BF5;
	[smem:$0x3FB7] =	sst s0  }
0x18: {  	s0 =	sld [smem:$0x3F9A];
	_ =	swait.ge [sflag:s4], $0x0  }
0x19: {  	s7 =	sld [smem:$0x3F9B]  }
0x1a: {  	s8 =	sadd.s32 $0xFFFFE003, lr  }
0x1b: {  	s9 =	sadd.s32 $0xFFFFFEF7, lr;
	s5 =	simm.s32 $0xFFFFFFFF;
	p2 =	slt.u32 s8, $0xFFFFF086  }
0x1c: {  	p1 =	slt.u32 s9, $0xF7A;
	s5 =	simm.s32 @!p2 $0x0  }
0x1d: {  	s5 =	simm.s32 @p1 $0x1;
	p0 =	seq.s32 s7, s2  }
0x1e: {  	s7 =	smul.u32 @!p0 $0xF7A, s2;
	p2 =	seq.s32 @!p0 s5, $0x0  }
0x1f: {  	s9 =	smul.u32 $0xF7A, s1;
	s8 =	simm.s32 @!p0 $0x1BF5;
	p2 =	por !p2, p0  }
0x20: {  	[sflag:s8] =	ssyncset.s32 @!p0 $0xFFFFF086;
	s6 =	sadd.s32 @!p0 s3, s7;
	s7 =	simm.s32 @!p0 $0x108  }
0x21: {  	s3 =	sadd.s32 s3, s9;
	s6 =	sadd.s32 @!p0 $0x88, s6;
	s7 =	simm.s32 @p2 $0x1082  }
0x22: {  	[simem:s7], [sflag:s8] =	dma.local @!p0 [hbm:s6], $0xF7A  }
0x23: {  	s9 =	sor.u32 $0xD0000000, s2;
	s6 =	simm.s32 $0x108;
	_ =	swait.ge @!p0 [sflag:s8], $0x0  }
0x24: {  	s3 =	sadd.s32 $0x88, s3;
	s6 =	simm.s32 @!p1 $0x1082;
	[sflag:s4] =	ssyncset.s32 $0xFFFFF086  }
0x25: {  	[simem:s6], [sflag:s4] =	dma.local [hbm:s3], $0xF7A  }
0x26: {  	[smem:$0x3F9B] =	sst s1;
	(tag) =	ssettag s2;
	_ =	strace s9  }
0x27: {  	s1 =	sld [smem:$0x3FAB]  }
0x28: {  	s2 =	sld [smem:$0x3FAC]  }
0x29: {  	s4 =	sld [smem:$0x3FAE]  }
0x2a: {  	p0 =	seq.s32 s5, $0x0;
	s5 =	sld [smem:$0x3FAF]  }
0x2b: {  	s6 =	sld [smem:$0x3FB0]  }
0x2c: {  	s7 =	sld [smem:$0x3FB1]  }
0x2d: {  	s3 =	simm.s32 $0x108;
	s8 =	sld [smem:$0x3FB2]  }
0x2e: {  	s3 =	simm.s32 @!p0 $0x1082;
	s9 =	sld [smem:$0x3FB3]  }
0x2f: {  	lr =	sadd.s32 s0, s3;
	s0 =	sld [smem:$0x3FAA]  }
0x30: {  	s3 =	sld [smem:$0x3FAD]  }
0x31: {  	[smem:$0x3FB6] =	sst s10  }
0x32: {  	s10 =	sld [smem:$0x3FB4];
	_ =	sdelay $0x3  }
0x33: {  	p0 =	seq.s32 s10, $0x1;
	s10 =	sld [smem:$0x3FB6];
	_ =	sdelay $0x3  }
0x34: {  	[smem:$0x3FB6] =	sst s10  }
0x35: {  	s10 =	sld [smem:$0x3FB5];
	_ =	sdelay $0x3  }
0x36: {  	p1 =	seq.s32 s10, $0x1;
	s10 =	sld [smem:$0x3FB6];
	_ =	sdelay $0x3  }
0x37: {  	[smem:$0x3FB6] =	sst s10  }
0x38: {  	s10 =	sld [smem:$0x3FB7]  }
0x39: {  	_ = 	snop;
	(pc) =	sbr.ind lr, $3  }
0x3a: {  	_ = 	snop  }
0x3b: {  	_ = 	snop  }
0x3c: {  	p2 =	seq.s32 s10, $0x1;
	s10 =	sld [smem:$0x3FB6]  }
0x3d: {  	_ =	shalt  }
0x3e: {  	_ =	shalt  }
0x3f: {  	_ =	shalt  }
0x40: {  	_ =	shalt  }
0x41: {  	_ =	shalt  }
0x42: {  	_ =	shalt  }
0x43: {  	_ =	shalt  }
0x44: {  	_ =	shalt  }
0x45: {  	_ =	shalt  }
0x46: {  	_ =	shalt  }
0x47: {  	_ =	shalt  }
0x48: {  	_ =	shalt  }
0x49: {  	_ =	shalt  }
0x4a: {  	_ =	shalt  }
0x4b: {  	_ =	shalt  }
0x4c: {  	_ =	shalt  }
0x4d: {  	_ =	shalt  }
0x4e: {  	_ =	shalt  }
0x4f: {  	_ =	shalt  }
0x50: {  	_ =	shalt  }
0x51: {  	_ =	shalt  }
0x52: {  	_ =	shalt  }
0x53: {  	_ =	shalt  }
0x54: {  	_ =	shalt  }
0x55: {  	_ =	shalt  }
0x56: {  	_ =	shalt  }
0x57: {  	_ =	shalt  }
0x58: {  	_ =	shalt  }
0x59: {  	_ =	shalt  }
0x5a: {  	_ =	shalt  }
0x5b: {  	_ =	shalt  }
0x5c: {  	_ =	shalt  }
0x5d: {  	_ =	shalt  }
0x5e: {  	_ =	shalt  }
0x5f: {  	_ =	shalt  }
0x60: {  	_ =	shalt  }
0x61: {  	_ =	shalt  }
0x62: {  	_ =	shalt  }
0x63: {  	_ =	shalt  }
0x64: {  	_ =	shalt  }
0x65: {  	_ =	shalt  }
0x66: {  	_ =	shalt  }
0x67: {  	_ =	shalt  }
0x68: {  	_ =	shalt  }
0x69: {  	_ =	shalt  }
0x6a: {  	_ =	shalt  }
0x6b: {  	_ =	shalt  }
0x6c: {  	_ =	shalt  }
0x6d: {  	_ =	shalt  }
0x6e: {  	_ =	shalt  }
0x6f: {  	_ =	shalt  }
0x70: {  	_ =	shalt  }
0x71: {  	_ =	shalt  }
0x72: {  	_ =	shalt  }
0x73: {  	_ =	shalt  }
0x74: {  	_ =	shalt  }
0x75: {  	_ =	shalt  }
0x76: {  	_ =	shalt  }
0x77: {  	_ =	shalt  }
0x78: {  	_ =	shalt  }
0x79: {  	_ =	shalt  }
0x7a: {  	_ =	shalt  }
0x7b: {  	_ =	shalt  }
0x7c: {  	_ =	shalt  }
0x7d: {  	_ =	shalt  }
0x7e: {  	_ =	shalt  }
0x7f: {  	_ =	shalt  }
0x80: {  	_ =	shalt  }
0x81: {  	_ =	shalt  }
0x82: {  	_ =	shalt  }
0x83: {  	_ =	shalt  }
0x84: {  	_ =	shalt  }
0x85: {  	_ =	shalt  }
0x86: {  	_ =	shalt  }
0x87: {  	_ =	shalt  }
.Lfunc_end0:
.L_simem_size_0:
called_computation_lowered:
.L_overlay_start_0:
0x88: {  	s2 =	sld [smem:$0x3FD9]  }
0x89: {  	s3 =	sld [smem:$0x3FFE];
	_ =	sdelay $0x1  }
0x8a: {  	s1 =	srdreg.scid  }
0x8b: {  	s0 =	sand.u32 $0x1, s1  }
0x8c: {  	s14 =	sshll.u32 s0, $0xA;
	s2 =	sadd.s32 s3, s2  }
0x8d: {  	s2 =	sadd.s32 s2, s14  }
0x8e: {  	[smem:$0x3FC2] =	sst s2  }
0x8f: {  	_ = 	snop  }
0x90: {  	s2 =	sld [smem:$0x3FD0];
	_ =	sdelay $0x2  }
0x91: {  	s4 =	simm.s32 $0xA;
	s5 =	simm.s32 $0x10;
	s15 =	sld [smem:$0x3FC9]  }
0x92: {  	[smem:s5], [sflag:s4] =	dma.local [hbm:s2], $0x1  }
0x93: {  	_ =	swait.eq [sflag:s4], $0x1  }
0x94: {  	[sflag:s4] =	ssyncset.done $0x0  }
0x95: {  	[sflag:s4] =	ssyncadd.s32 $0xFFFFFFFF  }
0x96: {  	s16 =	sld [smem:$0x11];
	(tm) =	ssettm $0x1  }
0x97: {  	s17 =	sld [smem:$0x3FFB];
	_ =	sdelay $0x3  }
0x98: {  	_ =	strace s17  }
0x99: {  	s4 =	sld [smem:$0x3FFC];
	_ =	sdelay $0x3  }
0x9a: {  	_ =	strace s4  }
0x9b: {  	s4 =	sld [smem:$0x3FFD];
	_ =	sdelay $0x3  }
0x9c: {  	_ =	strace s4  }
0x9d: {  	_ =	strace $0x8FFFFFFF  }
0x9e: {  	s18 =	sld [smem:$0x3FDB];
	_ =	sdelay $0x1  }
0x9f: {  	s19 =	simm.s32 $_scs_section_size  }
0xa0: {  	s6 =	simm.s32 $_size__tile_overlayer_lowered;
	s7 =	simm.s32 $_tile_overlayer_lowered  }
0xa1: {  	s22 =	simm.s32 $0x1BFF;
	s21 =	sshll.u32 s7, $0x1;
	s4 =	sadd.s32 s19, s18  }
0xa2: {  	s8 =	simm.s32 $0x0;
	s20 =	sshll.u32 s6, $0x1;
	s6 =	sadd.s32 s21, s4  }
0xa3: {  	[timem:s8], [sflag:s22] =	dma.local [hbm:s6], s20  }
0xa4: {  	_ =	swait.ge [sflag:s22], s20  }
0xa5: {  	s5 =	ssub.s32 $0x0, s20;
	[sflag:s22] =	ssyncset.done $0x0  }
0xa6: {  	[sflag:s22] =	ssyncadd.s32 s5;
	_ =	sdelay $0x1  }
0xa7: {  	s23 =	simm.s32 $0x1B8B  }
0xa8: {  	_ =	swait.ge [sflag:s23], $0x1  }
0xa9: {  	[sflag:s23] =	ssyncset.done $0x0  }
0xaa: {  	s25 =	simm.s32 $0x1B8E;
	s24 =	sld [smem:$0x3FFE];
	[sflag:s23] =	ssyncadd.s32 $0xFFFFFFFF  }
0xab: {  	s26 =	simm.s32 $execute0_lowered;
	[smem:$0x3FD2] =	sst s25  }
0xac: {  	s6 =	sshll.u32 s26, $0x1;
	_ =	strace $0x80000046;
	[dreg:$0x1] =	wrdreg $0xFFFFFFFF  }
0xad: {  	s28 =	simm.s32 $_size_execute0_lowered;
	s4 =	sadd.s32 s4, s6;
	[dreg:$0x0] =	wrdreg $0x0  }
0xae: {  	s6 =	sshll.u32 s28, $0x1;
	[dreg:$0x2] =	wrdreg s4  }
0xaf: {  	[dreg:$0x3] =	wrdreg s6  }
0xb0: {  	[dreg:$0x4] =	wrdreg $0xC0  }
0xb1: {  	_ =	task [dreg:s8], $0x5FFFF  }
0xb2: {  	[dreg:$0x1] =	wrdreg $0xFFFFFFFF  }
0xb3: {  	[dreg:$0x0] =	wrdreg $0x60  }
0xb4: {  	[dreg:$0x2] =	wrdreg s15  }
0xb5: {  	[dreg:$0x3] =	wrdreg s24  }
0xb6: {  	[dreg:$0x4] =	wrdreg s16  }
0xb7: {  	[dreg:$0x5] =	wrdreg $0x9  }
0xb8: {  	_ =	task.clear_ibuf [dreg:s8], $0x6FFFF;
	_ =	strace $0x90000046  }
0xb9: {  	s29 =	simm.s32 $0x9;
	_ =	strace $0x80000048  }
0xba: {  	_ =	swait.ge [sflag:s29], $0x1  }
0xbb: {  	[sflag:s29] =	ssyncadd.s32 $0xFFFFFFFF  }
0xbc: {  	_ =	strace $0x90000048  }
0xbd: {  	_ =	sfence  }
0xbe: {  	s30 =	sld [smem:$0x0];
	_ =	sdelay $0x2  }
0xbf: {  	s31 =	sshll.u32 s1, $0xD;
	s1 =	sshrl.u32 s1, $0x2  }
0xc0: {  	s3 =	sand.u32 $0x4000, s31;
	s1 =	sadd.s32 s1, s30  }
0xc1: {  	s0 =	sor.u32 s3, s0;
	s1 =	sshll.u32 s1, $0x11  }
0xc2: {  	s0 =	sor.u32 s1, s0  }
0xc3: {  	s0 =	sadd.s32 $0x8F2B, s0  }
0xc4: {  	[sflag:s0] =	ssyncadd.remote.s32 $0x1  }
0xc5: {  	_ =	sfence.sel $0xFFFF  }
0xc6: {  	[dreg:$0x0] =	wrdreg $0xFFFFFFFF;
	(pc) =	sbr.abs _section_cstart, $3  }
0xc7: {  	[dreg:$0x1] =	wrdreg $0xFFFFFFFF  }
0xc8: {  	_ =	task.clear_ibuf [dreg:s8], $0x2FFFF;
	_ =	strace $0x9FFFFFFF  }
0xc9: {  	(tm) =	ssettm $0x7FFFFFFF  }
tec
execute0_lowered:
.L_overlay_start_1:
0x0: {  	(tag) =	ssettag $0x1  }
0x1: {  	s5 =	rddreg [dreg:$0x0]  }
0x2: {  	s3 =	rddreg [dreg:$0x1]  }
0x3: {  	s4 =	rddreg [dreg:$0x2]  }
0x4: {  	s0 =	rddreg [dreg:$0x3];
	s6 =	srdreg.scid  }
0x5: {  	s2 =	simm.s32 $0x0;
	s1 =	stileid.u32;
	s11 =	simm.s32 $0x280  }
0x6: {  	s12 =	simm.s32 $0x680;
	s13 =	simm.s32 $0x4680;
	s14 =	simm.s32 $0x1  }
0x7: {  	s15 =	simm.s32 $0x2;
	s16 =	simm.s32 $0x0;
	s6 =	sand.u32 $0x1, s6  }
0x8: {  	[smem:$0x7FF] =	sst s2;
	s7 =	sshll.u32 s1, $0xA;
	s8 =	sshll.u32 s6, $0x9  }
0x9: {  	s3 =	sadd.s32 $0xE00, s3;
	s6 =	ssub.s32 $0x2, s6;
	s7 =	sor.u32 s8, s7  }
0xa: {  	_ =	strace $0x80000047;
	s30 =	sshrl.u32 s6, $0x1;
	s9 =	sshll.u32 s7, $0x4  }
0xb: {  	s10 =	ssub.s32 s6, s30;
	s31 =	sshrl.u32 s7, $0x3;
	s4 =	sadd.s32 s4, s9  }
0xc: {  	s5 =	sadd.s32 s5, s31;
	s9 =	smax.u32 s10, $0x1;
	s10 =	simm.s32 $0x3  }
0xd: {  	s6 =	sadd.s32 $0x800, s4;
	s7 =	sadd.s32 $0x1000, s4;
	s8 =	sadd.s32 $0x1800, s4  }
.LBB2_1:
0xe: {  	[tilespmem:s2], [sflag:$0x3] =	stream.linear.gather [hbm4b:s5+s2], $0x200, $0x38;
	[tilespmem:$0x8680] =	vst v63  }
0xf: {  	_ =	swait.ge [sflag:s10], $0x200  }
0x10: {  	[sflag:s10] =	ssyncset.done $0x0  }
0x11: {  	[sflag:s10] =	ssyncadd.s32 $0xFFFFFE00  }
0x12: {  	[tilespmem:s11], [sflag:$0x3] =	stream.linear.gather [hbm4b:s3+s2], $0x280, $0x38;
	[tilespmem:$0x8680] =	vst v63  }
0x13: {  	_ =	swait.ge [sflag:s10], $0x280  }
0x14: {  	[sflag:s10] =	ssyncset.done $0x0  }
0x15: {  	s18 =	simm.s32 $0x4;
	[sflag:s10] =	ssyncadd.s32 $0xFFFFFD80  }
0x16: {  	v0 =	vld [tilespmem:s18+$0xFFFFFFFC];
	_ =	sdelay $0x4  }
0x17: {  	(v2sf) =	vpush v0, $0x0;
	_ =	sdelay $0xe  }
0x18: {  	s17 =	spop (v2sf)  }
0x19: {  	p0 =	sgt.s32 s17, $0x0  }
0x1a: {  	p1 =	slt.s32 s17, $0x0;
	s17 =	simm.s32 @!p0 $0x0  }
0x1b: {  	s17 =	smin.u32 s17, $0x3  }
0x1c: {  	s19 =	sshll.u32 s17, $0x7  }
0x1d: {  	s19 =	simm.s32 @p1 $0x200  }
0x1e: {  	v56 =	vld [tilespmem:s19+$0x280];
	_ =	sdelay $0x3  }
0x1f: {  	s17 =	simm.s32 $0x880  }
0x20: {  	[tilespmem:s17+$0xFFFFFE00] =	vst v56  }
0x21: {  	v0 =	vld [tilespmem:s19+$0x290];
	_ =	sdelay $0x4  }
0x22: {  	[tilespmem:s17+$0xFFFFFE10] =	vst v0  }
0x23: {  	v0 =	vld [tilespmem:s19+$0x2A0];
	_ =	sdelay $0x4  }
0x24: {  	[tilespmem:s17+$0xFFFFFE20] =	vst v0  }
0x25: {  	v0 =	vld [tilespmem:s19+$0x2B0];
	_ =	sdelay $0x4  }
0x26: {  	[tilespmem:s17+$0xFFFFFE30] =	vst v0  }
0x27: {  	v0 =	vld [tilespmem:s19+$0x2C0];
	_ =	sdelay $0x4  }
0x28: {  	[tilespmem:s17+$0xFFFFFE40] =	vst v0  }
0x29: {  	v0 =	vld [tilespmem:s19+$0x2D0];
	_ =	sdelay $0x4  }
0x2a: {  	[tilespmem:s17+$0xFFFFFE50] =	vst v0  }
0x2b: {  	v0 =	vld [tilespmem:s19+$0x2E0];
	_ =	sdelay $0x4  }
0x2c: {  	[tilespmem:s17+$0xFFFFFE60] =	vst v0  }
0x2d: {  	v0 =	vld [tilespmem:s19+$0x2F0];
	_ =	sdelay $0x4  }
0x2e: {  	[tilespmem:s17+$0xFFFFFE70] =	vst v0  }
0x2f: {  	v0 =	vld [tilespmem:s18+$0xFFFFFFFD];
	_ =	sdelay $0x4  }
0x30: {  	(v2sf) =	vpush v0, $0x0;
	_ =	sdelay $0xe  }
0x31: {  	s19 =	spop (v2sf)  }
0x32: {  	p0 =	sgt.s32 s19, $0x0  }
0x33: {  	p1 =	slt.s32 s19, $0x0;
	s19 =	simm.s32 @!p0 $0x0  }
0x34: {  	s19 =	smin.u32 s19, $0x3  }
0x35: {  	s19 =	sshll.u32 s19, $0x7  }
0x36: {  	s19 =	simm.s32 @p1 $0x200  }
0x37: {  	v57 =	vld [tilespmem:s19+$0x280];
	_ =	sdelay $0x4  }
0x38: {  	[tilespmem:s17+$0xFFFFFE80] =	vst v57  }
0x39: {  	v0 =	vld [tilespmem:s19+$0x290];
	_ =	sdelay $0x4  }
0x3a: {  	[tilespmem:s17+$0xFFFFFE90] =	vst v0  }
0x3b: {  	v0 =	vld [tilespmem:s19+$0x2A0];
	_ =	sdelay $0x4  }
0x3c: {  	[tilespmem:s17+$0xFFFFFEA0] =	vst v0  }
0x3d: {  	v0 =	vld [tilespmem:s19+$0x2B0];
	_ =	sdelay $0x4  }
0x3e: {  	[tilespmem:s17+$0xFFFFFEB0] =	vst v0  }
0x3f: {  	v0 =	vld [tilespmem:s19+$0x2C0];
	_ =	sdelay $0x4  }
0x40: {  	[tilespmem:s17+$0xFFFFFEC0] =	vst v0  }
0x41: {  	v0 =	vld [tilespmem:s19+$0x2D0];
	_ =	sdelay $0x4  }
0x42: {  	[tilespmem:s17+$0xFFFFFED0] =	vst v0  }
0x43: {  	v0 =	vld [tilespmem:s19+$0x2E0];
	_ =	sdelay $0x4  }
0x44: {  	[tilespmem:s17+$0xFFFFFEE0] =	vst v0  }
0x45: {  	v0 =	vld [tilespmem:s19+$0x2F0];
	_ =	sdelay $0x4  }
0x46: {  	[tilespmem:s17+$0xFFFFFEF0] =	vst v0  }
0x47: {  	v0 =	vld [tilespmem:s18+$0xFFFFFFFE];
	_ =	sdelay $0x4  }
0x48: {  	(v2sf) =	vpush v0, $0x0;
	_ =	sdelay $0xe  }
0x49: {  	s19 =	spop (v2sf)  }
0x4a: {  	p0 =	sgt.s32 s19, $0x0  }
0x4b: {  	p1 =	slt.s32 s19, $0x0;
	s19 =	simm.s32 @!p0 $0x0  }
0x4c: {  	s19 =	smin.u32 s19, $0x3  }
0x4d: {  	s19 =	sshll.u32 s19, $0x7  }
0x4e: {  	s19 =	simm.s32 @p1 $0x200  }
0x4f: {  	v58 =	vld [tilespmem:s19+$0x280];
	_ =	sdelay $0x4  }
0x50: {  	[tilespmem:s17+$0xFFFFFF00] =	vst v58  }
0x51: {  	v0 =	vld [tilespmem:s19+$0x290];
	_ =	sdelay $0x4  }
0x52: {  	[tilespmem:s17+$0xFFFFFF10] =	vst v0  }
0x53: {  	v0 =	vld [tilespmem:s19+$0x2A0];
	_ =	sdelay $0x4  }
0x54: {  	[tilespmem:s17+$0xFFFFFF20] =	vst v0  }
0x55: {  	v0 =	vld [tilespmem:s19+$0x2B0];
	_ =	sdelay $0x4  }
0x56: {  	[tilespmem:s17+$0xFFFFFF30] =	vst v0  }
0x57: {  	v0 =	vld [tilespmem:s19+$0x2C0];
	_ =	sdelay $0x4  }
0x58: {  	[tilespmem:s17+$0xFFFFFF40] =	vst v0  }
0x59: {  	v0 =	vld [tilespmem:s19+$0x2D0];
	_ =	sdelay $0x4  }
0x5a: {  	[tilespmem:s17+$0xFFFFFF50] =	vst v0  }
0x5b: {  	v0 =	vld [tilespmem:s19+$0x2E0];
	_ =	sdelay $0x4  }
0x5c: {  	[tilespmem:s17+$0xFFFFFF60] =	vst v0  }
0x5d: {  	v0 =	vld [tilespmem:s19+$0x2F0];
	_ =	sdelay $0x4  }
0x5e: {  	[tilespmem:s17+$0xFFFFFF70] =	vst v0  }
0x5f: {  	v0 =	vld [tilespmem:s18+$0xFFFFFFFF];
	_ =	sdelay $0x4  }
0x60: {  	(v2sf) =	vpush v0, $0x0;
	_ =	sdelay $0xe  }
0x61: {  	s19 =	spop (v2sf)  }
0x62: {  	p0 =	sgt.s32 s19, $0x0  }
0x63: {  	p1 =	slt.s32 s19, $0x0;
	s19 =	simm.s32 @!p0 $0x0  }
0x64: {  	s19 =	smin.u32 s19, $0x3  }
0x65: {  	s19 =	sshll.u32 s19, $0x7  }
0x66: {  	s19 =	simm.s32 @p1 $0x200  }
0x67: {  	v59 =	vld [tilespmem:s19+$0x280];
	_ =	sdelay $0x4  }
0x68: {  	[tilespmem:s17+$0xFFFFFF80] =	vst v59  }
0x69: {  	v0 =	vld [tilespmem:s19+$0x290];
	_ =	sdelay $0x4  }
0x6a: {  	[tilespmem:s17+$0xFFFFFF90] =	vst v0  }
0x6b: {  	v0 =	vld [tilespmem:s19+$0x2A0];
	_ =	sdelay $0x4  }
0x6c: {  	[tilespmem:s17+$0xFFFFFFA0] =	vst v0  }
0x6d: {  	v0 =	vld [tilespmem:s19+$0x2B0];
	_ =	sdelay $0x4  }
0x6e: {  	[tilespmem:s17+$0xFFFFFFB0] =	vst v0  }
0x6f: {  	v0 =	vld [tilespmem:s19+$0x2C0];
	_ =	sdelay $0x4  }
0x70: {  	[tilespmem:s17+$0xFFFFFFC0] =	vst v0  }
0x71: {  	v0 =	vld [tilespmem:s19+$0x2D0];
	_ =	sdelay $0x4  }
0x72: {  	[tilespmem:s17+$0xFFFFFFD0] =	vst v0  }
0x73: {  	v0 =	vld [tilespmem:s19+$0x2E0];
	_ =	sdelay $0x4  }
0x74: {  	[tilespmem:s17+$0xFFFFFFE0] =	vst v0  }
0x75: {  	v0 =	vld [tilespmem:s19+$0x2F0];
	_ =	sdelay $0x4  }
0x76: {  	[tilespmem:s17+$0xFFFFFFF0] =	vst v0  }
0x77: {  	v0 =	vld [tilespmem:s18+$0x0];
	_ =	sdelay $0x4  }
0x78: {  	(v2sf) =	vpush v0, $0x0;
	_ =	sdelay $0xe  }
0x79: {  	s19 =	spop (v2sf)  }
0x7a: {  	p0 =	sgt.s32 s19, $0x0  }
0x7b: {  	p1 =	slt.s32 s19, $0x0;
	s19 =	simm.s32 @!p0 $0x0  }
0x7c: {  	s19 =	smin.u32 s19, $0x3  }
0x7d: {  	s19 =	sshll.u32 s19, $0x7  }
0x7e: {  	s19 =	simm.s32 @p1 $0x200  }
0x7f: {  	v60 =	vld [tilespmem:s19+$0x280];
	_ =	sdelay $0x4  }
0x80: {  	[tilespmem:s17+$0x0] =	vst v60  }
0x81: {  	v0 =	vld [tilespmem:s19+$0x290];
	_ =	sdelay $0x4  }
0x82: {  	[tilespmem:s17+$0x10] =	vst v0  }
0x83: {  	v0 =	vld [tilespmem:s19+$0x2A0];
	_ =	sdelay $0x4  }
0x84: {  	[tilespmem:s17+$0x20] =	vst v0  }
0x85: {  	v0 =	vld [tilespmem:s19+$0x2B0];
	_ =	sdelay $0x4  }
0x86: {  	[tilespmem:s17+$0x30] =	vst v0  }
0x87: {  	v0 =	vld [tilespmem:s19+$0x2C0];
	_ =	sdelay $0x4  }
0x88: {  	[tilespmem:s17+$0x40] =	vst v0  }
0x89: {  	v0 =	vld [tilespmem:s19+$0x2D0];
	_ =	sdelay $0x4  }
0x8a: {  	[tilespmem:s17+$0x50] =	vst v0  }
0x8b: {  	v0 =	vld [tilespmem:s19+$0x2E0];
	_ =	sdelay $0x4  }
0x8c: {  	[tilespmem:s17+$0x60] =	vst v0  }
0x8d: {  	v0 =	vld [tilespmem:s19+$0x2F0];
	_ =	sdelay $0x4  }
0x8e: {  	[tilespmem:s17+$0x70] =	vst v0  }
0x8f: {  	v0 =	vld [tilespmem:s18+$0x1];
	_ =	sdelay $0x4  }
0x90: {  	(v2sf) =	vpush v0, $0x0;
	_ =	sdelay $0xe  }
0x91: {  	s19 =	spop (v2sf)  }
0x92: {  	p0 =	sgt.s32 s19, $0x0  }
0x93: {  	p1 =	slt.s32 s19, $0x0;
	s19 =	simm.s32 @!p0 $0x0  }
0x94: {  	s19 =	smin.u32 s19, $0x3  }
0x95: {  	s19 =	sshll.u32 s19, $0x7  }
0x96: {  	s19 =	simm.s32 @p1 $0x200  }
0x97: {  	v61 =	vld [tilespmem:s19+$0x280];
	_ =	sdelay $0x4  }
0x98: {  	[tilespmem:s17+$0x80] =	vst v61  }
0x99: {  	v0 =	vld [tilespmem:s19+$0x290];
	_ =	sdelay $0x4  }
0x9a: {  	[tilespmem:s17+$0x90] =	vst v0  }
0x9b: {  	v0 =	vld [tilespmem:s19+$0x2A0];
	_ =	sdelay $0x4  }
0x9c: {  	[tilespmem:s17+$0xA0] =	vst v0  }
0x9d: {  	v0 =	vld [tilespmem:s19+$0x2B0];
	_ =	sdelay $0x4  }
0x9e: {  	[tilespmem:s17+$0xB0] =	vst v0  }
0x9f: {  	v0 =	vld [tilespmem:s19+$0x2C0];
	_ =	sdelay $0x4  }
0xa0: {  	[tilespmem:s17+$0xC0] =	vst v0  }
0xa1: {  	v0 =	vld [tilespmem:s19+$0x2D0];
	_ =	sdelay $0x4  }
0xa2: {  	[tilespmem:s17+$0xD0] =	vst v0  }
0xa3: {  	v0 =	vld [tilespmem:s19+$0x2E0];
	_ =	sdelay $0x4  }
0xa4: {  	[tilespmem:s17+$0xE0] =	vst v0  }
0xa5: {  	v0 =	vld [tilespmem:s19+$0x2F0];
	_ =	sdelay $0x4  }
0xa6: {  	[tilespmem:s17+$0xF0] =	vst v0  }
0xa7: {  	v0 =	vld [tilespmem:s18+$0x2];
	_ =	sdelay $0x4  }
0xa8: {  	(v2sf) =	vpush v0, $0x0;
	_ =	sdelay $0xe  }
0xa9: {  	s19 =	spop (v2sf)  }
0xaa: {  	p0 =	sgt.s32 s19, $0x0  }
0xab: {  	p1 =	slt.s32 s19, $0x0;
	s19 =	simm.s32 @!p0 $0x0  }
0xac: {  	s19 =	smin.u32 s19, $0x3  }
0xad: {  	s19 =	sshll.u32 s19, $0x7  }
0xae: {  	s19 =	simm.s32 @p1 $0x200  }
0xaf: {  	v62 =	vld [tilespmem:s19+$0x280];
	_ =	sdelay $0x4  }
0xb0: {  	[tilespmem:s17+$0x100] =	vst v62  }
0xb1: {  	v0 =	vld [tilespmem:s19+$0x290];
	_ =	sdelay $0x4  }
0xb2: {  	[tilespmem:s17+$0x110] =	vst v0  }
0xb3: {  	v0 =	vld [tilespmem:s19+$0x2A0];
	_ =	sdelay $0x4  }
0xb4: {  	[tilespmem:s17+$0x120] =	vst v0  }
0xb5: {  	v0 =	vld [tilespmem:s19+$0x2B0];
	_ =	sdelay $0x4  }
0xb6: {  	[tilespmem:s17+$0x130] =	vst v0  }
0xb7: {  	v0 =	vld [tilespmem:s19+$0x2C0];
	_ =	sdelay $0x4  }
0xb8: {  	[tilespmem:s17+$0x140] =	vst v0  }
0xb9: {  	v0 =	vld [tilespmem:s19+$0x2D0];
	_ =	sdelay $0x4  }
0xba: {  	[tilespmem:s17+$0x150] =	vst v0  }
0xbb: {  	v0 =	vld [tilespmem:s19+$0x2E0];
	_ =	sdelay $0x4  }
0xbc: {  	[tilespmem:s17+$0x160] =	vst v0  }
0xbd: {  	v0 =	vld [tilespmem:s19+$0x2F0];
	_ =	sdelay $0x4  }
0xbe: {  	[tilespmem:s17+$0x170] =	vst v0  }
0xbf: {  	v0 =	vld [tilespmem:s18+$0x3];
	_ =	sdelay $0x4  }
0xc0: {  	(v2sf) =	vpush v0, $0x0;
	_ =	sdelay $0xe  }
0xc1: {  	s18 =	spop (v2sf)  }
0xc2: {  	p0 =	sgt.s32 s18, $0x0  }
0xc3: {  	p1 =	slt.s32 s18, $0x0;
	s18 =	simm.s32 @!p0 $0x0  }
0xc4: {  	s18 =	smin.u32 s18, $0x3  }
0xc5: {  	s18 =	sshll.u32 s18, $0x7  }
0xc6: {  	s18 =	simm.s32 @p1 $0x200  }
0xc7: {  	v63 =	vld [tilespmem:s18+$0x280];
	_ =	sdelay $0x4  }
0xc8: {  	[tilespmem:s17+$0x180] =	vst v63  }
0xc9: {  	v0 =	vld [tilespmem:s18+$0x290];
	_ =	sdelay $0x4  }
0xca: {  	[tilespmem:s17+$0x190] =	vst v0  }
0xcb: {  	v0 =	vld [tilespmem:s18+$0x2A0];
	_ =	sdelay $0x4  }
0xcc: {  	[tilespmem:s17+$0x1A0] =	vst v0  }
0xcd: {  	v0 =	vld [tilespmem:s18+$0x2B0];
	_ =	sdelay $0x4  }
0xce: {  	[tilespmem:s17+$0x1B0] =	vst v0  }
0xcf: {  	v0 =	vld [tilespmem:s18+$0x2C0];
	_ =	sdelay $0x4  }
0xd0: {  	[tilespmem:s17+$0x1C0] =	vst v0  }
0xd1: {  	v0 =	vld [tilespmem:s18+$0x2D0];
	_ =	sdelay $0x4  }
0xd2: {  	[tilespmem:s17+$0x1D0] =	vst v0  }
0xd3: {  	v0 =	vld [tilespmem:s18+$0x2E0];
	_ =	sdelay $0x4  }
0xd4: {  	[tilespmem:s17+$0x1E0] =	vst v0  }
0xd5: {  	v0 =	vld [tilespmem:s18+$0x2F0];
	_ =	sdelay $0x4  }
0xd6: {  	s19 =	simm.s32 $0xC;
	s18 =	simm.s32 $0x0;
	[tilespmem:s17+$0x1F0] =	vst v0  }
.LBB2_2:
0xd7: {  	v0 =	vld [tilespmem:s19+$0xFFFFFFFC];
	s18 =	sadd.s32 $0x8, s18  }
0xd8: {  	p0 =	slt.u32 s18, $0x78;
	_ =	sdelay $0x3  }
0xd9: {  	(v2sf) =	vpush v0, $0x0;
	_ =	sdelay $0xe  }
0xda: {  	s20 =	spop (v2sf)  }
0xdb: {  	p1 =	sgt.s32 s20, $0x0;
	s21 =	smov.u32 s20  }
0xdc: {  	s21 =	simm.s32 @!p1 $0x0  }
0xdd: {  	s21 =	smin.u32 s21, $0x3  }
0xde: {  	p1 =	slt.s32 s20, $0x0;
	s20 =	sshll.u32 s21, $0x7  }
0xdf: {  	s20 =	simm.s32 @p1 $0x200  }
0xe0: {  	v0 =	vld [tilespmem:s20+$0x280];
	_ =	sdelay $0x3  }
0xe1: {  	s17 =	sadd.s32 $0x400, s17  }
0xe2: {  	[tilespmem:s17+$0xFFFFFE00] =	vst v0  }
0xe3: {  	v0 =	vld [tilespmem:s20+$0x290];
	_ =	sdelay $0x4  }
0xe4: {  	[tilespmem:s17+$0xFFFFFE10] =	vst v0  }
0xe5: {  	v0 =	vld [tilespmem:s20+$0x2A0];
	_ =	sdelay $0x4  }
0xe6: {  	[tilespmem:s17+$0xFFFFFE20] =	vst v0  }
0xe7: {  	v0 =	vld [tilespmem:s20+$0x2B0];
	_ =	sdelay $0x4  }
0xe8: {  	[tilespmem:s17+$0xFFFFFE30] =	vst v0  }
0xe9: {  	v0 =	vld [tilespmem:s20+$0x2C0];
	_ =	sdelay $0x4  }
0xea: {  	[tilespmem:s17+$0xFFFFFE40] =	vst v0  }
0xeb: {  	v0 =	vld [tilespmem:s20+$0x2D0];
	_ =	sdelay $0x4  }
0xec: {  	[tilespmem:s17+$0xFFFFFE50] =	vst v0  }
0xed: {  	v0 =	vld [tilespmem:s20+$0x2E0];
	_ =	sdelay $0x4  }
0xee: {  	[tilespmem:s17+$0xFFFFFE60] =	vst v0  }
0xef: {  	v0 =	vld [tilespmem:s20+$0x2F0];
	_ =	sdelay $0x4  }
0xf0: {  	[tilespmem:s17+$0xFFFFFE70] =	vst v0  }
0xf1: {  	v0 =	vld [tilespmem:s19+$0xFFFFFFFD];
	_ =	sdelay $0x4  }
0xf2: {  	(v2sf) =	vpush v0, $0x0;
	_ =	sdelay $0xe  }
0xf3: {  	s20 =	spop (v2sf)  }
0xf4: {  	p1 =	sgt.s32 s20, $0x0;
	s21 =	smov.u32 s20  }
0xf5: {  	s21 =	simm.s32 @!p1 $0x0  }
0xf6: {  	s21 =	smin.u32 s21, $0x3  }
0xf7: {  	p1 =	slt.s32 s20, $0x0;
	s20 =	sshll.u32 s21, $0x7  }
0xf8: {  	s20 =	simm.s32 @p1 $0x200  }
0xf9: {  	v0 =	vld [tilespmem:s20+$0x280];
	_ =	sdelay $0x4  }
0xfa: {  	[tilespmem:s17+$0xFFFFFE80] =	vst v0  }
0xfb: {  	v0 =	vld [tilespmem:s20+$0x290];
	_ =	sdelay $0x4  }
0xfc: {  	[tilespmem:s17+$0xFFFFFE90] =	vst v0  }
0xfd: {  	v0 =	vld [tilespmem:s20+$0x2A0];
	_ =	sdelay $0x4  }
0xfe: {  	[tilespmem:s17+$0xFFFFFEA0] =	vst v0  }
0xff: {  	v0 =	vld [tilespmem:s20+$0x2B0];
	_ =	sdelay $0x4  }
0x100: {  	[tilespmem:s17+$0xFFFFFEB0] =	vst v0  }
0x101: {  	v0 =	vld [tilespmem:s20+$0x2C0];
	_ =	sdelay $0x4  }
0x102: {  	[tilespmem:s17+$0xFFFFFEC0] =	vst v0  }
0x103: {  	v0 =	vld [tilespmem:s20+$0x2D0];
	_ =	sdelay $0x4  }
0x104: {  	[tilespmem:s17+$0xFFFFFED0] =	vst v0  }
0x105: {  	v0 =	vld [tilespmem:s20+$0x2E0];
	_ =	sdelay $0x4  }
0x106: {  	[tilespmem:s17+$0xFFFFFEE0] =	vst v0  }
0x107: {  	v0 =	vld [tilespmem:s20+$0x2F0];
	_ =	sdelay $0x4  }
0x108: {  	[tilespmem:s17+$0xFFFFFEF0] =	vst v0  }
0x109: {  	v0 =	vld [tilespmem:s19+$0xFFFFFFFE];
	_ =	sdelay $0x4  }
0x10a: {  	(v2sf) =	vpush v0, $0x0;
	_ =	sdelay $0xe  }
0x10b: {  	s20 =	spop (v2sf)  }
0x10c: {  	p1 =	sgt.s32 s20, $0x0;
	s21 =	smov.u32 s20  }
0x10d: {  	s21 =	simm.s32 @!p1 $0x0  }
0x10e: {  	s21 =	smin.u32 s21, $0x3  }
0x10f: {  	p1 =	slt.s32 s20, $0x0;
	s20 =	sshll.u32 s21, $0x7  }
0x110: {  	s20 =	simm.s32 @p1 $0x200  }
0x111: {  	v0 =	vld [tilespmem:s20+$0x280];
	_ =	sdelay $0x4  }
0x112: {  	[tilespmem:s17+$0xFFFFFF00] =	vst v0  }
0x113: {  	v0 =	vld [tilespmem:s20+$0x290];
	_ =	sdelay $0x4  }
0x114: {  	[tilespmem:s17+$0xFFFFFF10] =	vst v0  }
0x115: {  	v0 =	vld [tilespmem:s20+$0x2A0];
	_ =	sdelay $0x4  }
0x116: {  	[tilespmem:s17+$0xFFFFFF20] =	vst v0  }
0x117: {  	v0 =	vld [tilespmem:s20+$0x2B0];
	_ =	sdelay $0x4  }
0x118: {  	[tilespmem:s17+$0xFFFFFF30] =	vst v0  }
0x119: {  	v0 =	vld [tilespmem:s20+$0x2C0];
	_ =	sdelay $0x4  }
0x11a: {  	[tilespmem:s17+$0xFFFFFF40] =	vst v0  }
0x11b: {  	v0 =	vld [tilespmem:s20+$0x2D0];
	_ =	sdelay $0x4  }
0x11c: {  	[tilespmem:s17+$0xFFFFFF50] =	vst v0  }
0x11d: {  	v0 =	vld [tilespmem:s20+$0x2E0];
	_ =	sdelay $0x4  }
0x11e: {  	[tilespmem:s17+$0xFFFFFF60] =	vst v0  }
0x11f: {  	v0 =	vld [tilespmem:s20+$0x2F0];
	_ =	sdelay $0x4  }
0x120: {  	[tilespmem:s17+$0xFFFFFF70] =	vst v0  }
0x121: {  	v0 =	vld [tilespmem:s19+$0xFFFFFFFF];
	_ =	sdelay $0x4  }
0x122: {  	(v2sf) =	vpush v0, $0x0;
	_ =	sdelay $0xe  }
0x123: {  	s20 =	spop (v2sf)  }
0x124: {  	p1 =	sgt.s32 s20, $0x0;
	s21 =	smov.u32 s20  }
0x125: {  	s21 =	simm.s32 @!p1 $0x0  }
0x126: {  	s21 =	smin.u32 s21, $0x3  }
0x127: {  	p1 =	slt.s32 s20, $0x0;
	s20 =	sshll.u32 s21, $0x7  }
0x128: {  	s20 =	simm.s32 @p1 $0x200  }
0x129: {  	v0 =	vld [tilespmem:s20+$0x280];
	_ =	sdelay $0x4  }
0x12a: {  	[tilespmem:s17+$0xFFFFFF80] =	vst v0  }
0x12b: {  	v0 =	vld [tilespmem:s20+$0x290];
	_ =	sdelay $0x4  }
0x12c: {  	[tilespmem:s17+$0xFFFFFF90] =	vst v0  }
0x12d: {  	v0 =	vld [tilespmem:s20+$0x2A0];
	_ =	sdelay $0x4  }
0x12e: {  	[tilespmem:s17+$0xFFFFFFA0] =	vst v0  }
0x12f: {  	v0 =	vld [tilespmem:s20+$0x2B0];
	_ =	sdelay $0x4  }
0x130: {  	[tilespmem:s17+$0xFFFFFFB0] =	vst v0  }
0x131: {  	v0 =	vld [tilespmem:s20+$0x2C0];
	_ =	sdelay $0x4  }
0x132: {  	[tilespmem:s17+$0xFFFFFFC0] =	vst v0  }
0x133: {  	v0 =	vld [tilespmem:s20+$0x2D0];
	_ =	sdelay $0x4  }
0x134: {  	[tilespmem:s17+$0xFFFFFFD0] =	vst v0  }
0x135: {  	v0 =	vld [tilespmem:s20+$0x2E0];
	_ =	sdelay $0x4  }
0x136: {  	[tilespmem:s17+$0xFFFFFFE0] =	vst v0  }
0x137: {  	v0 =	vld [tilespmem:s20+$0x2F0];
	_ =	sdelay $0x4  }
0x138: {  	[tilespmem:s17+$0xFFFFFFF0] =	vst v0  }
0x139: {  	v0 =	vld [tilespmem:s19+$0x0];
	_ =	sdelay $0x4  }
0x13a: {  	(v2sf) =	vpush v0, $0x0;
	_ =	sdelay $0xe  }
0x13b: {  	s20 =	spop (v2sf)  }
0x13c: {  	p1 =	sgt.s32 s20, $0x0;
	s21 =	smov.u32 s20  }
0x13d: {  	s21 =	simm.s32 @!p1 $0x0  }
0x13e: {  	s21 =	smin.u32 s21, $0x3  }
0x13f: {  	p1 =	slt.s32 s20, $0x0;
	s20 =	sshll.u32 s21, $0x7  }
0x140: {  	s20 =	simm.s32 @p1 $0x200  }
0x141: {  	v0 =	vld [tilespmem:s20+$0x280];
	_ =	sdelay $0x4  }
0x142: {  	[tilespmem:s17+$0x0] =	vst v0  }
0x143: {  	v0 =	vld [tilespmem:s20+$0x290];
	_ =	sdelay $0x4  }
0x144: {  	[tilespmem:s17+$0x10] =	vst v0  }
0x145: {  	v0 =	vld [tilespmem:s20+$0x2A0];
	_ =	sdelay $0x4  }
0x146: {  	[tilespmem:s17+$0x20] =	vst v0  }
0x147: {  	v0 =	vld [tilespmem:s20+$0x2B0];
	_ =	sdelay $0x4  }
0x148: {  	[tilespmem:s17+$0x30] =	vst v0  }
0x149: {  	v0 =	vld [tilespmem:s20+$0x2C0];
	_ =	sdelay $0x4  }
0x14a: {  	[tilespmem:s17+$0x40] =	vst v0  }
0x14b: {  	v0 =	vld [tilespmem:s20+$0x2D0];
	_ =	sdelay $0x4  }
0x14c: {  	[tilespmem:s17+$0x50] =	vst v0  }
0x14d: {  	v0 =	vld [tilespmem:s20+$0x2E0];
	_ =	sdelay $0x4  }
0x14e: {  	[tilespmem:s17+$0x60] =	vst v0  }
0x14f: {  	v0 =	vld [tilespmem:s20+$0x2F0];
	_ =	sdelay $0x4  }
0x150: {  	[tilespmem:s17+$0x70] =	vst v0  }
0x151: {  	v0 =	vld [tilespmem:s19+$0x1];
	_ =	sdelay $0x4  }
0x152: {  	(v2sf) =	vpush v0, $0x0;
	_ =	sdelay $0xe  }
0x153: {  	s20 =	spop (v2sf)  }
0x154: {  	p1 =	sgt.s32 s20, $0x0;
	s21 =	smov.u32 s20  }
0x155: {  	s21 =	simm.s32 @!p1 $0x0  }
0x156: {  	s21 =	smin.u32 s21, $0x3  }
0x157: {  	p1 =	slt.s32 s20, $0x0;
	s20 =	sshll.u32 s21, $0x7  }
0x158: {  	s20 =	simm.s32 @p1 $0x200  }
0x159: {  	v0 =	vld [tilespmem:s20+$0x280];
	_ =	sdelay $0x4  }
0x15a: {  	[tilespmem:s17+$0x80] =	vst v0  }
0x15b: {  	v0 =	vld [tilespmem:s20+$0x290];
	_ =	sdelay $0x4  }
0x15c: {  	[tilespmem:s17+$0x90] =	vst v0  }
0x15d: {  	v0 =	vld [tilespmem:s20+$0x2A0];
	_ =	sdelay $0x4  }
0x15e: {  	[tilespmem:s17+$0xA0] =	vst v0  }
0x15f: {  	v0 =	vld [tilespmem:s20+$0x2B0];
	_ =	sdelay $0x4  }
0x160: {  	[tilespmem:s17+$0xB0] =	vst v0  }
0x161: {  	v0 =	vld [tilespmem:s20+$0x2C0];
	_ =	sdelay $0x4  }
0x162: {  	[tilespmem:s17+$0xC0] =	vst v0  }
0x163: {  	v0 =	vld [tilespmem:s20+$0x2D0];
	_ =	sdelay $0x4  }
0x164: {  	[tilespmem:s17+$0xD0] =	vst v0  }
0x165: {  	v0 =	vld [tilespmem:s20+$0x2E0];
	_ =	sdelay $0x4  }
0x166: {  	[tilespmem:s17+$0xE0] =	vst v0  }
0x167: {  	v0 =	vld [tilespmem:s20+$0x2F0];
	_ =	sdelay $0x4  }
0x168: {  	[tilespmem:s17+$0xF0] =	vst v0  }
0x169: {  	v0 =	vld [tilespmem:s19+$0x2];
	_ =	sdelay $0x4  }
0x16a: {  	(v2sf) =	vpush v0, $0x0;
	_ =	sdelay $0xe  }
0x16b: {  	s20 =	spop (v2sf)  }
0x16c: {  	p1 =	sgt.s32 s20, $0x0;
	s21 =	smov.u32 s20  }
0x16d: {  	s21 =	simm.s32 @!p1 $0x0  }
0x16e: {  	s21 =	smin.u32 s21, $0x3  }
0x16f: {  	p1 =	slt.s32 s20, $0x0;
	s20 =	sshll.u32 s21, $0x7  }
0x170: {  	s20 =	simm.s32 @p1 $0x200  }
0x171: {  	v0 =	vld [tilespmem:s20+$0x280];
	_ =	sdelay $0x4  }
0x172: {  	[tilespmem:s17+$0x100] =	vst v0  }
0x173: {  	v0 =	vld [tilespmem:s20+$0x290];
	_ =	sdelay $0x4  }
0x174: {  	[tilespmem:s17+$0x110] =	vst v0  }
0x175: {  	v0 =	vld [tilespmem:s20+$0x2A0];
	_ =	sdelay $0x4  }
0x176: {  	[tilespmem:s17+$0x120] =	vst v0  }
0x177: {  	v0 =	vld [tilespmem:s20+$0x2B0];
	_ =	sdelay $0x4  }
0x178: {  	[tilespmem:s17+$0x130] =	vst v0  }
0x179: {  	v0 =	vld [tilespmem:s20+$0x2C0];
	_ =	sdelay $0x4  }
0x17a: {  	[tilespmem:s17+$0x140] =	vst v0  }
0x17b: {  	v0 =	vld [tilespmem:s20+$0x2D0];
	_ =	sdelay $0x4  }
0x17c: {  	[tilespmem:s17+$0x150] =	vst v0  }
0x17d: {  	v0 =	vld [tilespmem:s20+$0x2E0];
	_ =	sdelay $0x4  }
0x17e: {  	[tilespmem:s17+$0x160] =	vst v0  }
0x17f: {  	v0 =	vld [tilespmem:s20+$0x2F0];
	_ =	sdelay $0x4  }
0x180: {  	[tilespmem:s17+$0x170] =	vst v0  }
0x181: {  	v0 =	vld [tilespmem:s19+$0x3];
	_ =	sdelay $0x4  }
0x182: {  	(v2sf) =	vpush v0, $0x0;
	_ =	sdelay $0xe  }
0x183: {  	s20 =	spop (v2sf)  }
0x184: {  	p1 =	sgt.s32 s20, $0x0;
	s21 =	smov.u32 s20  }
0x185: {  	s21 =	simm.s32 @!p1 $0x0  }
0x186: {  	s21 =	smin.u32 s21, $0x3  }
0x187: {  	p1 =	slt.s32 s20, $0x0;
	s20 =	sshll.u32 s21, $0x7  }
0x188: {  	s20 =	simm.s32 @p1 $0x200  }
0x189: {  	v0 =	vld [tilespmem:s20+$0x280];
	_ =	sdelay $0x4  }
0x18a: {  	[tilespmem:s17+$0x180] =	vst v0  }
0x18b: {  	v0 =	vld [tilespmem:s20+$0x290];
	_ =	sdelay $0x4  }
0x18c: {  	[tilespmem:s17+$0x190] =	vst v0  }
0x18d: {  	v0 =	vld [tilespmem:s20+$0x2A0];
	_ =	sdelay $0x4  }
0x18e: {  	[tilespmem:s17+$0x1A0] =	vst v0  }
0x18f: {  	v0 =	vld [tilespmem:s20+$0x2B0];
	_ =	sdelay $0x4  }
0x190: {  	[tilespmem:s17+$0x1B0] =	vst v0  }
0x191: {  	v0 =	vld [tilespmem:s20+$0x2C0];
	_ =	sdelay $0x4  }
0x192: {  	[tilespmem:s17+$0x1C0] =	vst v0  }
0x193: {  	v0 =	vld [tilespmem:s20+$0x2D0];
	_ =	sdelay $0x4  }
0x194: {  	[tilespmem:s17+$0x1D0] =	vst v0  }
0x195: {  	v0 =	vld [tilespmem:s20+$0x2E0];
	_ =	sdelay $0x4  }
0x196: {  	[tilespmem:s17+$0x1E0] =	vst v0  }
0x197: {  	v0 =	vld [tilespmem:s20+$0x2F0]  }
.Ltmp0:
0x198: {  	(pc) =	sbr.rel @p0 .LBB2_2-.Ltmp0, $2  }
0x199: {  	_ =	sdelay $0x2  }
0x19a: {  	s19 =	sadd.s32 $0x8, s19;
	[tilespmem:s17+$0x1F0] =	vst v0  }
0x19b: {  	[hbm4b:s4+s2] =	stream.linear.scatter [tilespmem:s12], [sflag:$0x1], $0x4000, $0x38;
	[tilespmem:$0x8680] =	vst v63  }
0x19c: {  	s18 =	simm.s32 $0x87  }
0x19d: {  	v0 =	vld [tilespmem:s18+$0xFFFFFFF9];
	_ =	sdelay $0x4  }
0x19e: {  	(v2sf) =	vpush v0, $0x0;
	_ =	sdelay $0xe  }
0x19f: {  	s17 =	spop (v2sf)  }
0x1a0: {  	p0 =	sgt.s32 s17, $0x0  }
0x1a1: {  	p1 =	slt.s32 s17, $0x0;
	s17 =	simm.s32 @!p0 $0x0  }
0x1a2: {  	s17 =	smin.u32 s17, $0x3  }
0x1a3: {  	s19 =	sshll.u32 s17, $0x7  }
0x1a4: {  	s19 =	simm.s32 @p1 $0x200  }
0x1a5: {  	v56 =	vld [tilespmem:s19+$0x280];
	_ =	sdelay $0x3  }
0x1a6: {  	s17 =	simm.s32 $0x4680  }
0x1a7: {  	[tilespmem:s17+$0x0] =	vst v56  }
0x1a8: {  	v0 =	vld [tilespmem:s19+$0x290];
	_ =	sdelay $0x4  }
0x1a9: {  	[tilespmem:s17+$0x10] =	vst v0  }
0x1aa: {  	v0 =	vld [tilespmem:s19+$0x2A0];
	_ =	sdelay $0x4  }
0x1ab: {  	[tilespmem:s17+$0x20] =	vst v0  }
0x1ac: {  	v0 =	vld [tilespmem:s19+$0x2B0];
	_ =	sdelay $0x4  }
0x1ad: {  	[tilespmem:s17+$0x30] =	vst v0  }
0x1ae: {  	v0 =	vld [tilespmem:s19+$0x2C0];
	_ =	sdelay $0x4  }
0x1af: {  	[tilespmem:s17+$0x40] =	vst v0  }
0x1b0: {  	v0 =	vld [tilespmem:s19+$0x2D0];
	_ =	sdelay $0x4  }
0x1b1: {  	[tilespmem:s17+$0x50] =	vst v0  }
0x1b2: {  	v0 =	vld [tilespmem:s19+$0x2E0];
	_ =	sdelay $0x4  }
0x1b3: {  	[tilespmem:s17+$0x60] =	vst v0  }
0x1b4: {  	v0 =	vld [tilespmem:s19+$0x2F0];
	_ =	sdelay $0x4  }
0x1b5: {  	[tilespmem:s17+$0x70] =	vst v0  }
0x1b6: {  	v0 =	vld [tilespmem:s18+$0xFFFFFFFA];
	_ =	sdelay $0x4  }
0x1b7: {  	(v2sf) =	vpush v0, $0x0;
	_ =	sdelay $0xe  }
0x1b8: {  	s19 =	spop (v2sf)  }
0x1b9: {  	p0 =	sgt.s32 s19, $0x0  }
0x1ba: {  	p1 =	slt.s32 s19, $0x0;
	s19 =	simm.s32 @!p0 $0x0  }
0x1bb: {  	s19 =	smin.u32 s19, $0x3  }
0x1bc: {  	s19 =	sshll.u32 s19, $0x7  }
0x1bd: {  	s19 =	simm.s32 @p1 $0x200  }
0x1be: {  	v57 =	vld [tilespmem:s19+$0x280];
	_ =	sdelay $0x4  }
0x1bf: {  	[tilespmem:s17+$0x80] =	vst v57  }
0x1c0: {  	v0 =	vld [tilespmem:s19+$0x290];
	_ =	sdelay $0x4  }
0x1c1: {  	[tilespmem:s17+$0x90] =	vst v0  }
0x1c2: {  	v0 =	vld [tilespmem:s19+$0x2A0];
	_ =	sdelay $0x4  }
0x1c3: {  	[tilespmem:s17+$0xA0] =	vst v0  }
0x1c4: {  	v0 =	vld [tilespmem:s19+$0x2B0];
	_ =	sdelay $0x4  }
0x1c5: {  	[tilespmem:s17+$0xB0] =	vst v0  }
0x1c6: {  	v0 =	vld [tilespmem:s19+$0x2C0];
	_ =	sdelay $0x4  }
0x1c7: {  	[tilespmem:s17+$0xC0] =	vst v0  }
0x1c8: {  	v0 =	vld [tilespmem:s19+$0x2D0];
	_ =	sdelay $0x4  }
0x1c9: {  	[tilespmem:s17+$0xD0] =	vst v0  }
0x1ca: {  	v0 =	vld [tilespmem:s19+$0x2E0];
	_ =	sdelay $0x4  }
0x1cb: {  	[tilespmem:s17+$0xE0] =	vst v0  }
0x1cc: {  	v0 =	vld [tilespmem:s19+$0x2F0];
	_ =	sdelay $0x4  }
0x1cd: {  	[tilespmem:s17+$0xF0] =	vst v0  }
0x1ce: {  	v0 =	vld [tilespmem:s18+$0xFFFFFFFB];
	_ =	sdelay $0x4  }
0x1cf: {  	(v2sf) =	vpush v0, $0x0;
	_ =	sdelay $0xe  }
0x1d0: {  	s19 =	spop (v2sf)  }
0x1d1: {  	p0 =	sgt.s32 s19, $0x0  }
0x1d2: {  	p1 =	slt.s32 s19, $0x0;
	s19 =	simm.s32 @!p0 $0x0  }
0x1d3: {  	s19 =	smin.u32 s19, $0x3  }
0x1d4: {  	s19 =	sshll.u32 s19, $0x7  }
0x1d5: {  	s19 =	simm.s32 @p1 $0x200  }
0x1d6: {  	v58 =	vld [tilespmem:s19+$0x280];
	_ =	sdelay $0x4  }
0x1d7: {  	[tilespmem:s17+$0x100] =	vst v58  }
0x1d8: {  	v0 =	vld [tilespmem:s19+$0x290];
	_ =	sdelay $0x4  }
0x1d9: {  	[tilespmem:s17+$0x110] =	vst v0  }
0x1da: {  	v0 =	vld [tilespmem:s19+$0x2A0];
	_ =	sdelay $0x4  }
0x1db: {  	[tilespmem:s17+$0x120] =	vst v0  }
0x1dc: {  	v0 =	vld [tilespmem:s19+$0x2B0];
	_ =	sdelay $0x4  }
0x1dd: {  	[tilespmem:s17+$0x130] =	vst v0  }
0x1de: {  	v0 =	vld [tilespmem:s19+$0x2C0];
	_ =	sdelay $0x4  }
0x1df: {  	[tilespmem:s17+$0x140] =	vst v0  }
0x1e0: {  	v0 =	vld [tilespmem:s19+$0x2D0];
	_ =	sdelay $0x4  }
0x1e1: {  	[tilespmem:s17+$0x150] =	vst v0  }
0x1e2: {  	v0 =	vld [tilespmem:s19+$0x2E0];
	_ =	sdelay $0x4  }
0x1e3: {  	[tilespmem:s17+$0x160] =	vst v0  }
0x1e4: {  	v0 =	vld [tilespmem:s19+$0x2F0];
	_ =	sdelay $0x4  }
0x1e5: {  	[tilespmem:s17+$0x170] =	vst v0  }
0x1e6: {  	v0 =	vld [tilespmem:s18+$0xFFFFFFFC];
	_ =	sdelay $0x4  }
0x1e7: {  	(v2sf) =	vpush v0, $0x0;
	_ =	sdelay $0xe  }
0x1e8: {  	s19 =	spop (v2sf)  }
0x1e9: {  	p0 =	sgt.s32 s19, $0x0  }
0x1ea: {  	p1 =	slt.s32 s19, $0x0;
	s19 =	simm.s32 @!p0 $0x0  }
0x1eb: {  	s19 =	smin.u32 s19, $0x3  }
0x1ec: {  	s19 =	sshll.u32 s19, $0x7  }
0x1ed: {  	s19 =	simm.s32 @p1 $0x200  }
0x1ee: {  	v59 =	vld [tilespmem:s19+$0x280];
	_ =	sdelay $0x4  }
0x1ef: {  	[tilespmem:s17+$0x180] =	vst v59  }
0x1f0: {  	v0 =	vld [tilespmem:s19+$0x290];
	_ =	sdelay $0x4  }
0x1f1: {  	[tilespmem:s17+$0x190] =	vst v0  }
0x1f2: {  	v0 =	vld [tilespmem:s19+$0x2A0];
	_ =	sdelay $0x4  }
0x1f3: {  	[tilespmem:s17+$0x1A0] =	vst v0  }
0x1f4: {  	v0 =	vld [tilespmem:s19+$0x2B0];
	_ =	sdelay $0x4  }
0x1f5: {  	[tilespmem:s17+$0x1B0] =	vst v0  }
0x1f6: {  	v0 =	vld [tilespmem:s19+$0x2C0];
	_ =	sdelay $0x4  }
0x1f7: {  	[tilespmem:s17+$0x1C0] =	vst v0  }
0x1f8: {  	v0 =	vld [tilespmem:s19+$0x2D0];
	_ =	sdelay $0x4  }
0x1f9: {  	[tilespmem:s17+$0x1D0] =	vst v0  }
0x1fa: {  	v0 =	vld [tilespmem:s19+$0x2E0];
	_ =	sdelay $0x4  }
0x1fb: {  	[tilespmem:s17+$0x1E0] =	vst v0  }
0x1fc: {  	v0 =	vld [tilespmem:s19+$0x2F0];
	_ =	sdelay $0x4  }
0x1fd: {  	[tilespmem:s17+$0x1F0] =	vst v0  }
0x1fe: {  	v0 =	vld [tilespmem:s18+$0xFFFFFFFD];
	_ =	sdelay $0x4  }
0x1ff: {  	(v2sf) =	vpush v0, $0x0;
	_ =	sdelay $0xe  }
0x200: {  	s19 =	spop (v2sf)  }
0x201: {  	p0 =	sgt.s32 s19, $0x0  }
0x202: {  	p1 =	slt.s32 s19, $0x0;
	s19 =	simm.s32 @!p0 $0x0  }
0x203: {  	s19 =	smin.u32 s19, $0x3  }
0x204: {  	s19 =	sshll.u32 s19, $0x7  }
0x205: {  	s19 =	simm.s32 @p1 $0x200  }
0x206: {  	v60 =	vld [tilespmem:s19+$0x280];
	_ =	sdelay $0x4  }
0x207: {  	[tilespmem:s17+$0x200] =	vst v60  }
0x208: {  	v0 =	vld [tilespmem:s19+$0x290];
	_ =	sdelay $0x4  }
0x209: {  	[tilespmem:s17+$0x210] =	vst v0  }
0x20a: {  	v0 =	vld [tilespmem:s19+$0x2A0];
	_ =	sdelay $0x4  }
0x20b: {  	[tilespmem:s17+$0x220] =	vst v0  }
0x20c: {  	v0 =	vld [tilespmem:s19+$0x2B0];
	_ =	sdelay $0x4  }
0x20d: {  	[tilespmem:s17+$0x230] =	vst v0  }
0x20e: {  	v0 =	vld [tilespmem:s19+$0x2C0];
	_ =	sdelay $0x4  }
0x20f: {  	[tilespmem:s17+$0x240] =	vst v0  }
0x210: {  	v0 =	vld [tilespmem:s19+$0x2D0];
	_ =	sdelay $0x4  }
0x211: {  	[tilespmem:s17+$0x250] =	vst v0  }
0x212: {  	v0 =	vld [tilespmem:s19+$0x2E0];
	_ =	sdelay $0x4  }
0x213: {  	[tilespmem:s17+$0x260] =	vst v0  }
0x214: {  	v0 =	vld [tilespmem:s19+$0x2F0];
	_ =	sdelay $0x4  }
0x215: {  	[tilespmem:s17+$0x270] =	vst v0  }
0x216: {  	v0 =	vld [tilespmem:s18+$0xFFFFFFFE];
	_ =	sdelay $0x4  }
0x217: {  	(v2sf) =	vpush v0, $0x0;
	_ =	sdelay $0xe  }
0x218: {  	s19 =	spop (v2sf)  }
0x219: {  	p0 =	sgt.s32 s19, $0x0  }
0x21a: {  	p1 =	slt.s32 s19, $0x0;
	s19 =	simm.s32 @!p0 $0x0  }
0x21b: {  	s19 =	smin.u32 s19, $0x3  }
0x21c: {  	s19 =	sshll.u32 s19, $0x7  }
0x21d: {  	s19 =	simm.s32 @p1 $0x200  }
0x21e: {  	v61 =	vld [tilespmem:s19+$0x280];
	_ =	sdelay $0x4  }
0x21f: {  	[tilespmem:s17+$0x280] =	vst v61  }
0x220: {  	v0 =	vld [tilespmem:s19+$0x290];
	_ =	sdelay $0x4  }
0x221: {  	[tilespmem:s17+$0x290] =	vst v0  }
0x222: {  	v0 =	vld [tilespmem:s19+$0x2A0];
	_ =	sdelay $0x4  }
0x223: {  	[tilespmem:s17+$0x2A0] =	vst v0  }
0x224: {  	v0 =	vld [tilespmem:s19+$0x2B0];
	_ =	sdelay $0x4  }
0x225: {  	[tilespmem:s17+$0x2B0] =	vst v0  }
0x226: {  	v0 =	vld [tilespmem:s19+$0x2C0];
	_ =	sdelay $0x4  }
0x227: {  	[tilespmem:s17+$0x2C0] =	vst v0  }
0x228: {  	v0 =	vld [tilespmem:s19+$0x2D0];
	_ =	sdelay $0x4  }
0x229: {  	[tilespmem:s17+$0x2D0] =	vst v0  }
0x22a: {  	v0 =	vld [tilespmem:s19+$0x2E0];
	_ =	sdelay $0x4  }
0x22b: {  	[tilespmem:s17+$0x2E0] =	vst v0  }
0x22c: {  	v0 =	vld [tilespmem:s19+$0x2F0];
	_ =	sdelay $0x4  }
0x22d: {  	[tilespmem:s17+$0x2F0] =	vst v0  }
0x22e: {  	v0 =	vld [tilespmem:s18+$0xFFFFFFFF];
	_ =	sdelay $0x4  }
0x22f: {  	(v2sf) =	vpush v0, $0x0;
	_ =	sdelay $0xe  }
0x230: {  	s19 =	spop (v2sf)  }
0x231: {  	p0 =	sgt.s32 s19, $0x0  }
0x232: {  	p1 =	slt.s32 s19, $0x0;
	s19 =	simm.s32 @!p0 $0x0  }
0x233: {  	s19 =	smin.u32 s19, $0x3  }
0x234: {  	s19 =	sshll.u32 s19, $0x7  }
0x235: {  	s19 =	simm.s32 @p1 $0x200  }
0x236: {  	v62 =	vld [tilespmem:s19+$0x280];
	_ =	sdelay $0x4  }
0x237: {  	[tilespmem:s17+$0x300] =	vst v62  }
0x238: {  	v0 =	vld [tilespmem:s19+$0x290];
	_ =	sdelay $0x4  }
0x239: {  	[tilespmem:s17+$0x310] =	vst v0  }
0x23a: {  	v0 =	vld [tilespmem:s19+$0x2A0];
	_ =	sdelay $0x4  }
0x23b: {  	[tilespmem:s17+$0x320] =	vst v0  }
0x23c: {  	v0 =	vld [tilespmem:s19+$0x2B0];
	_ =	sdelay $0x4  }
0x23d: {  	[tilespmem:s17+$0x330] =	vst v0  }
0x23e: {  	v0 =	vld [tilespmem:s19+$0x2C0];
	_ =	sdelay $0x4  }
0x23f: {  	[tilespmem:s17+$0x340] =	vst v0  }
0x240: {  	v0 =	vld [tilespmem:s19+$0x2D0];
	_ =	sdelay $0x4  }
0x241: {  	[tilespmem:s17+$0x350] =	vst v0  }
0x242: {  	v0 =	vld [tilespmem:s19+$0x2E0];
	_ =	sdelay $0x4  }
0x243: {  	[tilespmem:s17+$0x360] =	vst v0  }
0x244: {  	v0 =	vld [tilespmem:s19+$0x2F0];
	_ =	sdelay $0x4  }
0x245: {  	[tilespmem:s17+$0x370] =	vst v0  }
0x246: {  	v0 =	vld [tilespmem:s18+$0x0];
	_ =	sdelay $0x4  }
0x247: {  	(v2sf) =	vpush v0, $0x0;
	_ =	sdelay $0xe  }
0x248: {  	s18 =	spop (v2sf)  }
0x249: {  	p0 =	sgt.s32 s18, $0x0  }
0x24a: {  	p1 =	slt.s32 s18, $0x0;
	s18 =	simm.s32 @!p0 $0x0  }
0x24b: {  	s18 =	smin.u32 s18, $0x3  }
0x24c: {  	s18 =	sshll.u32 s18, $0x7  }
0x24d: {  	s18 =	simm.s32 @p1 $0x200  }
0x24e: {  	v63 =	vld [tilespmem:s18+$0x280];
	_ =	sdelay $0x4  }
0x24f: {  	[tilespmem:s17+$0x380] =	vst v63  }
0x250: {  	v0 =	vld [tilespmem:s18+$0x290];
	_ =	sdelay $0x4  }
0x251: {  	[tilespmem:s17+$0x390] =	vst v0  }
0x252: {  	v0 =	vld [tilespmem:s18+$0x2A0];
	_ =	sdelay $0x4  }
0x253: {  	[tilespmem:s17+$0x3A0] =	vst v0  }
0x254: {  	v0 =	vld [tilespmem:s18+$0x2B0];
	_ =	sdelay $0x4  }
0x255: {  	[tilespmem:s17+$0x3B0] =	vst v0  }
0x256: {  	v0 =	vld [tilespmem:s18+$0x2C0];
	_ =	sdelay $0x4  }
0x257: {  	[tilespmem:s17+$0x3C0] =	vst v0  }
0x258: {  	v0 =	vld [tilespmem:s18+$0x2D0];
	_ =	sdelay $0x4  }
0x259: {  	[tilespmem:s17+$0x3D0] =	vst v0  }
0x25a: {  	v0 =	vld [tilespmem:s18+$0x2E0];
	_ =	sdelay $0x4  }
0x25b: {  	[tilespmem:s17+$0x3E0] =	vst v0  }
0x25c: {  	v0 =	vld [tilespmem:s18+$0x2F0];
	_ =	sdelay $0x4  }
0x25d: {  	s19 =	simm.s32 $0x8F;
	s18 =	simm.s32 $0x0;
	[tilespmem:s17+$0x3F0] =	vst v0  }
.LBB2_4:
0x25e: {  	v0 =	vld [tilespmem:s19+$0xFFFFFFF9];
	s18 =	sadd.s32 $0x8, s18  }
0x25f: {  	p0 =	slt.u32 s18, $0x78;
	_ =	sdelay $0x3  }
0x260: {  	(v2sf) =	vpush v0, $0x0;
	_ =	sdelay $0xe  }
0x261: {  	s20 =	spop (v2sf)  }
0x262: {  	p1 =	sgt.s32 s20, $0x0;
	s21 =	smov.u32 s20  }
0x263: {  	s21 =	simm.s32 @!p1 $0x0  }
0x264: {  	s21 =	smin.u32 s21, $0x3  }
0x265: {  	p1 =	slt.s32 s20, $0x0;
	s20 =	sshll.u32 s21, $0x7  }
0x266: {  	s20 =	simm.s32 @p1 $0x200  }
0x267: {  	v0 =	vld [tilespmem:s20+$0x280];
	_ =	sdelay $0x3  }
0x268: {  	s17 =	sadd.s32 $0x400, s17  }
0x269: {  	[tilespmem:s17+$0x0] =	vst v0  }
0x26a: {  	v0 =	vld [tilespmem:s20+$0x290];
	_ =	sdelay $0x4  }
0x26b: {  	[tilespmem:s17+$0x10] =	vst v0  }
0x26c: {  	v0 =	vld [tilespmem:s20+$0x2A0];
	_ =	sdelay $0x4  }
0x26d: {  	[tilespmem:s17+$0x20] =	vst v0  }
0x26e: {  	v0 =	vld [tilespmem:s20+$0x2B0];
	_ =	sdelay $0x4  }
0x26f: {  	[tilespmem:s17+$0x30] =	vst v0  }
0x270: {  	v0 =	vld [tilespmem:s20+$0x2C0];
	_ =	sdelay $0x4  }
0x271: {  	[tilespmem:s17+$0x40] =	vst v0  }
0x272: {  	v0 =	vld [tilespmem:s20+$0x2D0];
	_ =	sdelay $0x4  }
0x273: {  	[tilespmem:s17+$0x50] =	vst v0  }
0x274: {  	v0 =	vld [tilespmem:s20+$0x2E0];
	_ =	sdelay $0x4  }
0x275: {  	[tilespmem:s17+$0x60] =	vst v0  }
0x276: {  	v0 =	vld [tilespmem:s20+$0x2F0];
	_ =	sdelay $0x4  }
0x277: {  	[tilespmem:s17+$0x70] =	vst v0  }
0x278: {  	v0 =	vld [tilespmem:s19+$0xFFFFFFFA];
	_ =	sdelay $0x4  }
0x279: {  	(v2sf) =	vpush v0, $0x0;
	_ =	sdelay $0xe  }
0x27a: {  	s20 =	spop (v2sf)  }
0x27b: {  	p1 =	sgt.s32 s20, $0x0;
	s21 =	smov.u32 s20  }
0x27c: {  	s21 =	simm.s32 @!p1 $0x0  }
0x27d: {  	s21 =	smin.u32 s21, $0x3  }
0x27e: {  	p1 =	slt.s32 s20, $0x0;
	s20 =	sshll.u32 s21, $0x7  }
0x27f: {  	s20 =	simm.s32 @p1 $0x200  }
0x280: {  	v0 =	vld [tilespmem:s20+$0x280];
	_ =	sdelay $0x4  }
0x281: {  	[tilespmem:s17+$0x80] =	vst v0  }
0x282: {  	v0 =	vld [tilespmem:s20+$0x290];
	_ =	sdelay $0x4  }
0x283: {  	[tilespmem:s17+$0x90] =	vst v0  }
0x284: {  	v0 =	vld [tilespmem:s20+$0x2A0];
	_ =	sdelay $0x4  }
0x285: {  	[tilespmem:s17+$0xA0] =	vst v0  }
0x286: {  	v0 =	vld [tilespmem:s20+$0x2B0];
	_ =	sdelay $0x4  }
0x287: {  	[tilespmem:s17+$0xB0] =	vst v0  }
0x288: {  	v0 =	vld [tilespmem:s20+$0x2C0];
	_ =	sdelay $0x4  }
0x289: {  	[tilespmem:s17+$0xC0] =	vst v0  }
0x28a: {  	v0 =	vld [tilespmem:s20+$0x2D0];
	_ =	sdelay $0x4  }
0x28b: {  	[tilespmem:s17+$0xD0] =	vst v0  }
0x28c: {  	v0 =	vld [tilespmem:s20+$0x2E0];
	_ =	sdelay $0x4  }
0x28d: {  	[tilespmem:s17+$0xE0] =	vst v0  }
0x28e: {  	v0 =	vld [tilespmem:s20+$0x2F0];
	_ =	sdelay $0x4  }
0x28f: {  	[tilespmem:s17+$0xF0] =	vst v0  }
0x290: {  	v0 =	vld [tilespmem:s19+$0xFFFFFFFB];
	_ =	sdelay $0x4  }
0x291: {  	(v2sf) =	vpush v0, $0x0;
	_ =	sdelay $0xe  }
0x292: {  	s20 =	spop (v2sf)  }
0x293: {  	p1 =	sgt.s32 s20, $0x0;
	s21 =	smov.u32 s20  }
0x294: {  	s21 =	simm.s32 @!p1 $0x0  }
0x295: {  	s21 =	smin.u32 s21, $0x3  }
0x296: {  	p1 =	slt.s32 s20, $0x0;
	s20 =	sshll.u32 s21, $0x7  }
0x297: {  	s20 =	simm.s32 @p1 $0x200  }
0x298: {  	v0 =	vld [tilespmem:s20+$0x280];
	_ =	sdelay $0x4  }
0x299: {  	[tilespmem:s17+$0x100] =	vst v0  }
0x29a: {  	v0 =	vld [tilespmem:s20+$0x290];
	_ =	sdelay $0x4  }
0x29b: {  	[tilespmem:s17+$0x110] =	vst v0  }
0x29c: {  	v0 =	vld [tilespmem:s20+$0x2A0];
	_ =	sdelay $0x4  }
0x29d: {  	[tilespmem:s17+$0x120] =	vst v0  }
0x29e: {  	v0 =	vld [tilespmem:s20+$0x2B0];
	_ =	sdelay $0x4  }
0x29f: {  	[tilespmem:s17+$0x130] =	vst v0  }
0x2a0: {  	v0 =	vld [tilespmem:s20+$0x2C0];
	_ =	sdelay $0x4  }
0x2a1: {  	[tilespmem:s17+$0x140] =	vst v0  }
0x2a2: {  	v0 =	vld [tilespmem:s20+$0x2D0];
	_ =	sdelay $0x4  }
0x2a3: {  	[tilespmem:s17+$0x150] =	vst v0  }
0x2a4: {  	v0 =	vld [tilespmem:s20+$0x2E0];
	_ =	sdelay $0x4  }
0x2a5: {  	[tilespmem:s17+$0x160] =	vst v0  }
0x2a6: {  	v0 =	vld [tilespmem:s20+$0x2F0];
	_ =	sdelay $0x4  }
0x2a7: {  	[tilespmem:s17+$0x170] =	vst v0  }
0x2a8: {  	v0 =	vld [tilespmem:s19+$0xFFFFFFFC];
	_ =	sdelay $0x4  }
0x2a9: {  	(v2sf) =	vpush v0, $0x0;
	_ =	sdelay $0xe  }
0x2aa: {  	s20 =	spop (v2sf)  }
0x2ab: {  	p1 =	sgt.s32 s20, $0x0;
	s21 =	smov.u32 s20  }
0x2ac: {  	s21 =	simm.s32 @!p1 $0x0  }
0x2ad: {  	s21 =	smin.u32 s21, $0x3  }
0x2ae: {  	p1 =	slt.s32 s20, $0x0;
	s20 =	sshll.u32 s21, $0x7  }
0x2af: {  	s20 =	simm.s32 @p1 $0x200  }
0x2b0: {  	v0 =	vld [tilespmem:s20+$0x280];
	_ =	sdelay $0x4  }
0x2b1: {  	[tilespmem:s17+$0x180] =	vst v0  }
0x2b2: {  	v0 =	vld [tilespmem:s20+$0x290];
	_ =	sdelay $0x4  }
0x2b3: {  	[tilespmem:s17+$0x190] =	vst v0  }
0x2b4: {  	v0 =	vld [tilespmem:s20+$0x2A0];
	_ =	sdelay $0x4  }
0x2b5: {  	[tilespmem:s17+$0x1A0] =	vst v0  }
0x2b6: {  	v0 =	vld [tilespmem:s20+$0x2B0];
	_ =	sdelay $0x4  }
0x2b7: {  	[tilespmem:s17+$0x1B0] =	vst v0  }
0x2b8: {  	v0 =	vld [tilespmem:s20+$0x2C0];
	_ =	sdelay $0x4  }
0x2b9: {  	[tilespmem:s17+$0x1C0] =	vst v0  }
0x2ba: {  	v0 =	vld [tilespmem:s20+$0x2D0];
	_ =	sdelay $0x4  }
0x2bb: {  	[tilespmem:s17+$0x1D0] =	vst v0  }
0x2bc: {  	v0 =	vld [tilespmem:s20+$0x2E0];
	_ =	sdelay $0x4  }
0x2bd: {  	[tilespmem:s17+$0x1E0] =	vst v0  }
0x2be: {  	v0 =	vld [tilespmem:s20+$0x2F0];
	_ =	sdelay $0x4  }
0x2bf: {  	[tilespmem:s17+$0x1F0] =	vst v0  }
0x2c0: {  	v0 =	vld [tilespmem:s19+$0xFFFFFFFD];
	_ =	sdelay $0x4  }
0x2c1: {  	(v2sf) =	vpush v0, $0x0;
	_ =	sdelay $0xe  }
0x2c2: {  	s20 =	spop (v2sf)  }
0x2c3: {  	p1 =	sgt.s32 s20, $0x0;
	s21 =	smov.u32 s20  }
0x2c4: {  	s21 =	simm.s32 @!p1 $0x0  }
0x2c5: {  	s21 =	smin.u32 s21, $0x3  }
0x2c6: {  	p1 =	slt.s32 s20, $0x0;
	s20 =	sshll.u32 s21, $0x7  }
0x2c7: {  	s20 =	simm.s32 @p1 $0x200  }
0x2c8: {  	v0 =	vld [tilespmem:s20+$0x280];
	_ =	sdelay $0x4  }
0x2c9: {  	[tilespmem:s17+$0x200] =	vst v0  }
0x2ca: {  	v0 =	vld [tilespmem:s20+$0x290];
	_ =	sdelay $0x4  }
0x2cb: {  	[tilespmem:s17+$0x210] =	vst v0  }
0x2cc: {  	v0 =	vld [tilespmem:s20+$0x2A0];
	_ =	sdelay $0x4  }
0x2cd: {  	[tilespmem:s17+$0x220] =	vst v0  }
0x2ce: {  	v0 =	vld [tilespmem:s20+$0x2B0];
	_ =	sdelay $0x4  }
0x2cf: {  	[tilespmem:s17+$0x230] =	vst v0  }
0x2d0: {  	v0 =	vld [tilespmem:s20+$0x2C0];
	_ =	sdelay $0x4  }
0x2d1: {  	[tilespmem:s17+$0x240] =	vst v0  }
0x2d2: {  	v0 =	vld [tilespmem:s20+$0x2D0];
	_ =	sdelay $0x4  }
0x2d3: {  	[tilespmem:s17+$0x250] =	vst v0  }
0x2d4: {  	v0 =	vld [tilespmem:s20+$0x2E0];
	_ =	sdelay $0x4  }
0x2d5: {  	[tilespmem:s17+$0x260] =	vst v0  }
0x2d6: {  	v0 =	vld [tilespmem:s20+$0x2F0];
	_ =	sdelay $0x4  }
0x2d7: {  	[tilespmem:s17+$0x270] =	vst v0  }
0x2d8: {  	v0 =	vld [tilespmem:s19+$0xFFFFFFFE];
	_ =	sdelay $0x4  }
0x2d9: {  	(v2sf) =	vpush v0, $0x0;
	_ =	sdelay $0xe  }
0x2da: {  	s20 =	spop (v2sf)  }
0x2db: {  	p1 =	sgt.s32 s20, $0x0;
	s21 =	smov.u32 s20  }
0x2dc: {  	s21 =	simm.s32 @!p1 $0x0  }
0x2dd: {  	s21 =	smin.u32 s21, $0x3  }
0x2de: {  	p1 =	slt.s32 s20, $0x0;
	s20 =	sshll.u32 s21, $0x7  }
0x2df: {  	s20 =	simm.s32 @p1 $0x200  }
0x2e0: {  	v0 =	vld [tilespmem:s20+$0x280];
	_ =	sdelay $0x4  }
0x2e1: {  	[tilespmem:s17+$0x280] =	vst v0  }
0x2e2: {  	v0 =	vld [tilespmem:s20+$0x290];
	_ =	sdelay $0x4  }
0x2e3: {  	[tilespmem:s17+$0x290] =	vst v0  }
0x2e4: {  	v0 =	vld [tilespmem:s20+$0x2A0];
	_ =	sdelay $0x4  }
0x2e5: {  	[tilespmem:s17+$0x2A0] =	vst v0  }
0x2e6: {  	v0 =	vld [tilespmem:s20+$0x2B0];
	_ =	sdelay $0x4  }
0x2e7: {  	[tilespmem:s17+$0x2B0] =	vst v0  }
0x2e8: {  	v0 =	vld [tilespmem:s20+$0x2C0];
	_ =	sdelay $0x4  }
0x2e9: {  	[tilespmem:s17+$0x2C0] =	vst v0  }
0x2ea: {  	v0 =	vld [tilespmem:s20+$0x2D0];
	_ =	sdelay $0x4  }
0x2eb: {  	[tilespmem:s17+$0x2D0] =	vst v0  }
0x2ec: {  	v0 =	vld [tilespmem:s20+$0x2E0];
	_ =	sdelay $0x4  }
0x2ed: {  	[tilespmem:s17+$0x2E0] =	vst v0  }
0x2ee: {  	v0 =	vld [tilespmem:s20+$0x2F0];
	_ =	sdelay $0x4  }
0x2ef: {  	[tilespmem:s17+$0x2F0] =	vst v0  }
0x2f0: {  	v0 =	vld [tilespmem:s19+$0xFFFFFFFF];
	_ =	sdelay $0x4  }
0x2f1: {  	(v2sf) =	vpush v0, $0x0;
	_ =	sdelay $0xe  }
0x2f2: {  	s20 =	spop (v2sf)  }
0x2f3: {  	p1 =	sgt.s32 s20, $0x0;
	s21 =	smov.u32 s20  }
0x2f4: {  	s21 =	simm.s32 @!p1 $0x0  }
0x2f5: {  	s21 =	smin.u32 s21, $0x3  }
0x2f6: {  	p1 =	slt.s32 s20, $0x0;
	s20 =	sshll.u32 s21, $0x7  }
0x2f7: {  	s20 =	simm.s32 @p1 $0x200  }
0x2f8: {  	v0 =	vld [tilespmem:s20+$0x280];
	_ =	sdelay $0x4  }
0x2f9: {  	[tilespmem:s17+$0x300] =	vst v0  }
0x2fa: {  	v0 =	vld [tilespmem:s20+$0x290];
	_ =	sdelay $0x4  }
0x2fb: {  	[tilespmem:s17+$0x310] =	vst v0  }
0x2fc: {  	v0 =	vld [tilespmem:s20+$0x2A0];
	_ =	sdelay $0x4  }
0x2fd: {  	[tilespmem:s17+$0x320] =	vst v0  }
0x2fe: {  	v0 =	vld [tilespmem:s20+$0x2B0];
	_ =	sdelay $0x4  }
0x2ff: {  	[tilespmem:s17+$0x330] =	vst v0  }
0x300: {  	v0 =	vld [tilespmem:s20+$0x2C0];
	_ =	sdelay $0x4  }
0x301: {  	[tilespmem:s17+$0x340] =	vst v0  }
0x302: {  	v0 =	vld [tilespmem:s20+$0x2D0];
	_ =	sdelay $0x4  }
0x303: {  	[tilespmem:s17+$0x350] =	vst v0  }
0x304: {  	v0 =	vld [tilespmem:s20+$0x2E0];
	_ =	sdelay $0x4  }
0x305: {  	[tilespmem:s17+$0x360] =	vst v0  }
0x306: {  	v0 =	vld [tilespmem:s20+$0x2F0];
	_ =	sdelay $0x4  }
0x307: {  	[tilespmem:s17+$0x370] =	vst v0  }
0x308: {  	v0 =	vld [tilespmem:s19+$0x0];
	_ =	sdelay $0x4  }
0x309: {  	(v2sf) =	vpush v0, $0x0;
	_ =	sdelay $0xe  }
0x30a: {  	s20 =	spop (v2sf)  }
0x30b: {  	p1 =	sgt.s32 s20, $0x0;
	s21 =	smov.u32 s20  }
0x30c: {  	s21 =	simm.s32 @!p1 $0x0  }
0x30d: {  	s21 =	smin.u32 s21, $0x3  }
0x30e: {  	p1 =	slt.s32 s20, $0x0;
	s20 =	sshll.u32 s21, $0x7  }
0x30f: {  	s20 =	simm.s32 @p1 $0x200  }
0x310: {  	v0 =	vld [tilespmem:s20+$0x280];
	_ =	sdelay $0x4  }
0x311: {  	[tilespmem:s17+$0x380] =	vst v0  }
0x312: {  	v0 =	vld [tilespmem:s20+$0x290];
	_ =	sdelay $0x4  }
0x313: {  	[tilespmem:s17+$0x390] =	vst v0  }
0x314: {  	v0 =	vld [tilespmem:s20+$0x2A0];
	_ =	sdelay $0x4  }
0x315: {  	[tilespmem:s17+$0x3A0] =	vst v0  }
0x316: {  	v0 =	vld [tilespmem:s20+$0x2B0];
	_ =	sdelay $0x4  }
0x317: {  	[tilespmem:s17+$0x3B0] =	vst v0  }
0x318: {  	v0 =	vld [tilespmem:s20+$0x2C0];
	_ =	sdelay $0x4  }
0x319: {  	[tilespmem:s17+$0x3C0] =	vst v0  }
0x31a: {  	v0 =	vld [tilespmem:s20+$0x2D0];
	_ =	sdelay $0x4  }
0x31b: {  	[tilespmem:s17+$0x3D0] =	vst v0  }
0x31c: {  	v0 =	vld [tilespmem:s20+$0x2E0];
	_ =	sdelay $0x4  }
0x31d: {  	[tilespmem:s17+$0x3E0] =	vst v0  }
0x31e: {  	v0 =	vld [tilespmem:s20+$0x2F0]  }
.Ltmp1:
0x31f: {  	(pc) =	sbr.rel @p0 .LBB2_4-.Ltmp1, $2  }
0x320: {  	_ =	sdelay $0x2  }
0x321: {  	s19 =	sadd.s32 $0x8, s19;
	[tilespmem:s17+$0x3F0] =	vst v0  }
0x322: {  	[hbm4b:s6+s2] =	stream.linear.scatter [tilespmem:s13], [sflag:$0x2], $0x4000, $0x38;
	[tilespmem:$0x8680] =	vst v63  }
0x323: {  	_ =	swait.ge [sflag:s14], $0x4000  }
0x324: {  	[sflag:s14] =	ssyncset.done $0x0  }
0x325: {  	s18 =	simm.s32 $0x107;
	[sflag:s14] =	ssyncadd.s32 $0xFFFFC000  }
0x326: {  	v0 =	vld [tilespmem:s18+$0xFFFFFFF9];
	_ =	sdelay $0x4  }
0x327: {  	(v2sf) =	vpush v0, $0x0;
	_ =	sdelay $0xe  }
0x328: {  	s17 =	spop (v2sf)  }
0x329: {  	p0 =	sgt.s32 s17, $0x0  }
0x32a: {  	p1 =	slt.s32 s17, $0x0;
	s17 =	simm.s32 @!p0 $0x0  }
0x32b: {  	s17 =	smin.u32 s17, $0x3  }
0x32c: {  	s19 =	sshll.u32 s17, $0x7  }
0x32d: {  	s19 =	simm.s32 @p1 $0x200  }
0x32e: {  	v56 =	vld [tilespmem:s19+$0x280];
	_ =	sdelay $0x3  }
0x32f: {  	s17 =	simm.s32 $0x880  }
0x330: {  	[tilespmem:s17+$0xFFFFFE00] =	vst v56  }
0x331: {  	v0 =	vld [tilespmem:s19+$0x290];
	_ =	sdelay $0x4  }
0x332: {  	[tilespmem:s17+$0xFFFFFE10] =	vst v0  }
0x333: {  	v0 =	vld [tilespmem:s19+$0x2A0];
	_ =	sdelay $0x4  }
0x334: {  	[tilespmem:s17+$0xFFFFFE20] =	vst v0  }
0x335: {  	v0 =	vld [tilespmem:s19+$0x2B0];
	_ =	sdelay $0x4  }
0x336: {  	[tilespmem:s17+$0xFFFFFE30] =	vst v0  }
0x337: {  	v0 =	vld [tilespmem:s19+$0x2C0];
	_ =	sdelay $0x4  }
0x338: {  	[tilespmem:s17+$0xFFFFFE40] =	vst v0  }
0x339: {  	v0 =	vld [tilespmem:s19+$0x2D0];
	_ =	sdelay $0x4  }
0x33a: {  	[tilespmem:s17+$0xFFFFFE50] =	vst v0  }
0x33b: {  	v0 =	vld [tilespmem:s19+$0x2E0];
	_ =	sdelay $0x4  }
0x33c: {  	[tilespmem:s17+$0xFFFFFE60] =	vst v0  }
0x33d: {  	v0 =	vld [tilespmem:s19+$0x2F0];
	_ =	sdelay $0x4  }
0x33e: {  	[tilespmem:s17+$0xFFFFFE70] =	vst v0  }
0x33f: {  	v0 =	vld [tilespmem:s18+$0xFFFFFFFA];
	_ =	sdelay $0x4  }
0x340: {  	(v2sf) =	vpush v0, $0x0;
	_ =	sdelay $0xe  }
0x341: {  	s19 =	spop (v2sf)  }
0x342: {  	p0 =	sgt.s32 s19, $0x0  }
0x343: {  	p1 =	slt.s32 s19, $0x0;
	s19 =	simm.s32 @!p0 $0x0  }
0x344: {  	s19 =	smin.u32 s19, $0x3  }
0x345: {  	s19 =	sshll.u32 s19, $0x7  }
0x346: {  	s19 =	simm.s32 @p1 $0x200  }
0x347: {  	v57 =	vld [tilespmem:s19+$0x280];
	_ =	sdelay $0x4  }
0x348: {  	[tilespmem:s17+$0xFFFFFE80] =	vst v57  }
0x349: {  	v0 =	vld [tilespmem:s19+$0x290];
	_ =	sdelay $0x4  }
0x34a: {  	[tilespmem:s17+$0xFFFFFE90] =	vst v0  }
0x34b: {  	v0 =	vld [tilespmem:s19+$0x2A0];
	_ =	sdelay $0x4  }
0x34c: {  	[tilespmem:s17+$0xFFFFFEA0] =	vst v0  }
0x34d: {  	v0 =	vld [tilespmem:s19+$0x2B0];
	_ =	sdelay $0x4  }
0x34e: {  	[tilespmem:s17+$0xFFFFFEB0] =	vst v0  }
0x34f: {  	v0 =	vld [tilespmem:s19+$0x2C0];
	_ =	sdelay $0x4  }
0x350: {  	[tilespmem:s17+$0xFFFFFEC0] =	vst v0  }
0x351: {  	v0 =	vld [tilespmem:s19+$0x2D0];
	_ =	sdelay $0x4  }
0x352: {  	[tilespmem:s17+$0xFFFFFED0] =	vst v0  }
0x353: {  	v0 =	vld [tilespmem:s19+$0x2E0];
	_ =	sdelay $0x4  }
0x354: {  	[tilespmem:s17+$0xFFFFFEE0] =	vst v0  }
0x355: {  	v0 =	vld [tilespmem:s19+$0x2F0];
	_ =	sdelay $0x4  }
0x356: {  	[tilespmem:s17+$0xFFFFFEF0] =	vst v0  }
0x357: {  	v0 =	vld [tilespmem:s18+$0xFFFFFFFB];
	_ =	sdelay $0x4  }
0x358: {  	(v2sf) =	vpush v0, $0x0;
	_ =	sdelay $0xe  }
0x359: {  	s19 =	spop (v2sf)  }
0x35a: {  	p0 =	sgt.s32 s19, $0x0  }
0x35b: {  	p1 =	slt.s32 s19, $0x0;
	s19 =	simm.s32 @!p0 $0x0  }
0x35c: {  	s19 =	smin.u32 s19, $0x3  }
0x35d: {  	s19 =	sshll.u32 s19, $0x7  }
0x35e: {  	s19 =	simm.s32 @p1 $0x200  }
0x35f: {  	v58 =	vld [tilespmem:s19+$0x280];
	_ =	sdelay $0x4  }
0x360: {  	[tilespmem:s17+$0xFFFFFF00] =	vst v58  }
0x361: {  	v0 =	vld [tilespmem:s19+$0x290];
	_ =	sdelay $0x4  }
0x362: {  	[tilespmem:s17+$0xFFFFFF10] =	vst v0  }
0x363: {  	v0 =	vld [tilespmem:s19+$0x2A0];
	_ =	sdelay $0x4  }
0x364: {  	[tilespmem:s17+$0xFFFFFF20] =	vst v0  }
0x365: {  	v0 =	vld [tilespmem:s19+$0x2B0];
	_ =	sdelay $0x4  }
0x366: {  	[tilespmem:s17+$0xFFFFFF30] =	vst v0  }
0x367: {  	v0 =	vld [tilespmem:s19+$0x2C0];
	_ =	sdelay $0x4  }
0x368: {  	[tilespmem:s17+$0xFFFFFF40] =	vst v0  }
0x369: {  	v0 =	vld [tilespmem:s19+$0x2D0];
	_ =	sdelay $0x4  }
0x36a: {  	[tilespmem:s17+$0xFFFFFF50] =	vst v0  }
0x36b: {  	v0 =	vld [tilespmem:s19+$0x2E0];
	_ =	sdelay $0x4  }
0x36c: {  	[tilespmem:s17+$0xFFFFFF60] =	vst v0  }
0x36d: {  	v0 =	vld [tilespmem:s19+$0x2F0];
	_ =	sdelay $0x4  }
0x36e: {  	[tilespmem:s17+$0xFFFFFF70] =	vst v0  }
0x36f: {  	v0 =	vld [tilespmem:s18+$0xFFFFFFFC];
	_ =	sdelay $0x4  }
0x370: {  	(v2sf) =	vpush v0, $0x0;
	_ =	sdelay $0xe  }
0x371: {  	s19 =	spop (v2sf)  }
0x372: {  	p0 =	sgt.s32 s19, $0x0  }
0x373: {  	p1 =	slt.s32 s19, $0x0;
	s19 =	simm.s32 @!p0 $0x0  }
0x374: {  	s19 =	smin.u32 s19, $0x3  }
0x375: {  	s19 =	sshll.u32 s19, $0x7  }
0x376: {  	s19 =	simm.s32 @p1 $0x200  }
0x377: {  	v59 =	vld [tilespmem:s19+$0x280];
	_ =	sdelay $0x4  }
0x378: {  	[tilespmem:s17+$0xFFFFFF80] =	vst v59  }
0x379: {  	v0 =	vld [tilespmem:s19+$0x290];
	_ =	sdelay $0x4  }
0x37a: {  	[tilespmem:s17+$0xFFFFFF90] =	vst v0  }
0x37b: {  	v0 =	vld [tilespmem:s19+$0x2A0];
	_ =	sdelay $0x4  }
0x37c: {  	[tilespmem:s17+$0xFFFFFFA0] =	vst v0  }
0x37d: {  	v0 =	vld [tilespmem:s19+$0x2B0];
	_ =	sdelay $0x4  }
0x37e: {  	[tilespmem:s17+$0xFFFFFFB0] =	vst v0  }
0x37f: {  	v0 =	vld [tilespmem:s19+$0x2C0];
	_ =	sdelay $0x4  }
0x380: {  	[tilespmem:s17+$0xFFFFFFC0] =	vst v0  }
0x381: {  	v0 =	vld [tilespmem:s19+$0x2D0];
	_ =	sdelay $0x4  }
0x382: {  	[tilespmem:s17+$0xFFFFFFD0] =	vst v0  }
0x383: {  	v0 =	vld [tilespmem:s19+$0x2E0];
	_ =	sdelay $0x4  }
0x384: {  	[tilespmem:s17+$0xFFFFFFE0] =	vst v0  }
0x385: {  	v0 =	vld [tilespmem:s19+$0x2F0];
	_ =	sdelay $0x4  }
0x386: {  	[tilespmem:s17+$0xFFFFFFF0] =	vst v0  }
0x387: {  	v0 =	vld [tilespmem:s18+$0xFFFFFFFD];
	_ =	sdelay $0x4  }
0x388: {  	(v2sf) =	vpush v0, $0x0;
	_ =	sdelay $0xe  }
0x389: {  	s19 =	spop (v2sf)  }
0x38a: {  	p0 =	sgt.s32 s19, $0x0  }
0x38b: {  	p1 =	slt.s32 s19, $0x0;
	s19 =	simm.s32 @!p0 $0x0  }
0x38c: {  	s19 =	smin.u32 s19, $0x3  }
0x38d: {  	s19 =	sshll.u32 s19, $0x7  }
0x38e: {  	s19 =	simm.s32 @p1 $0x200  }
0x38f: {  	v60 =	vld [tilespmem:s19+$0x280];
	_ =	sdelay $0x4  }
0x390: {  	[tilespmem:s17+$0x0] =	vst v60  }
0x391: {  	v0 =	vld [tilespmem:s19+$0x290];
	_ =	sdelay $0x4  }
0x392: {  	[tilespmem:s17+$0x10] =	vst v0  }
0x393: {  	v0 =	vld [tilespmem:s19+$0x2A0];
	_ =	sdelay $0x4  }
0x394: {  	[tilespmem:s17+$0x20] =	vst v0  }
0x395: {  	v0 =	vld [tilespmem:s19+$0x2B0];
	_ =	sdelay $0x4  }
0x396: {  	[tilespmem:s17+$0x30] =	vst v0  }
0x397: {  	v0 =	vld [tilespmem:s19+$0x2C0];
	_ =	sdelay $0x4  }
0x398: {  	[tilespmem:s17+$0x40] =	vst v0  }
0x399: {  	v0 =	vld [tilespmem:s19+$0x2D0];
	_ =	sdelay $0x4  }
0x39a: {  	[tilespmem:s17+$0x50] =	vst v0  }
0x39b: {  	v0 =	vld [tilespmem:s19+$0x2E0];
	_ =	sdelay $0x4  }
0x39c: {  	[tilespmem:s17+$0x60] =	vst v0  }
0x39d: {  	v0 =	vld [tilespmem:s19+$0x2F0];
	_ =	sdelay $0x4  }
0x39e: {  	[tilespmem:s17+$0x70] =	vst v0  }
0x39f: {  	v0 =	vld [tilespmem:s18+$0xFFFFFFFE];
	_ =	sdelay $0x4  }
0x3a0: {  	(v2sf) =	vpush v0, $0x0;
	_ =	sdelay $0xe  }
0x3a1: {  	s19 =	spop (v2sf)  }
0x3a2: {  	p0 =	sgt.s32 s19, $0x0  }
0x3a3: {  	p1 =	slt.s32 s19, $0x0;
	s19 =	simm.s32 @!p0 $0x0  }
0x3a4: {  	s19 =	smin.u32 s19, $0x3  }
0x3a5: {  	s19 =	sshll.u32 s19, $0x7  }
0x3a6: {  	s19 =	simm.s32 @p1 $0x200  }
0x3a7: {  	v61 =	vld [tilespmem:s19+$0x280];
	_ =	sdelay $0x4  }
0x3a8: {  	[tilespmem:s17+$0x80] =	vst v61  }
0x3a9: {  	v0 =	vld [tilespmem:s19+$0x290];
	_ =	sdelay $0x4  }
0x3aa: {  	[tilespmem:s17+$0x90] =	vst v0  }
0x3ab: {  	v0 =	vld [tilespmem:s19+$0x2A0];
	_ =	sdelay $0x4  }
0x3ac: {  	[tilespmem:s17+$0xA0] =	vst v0  }
0x3ad: {  	v0 =	vld [tilespmem:s19+$0x2B0];
	_ =	sdelay $0x4  }
0x3ae: {  	[tilespmem:s17+$0xB0] =	vst v0  }
0x3af: {  	v0 =	vld [tilespmem:s19+$0x2C0];
	_ =	sdelay $0x4  }
0x3b0: {  	[tilespmem:s17+$0xC0] =	vst v0  }
0x3b1: {  	v0 =	vld [tilespmem:s19+$0x2D0];
	_ =	sdelay $0x4  }
0x3b2: {  	[tilespmem:s17+$0xD0] =	vst v0  }
0x3b3: {  	v0 =	vld [tilespmem:s19+$0x2E0];
	_ =	sdelay $0x4  }
0x3b4: {  	[tilespmem:s17+$0xE0] =	vst v0  }
0x3b5: {  	v0 =	vld [tilespmem:s19+$0x2F0];
	_ =	sdelay $0x4  }
0x3b6: {  	[tilespmem:s17+$0xF0] =	vst v0  }
0x3b7: {  	v0 =	vld [tilespmem:s18+$0xFFFFFFFF];
	_ =	sdelay $0x4  }
0x3b8: {  	(v2sf) =	vpush v0, $0x0;
	_ =	sdelay $0xe  }
0x3b9: {  	s19 =	spop (v2sf)  }
0x3ba: {  	p0 =	sgt.s32 s19, $0x0  }
0x3bb: {  	p1 =	slt.s32 s19, $0x0;
	s19 =	simm.s32 @!p0 $0x0  }
0x3bc: {  	s19 =	smin.u32 s19, $0x3  }
0x3bd: {  	s19 =	sshll.u32 s19, $0x7  }
0x3be: {  	s19 =	simm.s32 @p1 $0x200  }
0x3bf: {  	v62 =	vld [tilespmem:s19+$0x280];
	_ =	sdelay $0x4  }
0x3c0: {  	[tilespmem:s17+$0x100] =	vst v62  }
0x3c1: {  	v0 =	vld [tilespmem:s19+$0x290];
	_ =	sdelay $0x4  }
0x3c2: {  	[tilespmem:s17+$0x110] =	vst v0  }
0x3c3: {  	v0 =	vld [tilespmem:s19+$0x2A0];
	_ =	sdelay $0x4  }
0x3c4: {  	[tilespmem:s17+$0x120] =	vst v0  }
0x3c5: {  	v0 =	vld [tilespmem:s19+$0x2B0];
	_ =	sdelay $0x4  }
0x3c6: {  	[tilespmem:s17+$0x130] =	vst v0  }
0x3c7: {  	v0 =	vld [tilespmem:s19+$0x2C0];
	_ =	sdelay $0x4  }
0x3c8: {  	[tilespmem:s17+$0x140] =	vst v0  }
0x3c9: {  	v0 =	vld [tilespmem:s19+$0x2D0];
	_ =	sdelay $0x4  }
0x3ca: {  	[tilespmem:s17+$0x150] =	vst v0  }
0x3cb: {  	v0 =	vld [tilespmem:s19+$0x2E0];
	_ =	sdelay $0x4  }
0x3cc: {  	[tilespmem:s17+$0x160] =	vst v0  }
0x3cd: {  	v0 =	vld [tilespmem:s19+$0x2F0];
	_ =	sdelay $0x4  }
0x3ce: {  	[tilespmem:s17+$0x170] =	vst v0  }
0x3cf: {  	v0 =	vld [tilespmem:s18+$0x0];
	_ =	sdelay $0x4  }
0x3d0: {  	(v2sf) =	vpush v0, $0x0;
	_ =	sdelay $0xe  }
0x3d1: {  	s18 =	spop (v2sf)  }
0x3d2: {  	p0 =	sgt.s32 s18, $0x0  }
0x3d3: {  	p1 =	slt.s32 s18, $0x0;
	s18 =	simm.s32 @!p0 $0x0  }
0x3d4: {  	s18 =	smin.u32 s18, $0x3  }
0x3d5: {  	s18 =	sshll.u32 s18, $0x7  }
0x3d6: {  	s18 =	simm.s32 @p1 $0x200  }
0x3d7: {  	v63 =	vld [tilespmem:s18+$0x280];
	_ =	sdelay $0x4  }
0x3d8: {  	[tilespmem:s17+$0x180] =	vst v63  }
0x3d9: {  	v0 =	vld [tilespmem:s18+$0x290];
	_ =	sdelay $0x4  }
0x3da: {  	[tilespmem:s17+$0x190] =	vst v0  }
0x3db: {  	v0 =	vld [tilespmem:s18+$0x2A0];
	_ =	sdelay $0x4  }
0x3dc: {  	[tilespmem:s17+$0x1A0] =	vst v0  }
0x3dd: {  	v0 =	vld [tilespmem:s18+$0x2B0];
	_ =	sdelay $0x4  }
0x3de: {  	[tilespmem:s17+$0x1B0] =	vst v0  }
0x3df: {  	v0 =	vld [tilespmem:s18+$0x2C0];
	_ =	sdelay $0x4  }
0x3e0: {  	[tilespmem:s17+$0x1C0] =	vst v0  }
0x3e1: {  	v0 =	vld [tilespmem:s18+$0x2D0];
	_ =	sdelay $0x4  }
0x3e2: {  	[tilespmem:s17+$0x1D0] =	vst v0  }
0x3e3: {  	v0 =	vld [tilespmem:s18+$0x2E0];
	_ =	sdelay $0x4  }
0x3e4: {  	[tilespmem:s17+$0x1E0] =	vst v0  }
0x3e5: {  	v0 =	vld [tilespmem:s18+$0x2F0];
	_ =	sdelay $0x4  }
0x3e6: {  	s19 =	simm.s32 $0x10F;
	s18 =	simm.s32 $0x0;
	[tilespmem:s17+$0x1F0] =	vst v0  }
.LBB2_6:
0x3e7: {  	v0 =	vld [tilespmem:s19+$0xFFFFFFF9];
	s18 =	sadd.s32 $0x8, s18  }
0x3e8: {  	p0 =	slt.u32 s18, $0x78;
	_ =	sdelay $0x3  }
0x3e9: {  	(v2sf) =	vpush v0, $0x0;
	_ =	sdelay $0xe  }
0x3ea: {  	s20 =	spop (v2sf)  }
0x3eb: {  	p1 =	sgt.s32 s20, $0x0;
	s21 =	smov.u32 s20  }
0x3ec: {  	s21 =	simm.s32 @!p1 $0x0  }
0x3ed: {  	s21 =	smin.u32 s21, $0x3  }
0x3ee: {  	p1 =	slt.s32 s20, $0x0;
	s20 =	sshll.u32 s21, $0x7  }
0x3ef: {  	s20 =	simm.s32 @p1 $0x200  }
0x3f0: {  	v0 =	vld [tilespmem:s20+$0x280];
	_ =	sdelay $0x3  }
0x3f1: {  	s17 =	sadd.s32 $0x400, s17  }
0x3f2: {  	[tilespmem:s17+$0xFFFFFE00] =	vst v0  }
0x3f3: {  	v0 =	vld [tilespmem:s20+$0x290];
	_ =	sdelay $0x4  }
0x3f4: {  	[tilespmem:s17+$0xFFFFFE10] =	vst v0  }
0x3f5: {  	v0 =	vld [tilespmem:s20+$0x2A0];
	_ =	sdelay $0x4  }
0x3f6: {  	[tilespmem:s17+$0xFFFFFE20] =	vst v0  }
0x3f7: {  	v0 =	vld [tilespmem:s20+$0x2B0];
	_ =	sdelay $0x4  }
0x3f8: {  	[tilespmem:s17+$0xFFFFFE30] =	vst v0  }
0x3f9: {  	v0 =	vld [tilespmem:s20+$0x2C0];
	_ =	sdelay $0x4  }
0x3fa: {  	[tilespmem:s17+$0xFFFFFE40] =	vst v0  }
0x3fb: {  	v0 =	vld [tilespmem:s20+$0x2D0];
	_ =	sdelay $0x4  }
0x3fc: {  	[tilespmem:s17+$0xFFFFFE50] =	vst v0  }
0x3fd: {  	v0 =	vld [tilespmem:s20+$0x2E0];
	_ =	sdelay $0x4  }
0x3fe: {  	[tilespmem:s17+$0xFFFFFE60] =	vst v0  }
0x3ff: {  	v0 =	vld [tilespmem:s20+$0x2F0];
	_ =	sdelay $0x4  }
0x400: {  	[tilespmem:s17+$0xFFFFFE70] =	vst v0  }
0x401: {  	v0 =	vld [tilespmem:s19+$0xFFFFFFFA];
	_ =	sdelay $0x4  }
0x402: {  	(v2sf) =	vpush v0, $0x0;
	_ =	sdelay $0xe  }
0x403: {  	s20 =	spop (v2sf)  }
0x404: {  	p1 =	sgt.s32 s20, $0x0;
	s21 =	smov.u32 s20  }
0x405: {  	s21 =	simm.s32 @!p1 $0x0  }
0x406: {  	s21 =	smin.u32 s21, $0x3  }
0x407: {  	p1 =	slt.s32 s20, $0x0;
	s20 =	sshll.u32 s21, $0x7  }
0x408: {  	s20 =	simm.s32 @p1 $0x200  }
0x409: {  	v0 =	vld [tilespmem:s20+$0x280];
	_ =	sdelay $0x4  }
0x40a: {  	[tilespmem:s17+$0xFFFFFE80] =	vst v0  }
0x40b: {  	v0 =	vld [tilespmem:s20+$0x290];
	_ =	sdelay $0x4  }
0x40c: {  	[tilespmem:s17+$0xFFFFFE90] =	vst v0  }
0x40d: {  	v0 =	vld [tilespmem:s20+$0x2A0];
	_ =	sdelay $0x4  }
0x40e: {  	[tilespmem:s17+$0xFFFFFEA0] =	vst v0  }
0x40f: {  	v0 =	vld [tilespmem:s20+$0x2B0];
	_ =	sdelay $0x4  }
0x410: {  	[tilespmem:s17+$0xFFFFFEB0] =	vst v0  }
0x411: {  	v0 =	vld [tilespmem:s20+$0x2C0];
	_ =	sdelay $0x4  }
0x412: {  	[tilespmem:s17+$0xFFFFFEC0] =	vst v0  }
0x413: {  	v0 =	vld [tilespmem:s20+$0x2D0];
	_ =	sdelay $0x4  }
0x414: {  	[tilespmem:s17+$0xFFFFFED0] =	vst v0  }
0x415: {  	v0 =	vld [tilespmem:s20+$0x2E0];
	_ =	sdelay $0x4  }
0x416: {  	[tilespmem:s17+$0xFFFFFEE0] =	vst v0  }
0x417: {  	v0 =	vld [tilespmem:s20+$0x2F0];
	_ =	sdelay $0x4  }
0x418: {  	[tilespmem:s17+$0xFFFFFEF0] =	vst v0  }
0x419: {  	v0 =	vld [tilespmem:s19+$0xFFFFFFFB];
	_ =	sdelay $0x4  }
0x41a: {  	(v2sf) =	vpush v0, $0x0;
	_ =	sdelay $0xe  }
0x41b: {  	s20 =	spop (v2sf)  }
0x41c: {  	p1 =	sgt.s32 s20, $0x0;
	s21 =	smov.u32 s20  }
0x41d: {  	s21 =	simm.s32 @!p1 $0x0  }
0x41e: {  	s21 =	smin.u32 s21, $0x3  }
0x41f: {  	p1 =	slt.s32 s20, $0x0;
	s20 =	sshll.u32 s21, $0x7  }
0x420: {  	s20 =	simm.s32 @p1 $0x200  }
0x421: {  	v0 =	vld [tilespmem:s20+$0x280];
	_ =	sdelay $0x4  }
0x422: {  	[tilespmem:s17+$0xFFFFFF00] =	vst v0  }
0x423: {  	v0 =	vld [tilespmem:s20+$0x290];
	_ =	sdelay $0x4  }
0x424: {  	[tilespmem:s17+$0xFFFFFF10] =	vst v0  }
0x425: {  	v0 =	vld [tilespmem:s20+$0x2A0];
	_ =	sdelay $0x4  }
0x426: {  	[tilespmem:s17+$0xFFFFFF20] =	vst v0  }
0x427: {  	v0 =	vld [tilespmem:s20+$0x2B0];
	_ =	sdelay $0x4  }
0x428: {  	[tilespmem:s17+$0xFFFFFF30] =	vst v0  }
0x429: {  	v0 =	vld [tilespmem:s20+$0x2C0];
	_ =	sdelay $0x4  }
0x42a: {  	[tilespmem:s17+$0xFFFFFF40] =	vst v0  }
0x42b: {  	v0 =	vld [tilespmem:s20+$0x2D0];
	_ =	sdelay $0x4  }
0x42c: {  	[tilespmem:s17+$0xFFFFFF50] =	vst v0  }
0x42d: {  	v0 =	vld [tilespmem:s20+$0x2E0];
	_ =	sdelay $0x4  }
0x42e: {  	[tilespmem:s17+$0xFFFFFF60] =	vst v0  }
0x42f: {  	v0 =	vld [tilespmem:s20+$0x2F0];
	_ =	sdelay $0x4  }
0x430: {  	[tilespmem:s17+$0xFFFFFF70] =	vst v0  }
0x431: {  	v0 =	vld [tilespmem:s19+$0xFFFFFFFC];
	_ =	sdelay $0x4  }
0x432: {  	(v2sf) =	vpush v0, $0x0;
	_ =	sdelay $0xe  }
0x433: {  	s20 =	spop (v2sf)  }
0x434: {  	p1 =	sgt.s32 s20, $0x0;
	s21 =	smov.u32 s20  }
0x435: {  	s21 =	simm.s32 @!p1 $0x0  }
0x436: {  	s21 =	smin.u32 s21, $0x3  }
0x437: {  	p1 =	slt.s32 s20, $0x0;
	s20 =	sshll.u32 s21, $0x7  }
0x438: {  	s20 =	simm.s32 @p1 $0x200  }
0x439: {  	v0 =	vld [tilespmem:s20+$0x280];
	_ =	sdelay $0x4  }
0x43a: {  	[tilespmem:s17+$0xFFFFFF80] =	vst v0  }
0x43b: {  	v0 =	vld [tilespmem:s20+$0x290];
	_ =	sdelay $0x4  }
0x43c: {  	[tilespmem:s17+$0xFFFFFF90] =	vst v0  }
0x43d: {  	v0 =	vld [tilespmem:s20+$0x2A0];
	_ =	sdelay $0x4  }
0x43e: {  	[tilespmem:s17+$0xFFFFFFA0] =	vst v0  }
0x43f: {  	v0 =	vld [tilespmem:s20+$0x2B0];
	_ =	sdelay $0x4  }
0x440: {  	[tilespmem:s17+$0xFFFFFFB0] =	vst v0  }
0x441: {  	v0 =	vld [tilespmem:s20+$0x2C0];
	_ =	sdelay $0x4  }
0x442: {  	[tilespmem:s17+$0xFFFFFFC0] =	vst v0  }
0x443: {  	v0 =	vld [tilespmem:s20+$0x2D0];
	_ =	sdelay $0x4  }
0x444: {  	[tilespmem:s17+$0xFFFFFFD0] =	vst v0  }
0x445: {  	v0 =	vld [tilespmem:s20+$0x2E0];
	_ =	sdelay $0x4  }
0x446: {  	[tilespmem:s17+$0xFFFFFFE0] =	vst v0  }
0x447: {  	v0 =	vld [tilespmem:s20+$0x2F0];
	_ =	sdelay $0x4  }
0x448: {  	[tilespmem:s17+$0xFFFFFFF0] =	vst v0  }
0x449: {  	v0 =	vld [tilespmem:s19+$0xFFFFFFFD];
	_ =	sdelay $0x4  }
0x44a: {  	(v2sf) =	vpush v0, $0x0;
	_ =	sdelay $0xe  }
0x44b: {  	s20 =	spop (v2sf)  }
0x44c: {  	p1 =	sgt.s32 s20, $0x0;
	s21 =	smov.u32 s20  }
0x44d: {  	s21 =	simm.s32 @!p1 $0x0  }
0x44e: {  	s21 =	smin.u32 s21, $0x3  }
0x44f: {  	p1 =	slt.s32 s20, $0x0;
	s20 =	sshll.u32 s21, $0x7  }
0x450: {  	s20 =	simm.s32 @p1 $0x200  }
0x451: {  	v0 =	vld [tilespmem:s20+$0x280];
	_ =	sdelay $0x4  }
0x452: {  	[tilespmem:s17+$0x0] =	vst v0  }
0x453: {  	v0 =	vld [tilespmem:s20+$0x290];
	_ =	sdelay $0x4  }
0x454: {  	[tilespmem:s17+$0x10] =	vst v0  }
0x455: {  	v0 =	vld [tilespmem:s20+$0x2A0];
	_ =	sdelay $0x4  }
0x456: {  	[tilespmem:s17+$0x20] =	vst v0  }
0x457: {  	v0 =	vld [tilespmem:s20+$0x2B0];
	_ =	sdelay $0x4  }
0x458: {  	[tilespmem:s17+$0x30] =	vst v0  }
0x459: {  	v0 =	vld [tilespmem:s20+$0x2C0];
	_ =	sdelay $0x4  }
0x45a: {  	[tilespmem:s17+$0x40] =	vst v0  }
0x45b: {  	v0 =	vld [tilespmem:s20+$0x2D0];
	_ =	sdelay $0x4  }
0x45c: {  	[tilespmem:s17+$0x50] =	vst v0  }
0x45d: {  	v0 =	vld [tilespmem:s20+$0x2E0];
	_ =	sdelay $0x4  }
0x45e: {  	[tilespmem:s17+$0x60] =	vst v0  }
0x45f: {  	v0 =	vld [tilespmem:s20+$0x2F0];
	_ =	sdelay $0x4  }
0x460: {  	[tilespmem:s17+$0x70] =	vst v0  }
0x461: {  	v0 =	vld [tilespmem:s19+$0xFFFFFFFE];
	_ =	sdelay $0x4  }
0x462: {  	(v2sf) =	vpush v0, $0x0;
	_ =	sdelay $0xe  }
0x463: {  	s20 =	spop (v2sf)  }
0x464: {  	p1 =	sgt.s32 s20, $0x0;
	s21 =	smov.u32 s20  }
0x465: {  	s21 =	simm.s32 @!p1 $0x0  }
0x466: {  	s21 =	smin.u32 s21, $0x3  }
0x467: {  	p1 =	slt.s32 s20, $0x0;
	s20 =	sshll.u32 s21, $0x7  }
0x468: {  	s20 =	simm.s32 @p1 $0x200  }
0x469: {  	v0 =	vld [tilespmem:s20+$0x280];
	_ =	sdelay $0x4  }
0x46a: {  	[tilespmem:s17+$0x80] =	vst v0  }
0x46b: {  	v0 =	vld [tilespmem:s20+$0x290];
	_ =	sdelay $0x4  }
0x46c: {  	[tilespmem:s17+$0x90] =	vst v0  }
0x46d: {  	v0 =	vld [tilespmem:s20+$0x2A0];
	_ =	sdelay $0x4  }
0x46e: {  	[tilespmem:s17+$0xA0] =	vst v0  }
0x46f: {  	v0 =	vld [tilespmem:s20+$0x2B0];
	_ =	sdelay $0x4  }
0x470: {  	[tilespmem:s17+$0xB0] =	vst v0  }
0x471: {  	v0 =	vld [tilespmem:s20+$0x2C0];
	_ =	sdelay $0x4  }
0x472: {  	[tilespmem:s17+$0xC0] =	vst v0  }
0x473: {  	v0 =	vld [tilespmem:s20+$0x2D0];
	_ =	sdelay $0x4  }
0x474: {  	[tilespmem:s17+$0xD0] =	vst v0  }
0x475: {  	v0 =	vld [tilespmem:s20+$0x2E0];
	_ =	sdelay $0x4  }
0x476: {  	[tilespmem:s17+$0xE0] =	vst v0  }
0x477: {  	v0 =	vld [tilespmem:s20+$0x2F0];
	_ =	sdelay $0x4  }
0x478: {  	[tilespmem:s17+$0xF0] =	vst v0  }
0x479: {  	v0 =	vld [tilespmem:s19+$0xFFFFFFFF];
	_ =	sdelay $0x4  }
0x47a: {  	(v2sf) =	vpush v0, $0x0;
	_ =	sdelay $0xe  }
0x47b: {  	s20 =	spop (v2sf)  }
0x47c: {  	p1 =	sgt.s32 s20, $0x0;
	s21 =	smov.u32 s20  }
0x47d: {  	s21 =	simm.s32 @!p1 $0x0  }
0x47e: {  	s21 =	smin.u32 s21, $0x3  }
0x47f: {  	p1 =	slt.s32 s20, $0x0;
	s20 =	sshll.u32 s21, $0x7  }
0x480: {  	s20 =	simm.s32 @p1 $0x200  }
0x481: {  	v0 =	vld [tilespmem:s20+$0x280];
	_ =	sdelay $0x4  }
0x482: {  	[tilespmem:s17+$0x100] =	vst v0  }
0x483: {  	v0 =	vld [tilespmem:s20+$0x290];
	_ =	sdelay $0x4  }
0x484: {  	[tilespmem:s17+$0x110] =	vst v0  }
0x485: {  	v0 =	vld [tilespmem:s20+$0x2A0];
	_ =	sdelay $0x4  }
0x486: {  	[tilespmem:s17+$0x120] =	vst v0  }
0x487: {  	v0 =	vld [tilespmem:s20+$0x2B0];
	_ =	sdelay $0x4  }
0x488: {  	[tilespmem:s17+$0x130] =	vst v0  }
0x489: {  	v0 =	vld [tilespmem:s20+$0x2C0];
	_ =	sdelay $0x4  }
0x48a: {  	[tilespmem:s17+$0x140] =	vst v0  }
0x48b: {  	v0 =	vld [tilespmem:s20+$0x2D0];
	_ =	sdelay $0x4  }
0x48c: {  	[tilespmem:s17+$0x150] =	vst v0  }
0x48d: {  	v0 =	vld [tilespmem:s20+$0x2E0];
	_ =	sdelay $0x4  }
0x48e: {  	[tilespmem:s17+$0x160] =	vst v0  }
0x48f: {  	v0 =	vld [tilespmem:s20+$0x2F0];
	_ =	sdelay $0x4  }
0x490: {  	[tilespmem:s17+$0x170] =	vst v0  }
0x491: {  	v0 =	vld [tilespmem:s19+$0x0];
	_ =	sdelay $0x4  }
0x492: {  	(v2sf) =	vpush v0, $0x0;
	_ =	sdelay $0xe  }
0x493: {  	s20 =	spop (v2sf)  }
0x494: {  	p1 =	sgt.s32 s20, $0x0;
	s21 =	smov.u32 s20  }
0x495: {  	s21 =	simm.s32 @!p1 $0x0  }
0x496: {  	s21 =	smin.u32 s21, $0x3  }
0x497: {  	p1 =	slt.s32 s20, $0x0;
	s20 =	sshll.u32 s21, $0x7  }
0x498: {  	s20 =	simm.s32 @p1 $0x200  }
0x499: {  	v0 =	vld [tilespmem:s20+$0x280];
	_ =	sdelay $0x4  }
0x49a: {  	[tilespmem:s17+$0x180] =	vst v0  }
0x49b: {  	v0 =	vld [tilespmem:s20+$0x290];
	_ =	sdelay $0x4  }
0x49c: {  	[tilespmem:s17+$0x190] =	vst v0  }
0x49d: {  	v0 =	vld [tilespmem:s20+$0x2A0];
	_ =	sdelay $0x4  }
0x49e: {  	[tilespmem:s17+$0x1A0] =	vst v0  }
0x49f: {  	v0 =	vld [tilespmem:s20+$0x2B0];
	_ =	sdelay $0x4  }
0x4a0: {  	[tilespmem:s17+$0x1B0] =	vst v0  }
0x4a1: {  	v0 =	vld [tilespmem:s20+$0x2C0];
	_ =	sdelay $0x4  }
0x4a2: {  	[tilespmem:s17+$0x1C0] =	vst v0  }
0x4a3: {  	v0 =	vld [tilespmem:s20+$0x2D0];
	_ =	sdelay $0x4  }
0x4a4: {  	[tilespmem:s17+$0x1D0] =	vst v0  }
0x4a5: {  	v0 =	vld [tilespmem:s20+$0x2E0];
	_ =	sdelay $0x4  }
0x4a6: {  	[tilespmem:s17+$0x1E0] =	vst v0  }
0x4a7: {  	v0 =	vld [tilespmem:s20+$0x2F0]  }
.Ltmp2:
0x4a8: {  	(pc) =	sbr.rel @p0 .LBB2_6-.Ltmp2, $2  }
0x4a9: {  	_ =	sdelay $0x2  }
0x4aa: {  	s19 =	sadd.s32 $0x8, s19;
	[tilespmem:s17+$0x1F0] =	vst v0  }
0x4ab: {  	[hbm4b:s7+s2] =	stream.linear.scatter [tilespmem:s12], [sflag:$0x1], $0x4000, $0x38;
	[tilespmem:$0x8680] =	vst v63  }
0x4ac: {  	_ =	swait.ge [sflag:s15], $0x4000  }
0x4ad: {  	[sflag:s15] =	ssyncset.done $0x0  }
0x4ae: {  	s18 =	simm.s32 $0x187;
	[sflag:s15] =	ssyncadd.s32 $0xFFFFC000  }
0x4af: {  	v0 =	vld [tilespmem:s18+$0xFFFFFFF9];
	_ =	sdelay $0x4  }
0x4b0: {  	(v2sf) =	vpush v0, $0x0;
	_ =	sdelay $0xe  }
0x4b1: {  	s17 =	spop (v2sf)  }
0x4b2: {  	p0 =	sgt.s32 s17, $0x0  }
0x4b3: {  	p1 =	slt.s32 s17, $0x0;
	s17 =	simm.s32 @!p0 $0x0  }
0x4b4: {  	s17 =	smin.u32 s17, $0x3  }
0x4b5: {  	s19 =	sshll.u32 s17, $0x7  }
0x4b6: {  	s19 =	simm.s32 @p1 $0x200  }
0x4b7: {  	v56 =	vld [tilespmem:s19+$0x280];
	_ =	sdelay $0x3  }
0x4b8: {  	s17 =	simm.s32 $0x4680  }
0x4b9: {  	[tilespmem:s17+$0x0] =	vst v56  }
0x4ba: {  	v0 =	vld [tilespmem:s19+$0x290];
	_ =	sdelay $0x4  }
0x4bb: {  	[tilespmem:s17+$0x10] =	vst v0  }
0x4bc: {  	v0 =	vld [tilespmem:s19+$0x2A0];
	_ =	sdelay $0x4  }
0x4bd: {  	[tilespmem:s17+$0x20] =	vst v0  }
0x4be: {  	v0 =	vld [tilespmem:s19+$0x2B0];
	_ =	sdelay $0x4  }
0x4bf: {  	[tilespmem:s17+$0x30] =	vst v0  }
0x4c0: {  	v0 =	vld [tilespmem:s19+$0x2C0];
	_ =	sdelay $0x4  }
0x4c1: {  	[tilespmem:s17+$0x40] =	vst v0  }
0x4c2: {  	v0 =	vld [tilespmem:s19+$0x2D0];
	_ =	sdelay $0x4  }
0x4c3: {  	[tilespmem:s17+$0x50] =	vst v0  }
0x4c4: {  	v0 =	vld [tilespmem:s19+$0x2E0];
	_ =	sdelay $0x4  }
0x4c5: {  	[tilespmem:s17+$0x60] =	vst v0  }
0x4c6: {  	v0 =	vld [tilespmem:s19+$0x2F0];
	_ =	sdelay $0x4  }
0x4c7: {  	[tilespmem:s17+$0x70] =	vst v0  }
0x4c8: {  	v0 =	vld [tilespmem:s18+$0xFFFFFFFA];
	_ =	sdelay $0x4  }
0x4c9: {  	(v2sf) =	vpush v0, $0x0;
	_ =	sdelay $0xe  }
0x4ca: {  	s19 =	spop (v2sf)  }
0x4cb: {  	p0 =	sgt.s32 s19, $0x0  }
0x4cc: {  	p1 =	slt.s32 s19, $0x0;
	s19 =	simm.s32 @!p0 $0x0  }
0x4cd: {  	s19 =	smin.u32 s19, $0x3  }
0x4ce: {  	s19 =	sshll.u32 s19, $0x7  }
0x4cf: {  	s19 =	simm.s32 @p1 $0x200  }
0x4d0: {  	v57 =	vld [tilespmem:s19+$0x280];
	_ =	sdelay $0x4  }
0x4d1: {  	[tilespmem:s17+$0x80] =	vst v57  }
0x4d2: {  	v0 =	vld [tilespmem:s19+$0x290];
	_ =	sdelay $0x4  }
0x4d3: {  	[tilespmem:s17+$0x90] =	vst v0  }
0x4d4: {  	v0 =	vld [tilespmem:s19+$0x2A0];
	_ =	sdelay $0x4  }
0x4d5: {  	[tilespmem:s17+$0xA0] =	vst v0  }
0x4d6: {  	v0 =	vld [tilespmem:s19+$0x2B0];
	_ =	sdelay $0x4  }
0x4d7: {  	[tilespmem:s17+$0xB0] =	vst v0  }
0x4d8: {  	v0 =	vld [tilespmem:s19+$0x2C0];
	_ =	sdelay $0x4  }
0x4d9: {  	[tilespmem:s17+$0xC0] =	vst v0  }
0x4da: {  	v0 =	vld [tilespmem:s19+$0x2D0];
	_ =	sdelay $0x4  }
0x4db: {  	[tilespmem:s17+$0xD0] =	vst v0  }
0x4dc: {  	v0 =	vld [tilespmem:s19+$0x2E0];
	_ =	sdelay $0x4  }
0x4dd: {  	[tilespmem:s17+$0xE0] =	vst v0  }
0x4de: {  	v0 =	vld [tilespmem:s19+$0x2F0];
	_ =	sdelay $0x4  }
0x4df: {  	[tilespmem:s17+$0xF0] =	vst v0  }
0x4e0: {  	v0 =	vld [tilespmem:s18+$0xFFFFFFFB];
	_ =	sdelay $0x4  }
0x4e1: {  	(v2sf) =	vpush v0, $0x0;
	_ =	sdelay $0xe  }
0x4e2: {  	s19 =	spop (v2sf)  }
0x4e3: {  	p0 =	sgt.s32 s19, $0x0  }
0x4e4: {  	p1 =	slt.s32 s19, $0x0;
	s19 =	simm.s32 @!p0 $0x0  }
0x4e5: {  	s19 =	smin.u32 s19, $0x3  }
0x4e6: {  	s19 =	sshll.u32 s19, $0x7  }
0x4e7: {  	s19 =	simm.s32 @p1 $0x200  }
0x4e8: {  	v58 =	vld [tilespmem:s19+$0x280];
	_ =	sdelay $0x4  }
0x4e9: {  	[tilespmem:s17+$0x100] =	vst v58  }
0x4ea: {  	v0 =	vld [tilespmem:s19+$0x290];
	_ =	sdelay $0x4  }
0x4eb: {  	[tilespmem:s17+$0x110] =	vst v0  }
0x4ec: {  	v0 =	vld [tilespmem:s19+$0x2A0];
	_ =	sdelay $0x4  }
0x4ed: {  	[tilespmem:s17+$0x120] =	vst v0  }
0x4ee: {  	v0 =	vld [tilespmem:s19+$0x2B0];
	_ =	sdelay $0x4  }
0x4ef: {  	[tilespmem:s17+$0x130] =	vst v0  }
0x4f0: {  	v0 =	vld [tilespmem:s19+$0x2C0];
	_ =	sdelay $0x4  }
0x4f1: {  	[tilespmem:s17+$0x140] =	vst v0  }
0x4f2: {  	v0 =	vld [tilespmem:s19+$0x2D0];
	_ =	sdelay $0x4  }
0x4f3: {  	[tilespmem:s17+$0x150] =	vst v0  }
0x4f4: {  	v0 =	vld [tilespmem:s19+$0x2E0];
	_ =	sdelay $0x4  }
0x4f5: {  	[tilespmem:s17+$0x160] =	vst v0  }
0x4f6: {  	v0 =	vld [tilespmem:s19+$0x2F0];
	_ =	sdelay $0x4  }
0x4f7: {  	[tilespmem:s17+$0x170] =	vst v0  }
0x4f8: {  	v0 =	vld [tilespmem:s18+$0xFFFFFFFC];
	_ =	sdelay $0x4  }
0x4f9: {  	(v2sf) =	vpush v0, $0x0;
	_ =	sdelay $0xe  }
0x4fa: {  	s19 =	spop (v2sf)  }
0x4fb: {  	p0 =	sgt.s32 s19, $0x0  }
0x4fc: {  	p1 =	slt.s32 s19, $0x0;
	s19 =	simm.s32 @!p0 $0x0  }
0x4fd: {  	s19 =	smin.u32 s19, $0x3  }
0x4fe: {  	s19 =	sshll.u32 s19, $0x7  }
0x4ff: {  	s19 =	simm.s32 @p1 $0x200  }
0x500: {  	v59 =	vld [tilespmem:s19+$0x280];
	_ =	sdelay $0x4  }
0x501: {  	[tilespmem:s17+$0x180] =	vst v59  }
0x502: {  	v0 =	vld [tilespmem:s19+$0x290];
	_ =	sdelay $0x4  }
0x503: {  	[tilespmem:s17+$0x190] =	vst v0  }
0x504: {  	v0 =	vld [tilespmem:s19+$0x2A0];
	_ =	sdelay $0x4  }
0x505: {  	[tilespmem:s17+$0x1A0] =	vst v0  }
0x506: {  	v0 =	vld [tilespmem:s19+$0x2B0];
	_ =	sdelay $0x4  }
0x507: {  	[tilespmem:s17+$0x1B0] =	vst v0  }
0x508: {  	v0 =	vld [tilespmem:s19+$0x2C0];
	_ =	sdelay $0x4  }
0x509: {  	[tilespmem:s17+$0x1C0] =	vst v0  }
0x50a: {  	v0 =	vld [tilespmem:s19+$0x2D0];
	_ =	sdelay $0x4  }
0x50b: {  	[tilespmem:s17+$0x1D0] =	vst v0  }
0x50c: {  	v0 =	vld [tilespmem:s19+$0x2E0];
	_ =	sdelay $0x4  }
0x50d: {  	[tilespmem:s17+$0x1E0] =	vst v0  }
0x50e: {  	v0 =	vld [tilespmem:s19+$0x2F0];
	_ =	sdelay $0x4  }
0x50f: {  	[tilespmem:s17+$0x1F0] =	vst v0  }
0x510: {  	v0 =	vld [tilespmem:s18+$0xFFFFFFFD];
	_ =	sdelay $0x4  }
0x511: {  	(v2sf) =	vpush v0, $0x0;
	_ =	sdelay $0xe  }
0x512: {  	s19 =	spop (v2sf)  }
0x513: {  	p0 =	sgt.s32 s19, $0x0  }
0x514: {  	p1 =	slt.s32 s19, $0x0;
	s19 =	simm.s32 @!p0 $0x0  }
0x515: {  	s19 =	smin.u32 s19, $0x3  }
0x516: {  	s19 =	sshll.u32 s19, $0x7  }
0x517: {  	s19 =	simm.s32 @p1 $0x200  }
0x518: {  	v60 =	vld [tilespmem:s19+$0x280];
	_ =	sdelay $0x4  }
0x519: {  	[tilespmem:s17+$0x200] =	vst v60  }
0x51a: {  	v0 =	vld [tilespmem:s19+$0x290];
	_ =	sdelay $0x4  }
0x51b: {  	[tilespmem:s17+$0x210] =	vst v0  }
0x51c: {  	v0 =	vld [tilespmem:s19+$0x2A0];
	_ =	sdelay $0x4  }
0x51d: {  	[tilespmem:s17+$0x220] =	vst v0  }
0x51e: {  	v0 =	vld [tilespmem:s19+$0x2B0];
	_ =	sdelay $0x4  }
0x51f: {  	[tilespmem:s17+$0x230] =	vst v0  }
0x520: {  	v0 =	vld [tilespmem:s19+$0x2C0];
	_ =	sdelay $0x4  }
0x521: {  	[tilespmem:s17+$0x240] =	vst v0  }
0x522: {  	v0 =	vld [tilespmem:s19+$0x2D0];
	_ =	sdelay $0x4  }
0x523: {  	[tilespmem:s17+$0x250] =	vst v0  }
0x524: {  	v0 =	vld [tilespmem:s19+$0x2E0];
	_ =	sdelay $0x4  }
0x525: {  	[tilespmem:s17+$0x260] =	vst v0  }
0x526: {  	v0 =	vld [tilespmem:s19+$0x2F0];
	_ =	sdelay $0x4  }
0x527: {  	[tilespmem:s17+$0x270] =	vst v0  }
0x528: {  	v0 =	vld [tilespmem:s18+$0xFFFFFFFE];
	_ =	sdelay $0x4  }
0x529: {  	(v2sf) =	vpush v0, $0x0;
	_ =	sdelay $0xe  }
0x52a: {  	s19 =	spop (v2sf)  }
0x52b: {  	p0 =	sgt.s32 s19, $0x0  }
0x52c: {  	p1 =	slt.s32 s19, $0x0;
	s19 =	simm.s32 @!p0 $0x0  }
0x52d: {  	s19 =	smin.u32 s19, $0x3  }
0x52e: {  	s19 =	sshll.u32 s19, $0x7  }
0x52f: {  	s19 =	simm.s32 @p1 $0x200  }
0x530: {  	v61 =	vld [tilespmem:s19+$0x280];
	_ =	sdelay $0x4  }
0x531: {  	[tilespmem:s17+$0x280] =	vst v61  }
0x532: {  	v0 =	vld [tilespmem:s19+$0x290];
	_ =	sdelay $0x4  }
0x533: {  	[tilespmem:s17+$0x290] =	vst v0  }
0x534: {  	v0 =	vld [tilespmem:s19+$0x2A0];
	_ =	sdelay $0x4  }
0x535: {  	[tilespmem:s17+$0x2A0] =	vst v0  }
0x536: {  	v0 =	vld [tilespmem:s19+$0x2B0];
	_ =	sdelay $0x4  }
0x537: {  	[tilespmem:s17+$0x2B0] =	vst v0  }
0x538: {  	v0 =	vld [tilespmem:s19+$0x2C0];
	_ =	sdelay $0x4  }
0x539: {  	[tilespmem:s17+$0x2C0] =	vst v0  }
0x53a: {  	v0 =	vld [tilespmem:s19+$0x2D0];
	_ =	sdelay $0x4  }
0x53b: {  	[tilespmem:s17+$0x2D0] =	vst v0  }
0x53c: {  	v0 =	vld [tilespmem:s19+$0x2E0];
	_ =	sdelay $0x4  }
0x53d: {  	[tilespmem:s17+$0x2E0] =	vst v0  }
0x53e: {  	v0 =	vld [tilespmem:s19+$0x2F0];
	_ =	sdelay $0x4  }
0x53f: {  	[tilespmem:s17+$0x2F0] =	vst v0  }
0x540: {  	v0 =	vld [tilespmem:s18+$0xFFFFFFFF];
	_ =	sdelay $0x4  }
0x541: {  	(v2sf) =	vpush v0, $0x0;
	_ =	sdelay $0xe  }
0x542: {  	s19 =	spop (v2sf)  }
0x543: {  	p0 =	sgt.s32 s19, $0x0  }
0x544: {  	p1 =	slt.s32 s19, $0x0;
	s19 =	simm.s32 @!p0 $0x0  }
0x545: {  	s19 =	smin.u32 s19, $0x3  }
0x546: {  	s19 =	sshll.u32 s19, $0x7  }
0x547: {  	s19 =	simm.s32 @p1 $0x200  }
0x548: {  	v62 =	vld [tilespmem:s19+$0x280];
	_ =	sdelay $0x4  }
0x549: {  	[tilespmem:s17+$0x300] =	vst v62  }
0x54a: {  	v0 =	vld [tilespmem:s19+$0x290];
	_ =	sdelay $0x4  }
0x54b: {  	[tilespmem:s17+$0x310] =	vst v0  }
0x54c: {  	v0 =	vld [tilespmem:s19+$0x2A0];
	_ =	sdelay $0x4  }
0x54d: {  	[tilespmem:s17+$0x320] =	vst v0  }
0x54e: {  	v0 =	vld [tilespmem:s19+$0x2B0];
	_ =	sdelay $0x4  }
0x54f: {  	[tilespmem:s17+$0x330] =	vst v0  }
0x550: {  	v0 =	vld [tilespmem:s19+$0x2C0];
	_ =	sdelay $0x4  }
0x551: {  	[tilespmem:s17+$0x340] =	vst v0  }
0x552: {  	v0 =	vld [tilespmem:s19+$0x2D0];
	_ =	sdelay $0x4  }
0x553: {  	[tilespmem:s17+$0x350] =	vst v0  }
0x554: {  	v0 =	vld [tilespmem:s19+$0x2E0];
	_ =	sdelay $0x4  }
0x555: {  	[tilespmem:s17+$0x360] =	vst v0  }
0x556: {  	v0 =	vld [tilespmem:s19+$0x2F0];
	_ =	sdelay $0x4  }
0x557: {  	[tilespmem:s17+$0x370] =	vst v0  }
0x558: {  	v0 =	vld [tilespmem:s18+$0x0];
	_ =	sdelay $0x4  }
0x559: {  	(v2sf) =	vpush v0, $0x0;
	_ =	sdelay $0xe  }
0x55a: {  	s18 =	spop (v2sf)  }
0x55b: {  	p0 =	sgt.s32 s18, $0x0  }
0x55c: {  	p1 =	slt.s32 s18, $0x0;
	s18 =	simm.s32 @!p0 $0x0  }
0x55d: {  	s18 =	smin.u32 s18, $0x3  }
0x55e: {  	s18 =	sshll.u32 s18, $0x7  }
0x55f: {  	s18 =	simm.s32 @p1 $0x200  }
0x560: {  	v63 =	vld [tilespmem:s18+$0x280];
	_ =	sdelay $0x4  }
0x561: {  	[tilespmem:s17+$0x380] =	vst v63  }
0x562: {  	v0 =	vld [tilespmem:s18+$0x290];
	_ =	sdelay $0x4  }
0x563: {  	[tilespmem:s17+$0x390] =	vst v0  }
0x564: {  	v0 =	vld [tilespmem:s18+$0x2A0];
	_ =	sdelay $0x4  }
0x565: {  	[tilespmem:s17+$0x3A0] =	vst v0  }
0x566: {  	v0 =	vld [tilespmem:s18+$0x2B0];
	_ =	sdelay $0x4  }
0x567: {  	[tilespmem:s17+$0x3B0] =	vst v0  }
0x568: {  	v0 =	vld [tilespmem:s18+$0x2C0];
	_ =	sdelay $0x4  }
0x569: {  	[tilespmem:s17+$0x3C0] =	vst v0  }
0x56a: {  	v0 =	vld [tilespmem:s18+$0x2D0];
	_ =	sdelay $0x4  }
0x56b: {  	[tilespmem:s17+$0x3D0] =	vst v0  }
0x56c: {  	v0 =	vld [tilespmem:s18+$0x2E0];
	_ =	sdelay $0x4  }
0x56d: {  	[tilespmem:s17+$0x3E0] =	vst v0  }
0x56e: {  	v0 =	vld [tilespmem:s18+$0x2F0];
	_ =	sdelay $0x4  }
0x56f: {  	s19 =	simm.s32 $0x18F;
	s18 =	simm.s32 $0x0;
	[tilespmem:s17+$0x3F0] =	vst v0  }
.LBB2_8:
0x570: {  	v0 =	vld [tilespmem:s19+$0xFFFFFFF9];
	s18 =	sadd.s32 $0x8, s18  }
0x571: {  	p0 =	slt.u32 s18, $0x78;
	_ =	sdelay $0x3  }
0x572: {  	(v2sf) =	vpush v0, $0x0;
	_ =	sdelay $0xe  }
0x573: {  	s20 =	spop (v2sf)  }
0x574: {  	p1 =	sgt.s32 s20, $0x0;
	s21 =	smov.u32 s20  }
0x575: {  	s21 =	simm.s32 @!p1 $0x0  }
0x576: {  	s21 =	smin.u32 s21, $0x3  }
0x577: {  	p1 =	slt.s32 s20, $0x0;
	s20 =	sshll.u32 s21, $0x7  }
0x578: {  	s20 =	simm.s32 @p1 $0x200  }
0x579: {  	v0 =	vld [tilespmem:s20+$0x280];
	_ =	sdelay $0x3  }
0x57a: {  	s17 =	sadd.s32 $0x400, s17  }
0x57b: {  	[tilespmem:s17+$0x0] =	vst v0  }
0x57c: {  	v0 =	vld [tilespmem:s20+$0x290];
	_ =	sdelay $0x4  }
0x57d: {  	[tilespmem:s17+$0x10] =	vst v0  }
0x57e: {  	v0 =	vld [tilespmem:s20+$0x2A0];
	_ =	sdelay $0x4  }
0x57f: {  	[tilespmem:s17+$0x20] =	vst v0  }
0x580: {  	v0 =	vld [tilespmem:s20+$0x2B0];
	_ =	sdelay $0x4  }
0x581: {  	[tilespmem:s17+$0x30] =	vst v0  }
0x582: {  	v0 =	vld [tilespmem:s20+$0x2C0];
	_ =	sdelay $0x4  }
0x583: {  	[tilespmem:s17+$0x40] =	vst v0  }
0x584: {  	v0 =	vld [tilespmem:s20+$0x2D0];
	_ =	sdelay $0x4  }
0x585: {  	[tilespmem:s17+$0x50] =	vst v0  }
0x586: {  	v0 =	vld [tilespmem:s20+$0x2E0];
	_ =	sdelay $0x4  }
0x587: {  	[tilespmem:s17+$0x60] =	vst v0  }
0x588: {  	v0 =	vld [tilespmem:s20+$0x2F0];
	_ =	sdelay $0x4  }
0x589: {  	[tilespmem:s17+$0x70] =	vst v0  }
0x58a: {  	v0 =	vld [tilespmem:s19+$0xFFFFFFFA];
	_ =	sdelay $0x4  }
0x58b: {  	(v2sf) =	vpush v0, $0x0;
	_ =	sdelay $0xe  }
0x58c: {  	s20 =	spop (v2sf)  }
0x58d: {  	p1 =	sgt.s32 s20, $0x0;
	s21 =	smov.u32 s20  }
0x58e: {  	s21 =	simm.s32 @!p1 $0x0  }
0x58f: {  	s21 =	smin.u32 s21, $0x3  }
0x590: {  	p1 =	slt.s32 s20, $0x0;
	s20 =	sshll.u32 s21, $0x7  }
0x591: {  	s20 =	simm.s32 @p1 $0x200  }
0x592: {  	v0 =	vld [tilespmem:s20+$0x280];
	_ =	sdelay $0x4  }
0x593: {  	[tilespmem:s17+$0x80] =	vst v0  }
0x594: {  	v0 =	vld [tilespmem:s20+$0x290];
	_ =	sdelay $0x4  }
0x595: {  	[tilespmem:s17+$0x90] =	vst v0  }
0x596: {  	v0 =	vld [tilespmem:s20+$0x2A0];
	_ =	sdelay $0x4  }
0x597: {  	[tilespmem:s17+$0xA0] =	vst v0  }
0x598: {  	v0 =	vld [tilespmem:s20+$0x2B0];
	_ =	sdelay $0x4  }
0x599: {  	[tilespmem:s17+$0xB0] =	vst v0  }
0x59a: {  	v0 =	vld [tilespmem:s20+$0x2C0];
	_ =	sdelay $0x4  }
0x59b: {  	[tilespmem:s17+$0xC0] =	vst v0  }
0x59c: {  	v0 =	vld [tilespmem:s20+$0x2D0];
	_ =	sdelay $0x4  }
0x59d: {  	[tilespmem:s17+$0xD0] =	vst v0  }
0x59e: {  	v0 =	vld [tilespmem:s20+$0x2E0];
	_ =	sdelay $0x4  }
0x59f: {  	[tilespmem:s17+$0xE0] =	vst v0  }
0x5a0: {  	v0 =	vld [tilespmem:s20+$0x2F0];
	_ =	sdelay $0x4  }
0x5a1: {  	[tilespmem:s17+$0xF0] =	vst v0  }
0x5a2: {  	v0 =	vld [tilespmem:s19+$0xFFFFFFFB];
	_ =	sdelay $0x4  }
0x5a3: {  	(v2sf) =	vpush v0, $0x0;
	_ =	sdelay $0xe  }
0x5a4: {  	s20 =	spop (v2sf)  }
0x5a5: {  	p1 =	sgt.s32 s20, $0x0;
	s21 =	smov.u32 s20  }
0x5a6: {  	s21 =	simm.s32 @!p1 $0x0  }
0x5a7: {  	s21 =	smin.u32 s21, $0x3  }
0x5a8: {  	p1 =	slt.s32 s20, $0x0;
	s20 =	sshll.u32 s21, $0x7  }
0x5a9: {  	s20 =	simm.s32 @p1 $0x200  }
0x5aa: {  	v0 =	vld [tilespmem:s20+$0x280];
	_ =	sdelay $0x4  }
0x5ab: {  	[tilespmem:s17+$0x100] =	vst v0  }
0x5ac: {  	v0 =	vld [tilespmem:s20+$0x290];
	_ =	sdelay $0x4  }
0x5ad: {  	[tilespmem:s17+$0x110] =	vst v0  }
0x5ae: {  	v0 =	vld [tilespmem:s20+$0x2A0];
	_ =	sdelay $0x4  }
0x5af: {  	[tilespmem:s17+$0x120] =	vst v0  }
0x5b0: {  	v0 =	vld [tilespmem:s20+$0x2B0];
	_ =	sdelay $0x4  }
0x5b1: {  	[tilespmem:s17+$0x130] =	vst v0  }
0x5b2: {  	v0 =	vld [tilespmem:s20+$0x2C0];
	_ =	sdelay $0x4  }
0x5b3: {  	[tilespmem:s17+$0x140] =	vst v0  }
0x5b4: {  	v0 =	vld [tilespmem:s20+$0x2D0];
	_ =	sdelay $0x4  }
0x5b5: {  	[tilespmem:s17+$0x150] =	vst v0  }
0x5b6: {  	v0 =	vld [tilespmem:s20+$0x2E0];
	_ =	sdelay $0x4  }
0x5b7: {  	[tilespmem:s17+$0x160] =	vst v0  }
0x5b8: {  	v0 =	vld [tilespmem:s20+$0x2F0];
	_ =	sdelay $0x4  }
0x5b9: {  	[tilespmem:s17+$0x170] =	vst v0  }
0x5ba: {  	v0 =	vld [tilespmem:s19+$0xFFFFFFFC];
	_ =	sdelay $0x4  }
0x5bb: {  	(v2sf) =	vpush v0, $0x0;
	_ =	sdelay $0xe  }
0x5bc: {  	s20 =	spop (v2sf)  }
0x5bd: {  	p1 =	sgt.s32 s20, $0x0;
	s21 =	smov.u32 s20  }
0x5be: {  	s21 =	simm.s32 @!p1 $0x0  }
0x5bf: {  	s21 =	smin.u32 s21, $0x3  }
0x5c0: {  	p1 =	slt.s32 s20, $0x0;
	s20 =	sshll.u32 s21, $0x7  }
0x5c1: {  	s20 =	simm.s32 @p1 $0x200  }
0x5c2: {  	v0 =	vld [tilespmem:s20+$0x280];
	_ =	sdelay $0x4  }
0x5c3: {  	[tilespmem:s17+$0x180] =	vst v0  }
0x5c4: {  	v0 =	vld [tilespmem:s20+$0x290];
	_ =	sdelay $0x4  }
0x5c5: {  	[tilespmem:s17+$0x190] =	vst v0  }
0x5c6: {  	v0 =	vld [tilespmem:s20+$0x2A0];
	_ =	sdelay $0x4  }
0x5c7: {  	[tilespmem:s17+$0x1A0] =	vst v0  }
0x5c8: {  	v0 =	vld [tilespmem:s20+$0x2B0];
	_ =	sdelay $0x4  }
0x5c9: {  	[tilespmem:s17+$0x1B0] =	vst v0  }
0x5ca: {  	v0 =	vld [tilespmem:s20+$0x2C0];
	_ =	sdelay $0x4  }
0x5cb: {  	[tilespmem:s17+$0x1C0] =	vst v0  }
0x5cc: {  	v0 =	vld [tilespmem:s20+$0x2D0];
	_ =	sdelay $0x4  }
0x5cd: {  	[tilespmem:s17+$0x1D0] =	vst v0  }
0x5ce: {  	v0 =	vld [tilespmem:s20+$0x2E0];
	_ =	sdelay $0x4  }
0x5cf: {  	[tilespmem:s17+$0x1E0] =	vst v0  }
0x5d0: {  	v0 =	vld [tilespmem:s20+$0x2F0];
	_ =	sdelay $0x4  }
0x5d1: {  	[tilespmem:s17+$0x1F0] =	vst v0  }
0x5d2: {  	v0 =	vld [tilespmem:s19+$0xFFFFFFFD];
	_ =	sdelay $0x4  }
0x5d3: {  	(v2sf) =	vpush v0, $0x0;
	_ =	sdelay $0xe  }
0x5d4: {  	s20 =	spop (v2sf)  }
0x5d5: {  	p1 =	sgt.s32 s20, $0x0;
	s21 =	smov.u32 s20  }
0x5d6: {  	s21 =	simm.s32 @!p1 $0x0  }
0x5d7: {  	s21 =	smin.u32 s21, $0x3  }
0x5d8: {  	p1 =	slt.s32 s20, $0x0;
	s20 =	sshll.u32 s21, $0x7  }
0x5d9: {  	s20 =	simm.s32 @p1 $0x200  }
0x5da: {  	v0 =	vld [tilespmem:s20+$0x280];
	_ =	sdelay $0x4  }
0x5db: {  	[tilespmem:s17+$0x200] =	vst v0  }
0x5dc: {  	v0 =	vld [tilespmem:s20+$0x290];
	_ =	sdelay $0x4  }
0x5dd: {  	[tilespmem:s17+$0x210] =	vst v0  }
0x5de: {  	v0 =	vld [tilespmem:s20+$0x2A0];
	_ =	sdelay $0x4  }
0x5df: {  	[tilespmem:s17+$0x220] =	vst v0  }
0x5e0: {  	v0 =	vld [tilespmem:s20+$0x2B0];
	_ =	sdelay $0x4  }
0x5e1: {  	[tilespmem:s17+$0x230] =	vst v0  }
0x5e2: {  	v0 =	vld [tilespmem:s20+$0x2C0];
	_ =	sdelay $0x4  }
0x5e3: {  	[tilespmem:s17+$0x240] =	vst v0  }
0x5e4: {  	v0 =	vld [tilespmem:s20+$0x2D0];
	_ =	sdelay $0x4  }
0x5e5: {  	[tilespmem:s17+$0x250] =	vst v0  }
0x5e6: {  	v0 =	vld [tilespmem:s20+$0x2E0];
	_ =	sdelay $0x4  }
0x5e7: {  	[tilespmem:s17+$0x260] =	vst v0  }
0x5e8: {  	v0 =	vld [tilespmem:s20+$0x2F0];
	_ =	sdelay $0x4  }
0x5e9: {  	[tilespmem:s17+$0x270] =	vst v0  }
0x5ea: {  	v0 =	vld [tilespmem:s19+$0xFFFFFFFE];
	_ =	sdelay $0x4  }
0x5eb: {  	(v2sf) =	vpush v0, $0x0;
	_ =	sdelay $0xe  }
0x5ec: {  	s20 =	spop (v2sf)  }
0x5ed: {  	p1 =	sgt.s32 s20, $0x0;
	s21 =	smov.u32 s20  }
0x5ee: {  	s21 =	simm.s32 @!p1 $0x0  }
0x5ef: {  	s21 =	smin.u32 s21, $0x3  }
0x5f0: {  	p1 =	slt.s32 s20, $0x0;
	s20 =	sshll.u32 s21, $0x7  }
0x5f1: {  	s20 =	simm.s32 @p1 $0x200  }
0x5f2: {  	v0 =	vld [tilespmem:s20+$0x280];
	_ =	sdelay $0x4  }
0x5f3: {  	[tilespmem:s17+$0x280] =	vst v0  }
0x5f4: {  	v0 =	vld [tilespmem:s20+$0x290];
	_ =	sdelay $0x4  }
0x5f5: {  	[tilespmem:s17+$0x290] =	vst v0  }
0x5f6: {  	v0 =	vld [tilespmem:s20+$0x2A0];
	_ =	sdelay $0x4  }
0x5f7: {  	[tilespmem:s17+$0x2A0] =	vst v0  }
0x5f8: {  	v0 =	vld [tilespmem:s20+$0x2B0];
	_ =	sdelay $0x4  }
0x5f9: {  	[tilespmem:s17+$0x2B0] =	vst v0  }
0x5fa: {  	v0 =	vld [tilespmem:s20+$0x2C0];
	_ =	sdelay $0x4  }
0x5fb: {  	[tilespmem:s17+$0x2C0] =	vst v0  }
0x5fc: {  	v0 =	vld [tilespmem:s20+$0x2D0];
	_ =	sdelay $0x4  }
0x5fd: {  	[tilespmem:s17+$0x2D0] =	vst v0  }
0x5fe: {  	v0 =	vld [tilespmem:s20+$0x2E0];
	_ =	sdelay $0x4  }
0x5ff: {  	[tilespmem:s17+$0x2E0] =	vst v0  }
0x600: {  	v0 =	vld [tilespmem:s20+$0x2F0];
	_ =	sdelay $0x4  }
0x601: {  	[tilespmem:s17+$0x2F0] =	vst v0  }
0x602: {  	v0 =	vld [tilespmem:s19+$0xFFFFFFFF];
	_ =	sdelay $0x4  }
0x603: {  	(v2sf) =	vpush v0, $0x0;
	_ =	sdelay $0xe  }
0x604: {  	s20 =	spop (v2sf)  }
0x605: {  	p1 =	sgt.s32 s20, $0x0;
	s21 =	smov.u32 s20  }
0x606: {  	s21 =	simm.s32 @!p1 $0x0  }
0x607: {  	s21 =	smin.u32 s21, $0x3  }
0x608: {  	p1 =	slt.s32 s20, $0x0;
	s20 =	sshll.u32 s21, $0x7  }
0x609: {  	s20 =	simm.s32 @p1 $0x200  }
0x60a: {  	v0 =	vld [tilespmem:s20+$0x280];
	_ =	sdelay $0x4  }
0x60b: {  	[tilespmem:s17+$0x300] =	vst v0  }
0x60c: {  	v0 =	vld [tilespmem:s20+$0x290];
	_ =	sdelay $0x4  }
0x60d: {  	[tilespmem:s17+$0x310] =	vst v0  }
0x60e: {  	v0 =	vld [tilespmem:s20+$0x2A0];
	_ =	sdelay $0x4  }
0x60f: {  	[tilespmem:s17+$0x320] =	vst v0  }
0x610: {  	v0 =	vld [tilespmem:s20+$0x2B0];
	_ =	sdelay $0x4  }
0x611: {  	[tilespmem:s17+$0x330] =	vst v0  }
0x612: {  	v0 =	vld [tilespmem:s20+$0x2C0];
	_ =	sdelay $0x4  }
0x613: {  	[tilespmem:s17+$0x340] =	vst v0  }
0x614: {  	v0 =	vld [tilespmem:s20+$0x2D0];
	_ =	sdelay $0x4  }
0x615: {  	[tilespmem:s17+$0x350] =	vst v0  }
0x616: {  	v0 =	vld [tilespmem:s20+$0x2E0];
	_ =	sdelay $0x4  }
0x617: {  	[tilespmem:s17+$0x360] =	vst v0  }
0x618: {  	v0 =	vld [tilespmem:s20+$0x2F0];
	_ =	sdelay $0x4  }
0x619: {  	[tilespmem:s17+$0x370] =	vst v0  }
0x61a: {  	v0 =	vld [tilespmem:s19+$0x0];
	_ =	sdelay $0x4  }
0x61b: {  	(v2sf) =	vpush v0, $0x0;
	_ =	sdelay $0xe  }
0x61c: {  	s20 =	spop (v2sf)  }
0x61d: {  	p1 =	sgt.s32 s20, $0x0;
	s21 =	smov.u32 s20  }
0x61e: {  	s21 =	simm.s32 @!p1 $0x0  }
0x61f: {  	s21 =	smin.u32 s21, $0x3  }
0x620: {  	p1 =	slt.s32 s20, $0x0;
	s20 =	sshll.u32 s21, $0x7  }
0x621: {  	s20 =	simm.s32 @p1 $0x200  }
0x622: {  	v0 =	vld [tilespmem:s20+$0x280];
	_ =	sdelay $0x4  }
0x623: {  	[tilespmem:s17+$0x380] =	vst v0  }
0x624: {  	v0 =	vld [tilespmem:s20+$0x290];
	_ =	sdelay $0x4  }
0x625: {  	[tilespmem:s17+$0x390] =	vst v0  }
0x626: {  	v0 =	vld [tilespmem:s20+$0x2A0];
	_ =	sdelay $0x4  }
0x627: {  	[tilespmem:s17+$0x3A0] =	vst v0  }
0x628: {  	v0 =	vld [tilespmem:s20+$0x2B0];
	_ =	sdelay $0x4  }
0x629: {  	[tilespmem:s17+$0x3B0] =	vst v0  }
0x62a: {  	v0 =	vld [tilespmem:s20+$0x2C0];
	_ =	sdelay $0x4  }
0x62b: {  	[tilespmem:s17+$0x3C0] =	vst v0  }
0x62c: {  	v0 =	vld [tilespmem:s20+$0x2D0];
	_ =	sdelay $0x4  }
0x62d: {  	[tilespmem:s17+$0x3D0] =	vst v0  }
0x62e: {  	v0 =	vld [tilespmem:s20+$0x2E0];
	_ =	sdelay $0x4  }
0x62f: {  	[tilespmem:s17+$0x3E0] =	vst v0  }
0x630: {  	v0 =	vld [tilespmem:s20+$0x2F0]  }
.Ltmp3:
0x631: {  	(pc) =	sbr.rel @p0 .LBB2_8-.Ltmp3, $2  }
0x632: {  	_ =	sdelay $0x2  }
0x633: {  	s19 =	sadd.s32 $0x8, s19;
	[tilespmem:s17+$0x3F0] =	vst v0  }
0x634: {  	[hbm4b:s8+s2] =	stream.linear.scatter [tilespmem:s13], [sflag:$0x2], $0x4000, $0x38;
	[tilespmem:$0x8680] =	vst v63  }
0x635: {  	s16 =	sadd.s32 $0x1, s16  }
0x636: {  	_ =	swait.ge [sflag:s14], $0x4000;
	p0 =	sne.s32 s16, s9  }
.Ltmp4:
0x637: {  	[sflag:s14] =	ssyncset.done $0x0;
	(pc) =	sbr.rel @p0 .LBB2_1-.Ltmp4, $4  }
0x638: {  	[sflag:s14] =	ssyncadd.s32 $0xFFFFC000  }
0x639: {  	_ =	swait.ge [sflag:s15], $0x4000  }
0x63a: {  	[sflag:s15] =	ssyncset.done $0x0  }
0x63b: {  	[sflag:s15] =	ssyncadd.s32 $0xFFFFC000  }
0x63c: {  	_ =	sfence.sel $0x180000  }
0x63d: {  	[bflag:$0x0] =	sbarrier.arrive $0xFFFF  }
0x63e: {  	p0 =	sne.s32 s1, $0x0;
	_ =	strace $0x90000047  }
0x63f: {  	s0 =	sadd.s32 @!p0 $0x100000, s0;
	[bflag:$0x2] =	sbarrier.arrive $0xFFFF  }
0x640: {  	[sflag:s0] =	ssyncadd.tile.s32 @!p0 $0x1;
	_ =	shalt  }
.Lfunc_end2:
_tile_overlayer_lowered:
.L_overlay_start_2:
0x641: {  	(tag) =	ssettag $0x2  }
0x642: {  	s0 =	rddreg [dreg:$0x0];
	s2 =	stileid.u32  }
0x643: {  	s1 =	rddreg [dreg:$0x1];
	p0 =	sne.s32 s2, $0x0  }
0x644: {  	s3 =	rddreg [dreg:$0x2];
	[bflag:$0x3] =	sbarrier.arrive $0xFFFF;
	s2 =	simm.s32 @!p0 $0x1C03  }
0x645: {  	[timem:s3], [sflag:s2] =	dma.local @!p0 [hbm:s0], s1  }
0x646: {  	s0 =	simm.s32 @!p0 $0x3  }
0x647: {  	_ =	swait.ge @!p0 [sflag:s0], s1  }
0x648: {  	s1 =	ssub.s32 @!p0 $0x0, s1;
	[sflag:s0] =	ssyncset.done @!p0 $0x0  }
0x649: {  	[sflag:s0] =	ssyncadd.s32 @!p0 s1  }
0x64a: {  	[bflag:$0x3] =	sbarrier.arrive $0xFFFF  }
0x64b: {  	_ =	shalt  }

</sc_bundles>
